<compile_context>
chip_gen: v7x
topology: tpu7x:2x2x1
jax: 0.10.2.dev20260603
libtpu: 0.0.44.dev20260713+nightly
codegen_flags: <defaults>
</compile_context>

<pallas_src>
import functools

import jax
import jax.numpy as jnp
from jax import lax
from jax.experimental import pallas as pl
from jax.experimental.pallas import tpu as pltpu
from jax.experimental.pallas import tpu_sc as plsc

_EPS = 1e-5

_NC = 2
_NS = 16
_CK = 128

_BE = 3200
_NCHUNKS = 2


def _leaky(v):
    return jnp.where(v >= 0, v, 0.01 * v)


def _gather_body(e0, eh, src_hbm, dst_hbm, x_hbm, xsrc_hbm, xdst_hbm,
                 ia0, ia1, ib0, ib1, ra0, ra1, rb0, rb1,
                 sia0, sia1, sib0, sib1, sga0, sga1, sgb0, sgb1,
                 swa0, swa1, swb0, swb1):
    nchunks = eh // _CK
    c0 = e0 // _CK
    c = lax.axis_index("c")
    s = lax.axis_index("s")
    wid = s * _NC + c
    nw = _NC * _NS
    iters = pl.cdiv(nchunks, nw)
    IA, IB = (ia0, ia1), (ib0, ib1)
    RA, RB = (ra0, ra1), (rb0, rb1)
    SIA, SIB = (sia0, sia1), (sib0, sib1)
    SGA, SGB = (sga0, sga1), (sgb0, sgb1)
    SWA, SWB = (swa0, swa1), (swb0, swb1)

    def chunk_of(k):
        return k * nw + wid

    def valid(k):
        return chunk_of(k) < nchunks

    def issue_idx(k, b):
        gbase = (c0 + chunk_of(k)) * _CK
        pltpu.async_copy(src_hbm.at[pl.ds(gbase, _CK)], IA[b], SIA[b])
        pltpu.async_copy(dst_hbm.at[pl.ds(gbase, _CK)], IB[b], SIB[b])

    def wait_idx(b):
        pltpu.make_async_copy(src_hbm.at[pl.ds(0, _CK)], IA[b], SIA[b]).wait()
        pltpu.make_async_copy(dst_hbm.at[pl.ds(0, _CK)], IB[b], SIB[b]).wait()

    def issue_gather(b):
        pltpu.async_copy(x_hbm.at[IA[b]], RA[b], SGA[b])
        pltpu.async_copy(x_hbm.at[IB[b]], RB[b], SGB[b])

    def wait_gather(b):
        pltpu.make_async_copy(x_hbm.at[pl.ds(0, _CK)], RA[b], SGA[b]).wait()
        pltpu.make_async_copy(x_hbm.at[pl.ds(0, _CK)], RB[b], SGB[b]).wait()

    def issue_write(k, b):
        base = chunk_of(k) * _CK
        pltpu.async_copy(RA[b], xsrc_hbm.at[pl.ds(base, _CK)], SWA[b])
        pltpu.async_copy(RB[b], xdst_hbm.at[pl.ds(base, _CK)], SWB[b])

    def wait_write(b):
        pltpu.make_async_copy(x_hbm.at[pl.ds(0, _CK)], RA[b], SWA[b]).wait()
        pltpu.make_async_copy(x_hbm.at[pl.ds(0, _CK)], RB[b], SWB[b]).wait()

    @pl.when(valid(0))
    def _():
        issue_idx(0, 0)

    @pl.when(valid(1))
    def _():
        issue_idx(1, 1)

    @pl.when(valid(0))
    def _():
        wait_idx(0)
        issue_gather(0)

    def body(q, _):
        for b in (0, 1):
            k = 2 * q + b

            @pl.when(valid(k))
            def _():
                @pl.when(valid(k + 1))
                def _():
                    wait_idx(1 - b)

                    @pl.when(k >= 1)
                    def _():
                        wait_write(1 - b)

                    issue_gather(1 - b)

                wait_gather(b)
                issue_write(k, b)

                @pl.when(valid(k + 2))
                def _():
                    issue_idx(k + 2, b)

        return 0

    lax.fori_loop(0, pl.cdiv(iters, 2), body, 0)

    for kk in (iters - 3, iters - 2, iters - 1):
        if kk >= 0:
            @pl.when(jnp.logical_and(valid(kk),
                                     jnp.logical_not(valid(kk + 2))))
            def _():
                wait_write(kk % 2)


def _sc_gather(x, src, dst, e0, eh):
    H = x.shape[1]
    mesh = plsc.VectorSubcoreMesh(core_axis_name="c", subcore_axis_name="s")
    f = pl.kernel(
        functools.partial(_gather_body, e0, eh),
        out_type=(
            jax.ShapeDtypeStruct((eh, H), jnp.float32),
            jax.ShapeDtypeStruct((eh, H), jnp.float32),
        ),
        mesh=mesh,
        scratch_types=(
            [pltpu.VMEM((_CK,), jnp.int32)] * 4
            + [pltpu.VMEM((_CK, H), jnp.float32)] * 4
            + [pltpu.SemaphoreType.DMA] * 12
        ),
    )
    return f(src, dst, x)


def _scatter_body(e0, dst_hbm, mst_hbm, out_hbm, i0, i1, r0, r1, acc,
                  si0, si1, sr0, sr1):
    eh = mst_hbm.shape[0]
    N = acc.shape[0]
    c = lax.axis_index("c")
    s = lax.axis_index("s")
    nchunks = eh // _CK
    cpc = pl.cdiv(nchunks, _NC)
    iters = pl.cdiv(cpc, _NS)
    I, R = (i0, i1), (r0, r1)
    SI, SR = (si0, si1), (sr0, sr1)

    ntiles_z = 10
    rows_per_tile = N // ntiles_z
    zrows = r0.shape[0]

    def zero_buf(r, _):
        for j in range(8):
            r0[r, pl.ds(j * 16, 16)] = jnp.zeros((16,), jnp.float32)
        return 0

    lax.fori_loop(0, zrows, zero_buf, 0)

    nz = rows_per_tile // zrows
    rem = rows_per_tile - nz * zrows

    @pl.when(s < ntiles_z)
    def _():
        def zero_acc(q, _):
            pltpu.sync_copy(r0,
                            acc.at[pl.ds(s * rows_per_tile + q * zrows, zrows)])
            return 0

        lax.fori_loop(0, nz, zero_acc, 0)
        if rem:
            pltpu.sync_copy(r0.at[pl.ds(0, rem)],
                            acc.at[pl.ds(s * rows_per_tile + nz * zrows, rem)])

    plsc.subcore_barrier()

    def chunk_of(k):
        return c * cpc + k * _NS + s

    def valid(k):
        g = chunk_of(k)
        return jnp.logical_and(g < nchunks, g < (c + 1) * cpc)

    def issue_load(k, b):
        base = chunk_of(k) * _CK
        pltpu.async_copy(dst_hbm.at[pl.ds(e0 + base, _CK)], I[b], SI[b])
        pltpu.async_copy(mst_hbm.at[pl.ds(base, _CK)], R[b], SR[b])

    def wait_load(b):
        pltpu.make_async_copy(dst_hbm.at[pl.ds(0, _CK)], I[b], SI[b]).wait()
        pltpu.make_async_copy(mst_hbm.at[pl.ds(0, _CK)], R[b], SR[b]).wait()

    @pl.when(valid(0))
    def _():
        issue_load(0, 0)

    def body(q, _):
        for b in (0, 1):
            k = 2 * q + b

            @pl.when(valid(k))
            def _():
                @pl.when(valid(k + 1))
                def _():
                    issue_load(k + 1, 1 - b)

                wait_load(b)
                pltpu.sync_copy(R[b], acc.at[I[b]], add=True)

        return 0

    lax.fori_loop(0, pl.cdiv(iters, 2), body, 0)

    plsc.subcore_barrier()

    @pl.when(s < ntiles_z)
    def _():
        pltpu.sync_copy(acc.at[pl.ds(s * rows_per_tile, rows_per_tile)],
                        out_hbm.at[c, pl.ds(s * rows_per_tile, rows_per_tile)])


def _sc_scatter(m_st, dst, e0, N):
    H = m_st.shape[1]
    mesh = plsc.VectorSubcoreMesh(core_axis_name="c", subcore_axis_name="s")
    f = pl.kernel(
        functools.partial(_scatter_body, e0),
        out_type=jax.ShapeDtypeStruct((_NC, N, H), jnp.float32),
        mesh=mesh,
        scratch_types=(
            [pltpu.VMEM((_CK,), jnp.int32)] * 2
            + [pltpu.VMEM((_CK, H), jnp.float32)] * 2
            + [pltpu.VMEM_SHARED((N, H), jnp.float32)]
            + [pltpu.SemaphoreType.DMA] * 4
        ),
    )
    return f(dst, m_st)


def _decay_poly(nd):
    t = (jnp.pi / 2.0) * nd
    t2 = t * t
    c = 1.0 / 479001600.0
    for k in (-1.0 / 3628800.0, 1.0 / 40320.0, -1.0 / 720.0, 1.0 / 24.0,
              -0.5, 1.0):
        c = c * t2 + k
    return c


def _passA_body(xsrc_ref, es_ref, xdst_ref, W1_ref, b1_ref,
                a1_ref, st1_ref, acc):
    i = pl.program_id(0)

    @pl.when(i == 0)
    def _():
        acc[...] = jnp.zeros_like(acc)

    h = jnp.concatenate([xsrc_ref[...], es_ref[...], xdst_ref[...]],
                        axis=1).astype(jnp.bfloat16)
    p = jnp.dot(h, W1_ref[...].astype(jnp.bfloat16),
                preferred_element_type=jnp.float32) + b1_ref[0:1, :]
    a = _leaky(p)
    a1_ref[...] = a.astype(jnp.bfloat16)
    acc[0:1, :] += jnp.sum(a, axis=0, keepdims=True)
    acc[1:2, :] += jnp.sum(a * a, axis=0, keepdims=True)

    @pl.when(i == pl.num_programs(0) - 1)
    def _():
        st1_ref[...] = acc[...]


def _bn_scale(st_ref, g_ref, be_ref, count):
    m = st_ref[0:1, :] / count
    v = st_ref[1:2, :] / count - m * m
    s = g_ref[...] * lax.rsqrt(v + _EPS)
    t = be_ref[...] - m * s
    return s, t


def _folded_layer2(a1_bf, st1_ref, W2_ref, b2_ref, g1_ref, be1_ref, E):
    s1, t1 = _bn_scale(st1_ref, g1_ref, be1_ref, E)
    W2f = (jnp.transpose(s1) * W2_ref[...]).astype(jnp.bfloat16)
    bias = (jnp.dot(t1, W2_ref[...], preferred_element_type=jnp.float32)
            + b2_ref[0:1, :])
    return _leaky(jnp.dot(a1_bf, W2f, preferred_element_type=jnp.float32)
                  + bias)


def _passB_body(E, a1_ref, st1_ref, W2_ref, b2_ref, g1_ref, be1_ref,
                st2_ref, acc):
    i = pl.program_id(0)

    @pl.when(i == 0)
    def _():
        acc[...] = jnp.zeros_like(acc)

    a2 = _folded_layer2(a1_ref[...], st1_ref, W2_ref, b2_ref, g1_ref,
                        be1_ref, E)
    acc[0:1, :] += jnp.sum(a2, axis=0, keepdims=True)
    acc[1:2, :] += jnp.sum(a2 * a2, axis=0, keepdims=True)

    @pl.when(i == pl.num_programs(0) - 1)
    def _():
        st2_ref[...] = acc[...]


def _passC_body(E, e0, a1_ref, xsrc_ref, nd_ref, st1_ref, st2_ref,
                W2_ref, b2_ref, g1_ref, be1_ref,
                W3_ref, b3_ref, g2_ref, be2_ref,
                Wm_ref, bm_ref, out_ref):
    a2 = _folded_layer2(a1_ref[...], st1_ref, W2_ref, b2_ref, g1_ref,
                        be1_ref, E)
    s2, t2 = _bn_scale(st2_ref, g2_ref, be2_ref, E)
    W3f = (jnp.transpose(s2) * W3_ref[...]).astype(jnp.bfloat16)
    bias3 = (jnp.dot(t2, W3_ref[...], preferred_element_type=jnp.float32)
             + b3_ref[0:1, :])
    h3 = jnp.dot(a2.astype(jnp.bfloat16), W3f,
                 preferred_element_type=jnp.float32) + bias3
    G = jnp.dot(xsrc_ref[...].astype(jnp.bfloat16),
                Wm_ref[...].astype(jnp.bfloat16),
                preferred_element_type=jnp.float32) + bm_ref[0:1, :]
    i = pl.program_id(0)
    nb = h3.shape[0]
    dec = _decay_poly(nd_ref[pl.ds(e0 + i * nb, nb)])
    out_ref[...] = jnp.reshape(dec, (nb, 1)) * h3 * G


def _row_block(i):
    return (i, 0)


def _pinned(i):
    return (0, 0)


def _pass_a(xsrc, xdst, es, off_b, fi_W1, fi_b1):
    eh, H = xsrc.shape
    nb = eh // _BE
    row = pl.BlockSpec((_BE, H), _row_block)
    esrow = pl.BlockSpec((_BE, H), lambda i: (i + off_b, 0))
    full = lambda shape: pl.BlockSpec(shape, _pinned)
    st_shape = jax.ShapeDtypeStruct((8, H), jnp.float32)
    return pl.pallas_call(
        _passA_body,
        grid=(nb,),
        in_specs=[row, esrow, row, full((3 * H, H)), full((1, H))],
        out_specs=[row, full((8, H))],
        out_shape=[jax.ShapeDtypeStruct((eh, H), jnp.bfloat16), st_shape],
        scratch_shapes=[pltpu.VMEM((8, H), jnp.float32)],
    )(xsrc, es, xdst, fi_W1, fi_b1.reshape(1, H))


def _pass_b(a1, st1, E, fi_W2, fi_b2, fi_g1, fi_be1):
    eh, H = a1.shape
    nb = eh // _BE
    row = pl.BlockSpec((_BE, H), _row_block)
    full = lambda shape: pl.BlockSpec(shape, _pinned)
    vec = lambda a: a.reshape(1, H)
    (st2,) = pl.pallas_call(
        functools.partial(_passB_body, float(E)),
        grid=(nb,),
        in_specs=[row, full((8, H)), full((H, H)), full((1, H)),
                  full((1, H)), full((1, H))],
        out_specs=[full((8, H))],
        out_shape=[jax.ShapeDtypeStruct((8, H), jnp.float32)],
        scratch_shapes=[pltpu.VMEM((8, H), jnp.float32)],
    )(a1, st1, fi_W2, vec(fi_b2), vec(fi_g1), vec(fi_be1))
    return st2


def _pass_c(a1, xsrc, nd, e0, st1, st2, E,
            fi_W2, fi_b2, fi_g1, fi_be1, fi_W3, fi_b3, fi_g2, fi_be2,
            Wm, bm):
    eh, H = a1.shape
    nb = eh // _BE
    row = pl.BlockSpec((_BE, H), _row_block)
    ndspec = pl.BlockSpec((nd.shape[0],), lambda i: (0,))
    full = lambda shape: pl.BlockSpec(shape, _pinned)
    vec = lambda a: a.reshape(1, H)
    return pl.pallas_call(
        functools.partial(_passC_body, float(E), e0),
        grid=(nb,),
        in_specs=[row, row, ndspec, full((8, H)), full((8, H)),
                  full((H, H)), full((1, H)), full((1, H)), full((1, H)),
                  full((H, H)), full((1, H)), full((1, H)), full((1, H)),
                  full((H, H)), full((1, H))],
        out_specs=row,
        out_shape=jax.ShapeDtypeStruct((eh, H), jnp.float32),
    )(a1, xsrc, nd, st1, st2,
      fi_W2, vec(fi_b2), vec(fi_g1), vec(fi_be1),
      fi_W3, vec(fi_b3), vec(fi_g2), vec(fi_be2),
      Wm, vec(bm))


def _node_body(nparts, *refs):
    part_refs = refs[1:1 + nparts]
    (x_ref, Wm_ref, bm_ref, imp_ref, W1_ref, b1_ref, g1_ref, be1_ref,
     W2_ref, b2_ref, out_ref) = (refs[0],) + refs[1 + nparts:]
    x = x_ref[...]
    n = x.shape[0]
    inc = part_refs[0][0] + part_refs[0][1]
    for p in part_refs[1:]:
        inc = inc + p[0] + p[1]
    mt = imp_ref[...] * (jnp.dot(x, Wm_ref[...], preferred_element_type=jnp.float32)
                         + bm_ref[0:1, :])
    u = mt + inc
    t = _leaky(jnp.dot(u, W1_ref[...], preferred_element_type=jnp.float32)
               + b1_ref[0:1, :])
    m = jnp.sum(t, axis=0, keepdims=True) / n
    v = jnp.sum(t * t, axis=0, keepdims=True) / n - m * m
    t = (t - m) * lax.rsqrt(v + _EPS) * g1_ref[...] + be1_ref[...]
    out_ref[...] = (jnp.dot(t, W2_ref[...], preferred_element_type=jnp.float32)
                    + b2_ref[0:1, :] + x)


def _node_finale(x, parts, Wm, bm, imp_mask,
                 fu_W1, fu_b1, fu_g1, fu_be1, fu_W2, fu_b2):
    N, H = x.shape
    vec = lambda a: a.reshape(1, H)
    return pl.pallas_call(
        functools.partial(_node_body, len(parts)),
        out_shape=jax.ShapeDtypeStruct((N, H), jnp.float32),
    )(x, *parts, Wm, vec(bm), imp_mask, fu_W1, vec(fu_b1),
      vec(fu_g1), vec(fu_be1), fu_W2, vec(fu_b2))


def kernel(x, edge_index, norm_distance, init_edge_states, Wm, bm, imp_mask,
           fi_W1, fi_b1, fi_g1, fi_be1, fi_W2, fi_b2, fi_g2, fi_be2,
           fi_W3, fi_b3, fu_W1, fu_b1, fu_g1, fu_be1, fu_W2, fu_b2):
    N, H = x.shape
    E = edge_index.shape[1]
    nch = _NCHUNKS
    eh = E // nch
    src = edge_index[0]
    dst = edge_index[1]

    gath = [_sc_gather(x, src, dst, i * eh, eh) for i in range(nch)]

    pa = [_pass_a(gath[i][0], gath[i][1], init_edge_states,
                  i * eh // _BE, fi_W1, fi_b1) for i in range(nch)]
    st1 = sum(p for _, p in pa[1:]) + pa[0][1]

    qs = [_pass_b(pa[i][0], st1, E, fi_W2, fi_b2, fi_g1, fi_be1)
          for i in range(nch)]
    st2 = sum(qs[1:]) + qs[0]

    ms = [_pass_c(pa[i][0], gath[i][0], norm_distance, i * eh, st1, st2, E,
                  fi_W2, fi_b2, fi_g1, fi_be1, fi_W3, fi_b3, fi_g2, fi_be2,
                  Wm, bm) for i in range(nch)]

    parts = [_sc_scatter(ms[i], dst, i * eh, N) for i in range(nch)]

    return _node_finale(x, parts, Wm, bm, imp_mask,
                        fu_W1, fu_b1, fu_g1, fu_be1, fu_W2, fu_b2)

# --- scband reference (transcript-rebuilt; emitter-appended) ---
"""Pipeline reference for scband-gnn-14285061226567 (READ-ONLY COPY).

The authoritative reference and input builder live on the scoring server;
editing this copy changes nothing except your own understanding.
"""

import jax, jax.numpy as jnp
import numpy as np

N = 10000
E = 320000
H = 128


def _lin_init(k, fan_in, fan_out):
    k1, k2 = jax.random.split(k)
    lim = 1.0 / np.sqrt(fan_in)
    W = jax.random.uniform(k1, (fan_in, fan_out), minval=-lim, maxval=lim, dtype=jnp.float32)
    b = jax.random.uniform(k2, (fan_out,), minval=-lim, maxval=lim, dtype=jnp.float32)
    return W, b


def setup_inputs(seed: int = 0):
    key = jax.random.key(seed)
    ks = jax.random.split(key, 12)
    x = jax.random.normal(ks[0], (N, H), dtype=jnp.float32)
    edge_index = jax.random.randint(ks[1], (2, E), 0, N)
    norm_distance = jax.random.uniform(ks[2], (E,), dtype=jnp.float32)
    init_edge_states = jax.random.normal(ks[3], (E, H), dtype=jnp.float32)
    Wm, bm = _lin_init(ks[4], H, H)
    fi_W1, fi_b1 = _lin_init(ks[5], 3 * H, H)
    fi_W2, fi_b2 = _lin_init(ks[6], H, H)
    fi_W3, fi_b3 = _lin_init(ks[7], H, H)
    fu_W1, fu_b1 = _lin_init(ks[8], H, H)
    fu_W2, fu_b2 = _lin_init(ks[9], H, H)
    ones = jnp.ones((H,), dtype=jnp.float32)
    zeros = jnp.zeros((H,), dtype=jnp.float32)
    return {
        "x": x,
        "edge_index": edge_index,
        "norm_distance": norm_distance,
        "init_edge_states": init_edge_states,
        "Wm": Wm, "bm": bm,
        "imp_mask": jnp.ones((1, H), dtype=jnp.float32),
        "fi_W1": fi_W1, "fi_b1": fi_b1, "fi_g1": ones, "fi_be1": zeros,
        "fi_W2": fi_W2, "fi_b2": fi_b2, "fi_g2": ones, "fi_be2": zeros,
        "fi_W3": fi_W3, "fi_b3": fi_b3,
        "fu_W1": fu_W1, "fu_b1": fu_b1, "fu_g1": ones, "fu_be1": zeros,
        "fu_W2": fu_W2, "fu_b2": fu_b2,
    }


def _leaky(v):
    return jnp.where(v >= 0, v, 0.01 * v)


def _bn(v, g, b):
    m = jnp.mean(v, axis=0)
    var = jnp.var(v, axis=0)
    return (v - m) / jnp.sqrt(var + 1e-5) * g + b


def reference(x, edge_index, norm_distance, init_edge_states, Wm, bm, imp_mask,
              fi_W1, fi_b1, fi_g1, fi_be1, fi_W2, fi_b2, fi_g2, fi_be2, fi_W3, fi_b3,
              fu_W1, fu_b1, fu_g1, fu_be1, fu_W2, fu_b2):
    src = edge_index[0]
    dst = edge_index[1]
    decay = jnp.cos(jnp.pi / 2.0 * norm_distance)[:, None]
    h = jnp.concatenate([x[src], init_edge_states, x[dst]], axis=1)
    h = _bn(_leaky(h @ fi_W1 + fi_b1), fi_g1, fi_be1)
    h = _bn(_leaky(h @ fi_W2 + fi_b2), fi_g2, fi_be2)
    h = h @ fi_W3 + fi_b3
    int_imp = decay * h
    m_st = int_imp * (x[src] @ Wm + bm)
    m_t = imp_mask * (x @ Wm + bm)
    incoming = jax.ops.segment_sum(m_st, dst, num_segments=x.shape[0])
    u = m_t + incoming
    u = _bn(_leaky(u @ fu_W1 + fu_b1), fu_g1, fu_be1)
    u = u @ fu_W2 + fu_b2
    return u + x

if __name__ == "__main__":
    import jax
    _d = setup_inputs()
    print(jax.jit(kernel)(*tuple(_d.values())))

</pallas_src>

<mosaic_0001>
#map = affine_map<(d0, d1) -> (0)>
#map1 = affine_map<(d0, d1) -> (0, 0)>
module attributes {stable_mosaic.version = 14 : i64} {
  func.func @_gather_body(%arg0: i32, %arg1: i32, %arg2: memref<320000xi32, #tpu.memory_space<hbm>>, %arg3: memref<320000xi32, #tpu.memory_space<hbm>>, %arg4: memref<10000x128xf32, #tpu.memory_space<hbm>>, %arg5: memref<160000x128xf32, #tpu.memory_space<hbm>>, %arg6: memref<160000x128xf32, #tpu.memory_space<hbm>>, %arg7: memref<128xi32, #tpu.memory_space<vmem>>, %arg8: memref<128xi32, #tpu.memory_space<vmem>>, %arg9: memref<128xi32, #tpu.memory_space<vmem>>, %arg10: memref<128xi32, #tpu.memory_space<vmem>>, %arg11: memref<128x128xf32, #tpu.memory_space<vmem>>, %arg12: memref<128x128xf32, #tpu.memory_space<vmem>>, %arg13: memref<128x128xf32, #tpu.memory_space<vmem>>, %arg14: memref<128x128xf32, #tpu.memory_space<vmem>>, %arg15: memref<!tpu.dma_semaphore, #tpu.memory_space<semaphore_mem>>, %arg16: memref<!tpu.dma_semaphore, #tpu.memory_space<semaphore_mem>>, %arg17: memref<!tpu.dma_semaphore, #tpu.memory_space<semaphore_mem>>, %arg18: memref<!tpu.dma_semaphore, #tpu.memory_space<semaphore_mem>>, %arg19: memref<!tpu.dma_semaphore, #tpu.memory_space<semaphore_mem>>, %arg20: memref<!tpu.dma_semaphore, #tpu.memory_space<semaphore_mem>>, %arg21: memref<!tpu.dma_semaphore, #tpu.memory_space<semaphore_mem>>, %arg22: memref<!tpu.dma_semaphore, #tpu.memory_space<semaphore_mem>>, %arg23: memref<!tpu.dma_semaphore, #tpu.memory_space<semaphore_mem>>, %arg24: memref<!tpu.dma_semaphore, #tpu.memory_space<semaphore_mem>>, %arg25: memref<!tpu.dma_semaphore, #tpu.memory_space<semaphore_mem>>, %arg26: memref<!tpu.dma_semaphore, #tpu.memory_space<semaphore_mem>>) attributes {dimension_semantics = [#tpu.dimension_semantics<core_parallel>, #tpu.dimension_semantics<subcore_parallel>], iteration_bounds = array<i64: 2, 16>, scalar_prefetch = 0 : i64, scratch_operands = 20 : i64, tpu.core_type = #tpu.core_type<sc_vector_subcore>, window_params = [{transform_indices = #map}, {transform_indices = #map}, {transform_indices = #map1}, {transform_indices = #map1}, {transform_indices = #map1}]} {
    %mul3A = arith.constant 2 : i32
    %mul3A_0 = arith.muli %arg1, %mul3A : i32
    %add3A = arith.addi %mul3A_0, %arg0 : i32
    %add3A_1 = arith.constant 0 : i32
    %add3A_2 = arith.addi %add3A_1, %add3A : i32
    %lt3A = arith.constant 1250 : i32
    %lt3A_3 = arith.cmpi slt, %add3A_2, %lt3A : i32
    %convert_element_type3A = arith.extui %lt3A_3 : i1 to i32
    %cond3A = arith.constant 0 : i32
    %cond3A_4 = arith.cmpi ne, %convert_element_type3A, %cond3A : i32
    scf.if %cond3A_4 {
      %add3A_65 = arith.constant 0 : i32
      %add3A_66 = arith.addi %add3A_65, %add3A : i32
      %add3A_67 = arith.constant 1250 : i32
      %add3A_68 = arith.addi %add3A_67, %add3A_66 : i32
      %mul3A_69 = arith.constant 128 : i32
      %mul3A_70 = arith.muli %add3A_68, %mul3A_69 : i32
      %dma_start3A = tpu.memref_slice %arg2[%mul3A_70] : memref<320000xi32, #tpu.memory_space<hbm>> -> memref<128xi32, #tpu.memory_space<hbm>>
      %dma_start3A_71 = tpu.memref_slice %arg2[%mul3A_70] : memref<320000xi32, #tpu.memory_space<hbm>> -> memref<128xi32, #tpu.memory_space<hbm>>
      tpu.enqueue_dma source(%dma_start3A_71 : memref<128xi32, #tpu.memory_space<hbm>>) target(%arg7 : memref<128xi32, #tpu.memory_space<vmem>>) target_semaphore(%arg15 : memref<!tpu.dma_semaphore, #tpu.memory_space<semaphore_mem>>)
      %dma_start3A_72 = tpu.memref_slice %arg3[%mul3A_70] : memref<320000xi32, #tpu.memory_space<hbm>> -> memref<128xi32, #tpu.memory_space<hbm>>
      %dma_start3A_73 = tpu.memref_slice %arg3[%mul3A_70] : memref<320000xi32, #tpu.memory_space<hbm>> -> memref<128xi32, #tpu.memory_space<hbm>>
      tpu.enqueue_dma source(%dma_start3A_73 : memref<128xi32, #tpu.memory_space<hbm>>) target(%arg9 : memref<128xi32, #tpu.memory_space<vmem>>) target_semaphore(%arg17 : memref<!tpu.dma_semaphore, #tpu.memory_space<semaphore_mem>>)
    } else {
    }
    %add3A_5 = arith.constant 32 : i32
    %add3A_6 = arith.addi %add3A_5, %add3A : i32
    %lt3A_7 = arith.constant 1250 : i32
    %lt3A_8 = arith.cmpi slt, %add3A_6, %lt3A_7 : i32
    %convert_element_type3A_9 = arith.extui %lt3A_8 : i1 to i32
    %cond3A_10 = arith.constant 0 : i32
    %cond3A_11 = arith.cmpi ne, %convert_element_type3A_9, %cond3A_10 : i32
    scf.if %cond3A_11 {
      %add3A_65 = arith.constant 32 : i32
      %add3A_66 = arith.addi %add3A_65, %add3A : i32
      %add3A_67 = arith.constant 1250 : i32
      %add3A_68 = arith.addi %add3A_67, %add3A_66 : i32
      %mul3A_69 = arith.constant 128 : i32
      %mul3A_70 = arith.muli %add3A_68, %mul3A_69 : i32
      %dma_start3A = tpu.memref_slice %arg2[%mul3A_70] : memref<320000xi32, #tpu.memory_space<hbm>> -> memref<128xi32, #tpu.memory_space<hbm>>
      %dma_start3A_71 = tpu.memref_slice %arg2[%mul3A_70] : memref<320000xi32, #tpu.memory_space<hbm>> -> memref<128xi32, #tpu.memory_space<hbm>>
      tpu.enqueue_dma source(%dma_start3A_71 : memref<128xi32, #tpu.memory_space<hbm>>) target(%arg8 : memref<128xi32, #tpu.memory_space<vmem>>) target_semaphore(%arg16 : memref<!tpu.dma_semaphore, #tpu.memory_space<semaphore_mem>>)
      %dma_start3A_72 = tpu.memref_slice %arg3[%mul3A_70] : memref<320000xi32, #tpu.memory_space<hbm>> -> memref<128xi32, #tpu.memory_space<hbm>>
      %dma_start3A_73 = tpu.memref_slice %arg3[%mul3A_70] : memref<320000xi32, #tpu.memory_space<hbm>> -> memref<128xi32, #tpu.memory_space<hbm>>
      tpu.enqueue_dma source(%dma_start3A_73 : memref<128xi32, #tpu.memory_space<hbm>>) target(%arg10 : memref<128xi32, #tpu.memory_space<vmem>>) target_semaphore(%arg18 : memref<!tpu.dma_semaphore, #tpu.memory_space<semaphore_mem>>)
    } else {
    }
    %add3A_12 = arith.constant 0 : i32
    %add3A_13 = arith.addi %add3A_12, %add3A : i32
    %lt3A_14 = arith.constant 1250 : i32
    %lt3A_15 = arith.cmpi slt, %add3A_13, %lt3A_14 : i32
    %convert_element_type3A_16 = arith.extui %lt3A_15 : i1 to i32
    %cond3A_17 = arith.constant 0 : i32
    %cond3A_18 = arith.cmpi ne, %convert_element_type3A_16, %cond3A_17 : i32
    scf.if %cond3A_18 {
      %dma_wait3A = arith.constant 0 : i32
      %dma_wait3A_65 = tpu.memref_slice %arg2[%dma_wait3A] : memref<320000xi32, #tpu.memory_space<hbm>> -> memref<128xi32, #tpu.memory_space<hbm>>
      %dma_wait3A_66 = arith.constant 0 : i32
      %dma_wait3A_67 = tpu.memref_slice %arg2[%dma_wait3A_66] : memref<320000xi32, #tpu.memory_space<hbm>> -> memref<128xi32, #tpu.memory_space<hbm>>
      tpu.wait_dma2 semaphore(%arg15 : memref<!tpu.dma_semaphore, #tpu.memory_space<semaphore_mem>>) src(%dma_wait3A_67 : memref<128xi32, #tpu.memory_space<hbm>>) dst(%arg7 : memref<128xi32, #tpu.memory_space<vmem>>)
      %dma_wait3A_68 = arith.constant 0 : i32
      %dma_wait3A_69 = tpu.memref_slice %arg3[%dma_wait3A_68] : memref<320000xi32, #tpu.memory_space<hbm>> -> memref<128xi32, #tpu.memory_space<hbm>>
      %dma_wait3A_70 = arith.constant 0 : i32
      %dma_wait3A_71 = tpu.memref_slice %arg3[%dma_wait3A_70] : memref<320000xi32, #tpu.memory_space<hbm>> -> memref<128xi32, #tpu.memory_space<hbm>>
      tpu.wait_dma2 semaphore(%arg17 : memref<!tpu.dma_semaphore, #tpu.memory_space<semaphore_mem>>) src(%dma_wait3A_71 : memref<128xi32, #tpu.memory_space<hbm>>) dst(%arg9 : memref<128xi32, #tpu.memory_space<vmem>>)
      %dma_start3A = arith.constant 0 : i32
      %dma_start3A_72 = arith.constant 0 : i32
      %dma_start3A_73 = tpu.memref_slice %arg4[%dma_start3A, %dma_start3A_72] : memref<10000x128xf32, #tpu.memory_space<hbm>> -> memref<10000x128xf32, #tpu.memory_space<hbm>>
      tpu.enqueue_indirect_dma source(%dma_start3A_73 : memref<10000x128xf32, #tpu.memory_space<hbm>>) target(%arg11 : memref<128x128xf32, #tpu.memory_space<vmem>>) offsets(%arg7 : memref<128xi32, #tpu.memory_space<vmem>>) semaphore(%arg19 : memref<!tpu.dma_semaphore, #tpu.memory_space<semaphore_mem>>)
      %dma_start3A_74 = arith.constant 0 : i32
      %dma_start3A_75 = arith.constant 0 : i32
      %dma_start3A_76 = tpu.memref_slice %arg4[%dma_start3A_74, %dma_start3A_75] : memref<10000x128xf32, #tpu.memory_space<hbm>> -> memref<10000x128xf32, #tpu.memory_space<hbm>>
      tpu.enqueue_indirect_dma source(%dma_start3A_76 : memref<10000x128xf32, #tpu.memory_space<hbm>>) target(%arg13 : memref<128x128xf32, #tpu.memory_space<vmem>>) offsets(%arg9 : memref<128xi32, #tpu.memory_space<vmem>>) semaphore(%arg21 : memref<!tpu.dma_semaphore, #tpu.memory_space<semaphore_mem>>)
    } else {
    }
    %scan3A = arith.constant 0 : i32
    %scan3A_19 = arith.constant 0 : i32
    %scan3A_20 = arith.constant 20 : i32
    %scan3A_21 = arith.addi %scan3A_19, %scan3A_20 : i32
    %scan3A_22 = arith.constant 1 : i32
    %scan3A_23 = scf.for %scan3A_65 = %scan3A_19 to %scan3A_21 step %scan3A_22 iter_args(%scan3A_66 = %scan3A) -> (i32)  : i32 {
      %mul3A_67 = arith.constant 2 : i32
      %mul3A_68 = arith.muli %mul3A_67, %scan3A_65 : i32
      %add3A_69 = arith.constant 0 : i32
      %add3A_70 = arith.addi %mul3A_68, %add3A_69 : i32
      %mul3A_71 = arith.constant 32 : i32
      %mul3A_72 = arith.muli %add3A_70, %mul3A_71 : i32
      %add3A_73 = arith.addi %mul3A_72, %add3A : i32
      %lt3A_74 = arith.constant 1250 : i32
      %lt3A_75 = arith.cmpi slt, %add3A_73, %lt3A_74 : i32
      %convert_element_type3A_76 = arith.extui %lt3A_75 : i1 to i32
      %cond3A_77 = arith.constant 0 : i32
      %cond3A_78 = arith.cmpi ne, %convert_element_type3A_76, %cond3A_77 : i32
      scf.if %cond3A_78 {
        %add3A_92 = arith.constant 1 : i32
        %add3A_93 = arith.addi %add3A_70, %add3A_92 : i32
        %mul3A_94 = arith.constant 32 : i32
        %mul3A_95 = arith.muli %add3A_93, %mul3A_94 : i32
        %add3A_96 = arith.addi %mul3A_95, %add3A : i32
        %lt3A_97 = arith.constant 1250 : i32
        %lt3A_98 = arith.cmpi slt, %add3A_96, %lt3A_97 : i32
        %convert_element_type3A_99 = arith.extui %lt3A_98 : i1 to i32
        %cond3A_100 = arith.constant 0 : i32
        %cond3A_101 = arith.cmpi ne, %convert_element_type3A_99, %cond3A_100 : i32
        scf.if %cond3A_101 {
          %dma_wait3A_135 = arith.constant 0 : i32
          %dma_wait3A_136 = tpu.memref_slice %arg2[%dma_wait3A_135] : memref<320000xi32, #tpu.memory_space<hbm>> -> memref<128xi32, #tpu.memory_space<hbm>>
          %dma_wait3A_137 = arith.constant 0 : i32
          %dma_wait3A_138 = tpu.memref_slice %arg2[%dma_wait3A_137] : memref<320000xi32, #tpu.memory_space<hbm>> -> memref<128xi32, #tpu.memory_space<hbm>>
          tpu.wait_dma2 semaphore(%arg16 : memref<!tpu.dma_semaphore, #tpu.memory_space<semaphore_mem>>) src(%dma_wait3A_138 : memref<128xi32, #tpu.memory_space<hbm>>) dst(%arg8 : memref<128xi32, #tpu.memory_space<vmem>>)
          %dma_wait3A_139 = arith.constant 0 : i32
          %dma_wait3A_140 = tpu.memref_slice %arg3[%dma_wait3A_139] : memref<320000xi32, #tpu.memory_space<hbm>> -> memref<128xi32, #tpu.memory_space<hbm>>
          %dma_wait3A_141 = arith.constant 0 : i32
          %dma_wait3A_142 = tpu.memref_slice %arg3[%dma_wait3A_141] : memref<320000xi32, #tpu.memory_space<hbm>> -> memref<128xi32, #tpu.memory_space<hbm>>
          tpu.wait_dma2 semaphore(%arg18 : memref<!tpu.dma_semaphore, #tpu.memory_space<semaphore_mem>>) src(%dma_wait3A_142 : memref<128xi32, #tpu.memory_space<hbm>>) dst(%arg10 : memref<128xi32, #tpu.memory_space<vmem>>)
          %ge3A = arith.constant 1 : i32
          %ge3A_143 = arith.cmpi sge, %add3A_70, %ge3A : i32
          %convert_element_type3A_144 = arith.extui %ge3A_143 : i1 to i32
          %cond3A_145 = arith.constant 0 : i32
          %cond3A_146 = arith.cmpi ne, %convert_element_type3A_144, %cond3A_145 : i32
          scf.if %cond3A_146 {
            %dma_wait3A_153 = arith.constant 0 : i32
            %dma_wait3A_154 = arith.constant 0 : i32
            %dma_wait3A_155 = tpu.memref_slice %arg4[%dma_wait3A_153, %dma_wait3A_154] : memref<10000x128xf32, #tpu.memory_space<hbm>> -> memref<128x128xf32, #tpu.memory_space<hbm>>
            %dma_wait3A_156 = arith.constant 0 : i32
            %dma_wait3A_157 = arith.constant 0 : i32
            %dma_wait3A_158 = tpu.memref_slice %arg4[%dma_wait3A_156, %dma_wait3A_157] : memref<10000x128xf32, #tpu.memory_space<hbm>> -> memref<128x128xf32, #tpu.memory_space<hbm>>
            tpu.wait_dma2 semaphore(%arg24 : memref<!tpu.dma_semaphore, #tpu.memory_space<semaphore_mem>>) src(%dma_wait3A_158 : memref<128x128xf32, #tpu.memory_space<hbm>>) dst(%arg12 : memref<128x128xf32, #tpu.memory_space<vmem>>)
            %dma_wait3A_159 = arith.constant 0 : i32
            %dma_wait3A_160 = arith.constant 0 : i32
            %dma_wait3A_161 = tpu.memref_slice %arg4[%dma_wait3A_159, %dma_wait3A_160] : memref<10000x128xf32, #tpu.memory_space<hbm>> -> memref<128x128xf32, #tpu.memory_space<hbm>>
            %dma_wait3A_162 = arith.constant 0 : i32
            %dma_wait3A_163 = arith.constant 0 : i32
            %dma_wait3A_164 = tpu.memref_slice %arg4[%dma_wait3A_162, %dma_wait3A_163] : memref<10000x128xf32, #tpu.memory_space<hbm>> -> memref<128x128xf32, #tpu.memory_space<hbm>>
            tpu.wait_dma2 semaphore(%arg26 : memref<!tpu.dma_semaphore, #tpu.memory_space<semaphore_mem>>) src(%dma_wait3A_164 : memref<128x128xf32, #tpu.memory_space<hbm>>) dst(%arg14 : memref<128x128xf32, #tpu.memory_space<vmem>>)
          } else {
          }
          %dma_start3A_147 = arith.constant 0 : i32
          %dma_start3A_148 = arith.constant 0 : i32
          %dma_start3A_149 = tpu.memref_slice %arg4[%dma_start3A_147, %dma_start3A_148] : memref<10000x128xf32, #tpu.memory_space<hbm>> -> memref<10000x128xf32, #tpu.memory_space<hbm>>
          tpu.enqueue_indirect_dma source(%dma_start3A_149 : memref<10000x128xf32, #tpu.memory_space<hbm>>) target(%arg12 : memref<128x128xf32, #tpu.memory_space<vmem>>) offsets(%arg8 : memref<128xi32, #tpu.memory_space<vmem>>) semaphore(%arg20 : memref<!tpu.dma_semaphore, #tpu.memory_space<semaphore_mem>>)
          %dma_start3A_150 = arith.constant 0 : i32
          %dma_start3A_151 = arith.constant 0 : i32
          %dma_start3A_152 = tpu.memref_slice %arg4[%dma_start3A_150, %dma_start3A_151] : memref<10000x128xf32, #tpu.memory_space<hbm>> -> memref<10000x128xf32, #tpu.memory_space<hbm>>
          tpu.enqueue_indirect_dma source(%dma_start3A_152 : memref<10000x128xf32, #tpu.memory_space<hbm>>) target(%arg14 : memref<128x128xf32, #tpu.memory_space<vmem>>) offsets(%arg10 : memref<128xi32, #tpu.memory_space<vmem>>) semaphore(%arg22 : memref<!tpu.dma_semaphore, #tpu.memory_space<semaphore_mem>>)
        } else {
        }
        %dma_wait3A = arith.constant 0 : i32
        %dma_wait3A_102 = arith.constant 0 : i32
        %dma_wait3A_103 = tpu.memref_slice %arg4[%dma_wait3A, %dma_wait3A_102] : memref<10000x128xf32, #tpu.memory_space<hbm>> -> memref<128x128xf32, #tpu.memory_space<hbm>>
        %dma_wait3A_104 = arith.constant 0 : i32
        %dma_wait3A_105 = arith.constant 0 : i32
        %dma_wait3A_106 = tpu.memref_slice %arg4[%dma_wait3A_104, %dma_wait3A_105] : memref<10000x128xf32, #tpu.memory_space<hbm>> -> memref<128x128xf32, #tpu.memory_space<hbm>>
        tpu.wait_dma2 semaphore(%arg19 : memref<!tpu.dma_semaphore, #tpu.memory_space<semaphore_mem>>) src(%dma_wait3A_106 : memref<128x128xf32, #tpu.memory_space<hbm>>) dst(%arg11 : memref<128x128xf32, #tpu.memory_space<vmem>>)
        %dma_wait3A_107 = arith.constant 0 : i32
        %dma_wait3A_108 = arith.constant 0 : i32
        %dma_wait3A_109 = tpu.memref_slice %arg4[%dma_wait3A_107, %dma_wait3A_108] : memref<10000x128xf32, #tpu.memory_space<hbm>> -> memref<128x128xf32, #tpu.memory_space<hbm>>
        %dma_wait3A_110 = arith.constant 0 : i32
        %dma_wait3A_111 = arith.constant 0 : i32
        %dma_wait3A_112 = tpu.memref_slice %arg4[%dma_wait3A_110, %dma_wait3A_111] : memref<10000x128xf32, #tpu.memory_space<hbm>> -> memref<128x128xf32, #tpu.memory_space<hbm>>
        tpu.wait_dma2 semaphore(%arg21 : memref<!tpu.dma_semaphore, #tpu.memory_space<semaphore_mem>>) src(%dma_wait3A_112 : memref<128x128xf32, #tpu.memory_space<hbm>>) dst(%arg13 : memref<128x128xf32, #tpu.memory_space<vmem>>)
        %mul3A_113 = arith.constant 32 : i32
        %mul3A_114 = arith.muli %add3A_70, %mul3A_113 : i32
        %add3A_115 = arith.addi %mul3A_114, %add3A : i32
        %mul3A_116 = arith.constant 128 : i32
        %mul3A_117 = arith.muli %add3A_115, %mul3A_116 : i32
        %dma_start3A = arith.constant 0 : i32
        %dma_start3A_118 = tpu.memref_slice %arg5[%mul3A_117, %dma_start3A] : memref<160000x128xf32, #tpu.memory_space<hbm>> -> memref<128x128xf32, #tpu.memory_space<hbm>>
        %dma_start3A_119 = arith.constant 0 : i32
        %dma_start3A_120 = tpu.memref_slice %arg5[%mul3A_117, %dma_start3A_119] : memref<160000x128xf32, #tpu.memory_space<hbm>> -> memref<128x128xf32, #tpu.memory_space<hbm>>
        tpu.enqueue_dma source(%arg11 : memref<128x128xf32, #tpu.memory_space<vmem>>) target(%dma_start3A_120 : memref<128x128xf32, #tpu.memory_space<hbm>>) target_semaphore(%arg23 : memref<!tpu.dma_semaphore, #tpu.memory_space<semaphore_mem>>)
        %dma_start3A_121 = arith.constant 0 : i32
        %dma_start3A_122 = tpu.memref_slice %arg6[%mul3A_117, %dma_start3A_121] : memref<160000x128xf32, #tpu.memory_space<hbm>> -> memref<128x128xf32, #tpu.memory_space<hbm>>
        %dma_start3A_123 = arith.constant 0 : i32
        %dma_start3A_124 = tpu.memref_slice %arg6[%mul3A_117, %dma_start3A_123] : memref<160000x128xf32, #tpu.memory_space<hbm>> -> memref<128x128xf32, #tpu.memory_space<hbm>>
        tpu.enqueue_dma source(%arg13 : memref<128x128xf32, #tpu.memory_space<vmem>>) target(%dma_start3A_124 : memref<128x128xf32, #tpu.memory_space<hbm>>) target_semaphore(%arg25 : memref<!tpu.dma_semaphore, #tpu.memory_space<semaphore_mem>>)
        %add3A_125 = arith.constant 2 : i32
        %add3A_126 = arith.addi %add3A_70, %add3A_125 : i32
        %mul3A_127 = arith.constant 32 : i32
        %mul3A_128 = arith.muli %add3A_126, %mul3A_127 : i32
        %add3A_129 = arith.addi %mul3A_128, %add3A : i32
        %lt3A_130 = arith.constant 1250 : i32
        %lt3A_131 = arith.cmpi slt, %add3A_129, %lt3A_130 : i32
        %convert_element_type3A_132 = arith.extui %lt3A_131 : i1 to i32
        %cond3A_133 = arith.constant 0 : i32
        %cond3A_134 = arith.cmpi ne, %convert_element_type3A_132, %cond3A_133 : i32
        scf.if %cond3A_134 {
          %add3A_135 = arith.constant 2 : i32
          %add3A_136 = arith.addi %add3A_70, %add3A_135 : i32
          %mul3A_137 = arith.constant 32 : i32
          %mul3A_138 = arith.muli %add3A_136, %mul3A_137 : i32
          %add3A_139 = arith.addi %mul3A_138, %add3A : i32
          %add3A_140 = arith.constant 1250 : i32
          %add3A_141 = arith.addi %add3A_140, %add3A_139 : i32
          %mul3A_142 = arith.constant 128 : i32
          %mul3A_143 = arith.muli %add3A_141, %mul3A_142 : i32
          %dma_start3A_144 = tpu.memref_slice %arg2[%mul3A_143] : memref<320000xi32, #tpu.memory_space<hbm>> -> memref<128xi32, #tpu.memory_space<hbm>>
          %dma_start3A_145 = tpu.memref_slice %arg2[%mul3A_143] : memref<320000xi32, #tpu.memory_space<hbm>> -> memref<128xi32, #tpu.memory_space<hbm>>
          tpu.enqueue_dma source(%dma_start3A_145 : memref<128xi32, #tpu.memory_space<hbm>>) target(%arg7 : memref<128xi32, #tpu.memory_space<vmem>>) target_semaphore(%arg15 : memref<!tpu.dma_semaphore, #tpu.memory_space<semaphore_mem>>)
          %dma_start3A_146 = tpu.memref_slice %arg3[%mul3A_143] : memref<320000xi32, #tpu.memory_space<hbm>> -> memref<128xi32, #tpu.memory_space<hbm>>
          %dma_start3A_147 = tpu.memref_slice %arg3[%mul3A_143] : memref<320000xi32, #tpu.memory_space<hbm>> -> memref<128xi32, #tpu.memory_space<hbm>>
          tpu.enqueue_dma source(%dma_start3A_147 : memref<128xi32, #tpu.memory_space<hbm>>) target(%arg9 : memref<128xi32, #tpu.memory_space<vmem>>) target_semaphore(%arg17 : memref<!tpu.dma_semaphore, #tpu.memory_space<semaphore_mem>>)
        } else {
        }
      } else {
      }
      %mul3A_79 = arith.constant 2 : i32
      %mul3A_80 = arith.muli %mul3A_79, %scan3A_65 : i32
      %add3A_81 = arith.constant 1 : i32
      %add3A_82 = arith.addi %mul3A_80, %add3A_81 : i32
      %mul3A_83 = arith.constant 32 : i32
      %mul3A_84 = arith.muli %add3A_82, %mul3A_83 : i32
      %add3A_85 = arith.addi %mul3A_84, %add3A : i32
      %lt3A_86 = arith.constant 1250 : i32
      %lt3A_87 = arith.cmpi slt, %add3A_85, %lt3A_86 : i32
      %convert_element_type3A_88 = arith.extui %lt3A_87 : i1 to i32
      %cond3A_89 = arith.constant 0 : i32
      %cond3A_90 = arith.cmpi ne, %convert_element_type3A_88, %cond3A_89 : i32
      scf.if %cond3A_90 {
        %add3A_92 = arith.constant 1 : i32
        %add3A_93 = arith.addi %add3A_82, %add3A_92 : i32
        %mul3A_94 = arith.constant 32 : i32
        %mul3A_95 = arith.muli %add3A_93, %mul3A_94 : i32
        %add3A_96 = arith.addi %mul3A_95, %add3A : i32
        %lt3A_97 = arith.constant 1250 : i32
        %lt3A_98 = arith.cmpi slt, %add3A_96, %lt3A_97 : i32
        %convert_element_type3A_99 = arith.extui %lt3A_98 : i1 to i32
        %cond3A_100 = arith.constant 0 : i32
        %cond3A_101 = arith.cmpi ne, %convert_element_type3A_99, %cond3A_100 : i32
        scf.if %cond3A_101 {
          %dma_wait3A_135 = arith.constant 0 : i32
          %dma_wait3A_136 = tpu.memref_slice %arg2[%dma_wait3A_135] : memref<320000xi32, #tpu.memory_space<hbm>> -> memref<128xi32, #tpu.memory_space<hbm>>
          %dma_wait3A_137 = arith.constant 0 : i32
          %dma_wait3A_138 = tpu.memref_slice %arg2[%dma_wait3A_137] : memref<320000xi32, #tpu.memory_space<hbm>> -> memref<128xi32, #tpu.memory_space<hbm>>
          tpu.wait_dma2 semaphore(%arg15 : memref<!tpu.dma_semaphore, #tpu.memory_space<semaphore_mem>>) src(%dma_wait3A_138 : memref<128xi32, #tpu.memory_space<hbm>>) dst(%arg7 : memref<128xi32, #tpu.memory_space<vmem>>)
          %dma_wait3A_139 = arith.constant 0 : i32
          %dma_wait3A_140 = tpu.memref_slice %arg3[%dma_wait3A_139] : memref<320000xi32, #tpu.memory_space<hbm>> -> memref<128xi32, #tpu.memory_space<hbm>>
          %dma_wait3A_141 = arith.constant 0 : i32
          %dma_wait3A_142 = tpu.memref_slice %arg3[%dma_wait3A_141] : memref<320000xi32, #tpu.memory_space<hbm>> -> memref<128xi32, #tpu.memory_space<hbm>>
          tpu.wait_dma2 semaphore(%arg17 : memref<!tpu.dma_semaphore, #tpu.memory_space<semaphore_mem>>) src(%dma_wait3A_142 : memref<128xi32, #tpu.memory_space<hbm>>) dst(%arg9 : memref<128xi32, #tpu.memory_space<vmem>>)
          %ge3A = arith.constant 1 : i32
          %ge3A_143 = arith.cmpi sge, %add3A_82, %ge3A : i32
          %convert_element_type3A_144 = arith.extui %ge3A_143 : i1 to i32
          %cond3A_145 = arith.constant 0 : i32
          %cond3A_146 = arith.cmpi ne, %convert_element_type3A_144, %cond3A_145 : i32
          scf.if %cond3A_146 {
            %dma_wait3A_153 = arith.constant 0 : i32
            %dma_wait3A_154 = arith.constant 0 : i32
            %dma_wait3A_155 = tpu.memref_slice %arg4[%dma_wait3A_153, %dma_wait3A_154] : memref<10000x128xf32, #tpu.memory_space<hbm>> -> memref<128x128xf32, #tpu.memory_space<hbm>>
            %dma_wait3A_156 = arith.constant 0 : i32
            %dma_wait3A_157 = arith.constant 0 : i32
            %dma_wait3A_158 = tpu.memref_slice %arg4[%dma_wait3A_156, %dma_wait3A_157] : memref<10000x128xf32, #tpu.memory_space<hbm>> -> memref<128x128xf32, #tpu.memory_space<hbm>>
            tpu.wait_dma2 semaphore(%arg23 : memref<!tpu.dma_semaphore, #tpu.memory_space<semaphore_mem>>) src(%dma_wait3A_158 : memref<128x128xf32, #tpu.memory_space<hbm>>) dst(%arg11 : memref<128x128xf32, #tpu.memory_space<vmem>>)
            %dma_wait3A_159 = arith.constant 0 : i32
            %dma_wait3A_160 = arith.constant 0 : i32
            %dma_wait3A_161 = tpu.memref_slice %arg4[%dma_wait3A_159, %dma_wait3A_160] : memref<10000x128xf32, #tpu.memory_space<hbm>> -> memref<128x128xf32, #tpu.memory_space<hbm>>
            %dma_wait3A_162 = arith.constant 0 : i32
            %dma_wait3A_163 = arith.constant 0 : i32
            %dma_wait3A_164 = tpu.memref_slice %arg4[%dma_wait3A_162, %dma_wait3A_163] : memref<10000x128xf32, #tpu.memory_space<hbm>> -> memref<128x128xf32, #tpu.memory_space<hbm>>
            tpu.wait_dma2 semaphore(%arg25 : memref<!tpu.dma_semaphore, #tpu.memory_space<semaphore_mem>>) src(%dma_wait3A_164 : memref<128x128xf32, #tpu.memory_space<hbm>>) dst(%arg13 : memref<128x128xf32, #tpu.memory_space<vmem>>)
          } else {
          }
          %dma_start3A_147 = arith.constant 0 : i32
          %dma_start3A_148 = arith.constant 0 : i32
          %dma_start3A_149 = tpu.memref_slice %arg4[%dma_start3A_147, %dma_start3A_148] : memref<10000x128xf32, #tpu.memory_space<hbm>> -> memref<10000x128xf32, #tpu.memory_space<hbm>>
          tpu.enqueue_indirect_dma source(%dma_start3A_149 : memref<10000x128xf32, #tpu.memory_space<hbm>>) target(%arg11 : memref<128x128xf32, #tpu.memory_space<vmem>>) offsets(%arg7 : memref<128xi32, #tpu.memory_space<vmem>>) semaphore(%arg19 : memref<!tpu.dma_semaphore, #tpu.memory_space<semaphore_mem>>)
          %dma_start3A_150 = arith.constant 0 : i32
          %dma_start3A_151 = arith.constant 0 : i32
          %dma_start3A_152 = tpu.memref_slice %arg4[%dma_start3A_150, %dma_start3A_151] : memref<10000x128xf32, #tpu.memory_space<hbm>> -> memref<10000x128xf32, #tpu.memory_space<hbm>>
          tpu.enqueue_indirect_dma source(%dma_start3A_152 : memref<10000x128xf32, #tpu.memory_space<hbm>>) target(%arg13 : memref<128x128xf32, #tpu.memory_space<vmem>>) offsets(%arg9 : memref<128xi32, #tpu.memory_space<vmem>>) semaphore(%arg21 : memref<!tpu.dma_semaphore, #tpu.memory_space<semaphore_mem>>)
        } else {
        }
        %dma_wait3A = arith.constant 0 : i32
        %dma_wait3A_102 = arith.constant 0 : i32
        %dma_wait3A_103 = tpu.memref_slice %arg4[%dma_wait3A, %dma_wait3A_102] : memref<10000x128xf32, #tpu.memory_space<hbm>> -> memref<128x128xf32, #tpu.memory_space<hbm>>
        %dma_wait3A_104 = arith.constant 0 : i32
        %dma_wait3A_105 = arith.constant 0 : i32
        %dma_wait3A_106 = tpu.memref_slice %arg4[%dma_wait3A_104, %dma_wait3A_105] : memref<10000x128xf32, #tpu.memory_space<hbm>> -> memref<128x128xf32, #tpu.memory_space<hbm>>
        tpu.wait_dma2 semaphore(%arg20 : memref<!tpu.dma_semaphore, #tpu.memory_space<semaphore_mem>>) src(%dma_wait3A_106 : memref<128x128xf32, #tpu.memory_space<hbm>>) dst(%arg12 : memref<128x128xf32, #tpu.memory_space<vmem>>)
        %dma_wait3A_107 = arith.constant 0 : i32
        %dma_wait3A_108 = arith.constant 0 : i32
        %dma_wait3A_109 = tpu.memref_slice %arg4[%dma_wait3A_107, %dma_wait3A_108] : memref<10000x128xf32, #tpu.memory_space<hbm>> -> memref<128x128xf32, #tpu.memory_space<hbm>>
        %dma_wait3A_110 = arith.constant 0 : i32
        %dma_wait3A_111 = arith.constant 0 : i32
        %dma_wait3A_112 = tpu.memref_slice %arg4[%dma_wait3A_110, %dma_wait3A_111] : memref<10000x128xf32, #tpu.memory_space<hbm>> -> memref<128x128xf32, #tpu.memory_space<hbm>>
        tpu.wait_dma2 semaphore(%arg22 : memref<!tpu.dma_semaphore, #tpu.memory_space<semaphore_mem>>) src(%dma_wait3A_112 : memref<128x128xf32, #tpu.memory_space<hbm>>) dst(%arg14 : memref<128x128xf32, #tpu.memory_space<vmem>>)
        %mul3A_113 = arith.constant 32 : i32
        %mul3A_114 = arith.muli %add3A_82, %mul3A_113 : i32
        %add3A_115 = arith.addi %mul3A_114, %add3A : i32
        %mul3A_116 = arith.constant 128 : i32
        %mul3A_117 = arith.muli %add3A_115, %mul3A_116 : i32
        %dma_start3A = arith.constant 0 : i32
        %dma_start3A_118 = tpu.memref_slice %arg5[%mul3A_117, %dma_start3A] : memref<160000x128xf32, #tpu.memory_space<hbm>> -> memref<128x128xf32, #tpu.memory_space<hbm>>
        %dma_start3A_119 = arith.constant 0 : i32
        %dma_start3A_120 = tpu.memref_slice %arg5[%mul3A_117, %dma_start3A_119] : memref<160000x128xf32, #tpu.memory_space<hbm>> -> memref<128x128xf32, #tpu.memory_space<hbm>>
        tpu.enqueue_dma source(%arg12 : memref<128x128xf32, #tpu.memory_space<vmem>>) target(%dma_start3A_120 : memref<128x128xf32, #tpu.memory_space<hbm>>) target_semaphore(%arg24 : memref<!tpu.dma_semaphore, #tpu.memory_space<semaphore_mem>>)
        %dma_start3A_121 = arith.constant 0 : i32
        %dma_start3A_122 = tpu.memref_slice %arg6[%mul3A_117, %dma_start3A_121] : memref<160000x128xf32, #tpu.memory_space<hbm>> -> memref<128x128xf32, #tpu.memory_space<hbm>>
        %dma_start3A_123 = arith.constant 0 : i32
        %dma_start3A_124 = tpu.memref_slice %arg6[%mul3A_117, %dma_start3A_123] : memref<160000x128xf32, #tpu.memory_space<hbm>> -> memref<128x128xf32, #tpu.memory_space<hbm>>
        tpu.enqueue_dma source(%arg14 : memref<128x128xf32, #tpu.memory_space<vmem>>) target(%dma_start3A_124 : memref<128x128xf32, #tpu.memory_space<hbm>>) target_semaphore(%arg26 : memref<!tpu.dma_semaphore, #tpu.memory_space<semaphore_mem>>)
        %add3A_125 = arith.constant 2 : i32
        %add3A_126 = arith.addi %add3A_82, %add3A_125 : i32
        %mul3A_127 = arith.constant 32 : i32
        %mul3A_128 = arith.muli %add3A_126, %mul3A_127 : i32
        %add3A_129 = arith.addi %mul3A_128, %add3A : i32
        %lt3A_130 = arith.constant 1250 : i32
        %lt3A_131 = arith.cmpi slt, %add3A_129, %lt3A_130 : i32
        %convert_element_type3A_132 = arith.extui %lt3A_131 : i1 to i32
        %cond3A_133 = arith.constant 0 : i32
        %cond3A_134 = arith.cmpi ne, %convert_element_type3A_132, %cond3A_133 : i32
        scf.if %cond3A_134 {
          %add3A_135 = arith.constant 2 : i32
          %add3A_136 = arith.addi %add3A_82, %add3A_135 : i32
          %mul3A_137 = arith.constant 32 : i32
          %mul3A_138 = arith.muli %add3A_136, %mul3A_137 : i32
          %add3A_139 = arith.addi %mul3A_138, %add3A : i32
          %add3A_140 = arith.constant 1250 : i32
          %add3A_141 = arith.addi %add3A_140, %add3A_139 : i32
          %mul3A_142 = arith.constant 128 : i32
          %mul3A_143 = arith.muli %add3A_141, %mul3A_142 : i32
          %dma_start3A_144 = tpu.memref_slice %arg2[%mul3A_143] : memref<320000xi32, #tpu.memory_space<hbm>> -> memref<128xi32, #tpu.memory_space<hbm>>
          %dma_start3A_145 = tpu.memref_slice %arg2[%mul3A_143] : memref<320000xi32, #tpu.memory_space<hbm>> -> memref<128xi32, #tpu.memory_space<hbm>>
          tpu.enqueue_dma source(%dma_start3A_145 : memref<128xi32, #tpu.memory_space<hbm>>) target(%arg8 : memref<128xi32, #tpu.memory_space<vmem>>) target_semaphore(%arg16 : memref<!tpu.dma_semaphore, #tpu.memory_space<semaphore_mem>>)
          %dma_start3A_146 = tpu.memref_slice %arg3[%mul3A_143] : memref<320000xi32, #tpu.memory_space<hbm>> -> memref<128xi32, #tpu.memory_space<hbm>>
          %dma_start3A_147 = tpu.memref_slice %arg3[%mul3A_143] : memref<320000xi32, #tpu.memory_space<hbm>> -> memref<128xi32, #tpu.memory_space<hbm>>
          tpu.enqueue_dma source(%dma_start3A_147 : memref<128xi32, #tpu.memory_space<hbm>>) target(%arg10 : memref<128xi32, #tpu.memory_space<vmem>>) target_semaphore(%arg18 : memref<!tpu.dma_semaphore, #tpu.memory_space<semaphore_mem>>)
        } else {
        }
      } else {
      }
      %scan3A_91 = arith.constant 0 : i32
      scf.yield %scan3A_91 : i32
    }
    %scan3A_24 = arith.constant 20 : i32
    %add3A_25 = arith.constant 1184 : i32
    %add3A_26 = arith.addi %add3A_25, %add3A : i32
    %lt3A_27 = arith.constant 1250 : i32
    %lt3A_28 = arith.cmpi slt, %add3A_26, %lt3A_27 : i32
    %add3A_29 = arith.constant 1248 : i32
    %add3A_30 = arith.addi %add3A_29, %add3A : i32
    %lt3A_31 = arith.constant 1250 : i32
    %lt3A_32 = arith.cmpi slt, %add3A_30, %lt3A_31 : i32
    %not3A = arith.constant true
    %not3A_33 = arith.xori %lt3A_32, %not3A : i1
    %and3A = arith.andi %lt3A_28, %not3A_33 : i1
    %convert_element_type3A_34 = arith.extui %and3A : i1 to i32
    %cond3A_35 = arith.constant 0 : i32
    %cond3A_36 = arith.cmpi ne, %convert_element_type3A_34, %cond3A_35 : i32
    scf.if %cond3A_36 {
      %dma_wait3A = arith.constant 0 : i32
      %dma_wait3A_65 = arith.constant 0 : i32
      %dma_wait3A_66 = tpu.memref_slice %arg4[%dma_wait3A, %dma_wait3A_65] : memref<10000x128xf32, #tpu.memory_space<hbm>> -> memref<128x128xf32, #tpu.memory_space<hbm>>
      %dma_wait3A_67 = arith.constant 0 : i32
      %dma_wait3A_68 = arith.constant 0 : i32
      %dma_wait3A_69 = tpu.memref_slice %arg4[%dma_wait3A_67, %dma_wait3A_68] : memref<10000x128xf32, #tpu.memory_space<hbm>> -> memref<128x128xf32, #tpu.memory_space<hbm>>
      tpu.wait_dma2 semaphore(%arg24 : memref<!tpu.dma_semaphore, #tpu.memory_space<semaphore_mem>>) src(%dma_wait3A_69 : memref<128x128xf32, #tpu.memory_space<hbm>>) dst(%arg12 : memref<128x128xf32, #tpu.memory_space<vmem>>)
      %dma_wait3A_70 = arith.constant 0 : i32
      %dma_wait3A_71 = arith.constant 0 : i32
      %dma_wait3A_72 = tpu.memref_slice %arg4[%dma_wait3A_70, %dma_wait3A_71] : memref<10000x128xf32, #tpu.memory_space<hbm>> -> memref<128x128xf32, #tpu.memory_space<hbm>>
      %dma_wait3A_73 = arith.constant 0 : i32
      %dma_wait3A_74 = arith.constant 0 : i32
      %dma_wait3A_75 = tpu.memref_slice %arg4[%dma_wait3A_73, %dma_wait3A_74] : memref<10000x128xf32, #tpu.memory_space<hbm>> -> memref<128x128xf32, #tpu.memory_space<hbm>>
      tpu.wait_dma2 semaphore(%arg26 : memref<!tpu.dma_semaphore, #tpu.memory_space<semaphore_mem>>) src(%dma_wait3A_75 : memref<128x128xf32, #tpu.memory_space<hbm>>) dst(%arg14 : memref<128x128xf32, #tpu.memory_space<vmem>>)
    } else {
    }
    %add3A_37 = arith.constant 1216 : i32
    %add3A_38 = arith.addi %add3A_37, %add3A : i32
    %lt3A_39 = arith.constant 1250 : i32
    %lt3A_40 = arith.cmpi slt, %add3A_38, %lt3A_39 : i32
    %add3A_41 = arith.constant 1280 : i32
    %add3A_42 = arith.addi %add3A_41, %add3A : i32
    %lt3A_43 = arith.constant 1250 : i32
    %lt3A_44 = arith.cmpi slt, %add3A_42, %lt3A_43 : i32
    %not3A_45 = arith.constant true
    %not3A_46 = arith.xori %lt3A_44, %not3A_45 : i1
    %and3A_47 = arith.andi %lt3A_40, %not3A_46 : i1
    %convert_element_type3A_48 = arith.extui %and3A_47 : i1 to i32
    %cond3A_49 = arith.constant 0 : i32
    %cond3A_50 = arith.cmpi ne, %convert_element_type3A_48, %cond3A_49 : i32
    scf.if %cond3A_50 {
      %dma_wait3A = arith.constant 0 : i32
      %dma_wait3A_65 = arith.constant 0 : i32
      %dma_wait3A_66 = tpu.memref_slice %arg4[%dma_wait3A, %dma_wait3A_65] : memref<10000x128xf32, #tpu.memory_space<hbm>> -> memref<128x128xf32, #tpu.memory_space<hbm>>
      %dma_wait3A_67 = arith.constant 0 : i32
      %dma_wait3A_68 = arith.constant 0 : i32
      %dma_wait3A_69 = tpu.memref_slice %arg4[%dma_wait3A_67, %dma_wait3A_68] : memref<10000x128xf32, #tpu.memory_space<hbm>> -> memref<128x128xf32, #tpu.memory_space<hbm>>
      tpu.wait_dma2 semaphore(%arg23 : memref<!tpu.dma_semaphore, #tpu.memory_space<semaphore_mem>>) src(%dma_wait3A_69 : memref<128x128xf32, #tpu.memory_space<hbm>>) dst(%arg11 : memref<128x128xf32, #tpu.memory_space<vmem>>)
      %dma_wait3A_70 = arith.constant 0 : i32
      %dma_wait3A_71 = arith.constant 0 : i32
      %dma_wait3A_72 = tpu.memref_slice %arg4[%dma_wait3A_70, %dma_wait3A_71] : memref<10000x128xf32, #tpu.memory_space<hbm>> -> memref<128x128xf32, #tpu.memory_space<hbm>>
      %dma_wait3A_73 = arith.constant 0 : i32
      %dma_wait3A_74 = arith.constant 0 : i32
      %dma_wait3A_75 = tpu.memref_slice %arg4[%dma_wait3A_73, %dma_wait3A_74] : memref<10000x128xf32, #tpu.memory_space<hbm>> -> memref<128x128xf32, #tpu.memory_space<hbm>>
      tpu.wait_dma2 semaphore(%arg25 : memref<!tpu.dma_semaphore, #tpu.memory_space<semaphore_mem>>) src(%dma_wait3A_75 : memref<128x128xf32, #tpu.memory_space<hbm>>) dst(%arg13 : memref<128x128xf32, #tpu.memory_space<vmem>>)
    } else {
    }
    %add3A_51 = arith.constant 1248 : i32
    %add3A_52 = arith.addi %add3A_51, %add3A : i32
    %lt3A_53 = arith.constant 1250 : i32
    %lt3A_54 = arith.cmpi slt, %add3A_52, %lt3A_53 : i32
    %add3A_55 = arith.constant 1312 : i32
    %add3A_56 = arith.addi %add3A_55, %add3A : i32
    %lt3A_57 = arith.constant 1250 : i32
    %lt3A_58 = arith.cmpi slt, %add3A_56, %lt3A_57 : i32
    %not3A_59 = arith.constant true
    %not3A_60 = arith.xori %lt3A_58, %not3A_59 : i1
    %and3A_61 = arith.andi %lt3A_54, %not3A_60 : i1
    %convert_element_type3A_62 = arith.extui %and3A_61 : i1 to i32
    %cond3A_63 = arith.constant 0 : i32
    %cond3A_64 = arith.cmpi ne, %convert_element_type3A_62, %cond3A_63 : i32
    scf.if %cond3A_64 {
      %dma_wait3A = arith.constant 0 : i32
      %dma_wait3A_65 = arith.constant 0 : i32
      %dma_wait3A_66 = tpu.memref_slice %arg4[%dma_wait3A, %dma_wait3A_65] : memref<10000x128xf32, #tpu.memory_space<hbm>> -> memref<128x128xf32, #tpu.memory_space<hbm>>
      %dma_wait3A_67 = arith.constant 0 : i32
      %dma_wait3A_68 = arith.constant 0 : i32
      %dma_wait3A_69 = tpu.memref_slice %arg4[%dma_wait3A_67, %dma_wait3A_68] : memref<10000x128xf32, #tpu.memory_space<hbm>> -> memref<128x128xf32, #tpu.memory_space<hbm>>
      tpu.wait_dma2 semaphore(%arg24 : memref<!tpu.dma_semaphore, #tpu.memory_space<semaphore_mem>>) src(%dma_wait3A_69 : memref<128x128xf32, #tpu.memory_space<hbm>>) dst(%arg12 : memref<128x128xf32, #tpu.memory_space<vmem>>)
      %dma_wait3A_70 = arith.constant 0 : i32
      %dma_wait3A_71 = arith.constant 0 : i32
      %dma_wait3A_72 = tpu.memref_slice %arg4[%dma_wait3A_70, %dma_wait3A_71] : memref<10000x128xf32, #tpu.memory_space<hbm>> -> memref<128x128xf32, #tpu.memory_space<hbm>>
      %dma_wait3A_73 = arith.constant 0 : i32
      %dma_wait3A_74 = arith.constant 0 : i32
      %dma_wait3A_75 = tpu.memref_slice %arg4[%dma_wait3A_73, %dma_wait3A_74] : memref<10000x128xf32, #tpu.memory_space<hbm>> -> memref<128x128xf32, #tpu.memory_space<hbm>>
      tpu.wait_dma2 semaphore(%arg26 : memref<!tpu.dma_semaphore, #tpu.memory_space<semaphore_mem>>) src(%dma_wait3A_75 : memref<128x128xf32, #tpu.memory_space<hbm>>) dst(%arg14 : memref<128x128xf32, #tpu.memory_space<vmem>>)
    } else {
    }
    return
  }
}

#map = affine_map<(d0, d1) -> (0)>
#map1 = affine_map<(d0, d1) -> (0, 0)>
module attributes {stable_mosaic.version = 14 : i64} {
  func.func @_gather_body(%arg0: i32, %arg1: i32, %arg2: memref<320000xi32, #tpu.memory_space<hbm>>, %arg3: memref<320000xi32, #tpu.memory_space<hbm>>, %arg4: memref<10000x128xf32, #tpu.memory_space<hbm>>, %arg5: memref<160000x128xf32, #tpu.memory_space<hbm>>, %arg6: memref<160000x128xf32, #tpu.memory_space<hbm>>, %arg7: memref<128xi32, #tpu.memory_space<vmem>>, %arg8: memref<128xi32, #tpu.memory_space<vmem>>, %arg9: memref<128xi32, #tpu.memory_space<vmem>>, %arg10: memref<128xi32, #tpu.memory_space<vmem>>, %arg11: memref<128x128xf32, #tpu.memory_space<vmem>>, %arg12: memref<128x128xf32, #tpu.memory_space<vmem>>, %arg13: memref<128x128xf32, #tpu.memory_space<vmem>>, %arg14: memref<128x128xf32, #tpu.memory_space<vmem>>, %arg15: memref<!tpu.dma_semaphore, #tpu.memory_space<semaphore_mem>>, %arg16: memref<!tpu.dma_semaphore, #tpu.memory_space<semaphore_mem>>, %arg17: memref<!tpu.dma_semaphore, #tpu.memory_space<semaphore_mem>>, %arg18: memref<!tpu.dma_semaphore, #tpu.memory_space<semaphore_mem>>, %arg19: memref<!tpu.dma_semaphore, #tpu.memory_space<semaphore_mem>>, %arg20: memref<!tpu.dma_semaphore, #tpu.memory_space<semaphore_mem>>, %arg21: memref<!tpu.dma_semaphore, #tpu.memory_space<semaphore_mem>>, %arg22: memref<!tpu.dma_semaphore, #tpu.memory_space<semaphore_mem>>, %arg23: memref<!tpu.dma_semaphore, #tpu.memory_space<semaphore_mem>>, %arg24: memref<!tpu.dma_semaphore, #tpu.memory_space<semaphore_mem>>, %arg25: memref<!tpu.dma_semaphore, #tpu.memory_space<semaphore_mem>>, %arg26: memref<!tpu.dma_semaphore, #tpu.memory_space<semaphore_mem>>) attributes {dimension_semantics = [#tpu.dimension_semantics<core_parallel>, #tpu.dimension_semantics<subcore_parallel>], iteration_bounds = array<i64: 2, 16>, scalar_prefetch = 0 : i64, scratch_operands = 20 : i64, tpu.core_type = #tpu.core_type<sc_vector_subcore>, window_params = [{transform_indices = #map}, {transform_indices = #map}, {transform_indices = #map1}, {transform_indices = #map1}, {transform_indices = #map1}]} {
    %mul3A = arith.constant 2 : i32
    %mul3A_0 = arith.muli %arg1, %mul3A : i32
    %add3A = arith.addi %mul3A_0, %arg0 : i32
    %add3A_1 = arith.constant 0 : i32
    %add3A_2 = arith.addi %add3A_1, %add3A : i32
    %lt3A = arith.constant 1250 : i32
    %lt3A_3 = arith.cmpi slt, %add3A_2, %lt3A : i32
    %convert_element_type3A = arith.extui %lt3A_3 : i1 to i32
    %cond3A = arith.constant 0 : i32
    %cond3A_4 = arith.cmpi ne, %convert_element_type3A, %cond3A : i32
    scf.if %cond3A_4 {
      %add3A_65 = arith.constant 0 : i32
      %add3A_66 = arith.addi %add3A_65, %add3A : i32
      %add3A_67 = arith.constant 0 : i32
      %add3A_68 = arith.addi %add3A_67, %add3A_66 : i32
      %mul3A_69 = arith.constant 128 : i32
      %mul3A_70 = arith.muli %add3A_68, %mul3A_69 : i32
      %dma_start3A = tpu.memref_slice %arg2[%mul3A_70] : memref<320000xi32, #tpu.memory_space<hbm>> -> memref<128xi32, #tpu.memory_space<hbm>>
      %dma_start3A_71 = tpu.memref_slice %arg2[%mul3A_70] : memref<320000xi32, #tpu.memory_space<hbm>> -> memref<128xi32, #tpu.memory_space<hbm>>
      tpu.enqueue_dma source(%dma_start3A_71 : memref<128xi32, #tpu.memory_space<hbm>>) target(%arg7 : memref<128xi32, #tpu.memory_space<vmem>>) target_semaphore(%arg15 : memref<!tpu.dma_semaphore, #tpu.memory_space<semaphore_mem>>)
      %dma_start3A_72 = tpu.memref_slice %arg3[%mul3A_70] : memref<320000xi32, #tpu.memory_space<hbm>> -> memref<128xi32, #tpu.memory_space<hbm>>
      %dma_start3A_73 = tpu.memref_slice %arg3[%mul3A_70] : memref<320000xi32, #tpu.memory_space<hbm>> -> memref<128xi32, #tpu.memory_space<hbm>>
      tpu.enqueue_dma source(%dma_start3A_73 : memref<128xi32, #tpu.memory_space<hbm>>) target(%arg9 : memref<128xi32, #tpu.memory_space<vmem>>) target_semaphore(%arg17 : memref<!tpu.dma_semaphore, #tpu.memory_space<semaphore_mem>>)
    } else {
    }
    %add3A_5 = arith.constant 32 : i32
    %add3A_6 = arith.addi %add3A_5, %add3A : i32
    %lt3A_7 = arith.constant 1250 : i32
    %lt3A_8 = arith.cmpi slt, %add3A_6, %lt3A_7 : i32
    %convert_element_type3A_9 = arith.extui %lt3A_8 : i1 to i32
    %cond3A_10 = arith.constant 0 : i32
    %cond3A_11 = arith.cmpi ne, %convert_element_type3A_9, %cond3A_10 : i32
    scf.if %cond3A_11 {
      %add3A_65 = arith.constant 32 : i32
      %add3A_66 = arith.addi %add3A_65, %add3A : i32
      %add3A_67 = arith.constant 0 : i32
      %add3A_68 = arith.addi %add3A_67, %add3A_66 : i32
      %mul3A_69 = arith.constant 128 : i32
      %mul3A_70 = arith.muli %add3A_68, %mul3A_69 : i32
      %dma_start3A = tpu.memref_slice %arg2[%mul3A_70] : memref<320000xi32, #tpu.memory_space<hbm>> -> memref<128xi32, #tpu.memory_space<hbm>>
      %dma_start3A_71 = tpu.memref_slice %arg2[%mul3A_70] : memref<320000xi32, #tpu.memory_space<hbm>> -> memref<128xi32, #tpu.memory_space<hbm>>
      tpu.enqueue_dma source(%dma_start3A_71 : memref<128xi32, #tpu.memory_space<hbm>>) target(%arg8 : memref<128xi32, #tpu.memory_space<vmem>>) target_semaphore(%arg16 : memref<!tpu.dma_semaphore, #tpu.memory_space<semaphore_mem>>)
      %dma_start3A_72 = tpu.memref_slice %arg3[%mul3A_70] : memref<320000xi32, #tpu.memory_space<hbm>> -> memref<128xi32, #tpu.memory_space<hbm>>
      %dma_start3A_73 = tpu.memref_slice %arg3[%mul3A_70] : memref<320000xi32, #tpu.memory_space<hbm>> -> memref<128xi32, #tpu.memory_space<hbm>>
      tpu.enqueue_dma source(%dma_start3A_73 : memref<128xi32, #tpu.memory_space<hbm>>) target(%arg10 : memref<128xi32, #tpu.memory_space<vmem>>) target_semaphore(%arg18 : memref<!tpu.dma_semaphore, #tpu.memory_space<semaphore_mem>>)
    } else {
    }
    %add3A_12 = arith.constant 0 : i32
    %add3A_13 = arith.addi %add3A_12, %add3A : i32
    %lt3A_14 = arith.constant 1250 : i32
    %lt3A_15 = arith.cmpi slt, %add3A_13, %lt3A_14 : i32
    %convert_element_type3A_16 = arith.extui %lt3A_15 : i1 to i32
    %cond3A_17 = arith.constant 0 : i32
    %cond3A_18 = arith.cmpi ne, %convert_element_type3A_16, %cond3A_17 : i32
    scf.if %cond3A_18 {
      %dma_wait3A = arith.constant 0 : i32
      %dma_wait3A_65 = tpu.memref_slice %arg2[%dma_wait3A] : memref<320000xi32, #tpu.memory_space<hbm>> -> memref<128xi32, #tpu.memory_space<hbm>>
      %dma_wait3A_66 = arith.constant 0 : i32
      %dma_wait3A_67 = tpu.memref_slice %arg2[%dma_wait3A_66] : memref<320000xi32, #tpu.memory_space<hbm>> -> memref<128xi32, #tpu.memory_space<hbm>>
      tpu.wait_dma2 semaphore(%arg15 : memref<!tpu.dma_semaphore, #tpu.memory_space<semaphore_mem>>) src(%dma_wait3A_67 : memref<128xi32, #tpu.memory_space<hbm>>) dst(%arg7 : memref<128xi32, #tpu.memory_space<vmem>>)
      %dma_wait3A_68 = arith.constant 0 : i32
      %dma_wait3A_69 = tpu.memref_slice %arg3[%dma_wait3A_68] : memref<320000xi32, #tpu.memory_space<hbm>> -> memref<128xi32, #tpu.memory_space<hbm>>
      %dma_wait3A_70 = arith.constant 0 : i32
      %dma_wait3A_71 = tpu.memref_slice %arg3[%dma_wait3A_70] : memref<320000xi32, #tpu.memory_space<hbm>> -> memref<128xi32, #tpu.memory_space<hbm>>
      tpu.wait_dma2 semaphore(%arg17 : memref<!tpu.dma_semaphore, #tpu.memory_space<semaphore_mem>>) src(%dma_wait3A_71 : memref<128xi32, #tpu.memory_space<hbm>>) dst(%arg9 : memref<128xi32, #tpu.memory_space<vmem>>)
      %dma_start3A = arith.constant 0 : i32
      %dma_start3A_72 = arith.constant 0 : i32
      %dma_start3A_73 = tpu.memref_slice %arg4[%dma_start3A, %dma_start3A_72] : memref<10000x128xf32, #tpu.memory_space<hbm>> -> memref<10000x128xf32, #tpu.memory_space<hbm>>
      tpu.enqueue_indirect_dma source(%dma_start3A_73 : memref<10000x128xf32, #tpu.memory_space<hbm>>) target(%arg11 : memref<128x128xf32, #tpu.memory_space<vmem>>) offsets(%arg7 : memref<128xi32, #tpu.memory_space<vmem>>) semaphore(%arg19 : memref<!tpu.dma_semaphore, #tpu.memory_space<semaphore_mem>>)
      %dma_start3A_74 = arith.constant 0 : i32
      %dma_start3A_75 = arith.constant 0 : i32
      %dma_start3A_76 = tpu.memref_slice %arg4[%dma_start3A_74, %dma_start3A_75] : memref<10000x128xf32, #tpu.memory_space<hbm>> -> memref<10000x128xf32, #tpu.memory_space<hbm>>
      tpu.enqueue_indirect_dma source(%dma_start3A_76 : memref<10000x128xf32, #tpu.memory_space<hbm>>) target(%arg13 : memref<128x128xf32, #tpu.memory_space<vmem>>) offsets(%arg9 : memref<128xi32, #tpu.memory_space<vmem>>) semaphore(%arg21 : memref<!tpu.dma_semaphore, #tpu.memory_space<semaphore_mem>>)
    } else {
    }
    %scan3A = arith.constant 0 : i32
    %scan3A_19 = arith.constant 0 : i32
    %scan3A_20 = arith.constant 20 : i32
    %scan3A_21 = arith.addi %scan3A_19, %scan3A_20 : i32
    %scan3A_22 = arith.constant 1 : i32
    %scan3A_23 = scf.for %scan3A_65 = %scan3A_19 to %scan3A_21 step %scan3A_22 iter_args(%scan3A_66 = %scan3A) -> (i32)  : i32 {
      %mul3A_67 = arith.constant 2 : i32
      %mul3A_68 = arith.muli %mul3A_67, %scan3A_65 : i32
      %add3A_69 = arith.constant 0 : i32
      %add3A_70 = arith.addi %mul3A_68, %add3A_69 : i32
      %mul3A_71 = arith.constant 32 : i32
      %mul3A_72 = arith.muli %add3A_70, %mul3A_71 : i32
      %add3A_73 = arith.addi %mul3A_72, %add3A : i32
      %lt3A_74 = arith.constant 1250 : i32
      %lt3A_75 = arith.cmpi slt, %add3A_73, %lt3A_74 : i32
      %convert_element_type3A_76 = arith.extui %lt3A_75 : i1 to i32
      %cond3A_77 = arith.constant 0 : i32
      %cond3A_78 = arith.cmpi ne, %convert_element_type3A_76, %cond3A_77 : i32
      scf.if %cond3A_78 {
        %add3A_92 = arith.constant 1 : i32
        %add3A_93 = arith.addi %add3A_70, %add3A_92 : i32
        %mul3A_94 = arith.constant 32 : i32
        %mul3A_95 = arith.muli %add3A_93, %mul3A_94 : i32
        %add3A_96 = arith.addi %mul3A_95, %add3A : i32
        %lt3A_97 = arith.constant 1250 : i32
        %lt3A_98 = arith.cmpi slt, %add3A_96, %lt3A_97 : i32
        %convert_element_type3A_99 = arith.extui %lt3A_98 : i1 to i32
        %cond3A_100 = arith.constant 0 : i32
        %cond3A_101 = arith.cmpi ne, %convert_element_type3A_99, %cond3A_100 : i32
        scf.if %cond3A_101 {
          %dma_wait3A_135 = arith.constant 0 : i32
          %dma_wait3A_136 = tpu.memref_slice %arg2[%dma_wait3A_135] : memref<320000xi32, #tpu.memory_space<hbm>> -> memref<128xi32, #tpu.memory_space<hbm>>
          %dma_wait3A_137 = arith.constant 0 : i32
          %dma_wait3A_138 = tpu.memref_slice %arg2[%dma_wait3A_137] : memref<320000xi32, #tpu.memory_space<hbm>> -> memref<128xi32, #tpu.memory_space<hbm>>
          tpu.wait_dma2 semaphore(%arg16 : memref<!tpu.dma_semaphore, #tpu.memory_space<semaphore_mem>>) src(%dma_wait3A_138 : memref<128xi32, #tpu.memory_space<hbm>>) dst(%arg8 : memref<128xi32, #tpu.memory_space<vmem>>)
          %dma_wait3A_139 = arith.constant 0 : i32
          %dma_wait3A_140 = tpu.memref_slice %arg3[%dma_wait3A_139] : memref<320000xi32, #tpu.memory_space<hbm>> -> memref<128xi32, #tpu.memory_space<hbm>>
          %dma_wait3A_141 = arith.constant 0 : i32
          %dma_wait3A_142 = tpu.memref_slice %arg3[%dma_wait3A_141] : memref<320000xi32, #tpu.memory_space<hbm>> -> memref<128xi32, #tpu.memory_space<hbm>>
          tpu.wait_dma2 semaphore(%arg18 : memref<!tpu.dma_semaphore, #tpu.memory_space<semaphore_mem>>) src(%dma_wait3A_142 : memref<128xi32, #tpu.memory_space<hbm>>) dst(%arg10 : memref<128xi32, #tpu.memory_space<vmem>>)
          %ge3A = arith.constant 1 : i32
          %ge3A_143 = arith.cmpi sge, %add3A_70, %ge3A : i32
          %convert_element_type3A_144 = arith.extui %ge3A_143 : i1 to i32
          %cond3A_145 = arith.constant 0 : i32
          %cond3A_146 = arith.cmpi ne, %convert_element_type3A_144, %cond3A_145 : i32
          scf.if %cond3A_146 {
            %dma_wait3A_153 = arith.constant 0 : i32
            %dma_wait3A_154 = arith.constant 0 : i32
            %dma_wait3A_155 = tpu.memref_slice %arg4[%dma_wait3A_153, %dma_wait3A_154] : memref<10000x128xf32, #tpu.memory_space<hbm>> -> memref<128x128xf32, #tpu.memory_space<hbm>>
            %dma_wait3A_156 = arith.constant 0 : i32
            %dma_wait3A_157 = arith.constant 0 : i32
            %dma_wait3A_158 = tpu.memref_slice %arg4[%dma_wait3A_156, %dma_wait3A_157] : memref<10000x128xf32, #tpu.memory_space<hbm>> -> memref<128x128xf32, #tpu.memory_space<hbm>>
            tpu.wait_dma2 semaphore(%arg24 : memref<!tpu.dma_semaphore, #tpu.memory_space<semaphore_mem>>) src(%dma_wait3A_158 : memref<128x128xf32, #tpu.memory_space<hbm>>) dst(%arg12 : memref<128x128xf32, #tpu.memory_space<vmem>>)
            %dma_wait3A_159 = arith.constant 0 : i32
            %dma_wait3A_160 = arith.constant 0 : i32
            %dma_wait3A_161 = tpu.memref_slice %arg4[%dma_wait3A_159, %dma_wait3A_160] : memref<10000x128xf32, #tpu.memory_space<hbm>> -> memref<128x128xf32, #tpu.memory_space<hbm>>
            %dma_wait3A_162 = arith.constant 0 : i32
            %dma_wait3A_163 = arith.constant 0 : i32
            %dma_wait3A_164 = tpu.memref_slice %arg4[%dma_wait3A_162, %dma_wait3A_163] : memref<10000x128xf32, #tpu.memory_space<hbm>> -> memref<128x128xf32, #tpu.memory_space<hbm>>
            tpu.wait_dma2 semaphore(%arg26 : memref<!tpu.dma_semaphore, #tpu.memory_space<semaphore_mem>>) src(%dma_wait3A_164 : memref<128x128xf32, #tpu.memory_space<hbm>>) dst(%arg14 : memref<128x128xf32, #tpu.memory_space<vmem>>)
          } else {
          }
          %dma_start3A_147 = arith.constant 0 : i32
          %dma_start3A_148 = arith.constant 0 : i32
          %dma_start3A_149 = tpu.memref_slice %arg4[%dma_start3A_147, %dma_start3A_148] : memref<10000x128xf32, #tpu.memory_space<hbm>> -> memref<10000x128xf32, #tpu.memory_space<hbm>>
          tpu.enqueue_indirect_dma source(%dma_start3A_149 : memref<10000x128xf32, #tpu.memory_space<hbm>>) target(%arg12 : memref<128x128xf32, #tpu.memory_space<vmem>>) offsets(%arg8 : memref<128xi32, #tpu.memory_space<vmem>>) semaphore(%arg20 : memref<!tpu.dma_semaphore, #tpu.memory_space<semaphore_mem>>)
          %dma_start3A_150 = arith.constant 0 : i32
          %dma_start3A_151 = arith.constant 0 : i32
          %dma_start3A_152 = tpu.memref_slice %arg4[%dma_start3A_150, %dma_start3A_151] : memref<10000x128xf32, #tpu.memory_space<hbm>> -> memref<10000x128xf32, #tpu.memory_space<hbm>>
          tpu.enqueue_indirect_dma source(%dma_start3A_152 : memref<10000x128xf32, #tpu.memory_space<hbm>>) target(%arg14 : memref<128x128xf32, #tpu.memory_space<vmem>>) offsets(%arg10 : memref<128xi32, #tpu.memory_space<vmem>>) semaphore(%arg22 : memref<!tpu.dma_semaphore, #tpu.memory_space<semaphore_mem>>)
        } else {
        }
        %dma_wait3A = arith.constant 0 : i32
        %dma_wait3A_102 = arith.constant 0 : i32
        %dma_wait3A_103 = tpu.memref_slice %arg4[%dma_wait3A, %dma_wait3A_102] : memref<10000x128xf32, #tpu.memory_space<hbm>> -> memref<128x128xf32, #tpu.memory_space<hbm>>
        %dma_wait3A_104 = arith.constant 0 : i32
        %dma_wait3A_105 = arith.constant 0 : i32
        %dma_wait3A_106 = tpu.memref_slice %arg4[%dma_wait3A_104, %dma_wait3A_105] : memref<10000x128xf32, #tpu.memory_space<hbm>> -> memref<128x128xf32, #tpu.memory_space<hbm>>
        tpu.wait_dma2 semaphore(%arg19 : memref<!tpu.dma_semaphore, #tpu.memory_space<semaphore_mem>>) src(%dma_wait3A_106 : memref<128x128xf32, #tpu.memory_space<hbm>>) dst(%arg11 : memref<128x128xf32, #tpu.memory_space<vmem>>)
        %dma_wait3A_107 = arith.constant 0 : i32
        %dma_wait3A_108 = arith.constant 0 : i32
        %dma_wait3A_109 = tpu.memref_slice %arg4[%dma_wait3A_107, %dma_wait3A_108] : memref<10000x128xf32, #tpu.memory_space<hbm>> -> memref<128x128xf32, #tpu.memory_space<hbm>>
        %dma_wait3A_110 = arith.constant 0 : i32
        %dma_wait3A_111 = arith.constant 0 : i32
        %dma_wait3A_112 = tpu.memref_slice %arg4[%dma_wait3A_110, %dma_wait3A_111] : memref<10000x128xf32, #tpu.memory_space<hbm>> -> memref<128x128xf32, #tpu.memory_space<hbm>>
        tpu.wait_dma2 semaphore(%arg21 : memref<!tpu.dma_semaphore, #tpu.memory_space<semaphore_mem>>) src(%dma_wait3A_112 : memref<128x128xf32, #tpu.memory_space<hbm>>) dst(%arg13 : memref<128x128xf32, #tpu.memory_space<vmem>>)
        %mul3A_113 = arith.constant 32 : i32
        %mul3A_114 = arith.muli %add3A_70, %mul3A_113 : i32
        %add3A_115 = arith.addi %mul3A_114, %add3A : i32
        %mul3A_116 = arith.constant 128 : i32
        %mul3A_117 = arith.muli %add3A_115, %mul3A_116 : i32
        %dma_start3A = arith.constant 0 : i32
        %dma_start3A_118 = tpu.memref_slice %arg5[%mul3A_117, %dma_start3A] : memref<160000x128xf32, #tpu.memory_space<hbm>> -> memref<128x128xf32, #tpu.memory_space<hbm>>
        %dma_start3A_119 = arith.constant 0 : i32
        %dma_start3A_120 = tpu.memref_slice %arg5[%mul3A_117, %dma_start3A_119] : memref<160000x128xf32, #tpu.memory_space<hbm>> -> memref<128x128xf32, #tpu.memory_space<hbm>>
        tpu.enqueue_dma source(%arg11 : memref<128x128xf32, #tpu.memory_space<vmem>>) target(%dma_start3A_120 : memref<128x128xf32, #tpu.memory_space<hbm>>) target_semaphore(%arg23 : memref<!tpu.dma_semaphore, #tpu.memory_space<semaphore_mem>>)
        %dma_start3A_121 = arith.constant 0 : i32
        %dma_start3A_122 = tpu.memref_slice %arg6[%mul3A_117, %dma_start3A_121] : memref<160000x128xf32, #tpu.memory_space<hbm>> -> memref<128x128xf32, #tpu.memory_space<hbm>>
        %dma_start3A_123 = arith.constant 0 : i32
        %dma_start3A_124 = tpu.memref_slice %arg6[%mul3A_117, %dma_start3A_123] : memref<160000x128xf32, #tpu.memory_space<hbm>> -> memref<128x128xf32, #tpu.memory_space<hbm>>
        tpu.enqueue_dma source(%arg13 : memref<128x128xf32, #tpu.memory_space<vmem>>) target(%dma_start3A_124 : memref<128x128xf32, #tpu.memory_space<hbm>>) target_semaphore(%arg25 : memref<!tpu.dma_semaphore, #tpu.memory_space<semaphore_mem>>)
        %add3A_125 = arith.constant 2 : i32
        %add3A_126 = arith.addi %add3A_70, %add3A_125 : i32
        %mul3A_127 = arith.constant 32 : i32
        %mul3A_128 = arith.muli %add3A_126, %mul3A_127 : i32
        %add3A_129 = arith.addi %mul3A_128, %add3A : i32
        %lt3A_130 = arith.constant 1250 : i32
        %lt3A_131 = arith.cmpi slt, %add3A_129, %lt3A_130 : i32
        %convert_element_type3A_132 = arith.extui %lt3A_131 : i1 to i32
        %cond3A_133 = arith.constant 0 : i32
        %cond3A_134 = arith.cmpi ne, %convert_element_type3A_132, %cond3A_133 : i32
        scf.if %cond3A_134 {
          %add3A_135 = arith.constant 2 : i32
          %add3A_136 = arith.addi %add3A_70, %add3A_135 : i32
          %mul3A_137 = arith.constant 32 : i32
          %mul3A_138 = arith.muli %add3A_136, %mul3A_137 : i32
          %add3A_139 = arith.addi %mul3A_138, %add3A : i32
          %add3A_140 = arith.constant 0 : i32
          %add3A_141 = arith.addi %add3A_140, %add3A_139 : i32
          %mul3A_142 = arith.constant 128 : i32
          %mul3A_143 = arith.muli %add3A_141, %mul3A_142 : i32
          %dma_start3A_144 = tpu.memref_slice %arg2[%mul3A_143] : memref<320000xi32, #tpu.memory_space<hbm>> -> memref<128xi32, #tpu.memory_space<hbm>>
          %dma_start3A_145 = tpu.memref_slice %arg2[%mul3A_143] : memref<320000xi32, #tpu.memory_space<hbm>> -> memref<128xi32, #tpu.memory_space<hbm>>
          tpu.enqueue_dma source(%dma_start3A_145 : memref<128xi32, #tpu.memory_space<hbm>>) target(%arg7 : memref<128xi32, #tpu.memory_space<vmem>>) target_semaphore(%arg15 : memref<!tpu.dma_semaphore, #tpu.memory_space<semaphore_mem>>)
          %dma_start3A_146 = tpu.memref_slice %arg3[%mul3A_143] : memref<320000xi32, #tpu.memory_space<hbm>> -> memref<128xi32, #tpu.memory_space<hbm>>
          %dma_start3A_147 = tpu.memref_slice %arg3[%mul3A_143] : memref<320000xi32, #tpu.memory_space<hbm>> -> memref<128xi32, #tpu.memory_space<hbm>>
          tpu.enqueue_dma source(%dma_start3A_147 : memref<128xi32, #tpu.memory_space<hbm>>) target(%arg9 : memref<128xi32, #tpu.memory_space<vmem>>) target_semaphore(%arg17 : memref<!tpu.dma_semaphore, #tpu.memory_space<semaphore_mem>>)
        } else {
        }
      } else {
      }
      %mul3A_79 = arith.constant 2 : i32
      %mul3A_80 = arith.muli %mul3A_79, %scan3A_65 : i32
      %add3A_81 = arith.constant 1 : i32
      %add3A_82 = arith.addi %mul3A_80, %add3A_81 : i32
      %mul3A_83 = arith.constant 32 : i32
      %mul3A_84 = arith.muli %add3A_82, %mul3A_83 : i32
      %add3A_85 = arith.addi %mul3A_84, %add3A : i32
      %lt3A_86 = arith.constant 1250 : i32
      %lt3A_87 = arith.cmpi slt, %add3A_85, %lt3A_86 : i32
      %convert_element_type3A_88 = arith.extui %lt3A_87 : i1 to i32
      %cond3A_89 = arith.constant 0 : i32
      %cond3A_90 = arith.cmpi ne, %convert_element_type3A_88, %cond3A_89 : i32
      scf.if %cond3A_90 {
        %add3A_92 = arith.constant 1 : i32
        %add3A_93 = arith.addi %add3A_82, %add3A_92 : i32
        %mul3A_94 = arith.constant 32 : i32
        %mul3A_95 = arith.muli %add3A_93, %mul3A_94 : i32
        %add3A_96 = arith.addi %mul3A_95, %add3A : i32
        %lt3A_97 = arith.constant 1250 : i32
        %lt3A_98 = arith.cmpi slt, %add3A_96, %lt3A_97 : i32
        %convert_element_type3A_99 = arith.extui %lt3A_98 : i1 to i32
        %cond3A_100 = arith.constant 0 : i32
        %cond3A_101 = arith.cmpi ne, %convert_element_type3A_99, %cond3A_100 : i32
        scf.if %cond3A_101 {
          %dma_wait3A_135 = arith.constant 0 : i32
          %dma_wait3A_136 = tpu.memref_slice %arg2[%dma_wait3A_135] : memref<320000xi32, #tpu.memory_space<hbm>> -> memref<128xi32, #tpu.memory_space<hbm>>
          %dma_wait3A_137 = arith.constant 0 : i32
          %dma_wait3A_138 = tpu.memref_slice %arg2[%dma_wait3A_137] : memref<320000xi32, #tpu.memory_space<hbm>> -> memref<128xi32, #tpu.memory_space<hbm>>
          tpu.wait_dma2 semaphore(%arg15 : memref<!tpu.dma_semaphore, #tpu.memory_space<semaphore_mem>>) src(%dma_wait3A_138 : memref<128xi32, #tpu.memory_space<hbm>>) dst(%arg7 : memref<128xi32, #tpu.memory_space<vmem>>)
          %dma_wait3A_139 = arith.constant 0 : i32
          %dma_wait3A_140 = tpu.memref_slice %arg3[%dma_wait3A_139] : memref<320000xi32, #tpu.memory_space<hbm>> -> memref<128xi32, #tpu.memory_space<hbm>>
          %dma_wait3A_141 = arith.constant 0 : i32
          %dma_wait3A_142 = tpu.memref_slice %arg3[%dma_wait3A_141] : memref<320000xi32, #tpu.memory_space<hbm>> -> memref<128xi32, #tpu.memory_space<hbm>>
          tpu.wait_dma2 semaphore(%arg17 : memref<!tpu.dma_semaphore, #tpu.memory_space<semaphore_mem>>) src(%dma_wait3A_142 : memref<128xi32, #tpu.memory_space<hbm>>) dst(%arg9 : memref<128xi32, #tpu.memory_space<vmem>>)
          %ge3A = arith.constant 1 : i32
          %ge3A_143 = arith.cmpi sge, %add3A_82, %ge3A : i32
          %convert_element_type3A_144 = arith.extui %ge3A_143 : i1 to i32
          %cond3A_145 = arith.constant 0 : i32
          %cond3A_146 = arith.cmpi ne, %convert_element_type3A_144, %cond3A_145 : i32
          scf.if %cond3A_146 {
            %dma_wait3A_153 = arith.constant 0 : i32
            %dma_wait3A_154 = arith.constant 0 : i32
            %dma_wait3A_155 = tpu.memref_slice %arg4[%dma_wait3A_153, %dma_wait3A_154] : memref<10000x128xf32, #tpu.memory_space<hbm>> -> memref<128x128xf32, #tpu.memory_space<hbm>>
            %dma_wait3A_156 = arith.constant 0 : i32
            %dma_wait3A_157 = arith.constant 0 : i32
            %dma_wait3A_158 = tpu.memref_slice %arg4[%dma_wait3A_156, %dma_wait3A_157] : memref<10000x128xf32, #tpu.memory_space<hbm>> -> memref<128x128xf32, #tpu.memory_space<hbm>>
            tpu.wait_dma2 semaphore(%arg23 : memref<!tpu.dma_semaphore, #tpu.memory_space<semaphore_mem>>) src(%dma_wait3A_158 : memref<128x128xf32, #tpu.memory_space<hbm>>) dst(%arg11 : memref<128x128xf32, #tpu.memory_space<vmem>>)
            %dma_wait3A_159 = arith.constant 0 : i32
            %dma_wait3A_160 = arith.constant 0 : i32
            %dma_wait3A_161 = tpu.memref_slice %arg4[%dma_wait3A_159, %dma_wait3A_160] : memref<10000x128xf32, #tpu.memory_space<hbm>> -> memref<128x128xf32, #tpu.memory_space<hbm>>
            %dma_wait3A_162 = arith.constant 0 : i32
            %dma_wait3A_163 = arith.constant 0 : i32
            %dma_wait3A_164 = tpu.memref_slice %arg4[%dma_wait3A_162, %dma_wait3A_163] : memref<10000x128xf32, #tpu.memory_space<hbm>> -> memref<128x128xf32, #tpu.memory_space<hbm>>
            tpu.wait_dma2 semaphore(%arg25 : memref<!tpu.dma_semaphore, #tpu.memory_space<semaphore_mem>>) src(%dma_wait3A_164 : memref<128x128xf32, #tpu.memory_space<hbm>>) dst(%arg13 : memref<128x128xf32, #tpu.memory_space<vmem>>)
          } else {
          }
          %dma_start3A_147 = arith.constant 0 : i32
          %dma_start3A_148 = arith.constant 0 : i32
          %dma_start3A_149 = tpu.memref_slice %arg4[%dma_start3A_147, %dma_start3A_148] : memref<10000x128xf32, #tpu.memory_space<hbm>> -> memref<10000x128xf32, #tpu.memory_space<hbm>>
          tpu.enqueue_indirect_dma source(%dma_start3A_149 : memref<10000x128xf32, #tpu.memory_space<hbm>>) target(%arg11 : memref<128x128xf32, #tpu.memory_space<vmem>>) offsets(%arg7 : memref<128xi32, #tpu.memory_space<vmem>>) semaphore(%arg19 : memref<!tpu.dma_semaphore, #tpu.memory_space<semaphore_mem>>)
          %dma_start3A_150 = arith.constant 0 : i32
          %dma_start3A_151 = arith.constant 0 : i32
          %dma_start3A_152 = tpu.memref_slice %arg4[%dma_start3A_150, %dma_start3A_151] : memref<10000x128xf32, #tpu.memory_space<hbm>> -> memref<10000x128xf32, #tpu.memory_space<hbm>>
          tpu.enqueue_indirect_dma source(%dma_start3A_152 : memref<10000x128xf32, #tpu.memory_space<hbm>>) target(%arg13 : memref<128x128xf32, #tpu.memory_space<vmem>>) offsets(%arg9 : memref<128xi32, #tpu.memory_space<vmem>>) semaphore(%arg21 : memref<!tpu.dma_semaphore, #tpu.memory_space<semaphore_mem>>)
        } else {
        }
        %dma_wait3A = arith.constant 0 : i32
        %dma_wait3A_102 = arith.constant 0 : i32
        %dma_wait3A_103 = tpu.memref_slice %arg4[%dma_wait3A, %dma_wait3A_102] : memref<10000x128xf32, #tpu.memory_space<hbm>> -> memref<128x128xf32, #tpu.memory_space<hbm>>
        %dma_wait3A_104 = arith.constant 0 : i32
        %dma_wait3A_105 = arith.constant 0 : i32
        %dma_wait3A_106 = tpu.memref_slice %arg4[%dma_wait3A_104, %dma_wait3A_105] : memref<10000x128xf32, #tpu.memory_space<hbm>> -> memref<128x128xf32, #tpu.memory_space<hbm>>
        tpu.wait_dma2 semaphore(%arg20 : memref<!tpu.dma_semaphore, #tpu.memory_space<semaphore_mem>>) src(%dma_wait3A_106 : memref<128x128xf32, #tpu.memory_space<hbm>>) dst(%arg12 : memref<128x128xf32, #tpu.memory_space<vmem>>)
        %dma_wait3A_107 = arith.constant 0 : i32
        %dma_wait3A_108 = arith.constant 0 : i32
        %dma_wait3A_109 = tpu.memref_slice %arg4[%dma_wait3A_107, %dma_wait3A_108] : memref<10000x128xf32, #tpu.memory_space<hbm>> -> memref<128x128xf32, #tpu.memory_space<hbm>>
        %dma_wait3A_110 = arith.constant 0 : i32
        %dma_wait3A_111 = arith.constant 0 : i32
        %dma_wait3A_112 = tpu.memref_slice %arg4[%dma_wait3A_110, %dma_wait3A_111] : memref<10000x128xf32, #tpu.memory_space<hbm>> -> memref<128x128xf32, #tpu.memory_space<hbm>>
        tpu.wait_dma2 semaphore(%arg22 : memref<!tpu.dma_semaphore, #tpu.memory_space<semaphore_mem>>) src(%dma_wait3A_112 : memref<128x128xf32, #tpu.memory_space<hbm>>) dst(%arg14 : memref<128x128xf32, #tpu.memory_space<vmem>>)
        %mul3A_113 = arith.constant 32 : i32
        %mul3A_114 = arith.muli %add3A_82, %mul3A_113 : i32
        %add3A_115 = arith.addi %mul3A_114, %add3A : i32
        %mul3A_116 = arith.constant 128 : i32
        %mul3A_117 = arith.muli %add3A_115, %mul3A_116 : i32
        %dma_start3A = arith.constant 0 : i32
        %dma_start3A_118 = tpu.memref_slice %arg5[%mul3A_117, %dma_start3A] : memref<160000x128xf32, #tpu.memory_space<hbm>> -> memref<128x128xf32, #tpu.memory_space<hbm>>
        %dma_start3A_119 = arith.constant 0 : i32
        %dma_start3A_120 = tpu.memref_slice %arg5[%mul3A_117, %dma_start3A_119] : memref<160000x128xf32, #tpu.memory_space<hbm>> -> memref<128x128xf32, #tpu.memory_space<hbm>>
        tpu.enqueue_dma source(%arg12 : memref<128x128xf32, #tpu.memory_space<vmem>>) target(%dma_start3A_120 : memref<128x128xf32, #tpu.memory_space<hbm>>) target_semaphore(%arg24 : memref<!tpu.dma_semaphore, #tpu.memory_space<semaphore_mem>>)
        %dma_start3A_121 = arith.constant 0 : i32
        %dma_start3A_122 = tpu.memref_slice %arg6[%mul3A_117, %dma_start3A_121] : memref<160000x128xf32, #tpu.memory_space<hbm>> -> memref<128x128xf32, #tpu.memory_space<hbm>>
        %dma_start3A_123 = arith.constant 0 : i32
        %dma_start3A_124 = tpu.memref_slice %arg6[%mul3A_117, %dma_start3A_123] : memref<160000x128xf32, #tpu.memory_space<hbm>> -> memref<128x128xf32, #tpu.memory_space<hbm>>
        tpu.enqueue_dma source(%arg14 : memref<128x128xf32, #tpu.memory_space<vmem>>) target(%dma_start3A_124 : memref<128x128xf32, #tpu.memory_space<hbm>>) target_semaphore(%arg26 : memref<!tpu.dma_semaphore, #tpu.memory_space<semaphore_mem>>)
        %add3A_125 = arith.constant 2 : i32
        %add3A_126 = arith.addi %add3A_82, %add3A_125 : i32
        %mul3A_127 = arith.constant 32 : i32
        %mul3A_128 = arith.muli %add3A_126, %mul3A_127 : i32
        %add3A_129 = arith.addi %mul3A_128, %add3A : i32
        %lt3A_130 = arith.constant 1250 : i32
        %lt3A_131 = arith.cmpi slt, %add3A_129, %lt3A_130 : i32
        %convert_element_type3A_132 = arith.extui %lt3A_131 : i1 to i32
        %cond3A_133 = arith.constant 0 : i32
        %cond3A_134 = arith.cmpi ne, %convert_element_type3A_132, %cond3A_133 : i32
        scf.if %cond3A_134 {
          %add3A_135 = arith.constant 2 : i32
          %add3A_136 = arith.addi %add3A_82, %add3A_135 : i32
          %mul3A_137 = arith.constant 32 : i32
          %mul3A_138 = arith.muli %add3A_136, %mul3A_137 : i32
          %add3A_139 = arith.addi %mul3A_138, %add3A : i32
          %add3A_140 = arith.constant 0 : i32
          %add3A_141 = arith.addi %add3A_140, %add3A_139 : i32
          %mul3A_142 = arith.constant 128 : i32
          %mul3A_143 = arith.muli %add3A_141, %mul3A_142 : i32
          %dma_start3A_144 = tpu.memref_slice %arg2[%mul3A_143] : memref<320000xi32, #tpu.memory_space<hbm>> -> memref<128xi32, #tpu.memory_space<hbm>>
          %dma_start3A_145 = tpu.memref_slice %arg2[%mul3A_143] : memref<320000xi32, #tpu.memory_space<hbm>> -> memref<128xi32, #tpu.memory_space<hbm>>
          tpu.enqueue_dma source(%dma_start3A_145 : memref<128xi32, #tpu.memory_space<hbm>>) target(%arg8 : memref<128xi32, #tpu.memory_space<vmem>>) target_semaphore(%arg16 : memref<!tpu.dma_semaphore, #tpu.memory_space<semaphore_mem>>)
          %dma_start3A_146 = tpu.memref_slice %arg3[%mul3A_143] : memref<320000xi32, #tpu.memory_space<hbm>> -> memref<128xi32, #tpu.memory_space<hbm>>
          %dma_start3A_147 = tpu.memref_slice %arg3[%mul3A_143] : memref<320000xi32, #tpu.memory_space<hbm>> -> memref<128xi32, #tpu.memory_space<hbm>>
          tpu.enqueue_dma source(%dma_start3A_147 : memref<128xi32, #tpu.memory_space<hbm>>) target(%arg10 : memref<128xi32, #tpu.memory_space<vmem>>) target_semaphore(%arg18 : memref<!tpu.dma_semaphore, #tpu.memory_space<semaphore_mem>>)
        } else {
        }
      } else {
      }
      %scan3A_91 = arith.constant 0 : i32
      scf.yield %scan3A_91 : i32
    }
    %scan3A_24 = arith.constant 20 : i32
    %add3A_25 = arith.constant 1184 : i32
    %add3A_26 = arith.addi %add3A_25, %add3A : i32
    %lt3A_27 = arith.constant 1250 : i32
    %lt3A_28 = arith.cmpi slt, %add3A_26, %lt3A_27 : i32
    %add3A_29 = arith.constant 1248 : i32
    %add3A_30 = arith.addi %add3A_29, %add3A : i32
    %lt3A_31 = arith.constant 1250 : i32
    %lt3A_32 = arith.cmpi slt, %add3A_30, %lt3A_31 : i32
    %not3A = arith.constant true
    %not3A_33 = arith.xori %lt3A_32, %not3A : i1
    %and3A = arith.andi %lt3A_28, %not3A_33 : i1
    %convert_element_type3A_34 = arith.extui %and3A : i1 to i32
    %cond3A_35 = arith.constant 0 : i32
    %cond3A_36 = arith.cmpi ne, %convert_element_type3A_34, %cond3A_35 : i32
    scf.if %cond3A_36 {
      %dma_wait3A = arith.constant 0 : i32
      %dma_wait3A_65 = arith.constant 0 : i32
      %dma_wait3A_66 = tpu.memref_slice %arg4[%dma_wait3A, %dma_wait3A_65] : memref<10000x128xf32, #tpu.memory_space<hbm>> -> memref<128x128xf32, #tpu.memory_space<hbm>>
      %dma_wait3A_67 = arith.constant 0 : i32
      %dma_wait3A_68 = arith.constant 0 : i32
      %dma_wait3A_69 = tpu.memref_slice %arg4[%dma_wait3A_67, %dma_wait3A_68] : memref<10000x128xf32, #tpu.memory_space<hbm>> -> memref<128x128xf32, #tpu.memory_space<hbm>>
      tpu.wait_dma2 semaphore(%arg24 : memref<!tpu.dma_semaphore, #tpu.memory_space<semaphore_mem>>) src(%dma_wait3A_69 : memref<128x128xf32, #tpu.memory_space<hbm>>) dst(%arg12 : memref<128x128xf32, #tpu.memory_space<vmem>>)
      %dma_wait3A_70 = arith.constant 0 : i32
      %dma_wait3A_71 = arith.constant 0 : i32
      %dma_wait3A_72 = tpu.memref_slice %arg4[%dma_wait3A_70, %dma_wait3A_71] : memref<10000x128xf32, #tpu.memory_space<hbm>> -> memref<128x128xf32, #tpu.memory_space<hbm>>
      %dma_wait3A_73 = arith.constant 0 : i32
      %dma_wait3A_74 = arith.constant 0 : i32
      %dma_wait3A_75 = tpu.memref_slice %arg4[%dma_wait3A_73, %dma_wait3A_74] : memref<10000x128xf32, #tpu.memory_space<hbm>> -> memref<128x128xf32, #tpu.memory_space<hbm>>
      tpu.wait_dma2 semaphore(%arg26 : memref<!tpu.dma_semaphore, #tpu.memory_space<semaphore_mem>>) src(%dma_wait3A_75 : memref<128x128xf32, #tpu.memory_space<hbm>>) dst(%arg14 : memref<128x128xf32, #tpu.memory_space<vmem>>)
    } else {
    }
    %add3A_37 = arith.constant 1216 : i32
    %add3A_38 = arith.addi %add3A_37, %add3A : i32
    %lt3A_39 = arith.constant 1250 : i32
    %lt3A_40 = arith.cmpi slt, %add3A_38, %lt3A_39 : i32
    %add3A_41 = arith.constant 1280 : i32
    %add3A_42 = arith.addi %add3A_41, %add3A : i32
    %lt3A_43 = arith.constant 1250 : i32
    %lt3A_44 = arith.cmpi slt, %add3A_42, %lt3A_43 : i32
    %not3A_45 = arith.constant true
    %not3A_46 = arith.xori %lt3A_44, %not3A_45 : i1
    %and3A_47 = arith.andi %lt3A_40, %not3A_46 : i1
    %convert_element_type3A_48 = arith.extui %and3A_47 : i1 to i32
    %cond3A_49 = arith.constant 0 : i32
    %cond3A_50 = arith.cmpi ne, %convert_element_type3A_48, %cond3A_49 : i32
    scf.if %cond3A_50 {
      %dma_wait3A = arith.constant 0 : i32
      %dma_wait3A_65 = arith.constant 0 : i32
      %dma_wait3A_66 = tpu.memref_slice %arg4[%dma_wait3A, %dma_wait3A_65] : memref<10000x128xf32, #tpu.memory_space<hbm>> -> memref<128x128xf32, #tpu.memory_space<hbm>>
      %dma_wait3A_67 = arith.constant 0 : i32
      %dma_wait3A_68 = arith.constant 0 : i32
      %dma_wait3A_69 = tpu.memref_slice %arg4[%dma_wait3A_67, %dma_wait3A_68] : memref<10000x128xf32, #tpu.memory_space<hbm>> -> memref<128x128xf32, #tpu.memory_space<hbm>>
      tpu.wait_dma2 semaphore(%arg23 : memref<!tpu.dma_semaphore, #tpu.memory_space<semaphore_mem>>) src(%dma_wait3A_69 : memref<128x128xf32, #tpu.memory_space<hbm>>) dst(%arg11 : memref<128x128xf32, #tpu.memory_space<vmem>>)
      %dma_wait3A_70 = arith.constant 0 : i32
      %dma_wait3A_71 = arith.constant 0 : i32
      %dma_wait3A_72 = tpu.memref_slice %arg4[%dma_wait3A_70, %dma_wait3A_71] : memref<10000x128xf32, #tpu.memory_space<hbm>> -> memref<128x128xf32, #tpu.memory_space<hbm>>
      %dma_wait3A_73 = arith.constant 0 : i32
      %dma_wait3A_74 = arith.constant 0 : i32
      %dma_wait3A_75 = tpu.memref_slice %arg4[%dma_wait3A_73, %dma_wait3A_74] : memref<10000x128xf32, #tpu.memory_space<hbm>> -> memref<128x128xf32, #tpu.memory_space<hbm>>
      tpu.wait_dma2 semaphore(%arg25 : memref<!tpu.dma_semaphore, #tpu.memory_space<semaphore_mem>>) src(%dma_wait3A_75 : memref<128x128xf32, #tpu.memory_space<hbm>>) dst(%arg13 : memref<128x128xf32, #tpu.memory_space<vmem>>)
    } else {
    }
    %add3A_51 = arith.constant 1248 : i32
    %add3A_52 = arith.addi %add3A_51, %add3A : i32
    %lt3A_53 = arith.constant 1250 : i32
    %lt3A_54 = arith.cmpi slt, %add3A_52, %lt3A_53 : i32
    %add3A_55 = arith.constant 1312 : i32
    %add3A_56 = arith.addi %add3A_55, %add3A : i32
    %lt3A_57 = arith.constant 1250 : i32
    %lt3A_58 = arith.cmpi slt, %add3A_56, %lt3A_57 : i32
    %not3A_59 = arith.constant true
    %not3A_60 = arith.xori %lt3A_58, %not3A_59 : i1
    %and3A_61 = arith.andi %lt3A_54, %not3A_60 : i1
    %convert_element_type3A_62 = arith.extui %and3A_61 : i1 to i32
    %cond3A_63 = arith.constant 0 : i32
    %cond3A_64 = arith.cmpi ne, %convert_element_type3A_62, %cond3A_63 : i32
    scf.if %cond3A_64 {
      %dma_wait3A = arith.constant 0 : i32
      %dma_wait3A_65 = arith.constant 0 : i32
      %dma_wait3A_66 = tpu.memref_slice %arg4[%dma_wait3A, %dma_wait3A_65] : memref<10000x128xf32, #tpu.memory_space<hbm>> -> memref<128x128xf32, #tpu.memory_space<hbm>>
      %dma_wait3A_67 = arith.constant 0 : i32
      %dma_wait3A_68 = arith.constant 0 : i32
      %dma_wait3A_69 = tpu.memref_slice %arg4[%dma_wait3A_67, %dma_wait3A_68] : memref<10000x128xf32, #tpu.memory_space<hbm>> -> memref<128x128xf32, #tpu.memory_space<hbm>>
      tpu.wait_dma2 semaphore(%arg24 : memref<!tpu.dma_semaphore, #tpu.memory_space<semaphore_mem>>) src(%dma_wait3A_69 : memref<128x128xf32, #tpu.memory_space<hbm>>) dst(%arg12 : memref<128x128xf32, #tpu.memory_space<vmem>>)
      %dma_wait3A_70 = arith.constant 0 : i32
      %dma_wait3A_71 = arith.constant 0 : i32
      %dma_wait3A_72 = tpu.memref_slice %arg4[%dma_wait3A_70, %dma_wait3A_71] : memref<10000x128xf32, #tpu.memory_space<hbm>> -> memref<128x128xf32, #tpu.memory_space<hbm>>
      %dma_wait3A_73 = arith.constant 0 : i32
      %dma_wait3A_74 = arith.constant 0 : i32
      %dma_wait3A_75 = tpu.memref_slice %arg4[%dma_wait3A_73, %dma_wait3A_74] : memref<10000x128xf32, #tpu.memory_space<hbm>> -> memref<128x128xf32, #tpu.memory_space<hbm>>
      tpu.wait_dma2 semaphore(%arg26 : memref<!tpu.dma_semaphore, #tpu.memory_space<semaphore_mem>>) src(%dma_wait3A_75 : memref<128x128xf32, #tpu.memory_space<hbm>>) dst(%arg14 : memref<128x128xf32, #tpu.memory_space<vmem>>)
    } else {
    }
    return
  }
}

#map = affine_map<(d0, d1) -> (0)>
#map1 = affine_map<(d0, d1) -> (0, 0)>
#map2 = affine_map<(d0, d1) -> (0, 0, 0)>
module attributes {stable_mosaic.version = 14 : i64} {
  func.func @_scatter_body(%arg0: i32, %arg1: i32, %arg2: memref<320000xi32, #tpu.memory_space<hbm>>, %arg3: memref<160000x128xf32, #tpu.memory_space<hbm>>, %arg4: memref<2x10000x128xf32, #tpu.memory_space<hbm>>, %arg5: memref<128xi32, #tpu.memory_space<vmem>>, %arg6: memref<128xi32, #tpu.memory_space<vmem>>, %arg7: memref<128x128xf32, #tpu.memory_space<vmem>>, %arg8: memref<128x128xf32, #tpu.memory_space<vmem>>, %arg9: memref<10000x128xf32, #tpu.memory_space<vmem_shared>>, %arg10: memref<!tpu.dma_semaphore, #tpu.memory_space<semaphore_mem>>, %arg11: memref<!tpu.dma_semaphore, #tpu.memory_space<semaphore_mem>>, %arg12: memref<!tpu.dma_semaphore, #tpu.memory_space<semaphore_mem>>, %arg13: memref<!tpu.dma_semaphore, #tpu.memory_space<semaphore_mem>>) attributes {dimension_semantics = [#tpu.dimension_semantics<core_parallel>, #tpu.dimension_semantics<subcore_parallel>], iteration_bounds = array<i64: 2, 16>, scalar_prefetch = 0 : i64, scratch_operands = 9 : i64, tpu.core_type = #tpu.core_type<sc_vector_subcore>, window_params = [{transform_indices = #map}, {transform_indices = #map1}, {transform_indices = #map2}]} {
    %scan3A = arith.constant 0 : i32
    %scan3A_0 = arith.constant 0 : i32
    %scan3A_1 = arith.constant 128 : i32
    %scan3A_2 = arith.addi %scan3A_0, %scan3A_1 : i32
    %scan3A_3 = arith.constant 1 : i32
    %scan3A_4 = scf.for %scan3A_34 = %scan3A_0 to %scan3A_2 step %scan3A_3 iter_args(%scan3A_35 = %scan3A) -> (i32)  : i32 {
      %broadcast_in_dim3A = arith.constant 0.000000e+00 : f32
      %broadcast_in_dim3A_36 = vector.broadcast %broadcast_in_dim3A : f32 to vector<16xf32>
      %swap3A = arith.index_cast %scan3A_34 : i32 to index
      %swap3A_37 = arith.constant 0 : index
      %swap3A_38 = tpu.vector_load %arg7[%swap3A, %swap3A_37] {strides = array<i32>} : memref<128x128xf32, #tpu.memory_space<vmem>>, vector<1x16xf32>,
      %swap3A_39 = vector.shape_cast %swap3A_38 : vector<1x16xf32> to vector<16xf32>
      %swap3A_40 = vector.shape_cast %broadcast_in_dim3A_36 : vector<16xf32> to vector<1x16xf32>
      tpu.vector_store %arg7[%swap3A, %swap3A_37], %swap3A_40 {strides = array<i32>} : memref<128x128xf32, #tpu.memory_space<vmem>>, vector<1x16xf32>,
      %broadcast_in_dim3A_41 = arith.constant 0.000000e+00 : f32
      %broadcast_in_dim3A_42 = vector.broadcast %broadcast_in_dim3A_41 : f32 to vector<16xf32>
      %swap3A_43 = arith.index_cast %scan3A_34 : i32 to index
      %swap3A_44 = arith.constant 16 : index
      %swap3A_45 = tpu.vector_load %arg7[%swap3A_43, %swap3A_44] {strides = array<i32>} : memref<128x128xf32, #tpu.memory_space<vmem>>, vector<1x16xf32>,
      %swap3A_46 = vector.shape_cast %swap3A_45 : vector<1x16xf32> to vector<16xf32>
      %swap3A_47 = vector.shape_cast %broadcast_in_dim3A_42 : vector<16xf32> to vector<1x16xf32>
      tpu.vector_store %arg7[%swap3A_43, %swap3A_44], %swap3A_47 {strides = array<i32>} : memref<128x128xf32, #tpu.memory_space<vmem>>, vector<1x16xf32>,
      %broadcast_in_dim3A_48 = arith.constant 0.000000e+00 : f32
      %broadcast_in_dim3A_49 = vector.broadcast %broadcast_in_dim3A_48 : f32 to vector<16xf32>
      %swap3A_50 = arith.index_cast %scan3A_34 : i32 to index
      %swap3A_51 = arith.constant 32 : index
      %swap3A_52 = tpu.vector_load %arg7[%swap3A_50, %swap3A_51] {strides = array<i32>} : memref<128x128xf32, #tpu.memory_space<vmem>>, vector<1x16xf32>,
      %swap3A_53 = vector.shape_cast %swap3A_52 : vector<1x16xf32> to vector<16xf32>
      %swap3A_54 = vector.shape_cast %broadcast_in_dim3A_49 : vector<16xf32> to vector<1x16xf32>
      tpu.vector_store %arg7[%swap3A_50, %swap3A_51], %swap3A_54 {strides = array<i32>} : memref<128x128xf32, #tpu.memory_space<vmem>>, vector<1x16xf32>,
      %broadcast_in_dim3A_55 = arith.constant 0.000000e+00 : f32
      %broadcast_in_dim3A_56 = vector.broadcast %broadcast_in_dim3A_55 : f32 to vector<16xf32>
      %swap3A_57 = arith.index_cast %scan3A_34 : i32 to index
      %swap3A_58 = arith.constant 48 : index
      %swap3A_59 = tpu.vector_load %arg7[%swap3A_57, %swap3A_58] {strides = array<i32>} : memref<128x128xf32, #tpu.memory_space<vmem>>, vector<1x16xf32>,
      %swap3A_60 = vector.shape_cast %swap3A_59 : vector<1x16xf32> to vector<16xf32>
      %swap3A_61 = vector.shape_cast %broadcast_in_dim3A_56 : vector<16xf32> to vector<1x16xf32>
      tpu.vector_store %arg7[%swap3A_57, %swap3A_58], %swap3A_61 {strides = array<i32>} : memref<128x128xf32, #tpu.memory_space<vmem>>, vector<1x16xf32>,
      %broadcast_in_dim3A_62 = arith.constant 0.000000e+00 : f32
      %broadcast_in_dim3A_63 = vector.broadcast %broadcast_in_dim3A_62 : f32 to vector<16xf32>
      %swap3A_64 = arith.index_cast %scan3A_34 : i32 to index
      %swap3A_65 = arith.constant 64 : index
      %swap3A_66 = tpu.vector_load %arg7[%swap3A_64, %swap3A_65] {strides = array<i32>} : memref<128x128xf32, #tpu.memory_space<vmem>>, vector<1x16xf32>,
      %swap3A_67 = vector.shape_cast %swap3A_66 : vector<1x16xf32> to vector<16xf32>
      %swap3A_68 = vector.shape_cast %broadcast_in_dim3A_63 : vector<16xf32> to vector<1x16xf32>
      tpu.vector_store %arg7[%swap3A_64, %swap3A_65], %swap3A_68 {strides = array<i32>} : memref<128x128xf32, #tpu.memory_space<vmem>>, vector<1x16xf32>,
      %broadcast_in_dim3A_69 = arith.constant 0.000000e+00 : f32
      %broadcast_in_dim3A_70 = vector.broadcast %broadcast_in_dim3A_69 : f32 to vector<16xf32>
      %swap3A_71 = arith.index_cast %scan3A_34 : i32 to index
      %swap3A_72 = arith.constant 80 : index
      %swap3A_73 = tpu.vector_load %arg7[%swap3A_71, %swap3A_72] {strides = array<i32>} : memref<128x128xf32, #tpu.memory_space<vmem>>, vector<1x16xf32>,
      %swap3A_74 = vector.shape_cast %swap3A_73 : vector<1x16xf32> to vector<16xf32>
      %swap3A_75 = vector.shape_cast %broadcast_in_dim3A_70 : vector<16xf32> to vector<1x16xf32>
      tpu.vector_store %arg7[%swap3A_71, %swap3A_72], %swap3A_75 {strides = array<i32>} : memref<128x128xf32, #tpu.memory_space<vmem>>, vector<1x16xf32>,
      %broadcast_in_dim3A_76 = arith.constant 0.000000e+00 : f32
      %broadcast_in_dim3A_77 = vector.broadcast %broadcast_in_dim3A_76 : f32 to vector<16xf32>
      %swap3A_78 = arith.index_cast %scan3A_34 : i32 to index
      %swap3A_79 = arith.constant 96 : index
      %swap3A_80 = tpu.vector_load %arg7[%swap3A_78, %swap3A_79] {strides = array<i32>} : memref<128x128xf32, #tpu.memory_space<vmem>>, vector<1x16xf32>,
      %swap3A_81 = vector.shape_cast %swap3A_80 : vector<1x16xf32> to vector<16xf32>
      %swap3A_82 = vector.shape_cast %broadcast_in_dim3A_77 : vector<16xf32> to vector<1x16xf32>
      tpu.vector_store %arg7[%swap3A_78, %swap3A_79], %swap3A_82 {strides = array<i32>} : memref<128x128xf32, #tpu.memory_space<vmem>>, vector<1x16xf32>,
      %broadcast_in_dim3A_83 = arith.constant 0.000000e+00 : f32
      %broadcast_in_dim3A_84 = vector.broadcast %broadcast_in_dim3A_83 : f32 to vector<16xf32>
      %swap3A_85 = arith.index_cast %scan3A_34 : i32 to index
      %swap3A_86 = arith.constant 112 : index
      %swap3A_87 = tpu.vector_load %arg7[%swap3A_85, %swap3A_86] {strides = array<i32>} : memref<128x128xf32, #tpu.memory_space<vmem>>, vector<1x16xf32>,
      %swap3A_88 = vector.shape_cast %swap3A_87 : vector<1x16xf32> to vector<16xf32>
      %swap3A_89 = vector.shape_cast %broadcast_in_dim3A_84 : vector<16xf32> to vector<1x16xf32>
      tpu.vector_store %arg7[%swap3A_85, %swap3A_86], %swap3A_89 {strides = array<i32>} : memref<128x128xf32, #tpu.memory_space<vmem>>, vector<1x16xf32>,
      %scan3A_90 = arith.constant 0 : i32
      scf.yield %scan3A_90 : i32
    }
    %scan3A_5 = arith.constant 128 : i32
    %lt3A = arith.constant 10 : i32
    %lt3A_6 = arith.cmpi slt, %arg1, %lt3A : i32
    %convert_element_type3A = arith.extui %lt3A_6 : i1 to i32
    %cond3A = arith.constant 0 : i32
    %cond3A_7 = arith.cmpi ne, %convert_element_type3A, %cond3A : i32
    scf.if %cond3A_7 {
      %scan3A_34 = arith.constant 0 : i32
      %scan3A_35 = arith.constant 0 : i32
      %scan3A_36 = arith.constant 7 : i32
      %scan3A_37 = arith.addi %scan3A_35, %scan3A_36 : i32
      %scan3A_38 = arith.constant 1 : i32
      %scan3A_39 = scf.for %scan3A_45 = %scan3A_35 to %scan3A_37 step %scan3A_38 iter_args(%scan3A_46 = %scan3A_34) -> (i32)  : i32 {
        %mul3A_47 = arith.constant 1000 : i32
        %mul3A_48 = arith.muli %arg1, %mul3A_47 : i32
        %mul3A_49 = arith.constant 128 : i32
        %mul3A_50 = arith.muli %scan3A_45, %mul3A_49 : i32
        %add3A_51 = arith.addi %mul3A_48, %mul3A_50 : i32
        "tpu.region"() ({
          %run_scoped3A = tpu.sem_alloc : memref<!tpu.dma_semaphore, #tpu.memory_space<semaphore_mem>>
          %dma_start3A = arith.constant 0 : i32
          %dma_start3A_53 = tpu.memref_slice %arg9[%add3A_51, %dma_start3A] : memref<10000x128xf32, #tpu.memory_space<vmem_shared>> -> memref<128x128xf32, #tpu.memory_space<vmem_shared>>
          %dma_start3A_54 = arith.constant 0 : i32
          %dma_start3A_55 = tpu.memref_slice %arg9[%add3A_51, %dma_start3A_54] : memref<10000x128xf32, #tpu.memory_space<vmem_shared>> -> memref<128x128xf32, #tpu.memory_space<vmem_shared>>
          tpu.enqueue_dma source(%arg7 : memref<128x128xf32, #tpu.memory_space<vmem>>) target(%dma_start3A_55 : memref<128x128xf32, #tpu.memory_space<vmem_shared>>) target_semaphore(%run_scoped3A : memref<!tpu.dma_semaphore, #tpu.memory_space<semaphore_mem>>)
          %dma_wait3A = arith.constant 0 : i32
          %dma_wait3A_56 = tpu.memref_slice %arg9[%add3A_51, %dma_wait3A] : memref<10000x128xf32, #tpu.memory_space<vmem_shared>> -> memref<128x128xf32, #tpu.memory_space<vmem_shared>>
          %dma_wait3A_57 = arith.constant 0 : i32
          %dma_wait3A_58 = tpu.memref_slice %arg9[%add3A_51, %dma_wait3A_57] : memref<10000x128xf32, #tpu.memory_space<vmem_shared>> -> memref<128x128xf32, #tpu.memory_space<vmem_shared>>
          tpu.wait_dma2 semaphore(%run_scoped3A : memref<!tpu.dma_semaphore, #tpu.memory_space<semaphore_mem>>) src(%arg7 : memref<128x128xf32, #tpu.memory_space<vmem>>) dst(%dma_wait3A_58 : memref<128x128xf32, #tpu.memory_space<vmem_shared>>)
          tpu.yield
        }) : () -> ()
        %scan3A_52 = arith.constant 0 : i32
        scf.yield %scan3A_52 : i32
      }
      %scan3A_40 = arith.constant 7 : i32
      %mul3A_41 = arith.constant 1000 : i32
      %mul3A_42 = arith.muli %arg1, %mul3A_41 : i32
      %add3A_43 = arith.constant 896 : i32
      %add3A_44 = arith.addi %mul3A_42, %add3A_43 : i32
      "tpu.region"() ({
        %run_scoped3A = tpu.sem_alloc : memref<!tpu.dma_semaphore, #tpu.memory_space<semaphore_mem>>
        %dma_start3A = arith.constant 0 : i32
        %dma_start3A_45 = arith.constant 0 : i32
        %dma_start3A_46 = tpu.memref_slice %arg7[%dma_start3A, %dma_start3A_45] : memref<128x128xf32, #tpu.memory_space<vmem>> -> memref<104x128xf32, #tpu.memory_space<vmem>>
        %dma_start3A_47 = arith.constant 0 : i32
        %dma_start3A_48 = tpu.memref_slice %arg9[%add3A_44, %dma_start3A_47] : memref<10000x128xf32, #tpu.memory_space<vmem_shared>> -> memref<104x128xf32, #tpu.memory_space<vmem_shared>>
        %dma_start3A_49 = arith.constant 0 : i32
        %dma_start3A_50 = tpu.memref_slice %arg9[%add3A_44, %dma_start3A_49] : memref<10000x128xf32, #tpu.memory_space<vmem_shared>> -> memref<104x128xf32, #tpu.memory_space<vmem_shared>>
        %dma_start3A_51 = arith.constant 0 : i32
        %dma_start3A_52 = arith.constant 0 : i32
        %dma_start3A_53 = tpu.memref_slice %arg7[%dma_start3A_51, %dma_start3A_52] : memref<128x128xf32, #tpu.memory_space<vmem>> -> memref<104x128xf32, #tpu.memory_space<vmem>>
        tpu.enqueue_dma source(%dma_start3A_53 : memref<104x128xf32, #tpu.memory_space<vmem>>) target(%dma_start3A_50 : memref<104x128xf32, #tpu.memory_space<vmem_shared>>) target_semaphore(%run_scoped3A : memref<!tpu.dma_semaphore, #tpu.memory_space<semaphore_mem>>)
        %dma_wait3A = arith.constant 0 : i32
        %dma_wait3A_54 = arith.constant 0 : i32
        %dma_wait3A_55 = tpu.memref_slice %arg7[%dma_wait3A, %dma_wait3A_54] : memref<128x128xf32, #tpu.memory_space<vmem>> -> memref<104x128xf32, #tpu.memory_space<vmem>>
        %dma_wait3A_56 = arith.constant 0 : i32
        %dma_wait3A_57 = tpu.memref_slice %arg9[%add3A_44, %dma_wait3A_56] : memref<10000x128xf32, #tpu.memory_space<vmem_shared>> -> memref<104x128xf32, #tpu.memory_space<vmem_shared>>
        %dma_wait3A_58 = arith.constant 0 : i32
        %dma_wait3A_59 = tpu.memref_slice %arg9[%add3A_44, %dma_wait3A_58] : memref<10000x128xf32, #tpu.memory_space<vmem_shared>> -> memref<104x128xf32, #tpu.memory_space<vmem_shared>>
        %dma_wait3A_60 = arith.constant 0 : i32
        %dma_wait3A_61 = arith.constant 0 : i32
        %dma_wait3A_62 = tpu.memref_slice %arg7[%dma_wait3A_60, %dma_wait3A_61] : memref<128x128xf32, #tpu.memory_space<vmem>> -> memref<104x128xf32, #tpu.memory_space<vmem>>
        tpu.wait_dma2 semaphore(%run_scoped3A : memref<!tpu.dma_semaphore, #tpu.memory_space<semaphore_mem>>) src(%dma_wait3A_62 : memref<104x128xf32, #tpu.memory_space<vmem>>) dst(%dma_wait3A_59 : memref<104x128xf32, #tpu.memory_space<vmem_shared>>)
        tpu.yield
      }) : () -> ()
    } else {
    }
    %barrier3A = arith.constant 0 : index
    tpu.barrier barrier_id(%barrier3A)
    %mul3A = arith.constant 625 : i32
    %mul3A_8 = arith.muli %arg0, %mul3A : i32
    %add3A = arith.constant 0 : i32
    %add3A_9 = arith.addi %mul3A_8, %add3A : i32
    %add3A_10 = arith.addi %add3A_9, %arg1 : i32
    %lt3A_11 = arith.constant 1250 : i32
    %lt3A_12 = arith.cmpi slt, %add3A_10, %lt3A_11 : i32
    %add3A_13 = arith.constant 1 : i32
    %add3A_14 = arith.addi %arg0, %add3A_13 : i32
    %mul3A_15 = arith.constant 625 : i32
    %mul3A_16 = arith.muli %add3A_14, %mul3A_15 : i32
    %lt3A_17 = arith.cmpi slt, %add3A_10, %mul3A_16 : i32
    %and3A = arith.andi %lt3A_12, %lt3A_17 : i1
    %convert_element_type3A_18 = arith.extui %and3A : i1 to i32
    %cond3A_19 = arith.constant 0 : i32
    %cond3A_20 = arith.cmpi ne, %convert_element_type3A_18, %cond3A_19 : i32
    scf.if %cond3A_20 {
      %mul3A_34 = arith.constant 625 : i32
      %mul3A_35 = arith.muli %arg0, %mul3A_34 : i32
      %add3A_36 = arith.constant 0 : i32
      %add3A_37 = arith.addi %mul3A_35, %add3A_36 : i32
      %add3A_38 = arith.addi %add3A_37, %arg1 : i32
      %mul3A_39 = arith.constant 128 : i32
      %mul3A_40 = arith.muli %add3A_38, %mul3A_39 : i32
      %add3A_41 = arith.constant 160000 : i32
      %add3A_42 = arith.addi %add3A_41, %mul3A_40 : i32
      %dma_start3A = tpu.memref_slice %arg2[%add3A_42] : memref<320000xi32, #tpu.memory_space<hbm>> -> memref<128xi32, #tpu.memory_space<hbm>>
      %dma_start3A_43 = tpu.memref_slice %arg2[%add3A_42] : memref<320000xi32, #tpu.memory_space<hbm>> -> memref<128xi32, #tpu.memory_space<hbm>>
      tpu.enqueue_dma source(%dma_start3A_43 : memref<128xi32, #tpu.memory_space<hbm>>) target(%arg5 : memref<128xi32, #tpu.memory_space<vmem>>) target_semaphore(%arg10 : memref<!tpu.dma_semaphore, #tpu.memory_space<semaphore_mem>>)
      %dma_start3A_44 = arith.constant 0 : i32
      %dma_start3A_45 = tpu.memref_slice %arg3[%mul3A_40, %dma_start3A_44] : memref<160000x128xf32, #tpu.memory_space<hbm>> -> memref<128x128xf32, #tpu.memory_space<hbm>>
      %dma_start3A_46 = arith.constant 0 : i32
      %dma_start3A_47 = tpu.memref_slice %arg3[%mul3A_40, %dma_start3A_46] : memref<160000x128xf32, #tpu.memory_space<hbm>> -> memref<128x128xf32, #tpu.memory_space<hbm>>
      tpu.enqueue_dma source(%dma_start3A_47 : memref<128x128xf32, #tpu.memory_space<hbm>>) target(%arg7 : memref<128x128xf32, #tpu.memory_space<vmem>>) target_semaphore(%arg12 : memref<!tpu.dma_semaphore, #tpu.memory_space<semaphore_mem>>)
    } else {
    }
    %scan3A_21 = arith.constant 0 : i32
    %scan3A_22 = arith.constant 0 : i32
    %scan3A_23 = arith.constant 20 : i32
    %scan3A_24 = arith.addi %scan3A_22, %scan3A_23 : i32
    %scan3A_25 = arith.constant 1 : i32
    %scan3A_26 = scf.for %scan3A_34 = %scan3A_22 to %scan3A_24 step %scan3A_25 iter_args(%scan3A_35 = %scan3A_21) -> (i32)  : i32 {
      %mul3A_36 = arith.constant 2 : i32
      %mul3A_37 = arith.muli %mul3A_36, %scan3A_34 : i32
      %add3A_38 = arith.constant 0 : i32
      %add3A_39 = arith.addi %mul3A_37, %add3A_38 : i32
      %mul3A_40 = arith.constant 625 : i32
      %mul3A_41 = arith.muli %arg0, %mul3A_40 : i32
      %mul3A_42 = arith.constant 16 : i32
      %mul3A_43 = arith.muli %add3A_39, %mul3A_42 : i32
      %add3A_44 = arith.addi %mul3A_41, %mul3A_43 : i32
      %add3A_45 = arith.addi %add3A_44, %arg1 : i32
      %lt3A_46 = arith.constant 1250 : i32
      %lt3A_47 = arith.cmpi slt, %add3A_45, %lt3A_46 : i32
      %add3A_48 = arith.constant 1 : i32
      %add3A_49 = arith.addi %arg0, %add3A_48 : i32
      %mul3A_50 = arith.constant 625 : i32
      %mul3A_51 = arith.muli %add3A_49, %mul3A_50 : i32
      %lt3A_52 = arith.cmpi slt, %add3A_45, %mul3A_51 : i32
      %and3A_53 = arith.andi %lt3A_47, %lt3A_52 : i1
      %convert_element_type3A_54 = arith.extui %and3A_53 : i1 to i32
      %cond3A_55 = arith.constant 0 : i32
      %cond3A_56 = arith.cmpi ne, %convert_element_type3A_54, %cond3A_55 : i32
      scf.if %cond3A_56 {
        %add3A_79 = arith.constant 1 : i32
        %add3A_80 = arith.addi %add3A_39, %add3A_79 : i32
        %mul3A_81 = arith.constant 625 : i32
        %mul3A_82 = arith.muli %arg0, %mul3A_81 : i32
        %mul3A_83 = arith.constant 16 : i32
        %mul3A_84 = arith.muli %add3A_80, %mul3A_83 : i32
        %add3A_85 = arith.addi %mul3A_82, %mul3A_84 : i32
        %add3A_86 = arith.addi %add3A_85, %arg1 : i32
        %lt3A_87 = arith.constant 1250 : i32
        %lt3A_88 = arith.cmpi slt, %add3A_86, %lt3A_87 : i32
        %add3A_89 = arith.constant 1 : i32
        %add3A_90 = arith.addi %arg0, %add3A_89 : i32
        %mul3A_91 = arith.constant 625 : i32
        %mul3A_92 = arith.muli %add3A_90, %mul3A_91 : i32
        %lt3A_93 = arith.cmpi slt, %add3A_86, %mul3A_92 : i32
        %and3A_94 = arith.andi %lt3A_88, %lt3A_93 : i1
        %convert_element_type3A_95 = arith.extui %and3A_94 : i1 to i32
        %cond3A_96 = arith.constant 0 : i32
        %cond3A_97 = arith.cmpi ne, %convert_element_type3A_95, %cond3A_96 : i32
        scf.if %cond3A_97 {
          %add3A_107 = arith.constant 1 : i32
          %add3A_108 = arith.addi %add3A_39, %add3A_107 : i32
          %mul3A_109 = arith.constant 625 : i32
          %mul3A_110 = arith.muli %arg0, %mul3A_109 : i32
          %mul3A_111 = arith.constant 16 : i32
          %mul3A_112 = arith.muli %add3A_108, %mul3A_111 : i32
          %add3A_113 = arith.addi %mul3A_110, %mul3A_112 : i32
          %add3A_114 = arith.addi %add3A_113, %arg1 : i32
          %mul3A_115 = arith.constant 128 : i32
          %mul3A_116 = arith.muli %add3A_114, %mul3A_115 : i32
          %add3A_117 = arith.constant 160000 : i32
          %add3A_118 = arith.addi %add3A_117, %mul3A_116 : i32
          %dma_start3A = tpu.memref_slice %arg2[%add3A_118] : memref<320000xi32, #tpu.memory_space<hbm>> -> memref<128xi32, #tpu.memory_space<hbm>>
          %dma_start3A_119 = tpu.memref_slice %arg2[%add3A_118] : memref<320000xi32, #tpu.memory_space<hbm>> -> memref<128xi32, #tpu.memory_space<hbm>>
          tpu.enqueue_dma source(%dma_start3A_119 : memref<128xi32, #tpu.memory_space<hbm>>) target(%arg6 : memref<128xi32, #tpu.memory_space<vmem>>) target_semaphore(%arg11 : memref<!tpu.dma_semaphore, #tpu.memory_space<semaphore_mem>>)
          %dma_start3A_120 = arith.constant 0 : i32
          %dma_start3A_121 = tpu.memref_slice %arg3[%mul3A_116, %dma_start3A_120] : memref<160000x128xf32, #tpu.memory_space<hbm>> -> memref<128x128xf32, #tpu.memory_space<hbm>>
          %dma_start3A_122 = arith.constant 0 : i32
          %dma_start3A_123 = tpu.memref_slice %arg3[%mul3A_116, %dma_start3A_122] : memref<160000x128xf32, #tpu.memory_space<hbm>> -> memref<128x128xf32, #tpu.memory_space<hbm>>
          tpu.enqueue_dma source(%dma_start3A_123 : memref<128x128xf32, #tpu.memory_space<hbm>>) target(%arg8 : memref<128x128xf32, #tpu.memory_space<vmem>>) target_semaphore(%arg13 : memref<!tpu.dma_semaphore, #tpu.memory_space<semaphore_mem>>)
        } else {
        }
        %dma_wait3A = arith.constant 0 : i32
        %dma_wait3A_98 = tpu.memref_slice %arg2[%dma_wait3A] : memref<320000xi32, #tpu.memory_space<hbm>> -> memref<128xi32, #tpu.memory_space<hbm>>
        %dma_wait3A_99 = arith.constant 0 : i32
        %dma_wait3A_100 = tpu.memref_slice %arg2[%dma_wait3A_99] : memref<320000xi32, #tpu.memory_space<hbm>> -> memref<128xi32, #tpu.memory_space<hbm>>
        tpu.wait_dma2 semaphore(%arg10 : memref<!tpu.dma_semaphore, #tpu.memory_space<semaphore_mem>>) src(%dma_wait3A_100 : memref<128xi32, #tpu.memory_space<hbm>>) dst(%arg5 : memref<128xi32, #tpu.memory_space<vmem>>)
        %dma_wait3A_101 = arith.constant 0 : i32
        %dma_wait3A_102 = arith.constant 0 : i32
        %dma_wait3A_103 = tpu.memref_slice %arg3[%dma_wait3A_101, %dma_wait3A_102] : memref<160000x128xf32, #tpu.memory_space<hbm>> -> memref<128x128xf32, #tpu.memory_space<hbm>>
        %dma_wait3A_104 = arith.constant 0 : i32
        %dma_wait3A_105 = arith.constant 0 : i32
        %dma_wait3A_106 = tpu.memref_slice %arg3[%dma_wait3A_104, %dma_wait3A_105] : memref<160000x128xf32, #tpu.memory_space<hbm>> -> memref<128x128xf32, #tpu.memory_space<hbm>>
        tpu.wait_dma2 semaphore(%arg12 : memref<!tpu.dma_semaphore, #tpu.memory_space<semaphore_mem>>) src(%dma_wait3A_106 : memref<128x128xf32, #tpu.memory_space<hbm>>) dst(%arg7 : memref<128x128xf32, #tpu.memory_space<vmem>>)
        "tpu.region"() ({
          %run_scoped3A = tpu.sem_alloc : memref<!tpu.dma_semaphore, #tpu.memory_space<semaphore_mem>>
          %dma_start3A = arith.constant 0 : i32
          %dma_start3A_107 = arith.constant 0 : i32
          %dma_start3A_108 = tpu.memref_slice %arg9[%dma_start3A, %dma_start3A_107] : memref<10000x128xf32, #tpu.memory_space<vmem_shared>> -> memref<10000x128xf32, #tpu.memory_space<vmem_shared>>
          tpu.enqueue_indirect_dma source(%arg7 : memref<128x128xf32, #tpu.memory_space<vmem>>) target(%dma_start3A_108 : memref<10000x128xf32, #tpu.memory_space<vmem_shared>>) offsets(%arg5 : memref<128xi32, #tpu.memory_space<vmem>>) semaphore(%run_scoped3A : memref<!tpu.dma_semaphore, #tpu.memory_space<semaphore_mem>>) {add = true}
          %dma_wait3A_109 = arith.constant 0 : i32
          %dma_wait3A_110 = arith.constant 0 : i32
          %dma_wait3A_111 = tpu.memref_slice %arg9[%dma_wait3A_109, %dma_wait3A_110] : memref<10000x128xf32, #tpu.memory_space<vmem_shared>> -> memref<10000x128xf32, #tpu.memory_space<vmem_shared>>
          tpu.wait_indirect_dma semaphore(%run_scoped3A : memref<!tpu.dma_semaphore, #tpu.memory_space<semaphore_mem>>) src(%arg7 : memref<128x128xf32, #tpu.memory_space<vmem>>) dst(%dma_wait3A_111 : memref<10000x128xf32, #tpu.memory_space<vmem_shared>>)
          tpu.yield
        }) : () -> ()
      } else {
      }
      %mul3A_57 = arith.constant 2 : i32
      %mul3A_58 = arith.muli %mul3A_57, %scan3A_34 : i32
      %add3A_59 = arith.constant 1 : i32
      %add3A_60 = arith.addi %mul3A_58, %add3A_59 : i32
      %mul3A_61 = arith.constant 625 : i32
      %mul3A_62 = arith.muli %arg0, %mul3A_61 : i32
      %mul3A_63 = arith.constant 16 : i32
      %mul3A_64 = arith.muli %add3A_60, %mul3A_63 : i32
      %add3A_65 = arith.addi %mul3A_62, %mul3A_64 : i32
      %add3A_66 = arith.addi %add3A_65, %arg1 : i32
      %lt3A_67 = arith.constant 1250 : i32
      %lt3A_68 = arith.cmpi slt, %add3A_66, %lt3A_67 : i32
      %add3A_69 = arith.constant 1 : i32
      %add3A_70 = arith.addi %arg0, %add3A_69 : i32
      %mul3A_71 = arith.constant 625 : i32
      %mul3A_72 = arith.muli %add3A_70, %mul3A_71 : i32
      %lt3A_73 = arith.cmpi slt, %add3A_66, %mul3A_72 : i32
      %and3A_74 = arith.andi %lt3A_68, %lt3A_73 : i1
      %convert_element_type3A_75 = arith.extui %and3A_74 : i1 to i32
      %cond3A_76 = arith.constant 0 : i32
      %cond3A_77 = arith.cmpi ne, %convert_element_type3A_75, %cond3A_76 : i32
      scf.if %cond3A_77 {
        %add3A_79 = arith.constant 1 : i32
        %add3A_80 = arith.addi %add3A_60, %add3A_79 : i32
        %mul3A_81 = arith.constant 625 : i32
        %mul3A_82 = arith.muli %arg0, %mul3A_81 : i32
        %mul3A_83 = arith.constant 16 : i32
        %mul3A_84 = arith.muli %add3A_80, %mul3A_83 : i32
        %add3A_85 = arith.addi %mul3A_82, %mul3A_84 : i32
        %add3A_86 = arith.addi %add3A_85, %arg1 : i32
        %lt3A_87 = arith.constant 1250 : i32
        %lt3A_88 = arith.cmpi slt, %add3A_86, %lt3A_87 : i32
        %add3A_89 = arith.constant 1 : i32
        %add3A_90 = arith.addi %arg0, %add3A_89 : i32
        %mul3A_91 = arith.constant 625 : i32
        %mul3A_92 = arith.muli %add3A_90, %mul3A_91 : i32
        %lt3A_93 = arith.cmpi slt, %add3A_86, %mul3A_92 : i32
        %and3A_94 = arith.andi %lt3A_88, %lt3A_93 : i1
        %convert_element_type3A_95 = arith.extui %and3A_94 : i1 to i32
        %cond3A_96 = arith.constant 0 : i32
        %cond3A_97 = arith.cmpi ne, %convert_element_type3A_95, %cond3A_96 : i32
        scf.if %cond3A_97 {
          %add3A_107 = arith.constant 1 : i32
          %add3A_108 = arith.addi %add3A_60, %add3A_107 : i32
          %mul3A_109 = arith.constant 625 : i32
          %mul3A_110 = arith.muli %arg0, %mul3A_109 : i32
          %mul3A_111 = arith.constant 16 : i32
          %mul3A_112 = arith.muli %add3A_108, %mul3A_111 : i32
          %add3A_113 = arith.addi %mul3A_110, %mul3A_112 : i32
          %add3A_114 = arith.addi %add3A_113, %arg1 : i32
          %mul3A_115 = arith.constant 128 : i32
          %mul3A_116 = arith.muli %add3A_114, %mul3A_115 : i32
          %add3A_117 = arith.constant 160000 : i32
          %add3A_118 = arith.addi %add3A_117, %mul3A_116 : i32
          %dma_start3A = tpu.memref_slice %arg2[%add3A_118] : memref<320000xi32, #tpu.memory_space<hbm>> -> memref<128xi32, #tpu.memory_space<hbm>>
          %dma_start3A_119 = tpu.memref_slice %arg2[%add3A_118] : memref<320000xi32, #tpu.memory_space<hbm>> -> memref<128xi32, #tpu.memory_space<hbm>>
          tpu.enqueue_dma source(%dma_start3A_119 : memref<128xi32, #tpu.memory_space<hbm>>) target(%arg5 : memref<128xi32, #tpu.memory_space<vmem>>) target_semaphore(%arg10 : memref<!tpu.dma_semaphore, #tpu.memory_space<semaphore_mem>>)
          %dma_start3A_120 = arith.constant 0 : i32
          %dma_start3A_121 = tpu.memref_slice %arg3[%mul3A_116, %dma_start3A_120] : memref<160000x128xf32, #tpu.memory_space<hbm>> -> memref<128x128xf32, #tpu.memory_space<hbm>>
          %dma_start3A_122 = arith.constant 0 : i32
          %dma_start3A_123 = tpu.memref_slice %arg3[%mul3A_116, %dma_start3A_122] : memref<160000x128xf32, #tpu.memory_space<hbm>> -> memref<128x128xf32, #tpu.memory_space<hbm>>
          tpu.enqueue_dma source(%dma_start3A_123 : memref<128x128xf32, #tpu.memory_space<hbm>>) target(%arg7 : memref<128x128xf32, #tpu.memory_space<vmem>>) target_semaphore(%arg12 : memref<!tpu.dma_semaphore, #tpu.memory_space<semaphore_mem>>)
        } else {
        }
        %dma_wait3A = arith.constant 0 : i32
        %dma_wait3A_98 = tpu.memref_slice %arg2[%dma_wait3A] : memref<320000xi32, #tpu.memory_space<hbm>> -> memref<128xi32, #tpu.memory_space<hbm>>
        %dma_wait3A_99 = arith.constant 0 : i32
        %dma_wait3A_100 = tpu.memref_slice %arg2[%dma_wait3A_99] : memref<320000xi32, #tpu.memory_space<hbm>> -> memref<128xi32, #tpu.memory_space<hbm>>
        tpu.wait_dma2 semaphore(%arg11 : memref<!tpu.dma_semaphore, #tpu.memory_space<semaphore_mem>>) src(%dma_wait3A_100 : memref<128xi32, #tpu.memory_space<hbm>>) dst(%arg6 : memref<128xi32, #tpu.memory_space<vmem>>)
        %dma_wait3A_101 = arith.constant 0 : i32
        %dma_wait3A_102 = arith.constant 0 : i32
        %dma_wait3A_103 = tpu.memref_slice %arg3[%dma_wait3A_101, %dma_wait3A_102] : memref<160000x128xf32, #tpu.memory_space<hbm>> -> memref<128x128xf32, #tpu.memory_space<hbm>>
        %dma_wait3A_104 = arith.constant 0 : i32
        %dma_wait3A_105 = arith.constant 0 : i32
        %dma_wait3A_106 = tpu.memref_slice %arg3[%dma_wait3A_104, %dma_wait3A_105] : memref<160000x128xf32, #tpu.memory_space<hbm>> -> memref<128x128xf32, #tpu.memory_space<hbm>>
        tpu.wait_dma2 semaphore(%arg13 : memref<!tpu.dma_semaphore, #tpu.memory_space<semaphore_mem>>) src(%dma_wait3A_106 : memref<128x128xf32, #tpu.memory_space<hbm>>) dst(%arg8 : memref<128x128xf32, #tpu.memory_space<vmem>>)
        "tpu.region"() ({
          %run_scoped3A = tpu.sem_alloc : memref<!tpu.dma_semaphore, #tpu.memory_space<semaphore_mem>>
          %dma_start3A = arith.constant 0 : i32
          %dma_start3A_107 = arith.constant 0 : i32
          %dma_start3A_108 = tpu.memref_slice %arg9[%dma_start3A, %dma_start3A_107] : memref<10000x128xf32, #tpu.memory_space<vmem_shared>> -> memref<10000x128xf32, #tpu.memory_space<vmem_shared>>
          tpu.enqueue_indirect_dma source(%arg8 : memref<128x128xf32, #tpu.memory_space<vmem>>) target(%dma_start3A_108 : memref<10000x128xf32, #tpu.memory_space<vmem_shared>>) offsets(%arg6 : memref<128xi32, #tpu.memory_space<vmem>>) semaphore(%run_scoped3A : memref<!tpu.dma_semaphore, #tpu.memory_space<semaphore_mem>>) {add = true}
          %dma_wait3A_109 = arith.constant 0 : i32
          %dma_wait3A_110 = arith.constant 0 : i32
          %dma_wait3A_111 = tpu.memref_slice %arg9[%dma_wait3A_109, %dma_wait3A_110] : memref<10000x128xf32, #tpu.memory_space<vmem_shared>> -> memref<10000x128xf32, #tpu.memory_space<vmem_shared>>
          tpu.wait_indirect_dma semaphore(%run_scoped3A : memref<!tpu.dma_semaphore, #tpu.memory_space<semaphore_mem>>) src(%arg8 : memref<128x128xf32, #tpu.memory_space<vmem>>) dst(%dma_wait3A_111 : memref<10000x128xf32, #tpu.memory_space<vmem_shared>>)
          tpu.yield
        }) : () -> ()
      } else {
      }
      %scan3A_78 = arith.constant 0 : i32
      scf.yield %scan3A_78 : i32
    }
    %scan3A_27 = arith.constant 20 : i32
    %barrier3A_28 = arith.constant 0 : index
    tpu.barrier barrier_id(%barrier3A_28)
    %lt3A_29 = arith.constant 10 : i32
    %lt3A_30 = arith.cmpi slt, %arg1, %lt3A_29 : i32
    %convert_element_type3A_31 = arith.extui %lt3A_30 : i1 to i32
    %cond3A_32 = arith.constant 0 : i32
    %cond3A_33 = arith.cmpi ne, %convert_element_type3A_31, %cond3A_32 : i32
    scf.if %cond3A_33 {
      %mul3A_34 = arith.constant 1000 : i32
      %mul3A_35 = arith.muli %arg1, %mul3A_34 : i32
      %mul3A_36 = arith.constant 1000 : i32
      %mul3A_37 = arith.muli %arg1, %mul3A_36 : i32
      "tpu.region"() ({
        %run_scoped3A = tpu.sem_alloc : memref<!tpu.dma_semaphore, #tpu.memory_space<semaphore_mem>>
        %dma_start3A = arith.constant 0 : i32
        %dma_start3A_38 = tpu.memref_slice %arg4[%arg0, %mul3A_37, %dma_start3A] : memref<2x10000x128xf32, #tpu.memory_space<hbm>> -> memref<1x1000x128xf32, #tpu.memory_space<hbm>>
        %dma_start3A_39 = tpu.memref_squeeze %dma_start3A_38 : memref<1x1000x128xf32, #tpu.memory_space<hbm>> -> memref<1000x128xf32, #tpu.memory_space<hbm>>
        %dma_start3A_40 = arith.constant 0 : i32
        %dma_start3A_41 = tpu.memref_slice %arg9[%mul3A_35, %dma_start3A_40] : memref<10000x128xf32, #tpu.memory_space<vmem_shared>> -> memref<1000x128xf32, #tpu.memory_space<vmem_shared>>
        tpu.enqueue_dma source(%dma_start3A_41 : memref<1000x128xf32, #tpu.memory_space<vmem_shared>>) target(%dma_start3A_39 : memref<1000x128xf32, #tpu.memory_space<hbm>>) target_semaphore(%run_scoped3A : memref<!tpu.dma_semaphore, #tpu.memory_space<semaphore_mem>>)
        %dma_wait3A = arith.constant 0 : i32
        %dma_wait3A_42 = tpu.memref_slice %arg4[%arg0, %mul3A_37, %dma_wait3A] : memref<2x10000x128xf32, #tpu.memory_space<hbm>> -> memref<1x1000x128xf32, #tpu.memory_space<hbm>>
        %dma_wait3A_43 = tpu.memref_squeeze %dma_wait3A_42 : memref<1x1000x128xf32, #tpu.memory_space<hbm>> -> memref<1000x128xf32, #tpu.memory_space<hbm>>
        %dma_wait3A_44 = arith.constant 0 : i32
        %dma_wait3A_45 = tpu.memref_slice %arg9[%mul3A_35, %dma_wait3A_44] : memref<10000x128xf32, #tpu.memory_space<vmem_shared>> -> memref<1000x128xf32, #tpu.memory_space<vmem_shared>>
        tpu.wait_dma2 semaphore(%run_scoped3A : memref<!tpu.dma_semaphore, #tpu.memory_space<semaphore_mem>>) src(%dma_wait3A_45 : memref<1000x128xf32, #tpu.memory_space<vmem_shared>>) dst(%dma_wait3A_43 : memref<1000x128xf32, #tpu.memory_space<hbm>>)
        tpu.yield
      }) : () -> ()
    } else {
    }
    return
  }
}

#map = affine_map<(d0, d1) -> (0)>
#map1 = affine_map<(d0, d1) -> (0, 0)>
#map2 = affine_map<(d0, d1) -> (0, 0, 0)>
module attributes {stable_mosaic.version = 14 : i64} {
  func.func @_scatter_body(%arg0: i32, %arg1: i32, %arg2: memref<320000xi32, #tpu.memory_space<hbm>>, %arg3: memref<160000x128xf32, #tpu.memory_space<hbm>>, %arg4: memref<2x10000x128xf32, #tpu.memory_space<hbm>>, %arg5: memref<128xi32, #tpu.memory_space<vmem>>, %arg6: memref<128xi32, #tpu.memory_space<vmem>>, %arg7: memref<128x128xf32, #tpu.memory_space<vmem>>, %arg8: memref<128x128xf32, #tpu.memory_space<vmem>>, %arg9: memref<10000x128xf32, #tpu.memory_space<vmem_shared>>, %arg10: memref<!tpu.dma_semaphore, #tpu.memory_space<semaphore_mem>>, %arg11: memref<!tpu.dma_semaphore, #tpu.memory_space<semaphore_mem>>, %arg12: memref<!tpu.dma_semaphore, #tpu.memory_space<semaphore_mem>>, %arg13: memref<!tpu.dma_semaphore, #tpu.memory_space<semaphore_mem>>) attributes {dimension_semantics = [#tpu.dimension_semantics<core_parallel>, #tpu.dimension_semantics<subcore_parallel>], iteration_bounds = array<i64: 2, 16>, scalar_prefetch = 0 : i64, scratch_operands = 9 : i64, tpu.core_type = #tpu.core_type<sc_vector_subcore>, window_params = [{transform_indices = #map}, {transform_indices = #map1}, {transform_indices = #map2}]} {
    %scan3A = arith.constant 0 : i32
    %scan3A_0 = arith.constant 0 : i32
    %scan3A_1 = arith.constant 128 : i32
    %scan3A_2 = arith.addi %scan3A_0, %scan3A_1 : i32
    %scan3A_3 = arith.constant 1 : i32
    %scan3A_4 = scf.for %scan3A_34 = %scan3A_0 to %scan3A_2 step %scan3A_3 iter_args(%scan3A_35 = %scan3A) -> (i32)  : i32 {
      %broadcast_in_dim3A = arith.constant 0.000000e+00 : f32
      %broadcast_in_dim3A_36 = vector.broadcast %broadcast_in_dim3A : f32 to vector<16xf32>
      %swap3A = arith.index_cast %scan3A_34 : i32 to index
      %swap3A_37 = arith.constant 0 : index
      %swap3A_38 = tpu.vector_load %arg7[%swap3A, %swap3A_37] {strides = array<i32>} : memref<128x128xf32, #tpu.memory_space<vmem>>, vector<1x16xf32>,
      %swap3A_39 = vector.shape_cast %swap3A_38 : vector<1x16xf32> to vector<16xf32>
      %swap3A_40 = vector.shape_cast %broadcast_in_dim3A_36 : vector<16xf32> to vector<1x16xf32>
      tpu.vector_store %arg7[%swap3A, %swap3A_37], %swap3A_40 {strides = array<i32>} : memref<128x128xf32, #tpu.memory_space<vmem>>, vector<1x16xf32>,
      %broadcast_in_dim3A_41 = arith.constant 0.000000e+00 : f32
      %broadcast_in_dim3A_42 = vector.broadcast %broadcast_in_dim3A_41 : f32 to vector<16xf32>
      %swap3A_43 = arith.index_cast %scan3A_34 : i32 to index
      %swap3A_44 = arith.constant 16 : index
      %swap3A_45 = tpu.vector_load %arg7[%swap3A_43, %swap3A_44] {strides = array<i32>} : memref<128x128xf32, #tpu.memory_space<vmem>>, vector<1x16xf32>,
      %swap3A_46 = vector.shape_cast %swap3A_45 : vector<1x16xf32> to vector<16xf32>
      %swap3A_47 = vector.shape_cast %broadcast_in_dim3A_42 : vector<16xf32> to vector<1x16xf32>
      tpu.vector_store %arg7[%swap3A_43, %swap3A_44], %swap3A_47 {strides = array<i32>} : memref<128x128xf32, #tpu.memory_space<vmem>>, vector<1x16xf32>,
      %broadcast_in_dim3A_48 = arith.constant 0.000000e+00 : f32
      %broadcast_in_dim3A_49 = vector.broadcast %broadcast_in_dim3A_48 : f32 to vector<16xf32>
      %swap3A_50 = arith.index_cast %scan3A_34 : i32 to index
      %swap3A_51 = arith.constant 32 : index
      %swap3A_52 = tpu.vector_load %arg7[%swap3A_50, %swap3A_51] {strides = array<i32>} : memref<128x128xf32, #tpu.memory_space<vmem>>, vector<1x16xf32>,
      %swap3A_53 = vector.shape_cast %swap3A_52 : vector<1x16xf32> to vector<16xf32>
      %swap3A_54 = vector.shape_cast %broadcast_in_dim3A_49 : vector<16xf32> to vector<1x16xf32>
      tpu.vector_store %arg7[%swap3A_50, %swap3A_51], %swap3A_54 {strides = array<i32>} : memref<128x128xf32, #tpu.memory_space<vmem>>, vector<1x16xf32>,
      %broadcast_in_dim3A_55 = arith.constant 0.000000e+00 : f32
      %broadcast_in_dim3A_56 = vector.broadcast %broadcast_in_dim3A_55 : f32 to vector<16xf32>
      %swap3A_57 = arith.index_cast %scan3A_34 : i32 to index
      %swap3A_58 = arith.constant 48 : index
      %swap3A_59 = tpu.vector_load %arg7[%swap3A_57, %swap3A_58] {strides = array<i32>} : memref<128x128xf32, #tpu.memory_space<vmem>>, vector<1x16xf32>,
      %swap3A_60 = vector.shape_cast %swap3A_59 : vector<1x16xf32> to vector<16xf32>
      %swap3A_61 = vector.shape_cast %broadcast_in_dim3A_56 : vector<16xf32> to vector<1x16xf32>
      tpu.vector_store %arg7[%swap3A_57, %swap3A_58], %swap3A_61 {strides = array<i32>} : memref<128x128xf32, #tpu.memory_space<vmem>>, vector<1x16xf32>,
      %broadcast_in_dim3A_62 = arith.constant 0.000000e+00 : f32
      %broadcast_in_dim3A_63 = vector.broadcast %broadcast_in_dim3A_62 : f32 to vector<16xf32>
      %swap3A_64 = arith.index_cast %scan3A_34 : i32 to index
      %swap3A_65 = arith.constant 64 : index
      %swap3A_66 = tpu.vector_load %arg7[%swap3A_64, %swap3A_65] {strides = array<i32>} : memref<128x128xf32, #tpu.memory_space<vmem>>, vector<1x16xf32>,
      %swap3A_67 = vector.shape_cast %swap3A_66 : vector<1x16xf32> to vector<16xf32>
      %swap3A_68 = vector.shape_cast %broadcast_in_dim3A_63 : vector<16xf32> to vector<1x16xf32>
      tpu.vector_store %arg7[%swap3A_64, %swap3A_65], %swap3A_68 {strides = array<i32>} : memref<128x128xf32, #tpu.memory_space<vmem>>, vector<1x16xf32>,
      %broadcast_in_dim3A_69 = arith.constant 0.000000e+00 : f32
      %broadcast_in_dim3A_70 = vector.broadcast %broadcast_in_dim3A_69 : f32 to vector<16xf32>
      %swap3A_71 = arith.index_cast %scan3A_34 : i32 to index
      %swap3A_72 = arith.constant 80 : index
      %swap3A_73 = tpu.vector_load %arg7[%swap3A_71, %swap3A_72] {strides = array<i32>} : memref<128x128xf32, #tpu.memory_space<vmem>>, vector<1x16xf32>,
      %swap3A_74 = vector.shape_cast %swap3A_73 : vector<1x16xf32> to vector<16xf32>
      %swap3A_75 = vector.shape_cast %broadcast_in_dim3A_70 : vector<16xf32> to vector<1x16xf32>
      tpu.vector_store %arg7[%swap3A_71, %swap3A_72], %swap3A_75 {strides = array<i32>} : memref<128x128xf32, #tpu.memory_space<vmem>>, vector<1x16xf32>,
      %broadcast_in_dim3A_76 = arith.constant 0.000000e+00 : f32
      %broadcast_in_dim3A_77 = vector.broadcast %broadcast_in_dim3A_76 : f32 to vector<16xf32>
      %swap3A_78 = arith.index_cast %scan3A_34 : i32 to index
      %swap3A_79 = arith.constant 96 : index
      %swap3A_80 = tpu.vector_load %arg7[%swap3A_78, %swap3A_79] {strides = array<i32>} : memref<128x128xf32, #tpu.memory_space<vmem>>, vector<1x16xf32>,
      %swap3A_81 = vector.shape_cast %swap3A_80 : vector<1x16xf32> to vector<16xf32>
      %swap3A_82 = vector.shape_cast %broadcast_in_dim3A_77 : vector<16xf32> to vector<1x16xf32>
      tpu.vector_store %arg7[%swap3A_78, %swap3A_79], %swap3A_82 {strides = array<i32>} : memref<128x128xf32, #tpu.memory_space<vmem>>, vector<1x16xf32>,
      %broadcast_in_dim3A_83 = arith.constant 0.000000e+00 : f32
      %broadcast_in_dim3A_84 = vector.broadcast %broadcast_in_dim3A_83 : f32 to vector<16xf32>
      %swap3A_85 = arith.index_cast %scan3A_34 : i32 to index
      %swap3A_86 = arith.constant 112 : index
      %swap3A_87 = tpu.vector_load %arg7[%swap3A_85, %swap3A_86] {strides = array<i32>} : memref<128x128xf32, #tpu.memory_space<vmem>>, vector<1x16xf32>,
      %swap3A_88 = vector.shape_cast %swap3A_87 : vector<1x16xf32> to vector<16xf32>
      %swap3A_89 = vector.shape_cast %broadcast_in_dim3A_84 : vector<16xf32> to vector<1x16xf32>
      tpu.vector_store %arg7[%swap3A_85, %swap3A_86], %swap3A_89 {strides = array<i32>} : memref<128x128xf32, #tpu.memory_space<vmem>>, vector<1x16xf32>,
      %scan3A_90 = arith.constant 0 : i32
      scf.yield %scan3A_90 : i32
    }
    %scan3A_5 = arith.constant 128 : i32
    %lt3A = arith.constant 10 : i32
    %lt3A_6 = arith.cmpi slt, %arg1, %lt3A : i32
    %convert_element_type3A = arith.extui %lt3A_6 : i1 to i32
    %cond3A = arith.constant 0 : i32
    %cond3A_7 = arith.cmpi ne, %convert_element_type3A, %cond3A : i32
    scf.if %cond3A_7 {
      %scan3A_34 = arith.constant 0 : i32
      %scan3A_35 = arith.constant 0 : i32
      %scan3A_36 = arith.constant 7 : i32
      %scan3A_37 = arith.addi %scan3A_35, %scan3A_36 : i32
      %scan3A_38 = arith.constant 1 : i32
      %scan3A_39 = scf.for %scan3A_45 = %scan3A_35 to %scan3A_37 step %scan3A_38 iter_args(%scan3A_46 = %scan3A_34) -> (i32)  : i32 {
        %mul3A_47 = arith.constant 1000 : i32
        %mul3A_48 = arith.muli %arg1, %mul3A_47 : i32
        %mul3A_49 = arith.constant 128 : i32
        %mul3A_50 = arith.muli %scan3A_45, %mul3A_49 : i32
        %add3A_51 = arith.addi %mul3A_48, %mul3A_50 : i32
        "tpu.region"() ({
          %run_scoped3A = tpu.sem_alloc : memref<!tpu.dma_semaphore, #tpu.memory_space<semaphore_mem>>
          %dma_start3A = arith.constant 0 : i32
          %dma_start3A_53 = tpu.memref_slice %arg9[%add3A_51, %dma_start3A] : memref<10000x128xf32, #tpu.memory_space<vmem_shared>> -> memref<128x128xf32, #tpu.memory_space<vmem_shared>>
          %dma_start3A_54 = arith.constant 0 : i32
          %dma_start3A_55 = tpu.memref_slice %arg9[%add3A_51, %dma_start3A_54] : memref<10000x128xf32, #tpu.memory_space<vmem_shared>> -> memref<128x128xf32, #tpu.memory_space<vmem_shared>>
          tpu.enqueue_dma source(%arg7 : memref<128x128xf32, #tpu.memory_space<vmem>>) target(%dma_start3A_55 : memref<128x128xf32, #tpu.memory_space<vmem_shared>>) target_semaphore(%run_scoped3A : memref<!tpu.dma_semaphore, #tpu.memory_space<semaphore_mem>>)
          %dma_wait3A = arith.constant 0 : i32
          %dma_wait3A_56 = tpu.memref_slice %arg9[%add3A_51, %dma_wait3A] : memref<10000x128xf32, #tpu.memory_space<vmem_shared>> -> memref<128x128xf32, #tpu.memory_space<vmem_shared>>
          %dma_wait3A_57 = arith.constant 0 : i32
          %dma_wait3A_58 = tpu.memref_slice %arg9[%add3A_51, %dma_wait3A_57] : memref<10000x128xf32, #tpu.memory_space<vmem_shared>> -> memref<128x128xf32, #tpu.memory_space<vmem_shared>>
          tpu.wait_dma2 semaphore(%run_scoped3A : memref<!tpu.dma_semaphore, #tpu.memory_space<semaphore_mem>>) src(%arg7 : memref<128x128xf32, #tpu.memory_space<vmem>>) dst(%dma_wait3A_58 : memref<128x128xf32, #tpu.memory_space<vmem_shared>>)
          tpu.yield
        }) : () -> ()
        %scan3A_52 = arith.constant 0 : i32
        scf.yield %scan3A_52 : i32
      }
      %scan3A_40 = arith.constant 7 : i32
      %mul3A_41 = arith.constant 1000 : i32
      %mul3A_42 = arith.muli %arg1, %mul3A_41 : i32
      %add3A_43 = arith.constant 896 : i32
      %add3A_44 = arith.addi %mul3A_42, %add3A_43 : i32
      "tpu.region"() ({
        %run_scoped3A = tpu.sem_alloc : memref<!tpu.dma_semaphore, #tpu.memory_space<semaphore_mem>>
        %dma_start3A = arith.constant 0 : i32
        %dma_start3A_45 = arith.constant 0 : i32
        %dma_start3A_46 = tpu.memref_slice %arg7[%dma_start3A, %dma_start3A_45] : memref<128x128xf32, #tpu.memory_space<vmem>> -> memref<104x128xf32, #tpu.memory_space<vmem>>
        %dma_start3A_47 = arith.constant 0 : i32
        %dma_start3A_48 = tpu.memref_slice %arg9[%add3A_44, %dma_start3A_47] : memref<10000x128xf32, #tpu.memory_space<vmem_shared>> -> memref<104x128xf32, #tpu.memory_space<vmem_shared>>
        %dma_start3A_49 = arith.constant 0 : i32
        %dma_start3A_50 = tpu.memref_slice %arg9[%add3A_44, %dma_start3A_49] : memref<10000x128xf32, #tpu.memory_space<vmem_shared>> -> memref<104x128xf32, #tpu.memory_space<vmem_shared>>
        %dma_start3A_51 = arith.constant 0 : i32
        %dma_start3A_52 = arith.constant 0 : i32
        %dma_start3A_53 = tpu.memref_slice %arg7[%dma_start3A_51, %dma_start3A_52] : memref<128x128xf32, #tpu.memory_space<vmem>> -> memref<104x128xf32, #tpu.memory_space<vmem>>
        tpu.enqueue_dma source(%dma_start3A_53 : memref<104x128xf32, #tpu.memory_space<vmem>>) target(%dma_start3A_50 : memref<104x128xf32, #tpu.memory_space<vmem_shared>>) target_semaphore(%run_scoped3A : memref<!tpu.dma_semaphore, #tpu.memory_space<semaphore_mem>>)
        %dma_wait3A = arith.constant 0 : i32
        %dma_wait3A_54 = arith.constant 0 : i32
        %dma_wait3A_55 = tpu.memref_slice %arg7[%dma_wait3A, %dma_wait3A_54] : memref<128x128xf32, #tpu.memory_space<vmem>> -> memref<104x128xf32, #tpu.memory_space<vmem>>
        %dma_wait3A_56 = arith.constant 0 : i32
        %dma_wait3A_57 = tpu.memref_slice %arg9[%add3A_44, %dma_wait3A_56] : memref<10000x128xf32, #tpu.memory_space<vmem_shared>> -> memref<104x128xf32, #tpu.memory_space<vmem_shared>>
        %dma_wait3A_58 = arith.constant 0 : i32
        %dma_wait3A_59 = tpu.memref_slice %arg9[%add3A_44, %dma_wait3A_58] : memref<10000x128xf32, #tpu.memory_space<vmem_shared>> -> memref<104x128xf32, #tpu.memory_space<vmem_shared>>
        %dma_wait3A_60 = arith.constant 0 : i32
        %dma_wait3A_61 = arith.constant 0 : i32
        %dma_wait3A_62 = tpu.memref_slice %arg7[%dma_wait3A_60, %dma_wait3A_61] : memref<128x128xf32, #tpu.memory_space<vmem>> -> memref<104x128xf32, #tpu.memory_space<vmem>>
        tpu.wait_dma2 semaphore(%run_scoped3A : memref<!tpu.dma_semaphore, #tpu.memory_space<semaphore_mem>>) src(%dma_wait3A_62 : memref<104x128xf32, #tpu.memory_space<vmem>>) dst(%dma_wait3A_59 : memref<104x128xf32, #tpu.memory_space<vmem_shared>>)
        tpu.yield
      }) : () -> ()
    } else {
    }
    %barrier3A = arith.constant 0 : index
    tpu.barrier barrier_id(%barrier3A)
    %mul3A = arith.constant 625 : i32
    %mul3A_8 = arith.muli %arg0, %mul3A : i32
    %add3A = arith.constant 0 : i32
    %add3A_9 = arith.addi %mul3A_8, %add3A : i32
    %add3A_10 = arith.addi %add3A_9, %arg1 : i32
    %lt3A_11 = arith.constant 1250 : i32
    %lt3A_12 = arith.cmpi slt, %add3A_10, %lt3A_11 : i32
    %add3A_13 = arith.constant 1 : i32
    %add3A_14 = arith.addi %arg0, %add3A_13 : i32
    %mul3A_15 = arith.constant 625 : i32
    %mul3A_16 = arith.muli %add3A_14, %mul3A_15 : i32
    %lt3A_17 = arith.cmpi slt, %add3A_10, %mul3A_16 : i32
    %and3A = arith.andi %lt3A_12, %lt3A_17 : i1
    %convert_element_type3A_18 = arith.extui %and3A : i1 to i32
    %cond3A_19 = arith.constant 0 : i32
    %cond3A_20 = arith.cmpi ne, %convert_element_type3A_18, %cond3A_19 : i32
    scf.if %cond3A_20 {
      %mul3A_34 = arith.constant 625 : i32
      %mul3A_35 = arith.muli %arg0, %mul3A_34 : i32
      %add3A_36 = arith.constant 0 : i32
      %add3A_37 = arith.addi %mul3A_35, %add3A_36 : i32
      %add3A_38 = arith.addi %add3A_37, %arg1 : i32
      %mul3A_39 = arith.constant 128 : i32
      %mul3A_40 = arith.muli %add3A_38, %mul3A_39 : i32
      %add3A_41 = arith.constant 0 : i32
      %add3A_42 = arith.addi %add3A_41, %mul3A_40 : i32
      %dma_start3A = tpu.memref_slice %arg2[%add3A_42] : memref<320000xi32, #tpu.memory_space<hbm>> -> memref<128xi32, #tpu.memory_space<hbm>>
      %dma_start3A_43 = tpu.memref_slice %arg2[%add3A_42] : memref<320000xi32, #tpu.memory_space<hbm>> -> memref<128xi32, #tpu.memory_space<hbm>>
      tpu.enqueue_dma source(%dma_start3A_43 : memref<128xi32, #tpu.memory_space<hbm>>) target(%arg5 : memref<128xi32, #tpu.memory_space<vmem>>) target_semaphore(%arg10 : memref<!tpu.dma_semaphore, #tpu.memory_space<semaphore_mem>>)
      %dma_start3A_44 = arith.constant 0 : i32
      %dma_start3A_45 = tpu.memref_slice %arg3[%mul3A_40, %dma_start3A_44] : memref<160000x128xf32, #tpu.memory_space<hbm>> -> memref<128x128xf32, #tpu.memory_space<hbm>>
      %dma_start3A_46 = arith.constant 0 : i32
      %dma_start3A_47 = tpu.memref_slice %arg3[%mul3A_40, %dma_start3A_46] : memref<160000x128xf32, #tpu.memory_space<hbm>> -> memref<128x128xf32, #tpu.memory_space<hbm>>
      tpu.enqueue_dma source(%dma_start3A_47 : memref<128x128xf32, #tpu.memory_space<hbm>>) target(%arg7 : memref<128x128xf32, #tpu.memory_space<vmem>>) target_semaphore(%arg12 : memref<!tpu.dma_semaphore, #tpu.memory_space<semaphore_mem>>)
    } else {
    }
    %scan3A_21 = arith.constant 0 : i32
    %scan3A_22 = arith.constant 0 : i32
    %scan3A_23 = arith.constant 20 : i32
    %scan3A_24 = arith.addi %scan3A_22, %scan3A_23 : i32
    %scan3A_25 = arith.constant 1 : i32
    %scan3A_26 = scf.for %scan3A_34 = %scan3A_22 to %scan3A_24 step %scan3A_25 iter_args(%scan3A_35 = %scan3A_21) -> (i32)  : i32 {
      %mul3A_36 = arith.constant 2 : i32
      %mul3A_37 = arith.muli %mul3A_36, %scan3A_34 : i32
      %add3A_38 = arith.constant 0 : i32
      %add3A_39 = arith.addi %mul3A_37, %add3A_38 : i32
      %mul3A_40 = arith.constant 625 : i32
      %mul3A_41 = arith.muli %arg0, %mul3A_40 : i32
      %mul3A_42 = arith.constant 16 : i32
      %mul3A_43 = arith.muli %add3A_39, %mul3A_42 : i32
      %add3A_44 = arith.addi %mul3A_41, %mul3A_43 : i32
      %add3A_45 = arith.addi %add3A_44, %arg1 : i32
      %lt3A_46 = arith.constant 1250 : i32
      %lt3A_47 = arith.cmpi slt, %add3A_45, %lt3A_46 : i32
      %add3A_48 = arith.constant 1 : i32
      %add3A_49 = arith.addi %arg0, %add3A_48 : i32
      %mul3A_50 = arith.constant 625 : i32
      %mul3A_51 = arith.muli %add3A_49, %mul3A_50 : i32
      %lt3A_52 = arith.cmpi slt, %add3A_45, %mul3A_51 : i32
      %and3A_53 = arith.andi %lt3A_47, %lt3A_52 : i1
      %convert_element_type3A_54 = arith.extui %and3A_53 : i1 to i32
      %cond3A_55 = arith.constant 0 : i32
      %cond3A_56 = arith.cmpi ne, %convert_element_type3A_54, %cond3A_55 : i32
      scf.if %cond3A_56 {
        %add3A_79 = arith.constant 1 : i32
        %add3A_80 = arith.addi %add3A_39, %add3A_79 : i32
        %mul3A_81 = arith.constant 625 : i32
        %mul3A_82 = arith.muli %arg0, %mul3A_81 : i32
        %mul3A_83 = arith.constant 16 : i32
        %mul3A_84 = arith.muli %add3A_80, %mul3A_83 : i32
        %add3A_85 = arith.addi %mul3A_82, %mul3A_84 : i32
        %add3A_86 = arith.addi %add3A_85, %arg1 : i32
        %lt3A_87 = arith.constant 1250 : i32
        %lt3A_88 = arith.cmpi slt, %add3A_86, %lt3A_87 : i32
        %add3A_89 = arith.constant 1 : i32
        %add3A_90 = arith.addi %arg0, %add3A_89 : i32
        %mul3A_91 = arith.constant 625 : i32
        %mul3A_92 = arith.muli %add3A_90, %mul3A_91 : i32
        %lt3A_93 = arith.cmpi slt, %add3A_86, %mul3A_92 : i32
        %and3A_94 = arith.andi %lt3A_88, %lt3A_93 : i1
        %convert_element_type3A_95 = arith.extui %and3A_94 : i1 to i32
        %cond3A_96 = arith.constant 0 : i32
        %cond3A_97 = arith.cmpi ne, %convert_element_type3A_95, %cond3A_96 : i32
        scf.if %cond3A_97 {
          %add3A_107 = arith.constant 1 : i32
          %add3A_108 = arith.addi %add3A_39, %add3A_107 : i32
          %mul3A_109 = arith.constant 625 : i32
          %mul3A_110 = arith.muli %arg0, %mul3A_109 : i32
          %mul3A_111 = arith.constant 16 : i32
          %mul3A_112 = arith.muli %add3A_108, %mul3A_111 : i32
          %add3A_113 = arith.addi %mul3A_110, %mul3A_112 : i32
          %add3A_114 = arith.addi %add3A_113, %arg1 : i32
          %mul3A_115 = arith.constant 128 : i32
          %mul3A_116 = arith.muli %add3A_114, %mul3A_115 : i32
          %add3A_117 = arith.constant 0 : i32
          %add3A_118 = arith.addi %add3A_117, %mul3A_116 : i32
          %dma_start3A = tpu.memref_slice %arg2[%add3A_118] : memref<320000xi32, #tpu.memory_space<hbm>> -> memref<128xi32, #tpu.memory_space<hbm>>
          %dma_start3A_119 = tpu.memref_slice %arg2[%add3A_118] : memref<320000xi32, #tpu.memory_space<hbm>> -> memref<128xi32, #tpu.memory_space<hbm>>
          tpu.enqueue_dma source(%dma_start3A_119 : memref<128xi32, #tpu.memory_space<hbm>>) target(%arg6 : memref<128xi32, #tpu.memory_space<vmem>>) target_semaphore(%arg11 : memref<!tpu.dma_semaphore, #tpu.memory_space<semaphore_mem>>)
          %dma_start3A_120 = arith.constant 0 : i32
          %dma_start3A_121 = tpu.memref_slice %arg3[%mul3A_116, %dma_start3A_120] : memref<160000x128xf32, #tpu.memory_space<hbm>> -> memref<128x128xf32, #tpu.memory_space<hbm>>
          %dma_start3A_122 = arith.constant 0 : i32
          %dma_start3A_123 = tpu.memref_slice %arg3[%mul3A_116, %dma_start3A_122] : memref<160000x128xf32, #tpu.memory_space<hbm>> -> memref<128x128xf32, #tpu.memory_space<hbm>>
          tpu.enqueue_dma source(%dma_start3A_123 : memref<128x128xf32, #tpu.memory_space<hbm>>) target(%arg8 : memref<128x128xf32, #tpu.memory_space<vmem>>) target_semaphore(%arg13 : memref<!tpu.dma_semaphore, #tpu.memory_space<semaphore_mem>>)
        } else {
        }
        %dma_wait3A = arith.constant 0 : i32
        %dma_wait3A_98 = tpu.memref_slice %arg2[%dma_wait3A] : memref<320000xi32, #tpu.memory_space<hbm>> -> memref<128xi32, #tpu.memory_space<hbm>>
        %dma_wait3A_99 = arith.constant 0 : i32
        %dma_wait3A_100 = tpu.memref_slice %arg2[%dma_wait3A_99] : memref<320000xi32, #tpu.memory_space<hbm>> -> memref<128xi32, #tpu.memory_space<hbm>>
        tpu.wait_dma2 semaphore(%arg10 : memref<!tpu.dma_semaphore, #tpu.memory_space<semaphore_mem>>) src(%dma_wait3A_100 : memref<128xi32, #tpu.memory_space<hbm>>) dst(%arg5 : memref<128xi32, #tpu.memory_space<vmem>>)
        %dma_wait3A_101 = arith.constant 0 : i32
        %dma_wait3A_102 = arith.constant 0 : i32
        %dma_wait3A_103 = tpu.memref_slice %arg3[%dma_wait3A_101, %dma_wait3A_102] : memref<160000x128xf32, #tpu.memory_space<hbm>> -> memref<128x128xf32, #tpu.memory_space<hbm>>
        %dma_wait3A_104 = arith.constant 0 : i32
        %dma_wait3A_105 = arith.constant 0 : i32
        %dma_wait3A_106 = tpu.memref_slice %arg3[%dma_wait3A_104, %dma_wait3A_105] : memref<160000x128xf32, #tpu.memory_space<hbm>> -> memref<128x128xf32, #tpu.memory_space<hbm>>
        tpu.wait_dma2 semaphore(%arg12 : memref<!tpu.dma_semaphore, #tpu.memory_space<semaphore_mem>>) src(%dma_wait3A_106 : memref<128x128xf32, #tpu.memory_space<hbm>>) dst(%arg7 : memref<128x128xf32, #tpu.memory_space<vmem>>)
        "tpu.region"() ({
          %run_scoped3A = tpu.sem_alloc : memref<!tpu.dma_semaphore, #tpu.memory_space<semaphore_mem>>
          %dma_start3A = arith.constant 0 : i32
          %dma_start3A_107 = arith.constant 0 : i32
          %dma_start3A_108 = tpu.memref_slice %arg9[%dma_start3A, %dma_start3A_107] : memref<10000x128xf32, #tpu.memory_space<vmem_shared>> -> memref<10000x128xf32, #tpu.memory_space<vmem_shared>>
          tpu.enqueue_indirect_dma source(%arg7 : memref<128x128xf32, #tpu.memory_space<vmem>>) target(%dma_start3A_108 : memref<10000x128xf32, #tpu.memory_space<vmem_shared>>) offsets(%arg5 : memref<128xi32, #tpu.memory_space<vmem>>) semaphore(%run_scoped3A : memref<!tpu.dma_semaphore, #tpu.memory_space<semaphore_mem>>) {add = true}
          %dma_wait3A_109 = arith.constant 0 : i32
          %dma_wait3A_110 = arith.constant 0 : i32
          %dma_wait3A_111 = tpu.memref_slice %arg9[%dma_wait3A_109, %dma_wait3A_110] : memref<10000x128xf32, #tpu.memory_space<vmem_shared>> -> memref<10000x128xf32, #tpu.memory_space<vmem_shared>>
          tpu.wait_indirect_dma semaphore(%run_scoped3A : memref<!tpu.dma_semaphore, #tpu.memory_space<semaphore_mem>>) src(%arg7 : memref<128x128xf32, #tpu.memory_space<vmem>>) dst(%dma_wait3A_111 : memref<10000x128xf32, #tpu.memory_space<vmem_shared>>)
          tpu.yield
        }) : () -> ()
      } else {
      }
      %mul3A_57 = arith.constant 2 : i32
      %mul3A_58 = arith.muli %mul3A_57, %scan3A_34 : i32
      %add3A_59 = arith.constant 1 : i32
      %add3A_60 = arith.addi %mul3A_58, %add3A_59 : i32
      %mul3A_61 = arith.constant 625 : i32
      %mul3A_62 = arith.muli %arg0, %mul3A_61 : i32
      %mul3A_63 = arith.constant 16 : i32
      %mul3A_64 = arith.muli %add3A_60, %mul3A_63 : i32
      %add3A_65 = arith.addi %mul3A_62, %mul3A_64 : i32
      %add3A_66 = arith.addi %add3A_65, %arg1 : i32
      %lt3A_67 = arith.constant 1250 : i32
      %lt3A_68 = arith.cmpi slt, %add3A_66, %lt3A_67 : i32
      %add3A_69 = arith.constant 1 : i32
      %add3A_70 = arith.addi %arg0, %add3A_69 : i32
      %mul3A_71 = arith.constant 625 : i32
      %mul3A_72 = arith.muli %add3A_70, %mul3A_71 : i32
      %lt3A_73 = arith.cmpi slt, %add3A_66, %mul3A_72 : i32
      %and3A_74 = arith.andi %lt3A_68, %lt3A_73 : i1
      %convert_element_type3A_75 = arith.extui %and3A_74 : i1 to i32
      %cond3A_76 = arith.constant 0 : i32
      %cond3A_77 = arith.cmpi ne, %convert_element_type3A_75, %cond3A_76 : i32
      scf.if %cond3A_77 {
        %add3A_79 = arith.constant 1 : i32
        %add3A_80 = arith.addi %add3A_60, %add3A_79 : i32
        %mul3A_81 = arith.constant 625 : i32
        %mul3A_82 = arith.muli %arg0, %mul3A_81 : i32
        %mul3A_83 = arith.constant 16 : i32
        %mul3A_84 = arith.muli %add3A_80, %mul3A_83 : i32
        %add3A_85 = arith.addi %mul3A_82, %mul3A_84 : i32
        %add3A_86 = arith.addi %add3A_85, %arg1 : i32
        %lt3A_87 = arith.constant 1250 : i32
        %lt3A_88 = arith.cmpi slt, %add3A_86, %lt3A_87 : i32
        %add3A_89 = arith.constant 1 : i32
        %add3A_90 = arith.addi %arg0, %add3A_89 : i32
        %mul3A_91 = arith.constant 625 : i32
        %mul3A_92 = arith.muli %add3A_90, %mul3A_91 : i32
        %lt3A_93 = arith.cmpi slt, %add3A_86, %mul3A_92 : i32
        %and3A_94 = arith.andi %lt3A_88, %lt3A_93 : i1
        %convert_element_type3A_95 = arith.extui %and3A_94 : i1 to i32
        %cond3A_96 = arith.constant 0 : i32
        %cond3A_97 = arith.cmpi ne, %convert_element_type3A_95, %cond3A_96 : i32
        scf.if %cond3A_97 {
          %add3A_107 = arith.constant 1 : i32
          %add3A_108 = arith.addi %add3A_60, %add3A_107 : i32
          %mul3A_109 = arith.constant 625 : i32
          %mul3A_110 = arith.muli %arg0, %mul3A_109 : i32
          %mul3A_111 = arith.constant 16 : i32
          %mul3A_112 = arith.muli %add3A_108, %mul3A_111 : i32
          %add3A_113 = arith.addi %mul3A_110, %mul3A_112 : i32
          %add3A_114 = arith.addi %add3A_113, %arg1 : i32
          %mul3A_115 = arith.constant 128 : i32
          %mul3A_116 = arith.muli %add3A_114, %mul3A_115 : i32
          %add3A_117 = arith.constant 0 : i32
          %add3A_118 = arith.addi %add3A_117, %mul3A_116 : i32
          %dma_start3A = tpu.memref_slice %arg2[%add3A_118] : memref<320000xi32, #tpu.memory_space<hbm>> -> memref<128xi32, #tpu.memory_space<hbm>>
          %dma_start3A_119 = tpu.memref_slice %arg2[%add3A_118] : memref<320000xi32, #tpu.memory_space<hbm>> -> memref<128xi32, #tpu.memory_space<hbm>>
          tpu.enqueue_dma source(%dma_start3A_119 : memref<128xi32, #tpu.memory_space<hbm>>) target(%arg5 : memref<128xi32, #tpu.memory_space<vmem>>) target_semaphore(%arg10 : memref<!tpu.dma_semaphore, #tpu.memory_space<semaphore_mem>>)
          %dma_start3A_120 = arith.constant 0 : i32
          %dma_start3A_121 = tpu.memref_slice %arg3[%mul3A_116, %dma_start3A_120] : memref<160000x128xf32, #tpu.memory_space<hbm>> -> memref<128x128xf32, #tpu.memory_space<hbm>>
          %dma_start3A_122 = arith.constant 0 : i32
          %dma_start3A_123 = tpu.memref_slice %arg3[%mul3A_116, %dma_start3A_122] : memref<160000x128xf32, #tpu.memory_space<hbm>> -> memref<128x128xf32, #tpu.memory_space<hbm>>
          tpu.enqueue_dma source(%dma_start3A_123 : memref<128x128xf32, #tpu.memory_space<hbm>>) target(%arg7 : memref<128x128xf32, #tpu.memory_space<vmem>>) target_semaphore(%arg12 : memref<!tpu.dma_semaphore, #tpu.memory_space<semaphore_mem>>)
        } else {
        }
        %dma_wait3A = arith.constant 0 : i32
        %dma_wait3A_98 = tpu.memref_slice %arg2[%dma_wait3A] : memref<320000xi32, #tpu.memory_space<hbm>> -> memref<128xi32, #tpu.memory_space<hbm>>
        %dma_wait3A_99 = arith.constant 0 : i32
        %dma_wait3A_100 = tpu.memref_slice %arg2[%dma_wait3A_99] : memref<320000xi32, #tpu.memory_space<hbm>> -> memref<128xi32, #tpu.memory_space<hbm>>
        tpu.wait_dma2 semaphore(%arg11 : memref<!tpu.dma_semaphore, #tpu.memory_space<semaphore_mem>>) src(%dma_wait3A_100 : memref<128xi32, #tpu.memory_space<hbm>>) dst(%arg6 : memref<128xi32, #tpu.memory_space<vmem>>)
        %dma_wait3A_101 = arith.constant 0 : i32
        %dma_wait3A_102 = arith.constant 0 : i32
        %dma_wait3A_103 = tpu.memref_slice %arg3[%dma_wait3A_101, %dma_wait3A_102] : memref<160000x128xf32, #tpu.memory_space<hbm>> -> memref<128x128xf32, #tpu.memory_space<hbm>>
        %dma_wait3A_104 = arith.constant 0 : i32
        %dma_wait3A_105 = arith.constant 0 : i32
        %dma_wait3A_106 = tpu.memref_slice %arg3[%dma_wait3A_104, %dma_wait3A_105] : memref<160000x128xf32, #tpu.memory_space<hbm>> -> memref<128x128xf32, #tpu.memory_space<hbm>>
        tpu.wait_dma2 semaphore(%arg13 : memref<!tpu.dma_semaphore, #tpu.memory_space<semaphore_mem>>) src(%dma_wait3A_106 : memref<128x128xf32, #tpu.memory_space<hbm>>) dst(%arg8 : memref<128x128xf32, #tpu.memory_space<vmem>>)
        "tpu.region"() ({
          %run_scoped3A = tpu.sem_alloc : memref<!tpu.dma_semaphore, #tpu.memory_space<semaphore_mem>>
          %dma_start3A = arith.constant 0 : i32
          %dma_start3A_107 = arith.constant 0 : i32
          %dma_start3A_108 = tpu.memref_slice %arg9[%dma_start3A, %dma_start3A_107] : memref<10000x128xf32, #tpu.memory_space<vmem_shared>> -> memref<10000x128xf32, #tpu.memory_space<vmem_shared>>
          tpu.enqueue_indirect_dma source(%arg8 : memref<128x128xf32, #tpu.memory_space<vmem>>) target(%dma_start3A_108 : memref<10000x128xf32, #tpu.memory_space<vmem_shared>>) offsets(%arg6 : memref<128xi32, #tpu.memory_space<vmem>>) semaphore(%run_scoped3A : memref<!tpu.dma_semaphore, #tpu.memory_space<semaphore_mem>>) {add = true}
          %dma_wait3A_109 = arith.constant 0 : i32
          %dma_wait3A_110 = arith.constant 0 : i32
          %dma_wait3A_111 = tpu.memref_slice %arg9[%dma_wait3A_109, %dma_wait3A_110] : memref<10000x128xf32, #tpu.memory_space<vmem_shared>> -> memref<10000x128xf32, #tpu.memory_space<vmem_shared>>
          tpu.wait_indirect_dma semaphore(%run_scoped3A : memref<!tpu.dma_semaphore, #tpu.memory_space<semaphore_mem>>) src(%arg8 : memref<128x128xf32, #tpu.memory_space<vmem>>) dst(%dma_wait3A_111 : memref<10000x128xf32, #tpu.memory_space<vmem_shared>>)
          tpu.yield
        }) : () -> ()
      } else {
      }
      %scan3A_78 = arith.constant 0 : i32
      scf.yield %scan3A_78 : i32
    }
    %scan3A_27 = arith.constant 20 : i32
    %barrier3A_28 = arith.constant 0 : index
    tpu.barrier barrier_id(%barrier3A_28)
    %lt3A_29 = arith.constant 10 : i32
    %lt3A_30 = arith.cmpi slt, %arg1, %lt3A_29 : i32
    %convert_element_type3A_31 = arith.extui %lt3A_30 : i1 to i32
    %cond3A_32 = arith.constant 0 : i32
    %cond3A_33 = arith.cmpi ne, %convert_element_type3A_31, %cond3A_32 : i32
    scf.if %cond3A_33 {
      %mul3A_34 = arith.constant 1000 : i32
      %mul3A_35 = arith.muli %arg1, %mul3A_34 : i32
      %mul3A_36 = arith.constant 1000 : i32
      %mul3A_37 = arith.muli %arg1, %mul3A_36 : i32
      "tpu.region"() ({
        %run_scoped3A = tpu.sem_alloc : memref<!tpu.dma_semaphore, #tpu.memory_space<semaphore_mem>>
        %dma_start3A = arith.constant 0 : i32
        %dma_start3A_38 = tpu.memref_slice %arg4[%arg0, %mul3A_37, %dma_start3A] : memref<2x10000x128xf32, #tpu.memory_space<hbm>> -> memref<1x1000x128xf32, #tpu.memory_space<hbm>>
        %dma_start3A_39 = tpu.memref_squeeze %dma_start3A_38 : memref<1x1000x128xf32, #tpu.memory_space<hbm>> -> memref<1000x128xf32, #tpu.memory_space<hbm>>
        %dma_start3A_40 = arith.constant 0 : i32
        %dma_start3A_41 = tpu.memref_slice %arg9[%mul3A_35, %dma_start3A_40] : memref<10000x128xf32, #tpu.memory_space<vmem_shared>> -> memref<1000x128xf32, #tpu.memory_space<vmem_shared>>
        tpu.enqueue_dma source(%dma_start3A_41 : memref<1000x128xf32, #tpu.memory_space<vmem_shared>>) target(%dma_start3A_39 : memref<1000x128xf32, #tpu.memory_space<hbm>>) target_semaphore(%run_scoped3A : memref<!tpu.dma_semaphore, #tpu.memory_space<semaphore_mem>>)
        %dma_wait3A = arith.constant 0 : i32
        %dma_wait3A_42 = tpu.memref_slice %arg4[%arg0, %mul3A_37, %dma_wait3A] : memref<2x10000x128xf32, #tpu.memory_space<hbm>> -> memref<1x1000x128xf32, #tpu.memory_space<hbm>>
        %dma_wait3A_43 = tpu.memref_squeeze %dma_wait3A_42 : memref<1x1000x128xf32, #tpu.memory_space<hbm>> -> memref<1000x128xf32, #tpu.memory_space<hbm>>
        %dma_wait3A_44 = arith.constant 0 : i32
        %dma_wait3A_45 = tpu.memref_slice %arg9[%mul3A_35, %dma_wait3A_44] : memref<10000x128xf32, #tpu.memory_space<vmem_shared>> -> memref<1000x128xf32, #tpu.memory_space<vmem_shared>>
        tpu.wait_dma2 semaphore(%run_scoped3A : memref<!tpu.dma_semaphore, #tpu.memory_space<semaphore_mem>>) src(%dma_wait3A_45 : memref<1000x128xf32, #tpu.memory_space<vmem_shared>>) dst(%dma_wait3A_43 : memref<1000x128xf32, #tpu.memory_space<hbm>>)
        tpu.yield
      }) : () -> ()
    } else {
    }
    return
  }
}

module attributes {stable_mosaic.version = 14 : i64} {
  func.func @_passA_body(%arg0: i32, %arg1: memref<3200x128xf32, #tpu.memory_space<vmem>>, %arg2: memref<3200x128xf32, #tpu.memory_space<vmem>>, %arg3: memref<3200x128xf32, #tpu.memory_space<vmem>>, %arg4: memref<384x128xf32, #tpu.memory_space<vmem>>, %arg5: memref<1x128xf32, #tpu.memory_space<vmem>>, %arg6: memref<3200x128xbf16, #tpu.memory_space<vmem>>, %arg7: memref<8x128xf32, #tpu.memory_space<vmem>>, %arg8: memref<8x128xf32, #tpu.memory_space<vmem>>) attributes {dimension_semantics = [#tpu.dimension_semantics<arbitrary>], iteration_bounds = array<i64: 50>, scalar_prefetch = 0 : i64, scratch_operands = 1 : i64, tpu.core_type = #tpu.core_type<tc>, window_params = [{transform_indices = @transform_0, window_bounds = array<i64: 3200, 128>}, {transform_indices = @transform_1, window_bounds = array<i64: 3200, 128>}, {transform_indices = @transform_2, window_bounds = array<i64: 3200, 128>}, {pipeline_mode = #tpu.pipeline_mode<synchronous>, transform_indices = @transform_3, window_bounds = array<i64: 384, 128>}, {pipeline_mode = #tpu.pipeline_mode<synchronous>, transform_indices = @transform_4, window_bounds = array<i64: 1, 128>}, {transform_indices = @transform_5, window_bounds = array<i64: 3200, 128>}, {pipeline_mode = #tpu.pipeline_mode<synchronous>, transform_indices = @transform_6, window_bounds = array<i64: 8, 128>}]} {
    %eq3A = arith.constant 0 : i32
    %eq3A_0 = arith.cmpi eq, %arg0, %eq3A : i32
    %convert_element_type3A = arith.extui %eq3A_0 : i1 to i32
    %cond3A = arith.constant 0 : i32
    %cond3A_1 = arith.cmpi ne, %convert_element_type3A, %cond3A : i32
    scf.if %cond3A_1 {
      %broadcast_in_dim3A_51 = arith.constant 0.000000e+00 : f32
      %broadcast_in_dim3A_52 = vector.broadcast %broadcast_in_dim3A_51 : f32 to vector<8x128xf32>
      %swap3A_53 = arith.constant 0 : index
      %swap3A_54 = arith.constant 0 : index
      %swap3A_55 = vector.load %arg8[%swap3A_53, %swap3A_54] : memref<8x128xf32, #tpu.memory_space<vmem>>, vector<8x128xf32>
      tpu.vector_store %arg8[%swap3A_53, %swap3A_54], %broadcast_in_dim3A_52 {strides = array<i32>} : memref<8x128xf32, #tpu.memory_space<vmem>>, vector<8x128xf32>,
    } else {
    }
    %get3A = arith.constant 0 : index
    %get3A_2 = arith.constant 0 : index
    %get3A_3 = vector.load %arg1[%get3A, %get3A_2] : memref<3200x128xf32, #tpu.memory_space<vmem>>, vector<3200x128xf32>
    %get3A_4 = arith.constant 0 : index
    %get3A_5 = arith.constant 0 : index
    %get3A_6 = vector.load %arg2[%get3A_4, %get3A_5] : memref<3200x128xf32, #tpu.memory_space<vmem>>, vector<3200x128xf32>
    %get3A_7 = arith.constant 0 : index
    %get3A_8 = arith.constant 0 : index
    %get3A_9 = vector.load %arg3[%get3A_7, %get3A_8] : memref<3200x128xf32, #tpu.memory_space<vmem>>, vector<3200x128xf32>
    %concatenate3A = tpu.concatenate %get3A_3, %get3A_6, %get3A_9 in 1 : vector<3200x128xf32>, vector<3200x128xf32>, vector<3200x128xf32> -> vector<3200x384xf32>
    %convert_element_type3A_10 = arith.truncf %concatenate3A : vector<3200x384xf32> to vector<3200x384xbf16>
    %get3A_11 = arith.constant 0 : index
    %get3A_12 = arith.constant 0 : index
    %get3A_13 = vector.load %arg4[%get3A_11, %get3A_12] : memref<384x128xf32, #tpu.memory_space<vmem>>, vector<384x128xf32>
    %convert_element_type3A_14 = arith.truncf %get3A_13 : vector<384x128xf32> to vector<384x128xbf16>
    %dot_general3A = arith.constant dense<0.000000e+00> : vector<3200x128xf32>
    %dot_general3A_15 = tpu.matmul %convert_element_type3A_10, %convert_element_type3A_14, %dot_general3A {dimension_numbers = #tpu.dot_dimension_numbers<[1], [0], [0], [1], [0, 0, 1, 1], [], []>, transpose_lhs_hint = false} : vector<3200x384xbf16>, vector<384x128xbf16>, vector<3200x128xf32> -> vector<3200x128xf32>
    %get3A_16 = arith.constant 0 : index
    %get3A_17 = arith.constant 0 : index
    %get3A_18 = vector.load %arg5[%get3A_16, %get3A_17] : memref<1x128xf32, #tpu.memory_space<vmem>>, vector<1x128xf32>
    %add3A = vector.broadcast %get3A_18 : vector<1x128xf32> to vector<3200x128xf32>
    %add3A_19 = arith.addf %dot_general3A_15, %add3A : vector<3200x128xf32>
    %ge3A = arith.constant 0.000000e+00 : f32
    %ge3A_20 = vector.broadcast %ge3A : f32 to vector<3200x128xf32>
    %ge3A_21 = arith.cmpf oge, %add3A_19, %ge3A_20 : vector<3200x128xf32>
    %mul3A = arith.constant 0.00999999977 : f32
    %mul3A_22 = vector.broadcast %mul3A : f32 to vector<3200x128xf32>
    %mul3A_23 = arith.mulf %mul3A_22, %add3A_19 : vector<3200x128xf32>
    %select_n3A = arith.select %ge3A_21, %add3A_19, %mul3A_23 : vector<3200x128xi1>, vector<3200x128xf32>
    %convert_element_type3A_24 = arith.truncf %select_n3A : vector<3200x128xf32> to vector<3200x128xbf16>
    %swap3A = arith.constant 0 : index
    %swap3A_25 = arith.constant 0 : index
    %swap3A_26 = vector.load %arg6[%swap3A, %swap3A_25] : memref<3200x128xbf16, #tpu.memory_space<vmem>>, vector<3200x128xbf16>
    tpu.vector_store %arg6[%swap3A, %swap3A_25], %convert_element_type3A_24 {strides = array<i32>} : memref<3200x128xbf16, #tpu.memory_space<vmem>>, vector<3200x128xbf16>,
    %get3A_27 = arith.constant 0 : index
    %get3A_28 = arith.constant 0 : index
    %get3A_29 = vector.load %arg8[%get3A_27, %get3A_28] : memref<8x128xf32, #tpu.memory_space<vmem>>, vector<1x128xf32>
    %reduce_sum3A = arith.constant dense<0.000000e+00> : vector<128xf32>
    %reduce_sum3A_30 = vector.multi_reduction <add>, %select_n3A, %reduce_sum3A [0] : vector<3200x128xf32> to vector<128xf32>
    %broadcast_in_dim3A = vector.shape_cast %reduce_sum3A_30 : vector<128xf32> to vector<1x128xf32>
    %add3A_31 = arith.addf %get3A_29, %broadcast_in_dim3A : vector<1x128xf32>
    %swap3A_32 = arith.constant 0 : index
    %swap3A_33 = arith.constant 0 : index
    %swap3A_34 = vector.load %arg8[%swap3A_32, %swap3A_33] : memref<8x128xf32, #tpu.memory_space<vmem>>, vector<1x128xf32>
    tpu.vector_store %arg8[%swap3A_32, %swap3A_33], %add3A_31 {strides = array<i32>} : memref<8x128xf32, #tpu.memory_space<vmem>>, vector<1x128xf32>,
    %get3A_35 = arith.constant 1 : index
    %get3A_36 = arith.constant 0 : index
    %get3A_37 = vector.load %arg8[%get3A_35, %get3A_36] : memref<8x128xf32, #tpu.memory_space<vmem>>, vector<1x128xf32>
    %mul3A_38 = arith.mulf %select_n3A, %select_n3A : vector<3200x128xf32>
    %reduce_sum3A_39 = arith.constant dense<0.000000e+00> : vector<128xf32>
    %reduce_sum3A_40 = vector.multi_reduction <add>, %mul3A_38, %reduce_sum3A_39 [0] : vector<3200x128xf32> to vector<128xf32>
    %broadcast_in_dim3A_41 = vector.shape_cast %reduce_sum3A_40 : vector<128xf32> to vector<1x128xf32>
    %add3A_42 = arith.addf %get3A_37, %broadcast_in_dim3A_41 : vector<1x128xf32>
    %swap3A_43 = arith.constant 1 : index
    %swap3A_44 = arith.constant 0 : index
    %swap3A_45 = vector.load %arg8[%swap3A_43, %swap3A_44] : memref<8x128xf32, #tpu.memory_space<vmem>>, vector<1x128xf32>
    tpu.vector_store %arg8[%swap3A_43, %swap3A_44], %add3A_42 {strides = array<i32>} : memref<8x128xf32, #tpu.memory_space<vmem>>, vector<1x128xf32>,
    %eq3A_46 = arith.constant 49 : i32
    %eq3A_47 = arith.cmpi eq, %arg0, %eq3A_46 : i32
    %convert_element_type3A_48 = arith.extui %eq3A_47 : i1 to i32
    %cond3A_49 = arith.constant 0 : i32
    %cond3A_50 = arith.cmpi ne, %convert_element_type3A_48, %cond3A_49 : i32
    scf.if %cond3A_50 {
      %get3A_51 = arith.constant 0 : index
      %get3A_52 = arith.constant 0 : index
      %get3A_53 = vector.load %arg8[%get3A_51, %get3A_52] : memref<8x128xf32, #tpu.memory_space<vmem>>, vector<8x128xf32>
      %swap3A_54 = arith.constant 0 : index
      %swap3A_55 = arith.constant 0 : index
      %swap3A_56 = vector.load %arg7[%swap3A_54, %swap3A_55] : memref<8x128xf32, #tpu.memory_space<vmem>>, vector<8x128xf32>
      tpu.vector_store %arg7[%swap3A_54, %swap3A_55], %get3A_53 {strides = array<i32>} : memref<8x128xf32, #tpu.memory_space<vmem>>, vector<8x128xf32>,
    } else {
    }
    return
  }
  func.func @transform_0(%arg0: i32) -> (i32, i32) {
    %c0_i32 = arith.constant 0 : i32
    %c0_i32_0 = arith.constant 0 : i32
    return %arg0, %c0_i32 : i32, i32
  }
  func.func @transform_1(%arg0: i32) -> (i32, i32) {
    %add3A = arith.constant 50 : i32
    %add3A_0 = arith.addi %arg0, %add3A : i32
    %c0_i32 = arith.constant 0 : i32
    %c0_i32_1 = arith.constant 0 : i32
    return %add3A_0, %c0_i32 : i32, i32
  }
  func.func @transform_2(%arg0: i32) -> (i32, i32) {
    %c0_i32 = arith.constant 0 : i32
    %c0_i32_0 = arith.constant 0 : i32
    return %arg0, %c0_i32 : i32, i32
  }
  func.func @transform_3(%arg0: i32) -> (i32, i32) {
    %c0_i32 = arith.constant 0 : i32
    %c0_i32_0 = arith.constant 0 : i32
    %c0_i32_1 = arith.constant 0 : i32
    return %c0_i32, %c0_i32_0 : i32, i32
  }
  func.func @transform_4(%arg0: i32) -> (i32, i32) {
    %c0_i32 = arith.constant 0 : i32
    %c0_i32_0 = arith.constant 0 : i32
    %c0_i32_1 = arith.constant 0 : i32
    return %c0_i32, %c0_i32_0 : i32, i32
  }
  func.func @transform_5(%arg0: i32) -> (i32, i32) {
    %c0_i32 = arith.constant 0 : i32
    %c0_i32_0 = arith.constant 0 : i32
    return %arg0, %c0_i32 : i32, i32
  }
  func.func @transform_6(%arg0: i32) -> (i32, i32) {
    %c0_i32 = arith.constant 0 : i32
    %c0_i32_0 = arith.constant 0 : i32
    %c0_i32_1 = arith.constant 0 : i32
    return %c0_i32, %c0_i32_0 : i32, i32
  }
}

module attributes {stable_mosaic.version = 14 : i64} {
  func.func @_passA_body(%arg0: i32, %arg1: memref<3200x128xf32, #tpu.memory_space<vmem>>, %arg2: memref<3200x128xf32, #tpu.memory_space<vmem>>, %arg3: memref<3200x128xf32, #tpu.memory_space<vmem>>, %arg4: memref<384x128xf32, #tpu.memory_space<vmem>>, %arg5: memref<1x128xf32, #tpu.memory_space<vmem>>, %arg6: memref<3200x128xbf16, #tpu.memory_space<vmem>>, %arg7: memref<8x128xf32, #tpu.memory_space<vmem>>, %arg8: memref<8x128xf32, #tpu.memory_space<vmem>>) attributes {dimension_semantics = [#tpu.dimension_semantics<arbitrary>], iteration_bounds = array<i64: 50>, scalar_prefetch = 0 : i64, scratch_operands = 1 : i64, tpu.core_type = #tpu.core_type<tc>, window_params = [{transform_indices = @transform_0, window_bounds = array<i64: 3200, 128>}, {transform_indices = @transform_1, window_bounds = array<i64: 3200, 128>}, {transform_indices = @transform_2, window_bounds = array<i64: 3200, 128>}, {pipeline_mode = #tpu.pipeline_mode<synchronous>, transform_indices = @transform_3, window_bounds = array<i64: 384, 128>}, {pipeline_mode = #tpu.pipeline_mode<synchronous>, transform_indices = @transform_4, window_bounds = array<i64: 1, 128>}, {transform_indices = @transform_5, window_bounds = array<i64: 3200, 128>}, {pipeline_mode = #tpu.pipeline_mode<synchronous>, transform_indices = @transform_6, window_bounds = array<i64: 8, 128>}]} {
    %eq3A = arith.constant 0 : i32
    %eq3A_0 = arith.cmpi eq, %arg0, %eq3A : i32
    %convert_element_type3A = arith.extui %eq3A_0 : i1 to i32
    %cond3A = arith.constant 0 : i32
    %cond3A_1 = arith.cmpi ne, %convert_element_type3A, %cond3A : i32
    scf.if %cond3A_1 {
      %broadcast_in_dim3A_51 = arith.constant 0.000000e+00 : f32
      %broadcast_in_dim3A_52 = vector.broadcast %broadcast_in_dim3A_51 : f32 to vector<8x128xf32>
      %swap3A_53 = arith.constant 0 : index
      %swap3A_54 = arith.constant 0 : index
      %swap3A_55 = vector.load %arg8[%swap3A_53, %swap3A_54] : memref<8x128xf32, #tpu.memory_space<vmem>>, vector<8x128xf32>
      tpu.vector_store %arg8[%swap3A_53, %swap3A_54], %broadcast_in_dim3A_52 {strides = array<i32>} : memref<8x128xf32, #tpu.memory_space<vmem>>, vector<8x128xf32>,
    } else {
    }
    %get3A = arith.constant 0 : index
    %get3A_2 = arith.constant 0 : index
    %get3A_3 = vector.load %arg1[%get3A, %get3A_2] : memref<3200x128xf32, #tpu.memory_space<vmem>>, vector<3200x128xf32>
    %get3A_4 = arith.constant 0 : index
    %get3A_5 = arith.constant 0 : index
    %get3A_6 = vector.load %arg2[%get3A_4, %get3A_5] : memref<3200x128xf32, #tpu.memory_space<vmem>>, vector<3200x128xf32>
    %get3A_7 = arith.constant 0 : index
    %get3A_8 = arith.constant 0 : index
    %get3A_9 = vector.load %arg3[%get3A_7, %get3A_8] : memref<3200x128xf32, #tpu.memory_space<vmem>>, vector<3200x128xf32>
    %concatenate3A = tpu.concatenate %get3A_3, %get3A_6, %get3A_9 in 1 : vector<3200x128xf32>, vector<3200x128xf32>, vector<3200x128xf32> -> vector<3200x384xf32>
    %convert_element_type3A_10 = arith.truncf %concatenate3A : vector<3200x384xf32> to vector<3200x384xbf16>
    %get3A_11 = arith.constant 0 : index
    %get3A_12 = arith.constant 0 : index
    %get3A_13 = vector.load %arg4[%get3A_11, %get3A_12] : memref<384x128xf32, #tpu.memory_space<vmem>>, vector<384x128xf32>
    %convert_element_type3A_14 = arith.truncf %get3A_13 : vector<384x128xf32> to vector<384x128xbf16>
    %dot_general3A = arith.constant dense<0.000000e+00> : vector<3200x128xf32>
    %dot_general3A_15 = tpu.matmul %convert_element_type3A_10, %convert_element_type3A_14, %dot_general3A {dimension_numbers = #tpu.dot_dimension_numbers<[1], [0], [0], [1], [0, 0, 1, 1], [], []>, transpose_lhs_hint = false} : vector<3200x384xbf16>, vector<384x128xbf16>, vector<3200x128xf32> -> vector<3200x128xf32>
    %get3A_16 = arith.constant 0 : index
    %get3A_17 = arith.constant 0 : index
    %get3A_18 = vector.load %arg5[%get3A_16, %get3A_17] : memref<1x128xf32, #tpu.memory_space<vmem>>, vector<1x128xf32>
    %add3A = vector.broadcast %get3A_18 : vector<1x128xf32> to vector<3200x128xf32>
    %add3A_19 = arith.addf %dot_general3A_15, %add3A : vector<3200x128xf32>
    %ge3A = arith.constant 0.000000e+00 : f32
    %ge3A_20 = vector.broadcast %ge3A : f32 to vector<3200x128xf32>
    %ge3A_21 = arith.cmpf oge, %add3A_19, %ge3A_20 : vector<3200x128xf32>
    %mul3A = arith.constant 0.00999999977 : f32
    %mul3A_22 = vector.broadcast %mul3A : f32 to vector<3200x128xf32>
    %mul3A_23 = arith.mulf %mul3A_22, %add3A_19 : vector<3200x128xf32>
    %select_n3A = arith.select %ge3A_21, %add3A_19, %mul3A_23 : vector<3200x128xi1>, vector<3200x128xf32>
    %convert_element_type3A_24 = arith.truncf %select_n3A : vector<3200x128xf32> to vector<3200x128xbf16>
    %swap3A = arith.constant 0 : index
    %swap3A_25 = arith.constant 0 : index
    %swap3A_26 = vector.load %arg6[%swap3A, %swap3A_25] : memref<3200x128xbf16, #tpu.memory_space<vmem>>, vector<3200x128xbf16>
    tpu.vector_store %arg6[%swap3A, %swap3A_25], %convert_element_type3A_24 {strides = array<i32>} : memref<3200x128xbf16, #tpu.memory_space<vmem>>, vector<3200x128xbf16>,
    %get3A_27 = arith.constant 0 : index
    %get3A_28 = arith.constant 0 : index
    %get3A_29 = vector.load %arg8[%get3A_27, %get3A_28] : memref<8x128xf32, #tpu.memory_space<vmem>>, vector<1x128xf32>
    %reduce_sum3A = arith.constant dense<0.000000e+00> : vector<128xf32>
    %reduce_sum3A_30 = vector.multi_reduction <add>, %select_n3A, %reduce_sum3A [0] : vector<3200x128xf32> to vector<128xf32>
    %broadcast_in_dim3A = vector.shape_cast %reduce_sum3A_30 : vector<128xf32> to vector<1x128xf32>
    %add3A_31 = arith.addf %get3A_29, %broadcast_in_dim3A : vector<1x128xf32>
    %swap3A_32 = arith.constant 0 : index
    %swap3A_33 = arith.constant 0 : index
    %swap3A_34 = vector.load %arg8[%swap3A_32, %swap3A_33] : memref<8x128xf32, #tpu.memory_space<vmem>>, vector<1x128xf32>
    tpu.vector_store %arg8[%swap3A_32, %swap3A_33], %add3A_31 {strides = array<i32>} : memref<8x128xf32, #tpu.memory_space<vmem>>, vector<1x128xf32>,
    %get3A_35 = arith.constant 1 : index
    %get3A_36 = arith.constant 0 : index
    %get3A_37 = vector.load %arg8[%get3A_35, %get3A_36] : memref<8x128xf32, #tpu.memory_space<vmem>>, vector<1x128xf32>
    %mul3A_38 = arith.mulf %select_n3A, %select_n3A : vector<3200x128xf32>
    %reduce_sum3A_39 = arith.constant dense<0.000000e+00> : vector<128xf32>
    %reduce_sum3A_40 = vector.multi_reduction <add>, %mul3A_38, %reduce_sum3A_39 [0] : vector<3200x128xf32> to vector<128xf32>
    %broadcast_in_dim3A_41 = vector.shape_cast %reduce_sum3A_40 : vector<128xf32> to vector<1x128xf32>
    %add3A_42 = arith.addf %get3A_37, %broadcast_in_dim3A_41 : vector<1x128xf32>
    %swap3A_43 = arith.constant 1 : index
    %swap3A_44 = arith.constant 0 : index
    %swap3A_45 = vector.load %arg8[%swap3A_43, %swap3A_44] : memref<8x128xf32, #tpu.memory_space<vmem>>, vector<1x128xf32>
    tpu.vector_store %arg8[%swap3A_43, %swap3A_44], %add3A_42 {strides = array<i32>} : memref<8x128xf32, #tpu.memory_space<vmem>>, vector<1x128xf32>,
    %eq3A_46 = arith.constant 49 : i32
    %eq3A_47 = arith.cmpi eq, %arg0, %eq3A_46 : i32
    %convert_element_type3A_48 = arith.extui %eq3A_47 : i1 to i32
    %cond3A_49 = arith.constant 0 : i32
    %cond3A_50 = arith.cmpi ne, %convert_element_type3A_48, %cond3A_49 : i32
    scf.if %cond3A_50 {
      %get3A_51 = arith.constant 0 : index
      %get3A_52 = arith.constant 0 : index
      %get3A_53 = vector.load %arg8[%get3A_51, %get3A_52] : memref<8x128xf32, #tpu.memory_space<vmem>>, vector<8x128xf32>
      %swap3A_54 = arith.constant 0 : index
      %swap3A_55 = arith.constant 0 : index
      %swap3A_56 = vector.load %arg7[%swap3A_54, %swap3A_55] : memref<8x128xf32, #tpu.memory_space<vmem>>, vector<8x128xf32>
      tpu.vector_store %arg7[%swap3A_54, %swap3A_55], %get3A_53 {strides = array<i32>} : memref<8x128xf32, #tpu.memory_space<vmem>>, vector<8x128xf32>,
    } else {
    }
    return
  }
  func.func @transform_0(%arg0: i32) -> (i32, i32) {
    %c0_i32 = arith.constant 0 : i32
    %c0_i32_0 = arith.constant 0 : i32
    return %arg0, %c0_i32 : i32, i32
  }
  func.func @transform_1(%arg0: i32) -> (i32, i32) {
    %add3A = arith.constant 0 : i32
    %add3A_0 = arith.addi %arg0, %add3A : i32
    %c0_i32 = arith.constant 0 : i32
    %c0_i32_1 = arith.constant 0 : i32
    return %add3A_0, %c0_i32 : i32, i32
  }
  func.func @transform_2(%arg0: i32) -> (i32, i32) {
    %c0_i32 = arith.constant 0 : i32
    %c0_i32_0 = arith.constant 0 : i32
    return %arg0, %c0_i32 : i32, i32
  }
  func.func @transform_3(%arg0: i32) -> (i32, i32) {
    %c0_i32 = arith.constant 0 : i32
    %c0_i32_0 = arith.constant 0 : i32
    %c0_i32_1 = arith.constant 0 : i32
    return %c0_i32, %c0_i32_0 : i32, i32
  }
  func.func @transform_4(%arg0: i32) -> (i32, i32) {
    %c0_i32 = arith.constant 0 : i32
    %c0_i32_0 = arith.constant 0 : i32
    %c0_i32_1 = arith.constant 0 : i32
    return %c0_i32, %c0_i32_0 : i32, i32
  }
  func.func @transform_5(%arg0: i32) -> (i32, i32) {
    %c0_i32 = arith.constant 0 : i32
    %c0_i32_0 = arith.constant 0 : i32
    return %arg0, %c0_i32 : i32, i32
  }
  func.func @transform_6(%arg0: i32) -> (i32, i32) {
    %c0_i32 = arith.constant 0 : i32
    %c0_i32_0 = arith.constant 0 : i32
    %c0_i32_1 = arith.constant 0 : i32
    return %c0_i32, %c0_i32_0 : i32, i32
  }
}

module attributes {stable_mosaic.version = 14 : i64} {
  func.func @_passB_body(%arg0: i32, %arg1: memref<3200x128xbf16, #tpu.memory_space<vmem>>, %arg2: memref<8x128xf32, #tpu.memory_space<vmem>>, %arg3: memref<128x128xf32, #tpu.memory_space<vmem>>, %arg4: memref<1x128xf32, #tpu.memory_space<vmem>>, %arg5: memref<1x128xf32, #tpu.memory_space<vmem>>, %arg6: memref<1x128xf32, #tpu.memory_space<vmem>>, %arg7: memref<8x128xf32, #tpu.memory_space<vmem>>, %arg8: memref<8x128xf32, #tpu.memory_space<vmem>>) attributes {dimension_semantics = [#tpu.dimension_semantics<arbitrary>], iteration_bounds = array<i64: 50>, scalar_prefetch = 0 : i64, scratch_operands = 1 : i64, tpu.core_type = #tpu.core_type<tc>, window_params = [{transform_indices = @transform_0, window_bounds = array<i64: 3200, 128>}, {pipeline_mode = #tpu.pipeline_mode<synchronous>, transform_indices = @transform_1, window_bounds = array<i64: 8, 128>}, {pipeline_mode = #tpu.pipeline_mode<synchronous>, transform_indices = @transform_2, window_bounds = array<i64: 128, 128>}, {pipeline_mode = #tpu.pipeline_mode<synchronous>, transform_indices = @transform_3, window_bounds = array<i64: 1, 128>}, {pipeline_mode = #tpu.pipeline_mode<synchronous>, transform_indices = @transform_4, window_bounds = array<i64: 1, 128>}, {pipeline_mode = #tpu.pipeline_mode<synchronous>, transform_indices = @transform_5, window_bounds = array<i64: 1, 128>}, {pipeline_mode = #tpu.pipeline_mode<synchronous>, transform_indices = @transform_6, window_bounds = array<i64: 8, 128>}]} {
    %eq3A = arith.constant 0 : i32
    %eq3A_0 = arith.cmpi eq, %arg0, %eq3A : i32
    %convert_element_type3A = arith.extui %eq3A_0 : i1 to i32
    %cond3A = arith.constant 0 : i32
    %cond3A_1 = arith.cmpi ne, %convert_element_type3A, %cond3A : i32
    scf.if %cond3A_1 {
      %broadcast_in_dim3A_72 = arith.constant 0.000000e+00 : f32
      %broadcast_in_dim3A_73 = vector.broadcast %broadcast_in_dim3A_72 : f32 to vector<8x128xf32>
      %swap3A_74 = arith.constant 0 : index
      %swap3A_75 = arith.constant 0 : index
      %swap3A_76 = vector.load %arg8[%swap3A_74, %swap3A_75] : memref<8x128xf32, #tpu.memory_space<vmem>>, vector<8x128xf32>
      tpu.vector_store %arg8[%swap3A_74, %swap3A_75], %broadcast_in_dim3A_73 {strides = array<i32>} : memref<8x128xf32, #tpu.memory_space<vmem>>, vector<8x128xf32>,
    } else {
    }
    %get3A = arith.constant 0 : index
    %get3A_2 = arith.constant 0 : index
    %get3A_3 = vector.load %arg1[%get3A, %get3A_2] : memref<3200x128xbf16, #tpu.memory_space<vmem>>, vector<3200x128xbf16>
    %get3A_4 = arith.constant 0 : index
    %get3A_5 = arith.constant 0 : index
    %get3A_6 = vector.load %arg2[%get3A_4, %get3A_5] : memref<8x128xf32, #tpu.memory_space<vmem>>, vector<1x128xf32>
    %div3A = arith.constant 3.200000e+05 : f32
    %div3A_7 = vector.broadcast %div3A : f32 to vector<1x128xf32>
    %div3A_8 = arith.divf %get3A_6, %div3A_7 : vector<1x128xf32>
    %get3A_9 = arith.constant 1 : index
    %get3A_10 = arith.constant 0 : index
    %get3A_11 = vector.load %arg2[%get3A_9, %get3A_10] : memref<8x128xf32, #tpu.memory_space<vmem>>, vector<1x128xf32>
    %div3A_12 = arith.constant 3.200000e+05 : f32
    %div3A_13 = vector.broadcast %div3A_12 : f32 to vector<1x128xf32>
    %div3A_14 = arith.divf %get3A_11, %div3A_13 : vector<1x128xf32>
    %mul3A = arith.mulf %div3A_8, %div3A_8 : vector<1x128xf32>
    %sub3A = arith.subf %div3A_14, %mul3A : vector<1x128xf32>
    %get3A_15 = arith.constant 0 : index
    %get3A_16 = arith.constant 0 : index
    %get3A_17 = vector.load %arg5[%get3A_15, %get3A_16] : memref<1x128xf32, #tpu.memory_space<vmem>>, vector<1x128xf32>
    %add3A = arith.constant 9.99999974E-6 : f32
    %add3A_18 = vector.broadcast %add3A : f32 to vector<1x128xf32>
    %add3A_19 = arith.addf %sub3A, %add3A_18 : vector<1x128xf32>
    %rsqrt3A = math.rsqrt %add3A_19 : vector<1x128xf32>
    %mul3A_20 = arith.mulf %get3A_17, %rsqrt3A : vector<1x128xf32>
    %get3A_21 = arith.constant 0 : index
    %get3A_22 = arith.constant 0 : index
    %get3A_23 = vector.load %arg6[%get3A_21, %get3A_22] : memref<1x128xf32, #tpu.memory_space<vmem>>, vector<1x128xf32>
    %mul3A_24 = arith.mulf %div3A_8, %mul3A_20 : vector<1x128xf32>
    %sub3A_25 = arith.subf %get3A_23, %mul3A_24 : vector<1x128xf32>
    %transpose3A = tpu.transpose %mul3A_20, [1, 0] : vector<1x128xf32> -> vector<128x1xf32>
    %get3A_26 = arith.constant 0 : index
    %get3A_27 = arith.constant 0 : index
    %get3A_28 = vector.load %arg3[%get3A_26, %get3A_27] : memref<128x128xf32, #tpu.memory_space<vmem>>, vector<128x128xf32>
    %mul3A_29 = vector.broadcast %transpose3A : vector<128x1xf32> to vector<128x128xf32>
    %mul3A_30 = arith.mulf %mul3A_29, %get3A_28 : vector<128x128xf32>
    %convert_element_type3A_31 = arith.truncf %mul3A_30 : vector<128x128xf32> to vector<128x128xbf16>
    %get3A_32 = arith.constant 0 : index
    %get3A_33 = arith.constant 0 : index
    %get3A_34 = vector.load %arg3[%get3A_32, %get3A_33] : memref<128x128xf32, #tpu.memory_space<vmem>>, vector<128x128xf32>
    %dot_general3A = arith.constant dense<0.000000e+00> : vector<1x128xf32>
    %dot_general3A_35 = tpu.matmul %sub3A_25, %get3A_34, %dot_general3A {dimension_numbers = #tpu.dot_dimension_numbers<[1], [0], [0], [1], [0, 0, 1, 1], [], []>, transpose_lhs_hint = false} : vector<1x128xf32>, vector<128x128xf32>, vector<1x128xf32> -> vector<1x128xf32>
    %get3A_36 = arith.constant 0 : index
    %get3A_37 = arith.constant 0 : index
    %get3A_38 = vector.load %arg4[%get3A_36, %get3A_37] : memref<1x128xf32, #tpu.memory_space<vmem>>, vector<1x128xf32>
    %add3A_39 = arith.addf %dot_general3A_35, %get3A_38 : vector<1x128xf32>
    %dot_general3A_40 = arith.constant dense<0.000000e+00> : vector<3200x128xf32>
    %dot_general3A_41 = tpu.matmul %get3A_3, %convert_element_type3A_31, %dot_general3A_40 {dimension_numbers = #tpu.dot_dimension_numbers<[1], [0], [0], [1], [0, 0, 1, 1], [], []>, transpose_lhs_hint = false} : vector<3200x128xbf16>, vector<128x128xbf16>, vector<3200x128xf32> -> vector<3200x128xf32>
    %add3A_42 = vector.broadcast %add3A_39 : vector<1x128xf32> to vector<3200x128xf32>
    %add3A_43 = arith.addf %dot_general3A_41, %add3A_42 : vector<3200x128xf32>
    %ge3A = arith.constant 0.000000e+00 : f32
    %ge3A_44 = vector.broadcast %ge3A : f32 to vector<3200x128xf32>
    %ge3A_45 = arith.cmpf oge, %add3A_43, %ge3A_44 : vector<3200x128xf32>
    %mul3A_46 = arith.constant 0.00999999977 : f32
    %mul3A_47 = vector.broadcast %mul3A_46 : f32 to vector<3200x128xf32>
    %mul3A_48 = arith.mulf %mul3A_47, %add3A_43 : vector<3200x128xf32>
    %select_n3A = arith.select %ge3A_45, %add3A_43, %mul3A_48 : vector<3200x128xi1>, vector<3200x128xf32>
    %get3A_49 = arith.constant 0 : index
    %get3A_50 = arith.constant 0 : index
    %get3A_51 = vector.load %arg8[%get3A_49, %get3A_50] : memref<8x128xf32, #tpu.memory_space<vmem>>, vector<1x128xf32>
    %reduce_sum3A = arith.constant dense<0.000000e+00> : vector<128xf32>
    %reduce_sum3A_52 = vector.multi_reduction <add>, %select_n3A, %reduce_sum3A [0] : vector<3200x128xf32> to vector<128xf32>
    %broadcast_in_dim3A = vector.shape_cast %reduce_sum3A_52 : vector<128xf32> to vector<1x128xf32>
    %add3A_53 = arith.addf %get3A_51, %broadcast_in_dim3A : vector<1x128xf32>
    %swap3A = arith.constant 0 : index
    %swap3A_54 = arith.constant 0 : index
    %swap3A_55 = vector.load %arg8[%swap3A, %swap3A_54] : memref<8x128xf32, #tpu.memory_space<vmem>>, vector<1x128xf32>
    tpu.vector_store %arg8[%swap3A, %swap3A_54], %add3A_53 {strides = array<i32>} : memref<8x128xf32, #tpu.memory_space<vmem>>, vector<1x128xf32>,
    %get3A_56 = arith.constant 1 : index
    %get3A_57 = arith.constant 0 : index
    %get3A_58 = vector.load %arg8[%get3A_56, %get3A_57] : memref<8x128xf32, #tpu.memory_space<vmem>>, vector<1x128xf32>
    %mul3A_59 = arith.mulf %select_n3A, %select_n3A : vector<3200x128xf32>
    %reduce_sum3A_60 = arith.constant dense<0.000000e+00> : vector<128xf32>
    %reduce_sum3A_61 = vector.multi_reduction <add>, %mul3A_59, %reduce_sum3A_60 [0] : vector<3200x128xf32> to vector<128xf32>
    %broadcast_in_dim3A_62 = vector.shape_cast %reduce_sum3A_61 : vector<128xf32> to vector<1x128xf32>
    %add3A_63 = arith.addf %get3A_58, %broadcast_in_dim3A_62 : vector<1x128xf32>
    %swap3A_64 = arith.constant 1 : index
    %swap3A_65 = arith.constant 0 : index
    %swap3A_66 = vector.load %arg8[%swap3A_64, %swap3A_65] : memref<8x128xf32, #tpu.memory_space<vmem>>, vector<1x128xf32>
    tpu.vector_store %arg8[%swap3A_64, %swap3A_65], %add3A_63 {strides = array<i32>} : memref<8x128xf32, #tpu.memory_space<vmem>>, vector<1x128xf32>,
    %eq3A_67 = arith.constant 49 : i32
    %eq3A_68 = arith.cmpi eq, %arg0, %eq3A_67 : i32
    %convert_element_type3A_69 = arith.extui %eq3A_68 : i1 to i32
    %cond3A_70 = arith.constant 0 : i32
    %cond3A_71 = arith.cmpi ne, %convert_element_type3A_69, %cond3A_70 : i32
    scf.if %cond3A_71 {
      %get3A_72 = arith.constant 0 : index
      %get3A_73 = arith.constant 0 : index
      %get3A_74 = vector.load %arg8[%get3A_72, %get3A_73] : memref<8x128xf32, #tpu.memory_space<vmem>>, vector<8x128xf32>
      %swap3A_75 = arith.constant 0 : index
      %swap3A_76 = arith.constant 0 : index
      %swap3A_77 = vector.load %arg7[%swap3A_75, %swap3A_76] : memref<8x128xf32, #tpu.memory_space<vmem>>, vector<8x128xf32>
      tpu.vector_store %arg7[%swap3A_75, %swap3A_76], %get3A_74 {strides = array<i32>} : memref<8x128xf32, #tpu.memory_space<vmem>>, vector<8x128xf32>,
    } else {
    }
    return
  }
  func.func @transform_0(%arg0: i32) -> (i32, i32) {
    %c0_i32 = arith.constant 0 : i32
    %c0_i32_0 = arith.constant 0 : i32
    return %arg0, %c0_i32 : i32, i32
  }
  func.func @transform_1(%arg0: i32) -> (i32, i32) {
    %c0_i32 = arith.constant 0 : i32
    %c0_i32_0 = arith.constant 0 : i32
    %c0_i32_1 = arith.constant 0 : i32
    return %c0_i32, %c0_i32_0 : i32, i32
  }
  func.func @transform_2(%arg0: i32) -> (i32, i32) {
    %c0_i32 = arith.constant 0 : i32
    %c0_i32_0 = arith.constant 0 : i32
    %c0_i32_1 = arith.constant 0 : i32
    return %c0_i32, %c0_i32_0 : i32, i32
  }
  func.func @transform_3(%arg0: i32) -> (i32, i32) {
    %c0_i32 = arith.constant 0 : i32
    %c0_i32_0 = arith.constant 0 : i32
    %c0_i32_1 = arith.constant 0 : i32
    return %c0_i32, %c0_i32_0 : i32, i32
  }
  func.func @transform_4(%arg0: i32) -> (i32, i32) {
    %c0_i32 = arith.constant 0 : i32
    %c0_i32_0 = arith.constant 0 : i32
    %c0_i32_1 = arith.constant 0 : i32
    return %c0_i32, %c0_i32_0 : i32, i32
  }
  func.func @transform_5(%arg0: i32) -> (i32, i32) {
    %c0_i32 = arith.constant 0 : i32
    %c0_i32_0 = arith.constant 0 : i32
    %c0_i32_1 = arith.constant 0 : i32
    return %c0_i32, %c0_i32_0 : i32, i32
  }
  func.func @transform_6(%arg0: i32) -> (i32, i32) {
    %c0_i32 = arith.constant 0 : i32
    %c0_i32_0 = arith.constant 0 : i32
    %c0_i32_1 = arith.constant 0 : i32
    return %c0_i32, %c0_i32_0 : i32, i32
  }
}

module attributes {stable_mosaic.version = 14 : i64} {
  func.func @_passC_body(%arg0: i32, %arg1: memref<3200x128xbf16, #tpu.memory_space<vmem>>, %arg2: memref<3200x128xf32, #tpu.memory_space<vmem>>, %arg3: memref<320000xf32, #tpu.memory_space<vmem>>, %arg4: memref<8x128xf32, #tpu.memory_space<vmem>>, %arg5: memref<8x128xf32, #tpu.memory_space<vmem>>, %arg6: memref<128x128xf32, #tpu.memory_space<vmem>>, %arg7: memref<1x128xf32, #tpu.memory_space<vmem>>, %arg8: memref<1x128xf32, #tpu.memory_space<vmem>>, %arg9: memref<1x128xf32, #tpu.memory_space<vmem>>, %arg10: memref<128x128xf32, #tpu.memory_space<vmem>>, %arg11: memref<1x128xf32, #tpu.memory_space<vmem>>, %arg12: memref<1x128xf32, #tpu.memory_space<vmem>>, %arg13: memref<1x128xf32, #tpu.memory_space<vmem>>, %arg14: memref<128x128xf32, #tpu.memory_space<vmem>>, %arg15: memref<1x128xf32, #tpu.memory_space<vmem>>, %arg16: memref<3200x128xf32, #tpu.memory_space<vmem>>) attributes {dimension_semantics = [#tpu.dimension_semantics<arbitrary>], iteration_bounds = array<i64: 50>, scalar_prefetch = 0 : i64, scratch_operands = 0 : i64, tpu.core_type = #tpu.core_type<tc>, window_params = [{transform_indices = @transform_0, window_bounds = array<i64: 3200, 128>}, {transform_indices = @transform_1, window_bounds = array<i64: 3200, 128>}, {pipeline_mode = #tpu.pipeline_mode<synchronous>, transform_indices = @transform_2, window_bounds = array<i64: 320000>}, {pipeline_mode = #tpu.pipeline_mode<synchronous>, transform_indices = @transform_3, window_bounds = array<i64: 8, 128>}, {pipeline_mode = #tpu.pipeline_mode<synchronous>, transform_indices = @transform_4, window_bounds = array<i64: 8, 128>}, {pipeline_mode = #tpu.pipeline_mode<synchronous>, transform_indices = @transform_5, window_bounds = array<i64: 128, 128>}, {pipeline_mode = #tpu.pipeline_mode<synchronous>, transform_indices = @transform_6, window_bounds = array<i64: 1, 128>}, {pipeline_mode = #tpu.pipeline_mode<synchronous>, transform_indices = @transform_7, window_bounds = array<i64: 1, 128>}, {pipeline_mode = #tpu.pipeline_mode<synchronous>, transform_indices = @transform_8, window_bounds = array<i64: 1, 128>}, {pipeline_mode = #tpu.pipeline_mode<synchronous>, transform_indices = @transform_9, window_bounds = array<i64: 128, 128>}, {pipeline_mode = #tpu.pipeline_mode<synchronous>, transform_indices = @transform_10, window_bounds = array<i64: 1, 128>}, {pipeline_mode = #tpu.pipeline_mode<synchronous>, transform_indices = @transform_11, window_bounds = array<i64: 1, 128>}, {pipeline_mode = #tpu.pipeline_mode<synchronous>, transform_indices = @transform_12, window_bounds = array<i64: 1, 128>}, {pipeline_mode = #tpu.pipeline_mode<synchronous>, transform_indices = @transform_13, window_bounds = array<i64: 128, 128>}, {pipeline_mode = #tpu.pipeline_mode<synchronous>, transform_indices = @transform_14, window_bounds = array<i64: 1, 128>}, {transform_indices = @transform_15, window_bounds = array<i64: 3200, 128>}]} {
    %get3A = arith.constant 0 : index
    %get3A_0 = arith.constant 0 : index
    %get3A_1 = vector.load %arg1[%get3A, %get3A_0] : memref<3200x128xbf16, #tpu.memory_space<vmem>>, vector<3200x128xbf16>
    %get3A_2 = arith.constant 0 : index
    %get3A_3 = arith.constant 0 : index
    %get3A_4 = vector.load %arg4[%get3A_2, %get3A_3] : memref<8x128xf32, #tpu.memory_space<vmem>>, vector<1x128xf32>
    %div3A = arith.constant 3.200000e+05 : f32
    %div3A_5 = vector.broadcast %div3A : f32 to vector<1x128xf32>
    %div3A_6 = arith.divf %get3A_4, %div3A_5 : vector<1x128xf32>
    %get3A_7 = arith.constant 1 : index
    %get3A_8 = arith.constant 0 : index
    %get3A_9 = vector.load %arg4[%get3A_7, %get3A_8] : memref<8x128xf32, #tpu.memory_space<vmem>>, vector<1x128xf32>
    %div3A_10 = arith.constant 3.200000e+05 : f32
    %div3A_11 = vector.broadcast %div3A_10 : f32 to vector<1x128xf32>
    %div3A_12 = arith.divf %get3A_9, %div3A_11 : vector<1x128xf32>
    %mul3A = arith.mulf %div3A_6, %div3A_6 : vector<1x128xf32>
    %sub3A = arith.subf %div3A_12, %mul3A : vector<1x128xf32>
    %get3A_13 = arith.constant 0 : index
    %get3A_14 = arith.constant 0 : index
    %get3A_15 = vector.load %arg8[%get3A_13, %get3A_14] : memref<1x128xf32, #tpu.memory_space<vmem>>, vector<1x128xf32>
    %add3A = arith.constant 9.99999974E-6 : f32
    %add3A_16 = vector.broadcast %add3A : f32 to vector<1x128xf32>
    %add3A_17 = arith.addf %sub3A, %add3A_16 : vector<1x128xf32>
    %rsqrt3A = math.rsqrt %add3A_17 : vector<1x128xf32>
    %mul3A_18 = arith.mulf %get3A_15, %rsqrt3A : vector<1x128xf32>
    %get3A_19 = arith.constant 0 : index
    %get3A_20 = arith.constant 0 : index
    %get3A_21 = vector.load %arg9[%get3A_19, %get3A_20] : memref<1x128xf32, #tpu.memory_space<vmem>>, vector<1x128xf32>
    %mul3A_22 = arith.mulf %div3A_6, %mul3A_18 : vector<1x128xf32>
    %sub3A_23 = arith.subf %get3A_21, %mul3A_22 : vector<1x128xf32>
    %transpose3A = tpu.transpose %mul3A_18, [1, 0] : vector<1x128xf32> -> vector<128x1xf32>
    %get3A_24 = arith.constant 0 : index
    %get3A_25 = arith.constant 0 : index
    %get3A_26 = vector.load %arg6[%get3A_24, %get3A_25] : memref<128x128xf32, #tpu.memory_space<vmem>>, vector<128x128xf32>
    %mul3A_27 = vector.broadcast %transpose3A : vector<128x1xf32> to vector<128x128xf32>
    %mul3A_28 = arith.mulf %mul3A_27, %get3A_26 : vector<128x128xf32>
    %convert_element_type3A = arith.truncf %mul3A_28 : vector<128x128xf32> to vector<128x128xbf16>
    %get3A_29 = arith.constant 0 : index
    %get3A_30 = arith.constant 0 : index
    %get3A_31 = vector.load %arg6[%get3A_29, %get3A_30] : memref<128x128xf32, #tpu.memory_space<vmem>>, vector<128x128xf32>
    %dot_general3A = arith.constant dense<0.000000e+00> : vector<1x128xf32>
    %dot_general3A_32 = tpu.matmul %sub3A_23, %get3A_31, %dot_general3A {dimension_numbers = #tpu.dot_dimension_numbers<[1], [0], [0], [1], [0, 0, 1, 1], [], []>, transpose_lhs_hint = false} : vector<1x128xf32>, vector<128x128xf32>, vector<1x128xf32> -> vector<1x128xf32>
    %get3A_33 = arith.constant 0 : index
    %get3A_34 = arith.constant 0 : index
    %get3A_35 = vector.load %arg7[%get3A_33, %get3A_34] : memref<1x128xf32, #tpu.memory_space<vmem>>, vector<1x128xf32>
    %add3A_36 = arith.addf %dot_general3A_32, %get3A_35 : vector<1x128xf32>
    %dot_general3A_37 = arith.constant dense<0.000000e+00> : vector<3200x128xf32>
    %dot_general3A_38 = tpu.matmul %get3A_1, %convert_element_type3A, %dot_general3A_37 {dimension_numbers = #tpu.dot_dimension_numbers<[1], [0], [0], [1], [0, 0, 1, 1], [], []>, transpose_lhs_hint = false} : vector<3200x128xbf16>, vector<128x128xbf16>, vector<3200x128xf32> -> vector<3200x128xf32>
    %add3A_39 = vector.broadcast %add3A_36 : vector<1x128xf32> to vector<3200x128xf32>
    %add3A_40 = arith.addf %dot_general3A_38, %add3A_39 : vector<3200x128xf32>
    %ge3A = arith.constant 0.000000e+00 : f32
    %ge3A_41 = vector.broadcast %ge3A : f32 to vector<3200x128xf32>
    %ge3A_42 = arith.cmpf oge, %add3A_40, %ge3A_41 : vector<3200x128xf32>
    %mul3A_43 = arith.constant 0.00999999977 : f32
    %mul3A_44 = vector.broadcast %mul3A_43 : f32 to vector<3200x128xf32>
    %mul3A_45 = arith.mulf %mul3A_44, %add3A_40 : vector<3200x128xf32>
    %select_n3A = arith.select %ge3A_42, %add3A_40, %mul3A_45 : vector<3200x128xi1>, vector<3200x128xf32>
    %get3A_46 = arith.constant 0 : index
    %get3A_47 = arith.constant 0 : index
    %get3A_48 = vector.load %arg5[%get3A_46, %get3A_47] : memref<8x128xf32, #tpu.memory_space<vmem>>, vector<1x128xf32>
    %div3A_49 = arith.constant 3.200000e+05 : f32
    %div3A_50 = vector.broadcast %div3A_49 : f32 to vector<1x128xf32>
    %div3A_51 = arith.divf %get3A_48, %div3A_50 : vector<1x128xf32>
    %get3A_52 = arith.constant 1 : index
    %get3A_53 = arith.constant 0 : index
    %get3A_54 = vector.load %arg5[%get3A_52, %get3A_53] : memref<8x128xf32, #tpu.memory_space<vmem>>, vector<1x128xf32>
    %div3A_55 = arith.constant 3.200000e+05 : f32
    %div3A_56 = vector.broadcast %div3A_55 : f32 to vector<1x128xf32>
    %div3A_57 = arith.divf %get3A_54, %div3A_56 : vector<1x128xf32>
    %mul3A_58 = arith.mulf %div3A_51, %div3A_51 : vector<1x128xf32>
    %sub3A_59 = arith.subf %div3A_57, %mul3A_58 : vector<1x128xf32>
    %get3A_60 = arith.constant 0 : index
    %get3A_61 = arith.constant 0 : index
    %get3A_62 = vector.load %arg12[%get3A_60, %get3A_61] : memref<1x128xf32, #tpu.memory_space<vmem>>, vector<1x128xf32>
    %add3A_63 = arith.constant 9.99999974E-6 : f32
    %add3A_64 = vector.broadcast %add3A_63 : f32 to vector<1x128xf32>
    %add3A_65 = arith.addf %sub3A_59, %add3A_64 : vector<1x128xf32>
    %rsqrt3A_66 = math.rsqrt %add3A_65 : vector<1x128xf32>
    %mul3A_67 = arith.mulf %get3A_62, %rsqrt3A_66 : vector<1x128xf32>
    %get3A_68 = arith.constant 0 : index
    %get3A_69 = arith.constant 0 : index
    %get3A_70 = vector.load %arg13[%get3A_68, %get3A_69] : memref<1x128xf32, #tpu.memory_space<vmem>>, vector<1x128xf32>
    %mul3A_71 = arith.mulf %div3A_51, %mul3A_67 : vector<1x128xf32>
    %sub3A_72 = arith.subf %get3A_70, %mul3A_71 : vector<1x128xf32>
    %transpose3A_73 = tpu.transpose %mul3A_67, [1, 0] : vector<1x128xf32> -> vector<128x1xf32>
    %get3A_74 = arith.constant 0 : index
    %get3A_75 = arith.constant 0 : index
    %get3A_76 = vector.load %arg10[%get3A_74, %get3A_75] : memref<128x128xf32, #tpu.memory_space<vmem>>, vector<128x128xf32>
    %mul3A_77 = vector.broadcast %transpose3A_73 : vector<128x1xf32> to vector<128x128xf32>
    %mul3A_78 = arith.mulf %mul3A_77, %get3A_76 : vector<128x128xf32>
    %convert_element_type3A_79 = arith.truncf %mul3A_78 : vector<128x128xf32> to vector<128x128xbf16>
    %get3A_80 = arith.constant 0 : index
    %get3A_81 = arith.constant 0 : index
    %get3A_82 = vector.load %arg10[%get3A_80, %get3A_81] : memref<128x128xf32, #tpu.memory_space<vmem>>, vector<128x128xf32>
    %dot_general3A_83 = arith.constant dense<0.000000e+00> : vector<1x128xf32>
    %dot_general3A_84 = tpu.matmul %sub3A_72, %get3A_82, %dot_general3A_83 {dimension_numbers = #tpu.dot_dimension_numbers<[1], [0], [0], [1], [0, 0, 1, 1], [], []>, transpose_lhs_hint = false} : vector<1x128xf32>, vector<128x128xf32>, vector<1x128xf32> -> vector<1x128xf32>
    %get3A_85 = arith.constant 0 : index
    %get3A_86 = arith.constant 0 : index
    %get3A_87 = vector.load %arg11[%get3A_85, %get3A_86] : memref<1x128xf32, #tpu.memory_space<vmem>>, vector<1x128xf32>
    %add3A_88 = arith.addf %dot_general3A_84, %get3A_87 : vector<1x128xf32>
    %convert_element_type3A_89 = arith.truncf %select_n3A : vector<3200x128xf32> to vector<3200x128xbf16>
    %dot_general3A_90 = arith.constant dense<0.000000e+00> : vector<3200x128xf32>
    %dot_general3A_91 = tpu.matmul %convert_element_type3A_89, %convert_element_type3A_79, %dot_general3A_90 {dimension_numbers = #tpu.dot_dimension_numbers<[1], [0], [0], [1], [0, 0, 1, 1], [], []>, transpose_lhs_hint = false} : vector<3200x128xbf16>, vector<128x128xbf16>, vector<3200x128xf32> -> vector<3200x128xf32>
    %add3A_92 = vector.broadcast %add3A_88 : vector<1x128xf32> to vector<3200x128xf32>
    %add3A_93 = arith.addf %dot_general3A_91, %add3A_92 : vector<3200x128xf32>
    %get3A_94 = arith.constant 0 : index
    %get3A_95 = arith.constant 0 : index
    %get3A_96 = vector.load %arg2[%get3A_94, %get3A_95] : memref<3200x128xf32, #tpu.memory_space<vmem>>, vector<3200x128xf32>
    %convert_element_type3A_97 = arith.truncf %get3A_96 : vector<3200x128xf32> to vector<3200x128xbf16>
    %get3A_98 = arith.constant 0 : index
    %get3A_99 = arith.constant 0 : index
    %get3A_100 = vector.load %arg14[%get3A_98, %get3A_99] : memref<128x128xf32, #tpu.memory_space<vmem>>, vector<128x128xf32>
    %convert_element_type3A_101 = arith.truncf %get3A_100 : vector<128x128xf32> to vector<128x128xbf16>
    %dot_general3A_102 = arith.constant dense<0.000000e+00> : vector<3200x128xf32>
    %dot_general3A_103 = tpu.matmul %convert_element_type3A_97, %convert_element_type3A_101, %dot_general3A_102 {dimension_numbers = #tpu.dot_dimension_numbers<[1], [0], [0], [1], [0, 0, 1, 1], [], []>, transpose_lhs_hint = false} : vector<3200x128xbf16>, vector<128x128xbf16>, vector<3200x128xf32> -> vector<3200x128xf32>
    %get3A_104 = arith.constant 0 : index
    %get3A_105 = arith.constant 0 : index
    %get3A_106 = vector.load %arg15[%get3A_104, %get3A_105] : memref<1x128xf32, #tpu.memory_space<vmem>>, vector<1x128xf32>
    %add3A_107 = vector.broadcast %get3A_106 : vector<1x128xf32> to vector<3200x128xf32>
    %add3A_108 = arith.addf %dot_general3A_103, %add3A_107 : vector<3200x128xf32>
    %mul3A_109 = arith.constant 3200 : i32
    %mul3A_110 = arith.muli %arg0, %mul3A_109 : i32
    %add3A_111 = arith.constant 0 : i32
    %add3A_112 = arith.addi %add3A_111, %mul3A_110 : i32
    %get3A_113 = arith.index_cast %add3A_112 : i32 to index
    %get3A_114 = vector.load %arg3[%get3A_113] : memref<320000xf32, #tpu.memory_space<vmem>>, vector<3200xf32>
    %mul3A_115 = arith.constant 1.57079637 : f32
    %mul3A_116 = vector.broadcast %mul3A_115 : f32 to vector<3200xf32>
    %mul3A_117 = arith.mulf %mul3A_116, %get3A_114 : vector<3200xf32>
    %mul3A_118 = arith.mulf %mul3A_117, %mul3A_117 : vector<3200xf32>
    %mul3A_119 = arith.constant 2.08767559E-9 : f32
    %mul3A_120 = vector.broadcast %mul3A_119 : f32 to vector<3200xf32>
    %mul3A_121 = arith.mulf %mul3A_120, %mul3A_118 : vector<3200xf32>
    %add3A_122 = arith.constant -2.755732E-7 : f32
    %add3A_123 = vector.broadcast %add3A_122 : f32 to vector<3200xf32>
    %add3A_124 = arith.addf %mul3A_121, %add3A_123 : vector<3200xf32>
    %mul3A_125 = arith.mulf %add3A_124, %mul3A_118 : vector<3200xf32>
    %add3A_126 = arith.constant 2.48015876E-5 : f32
    %add3A_127 = vector.broadcast %add3A_126 : f32 to vector<3200xf32>
    %add3A_128 = arith.addf %mul3A_125, %add3A_127 : vector<3200xf32>
    %mul3A_129 = arith.mulf %add3A_128, %mul3A_118 : vector<3200xf32>
    %add3A_130 = arith.constant -0.00138888892 : f32
    %add3A_131 = vector.broadcast %add3A_130 : f32 to vector<3200xf32>
    %add3A_132 = arith.addf %mul3A_129, %add3A_131 : vector<3200xf32>
    %mul3A_133 = arith.mulf %add3A_132, %mul3A_118 : vector<3200xf32>
    %add3A_134 = arith.constant 0.0416666679 : f32
    %add3A_135 = vector.broadcast %add3A_134 : f32 to vector<3200xf32>
    %add3A_136 = arith.addf %mul3A_133, %add3A_135 : vector<3200xf32>
    %mul3A_137 = arith.mulf %add3A_136, %mul3A_118 : vector<3200xf32>
    %add3A_138 = arith.constant -5.000000e-01 : f32
    %add3A_139 = vector.broadcast %add3A_138 : f32 to vector<3200xf32>
    %add3A_140 = arith.addf %mul3A_137, %add3A_139 : vector<3200xf32>
    %mul3A_141 = arith.mulf %add3A_140, %mul3A_118 : vector<3200xf32>
    %add3A_142 = arith.constant 1.000000e+00 : f32
    %add3A_143 = vector.broadcast %add3A_142 : f32 to vector<3200xf32>
    %add3A_144 = arith.addf %mul3A_141, %add3A_143 : vector<3200xf32>
    %reshape3A = vector.shape_cast %add3A_144 : vector<3200xf32> to vector<3200x1xf32>
    %mul3A_145 = vector.broadcast %reshape3A : vector<3200x1xf32> to vector<3200x128xf32>
    %mul3A_146 = arith.mulf %mul3A_145, %add3A_93 : vector<3200x128xf32>
    %mul3A_147 = arith.mulf %mul3A_146, %add3A_108 : vector<3200x128xf32>
    %swap3A = arith.constant 0 : index
    %swap3A_148 = arith.constant 0 : index
    %swap3A_149 = vector.load %arg16[%swap3A, %swap3A_148] : memref<3200x128xf32, #tpu.memory_space<vmem>>, vector<3200x128xf32>
    tpu.vector_store %arg16[%swap3A, %swap3A_148], %mul3A_147 {strides = array<i32>} : memref<3200x128xf32, #tpu.memory_space<vmem>>, vector<3200x128xf32>,
    return
  }
  func.func @transform_0(%arg0: i32) -> (i32, i32) {
    %c0_i32 = arith.constant 0 : i32
    %c0_i32_0 = arith.constant 0 : i32
    return %arg0, %c0_i32 : i32, i32
  }
  func.func @transform_1(%arg0: i32) -> (i32, i32) {
    %c0_i32 = arith.constant 0 : i32
    %c0_i32_0 = arith.constant 0 : i32
    return %arg0, %c0_i32 : i32, i32
  }
  func.func @transform_2(%arg0: i32) -> i32 {
    %c0_i32 = arith.constant 0 : i32
    %c0_i32_0 = arith.constant 0 : i32
    return %c0_i32 : i32
  }
  func.func @transform_3(%arg0: i32) -> (i32, i32) {
    %c0_i32 = arith.constant 0 : i32
    %c0_i32_0 = arith.constant 0 : i32
    %c0_i32_1 = arith.constant 0 : i32
    return %c0_i32, %c0_i32_0 : i32, i32
  }
  func.func @transform_4(%arg0: i32) -> (i32, i32) {
    %c0_i32 = arith.constant 0 : i32
    %c0_i32_0 = arith.constant 0 : i32
    %c0_i32_1 = arith.constant 0 : i32
    return %c0_i32, %c0_i32_0 : i32, i32
  }
  func.func @transform_5(%arg0: i32) -> (i32, i32) {
    %c0_i32 = arith.constant 0 : i32
    %c0_i32_0 = arith.constant 0 : i32
    %c0_i32_1 = arith.constant 0 : i32
    return %c0_i32, %c0_i32_0 : i32, i32
  }
  func.func @transform_6(%arg0: i32) -> (i32, i32) {
    %c0_i32 = arith.constant 0 : i32
    %c0_i32_0 = arith.constant 0 : i32
    %c0_i32_1 = arith.constant 0 : i32
    return %c0_i32, %c0_i32_0 : i32, i32
  }
  func.func @transform_7(%arg0: i32) -> (i32, i32) {
    %c0_i32 = arith.constant 0 : i32
    %c0_i32_0 = arith.constant 0 : i32
    %c0_i32_1 = arith.constant 0 : i32
    return %c0_i32, %c0_i32_0 : i32, i32
  }
  func.func @transform_8(%arg0: i32) -> (i32, i32) {
    %c0_i32 = arith.constant 0 : i32
    %c0_i32_0 = arith.constant 0 : i32
    %c0_i32_1 = arith.constant 0 : i32
    return %c0_i32, %c0_i32_0 : i32, i32
  }
  func.func @transform_9(%arg0: i32) -> (i32, i32) {
    %c0_i32 = arith.constant 0 : i32
    %c0_i32_0 = arith.constant 0 : i32
    %c0_i32_1 = arith.constant 0 : i32
    return %c0_i32, %c0_i32_0 : i32, i32
  }
  func.func @transform_10(%arg0: i32) -> (i32, i32) {
    %c0_i32 = arith.constant 0 : i32
    %c0_i32_0 = arith.constant 0 : i32
    %c0_i32_1 = arith.constant 0 : i32
    return %c0_i32, %c0_i32_0 : i32, i32
  }
  func.func @transform_11(%arg0: i32) -> (i32, i32) {
    %c0_i32 = arith.constant 0 : i32
    %c0_i32_0 = arith.constant 0 : i32
    %c0_i32_1 = arith.constant 0 : i32
    return %c0_i32, %c0_i32_0 : i32, i32
  }
  func.func @transform_12(%arg0: i32) -> (i32, i32) {
    %c0_i32 = arith.constant 0 : i32
    %c0_i32_0 = arith.constant 0 : i32
    %c0_i32_1 = arith.constant 0 : i32
    return %c0_i32, %c0_i32_0 : i32, i32
  }
  func.func @transform_13(%arg0: i32) -> (i32, i32) {
    %c0_i32 = arith.constant 0 : i32
    %c0_i32_0 = arith.constant 0 : i32
    %c0_i32_1 = arith.constant 0 : i32
    return %c0_i32, %c0_i32_0 : i32, i32
  }
  func.func @transform_14(%arg0: i32) -> (i32, i32) {
    %c0_i32 = arith.constant 0 : i32
    %c0_i32_0 = arith.constant 0 : i32
    %c0_i32_1 = arith.constant 0 : i32
    return %c0_i32, %c0_i32_0 : i32, i32
  }
  func.func @transform_15(%arg0: i32) -> (i32, i32) {
    %c0_i32 = arith.constant 0 : i32
    %c0_i32_0 = arith.constant 0 : i32
    return %arg0, %c0_i32 : i32, i32
  }
}

module attributes {stable_mosaic.version = 14 : i64} {
  func.func @_passC_body(%arg0: i32, %arg1: memref<3200x128xbf16, #tpu.memory_space<vmem>>, %arg2: memref<3200x128xf32, #tpu.memory_space<vmem>>, %arg3: memref<320000xf32, #tpu.memory_space<vmem>>, %arg4: memref<8x128xf32, #tpu.memory_space<vmem>>, %arg5: memref<8x128xf32, #tpu.memory_space<vmem>>, %arg6: memref<128x128xf32, #tpu.memory_space<vmem>>, %arg7: memref<1x128xf32, #tpu.memory_space<vmem>>, %arg8: memref<1x128xf32, #tpu.memory_space<vmem>>, %arg9: memref<1x128xf32, #tpu.memory_space<vmem>>, %arg10: memref<128x128xf32, #tpu.memory_space<vmem>>, %arg11: memref<1x128xf32, #tpu.memory_space<vmem>>, %arg12: memref<1x128xf32, #tpu.memory_space<vmem>>, %arg13: memref<1x128xf32, #tpu.memory_space<vmem>>, %arg14: memref<128x128xf32, #tpu.memory_space<vmem>>, %arg15: memref<1x128xf32, #tpu.memory_space<vmem>>, %arg16: memref<3200x128xf32, #tpu.memory_space<vmem>>) attributes {dimension_semantics = [#tpu.dimension_semantics<arbitrary>], iteration_bounds = array<i64: 50>, scalar_prefetch = 0 : i64, scratch_operands = 0 : i64, tpu.core_type = #tpu.core_type<tc>, window_params = [{transform_indices = @transform_0, window_bounds = array<i64: 3200, 128>}, {transform_indices = @transform_1, window_bounds = array<i64: 3200, 128>}, {pipeline_mode = #tpu.pipeline_mode<synchronous>, transform_indices = @transform_2, window_bounds = array<i64: 320000>}, {pipeline_mode = #tpu.pipeline_mode<synchronous>, transform_indices = @transform_3, window_bounds = array<i64: 8, 128>}, {pipeline_mode = #tpu.pipeline_mode<synchronous>, transform_indices = @transform_4, window_bounds = array<i64: 8, 128>}, {pipeline_mode = #tpu.pipeline_mode<synchronous>, transform_indices = @transform_5, window_bounds = array<i64: 128, 128>}, {pipeline_mode = #tpu.pipeline_mode<synchronous>, transform_indices = @transform_6, window_bounds = array<i64: 1, 128>}, {pipeline_mode = #tpu.pipeline_mode<synchronous>, transform_indices = @transform_7, window_bounds = array<i64: 1, 128>}, {pipeline_mode = #tpu.pipeline_mode<synchronous>, transform_indices = @transform_8, window_bounds = array<i64: 1, 128>}, {pipeline_mode = #tpu.pipeline_mode<synchronous>, transform_indices = @transform_9, window_bounds = array<i64: 128, 128>}, {pipeline_mode = #tpu.pipeline_mode<synchronous>, transform_indices = @transform_10, window_bounds = array<i64: 1, 128>}, {pipeline_mode = #tpu.pipeline_mode<synchronous>, transform_indices = @transform_11, window_bounds = array<i64: 1, 128>}, {pipeline_mode = #tpu.pipeline_mode<synchronous>, transform_indices = @transform_12, window_bounds = array<i64: 1, 128>}, {pipeline_mode = #tpu.pipeline_mode<synchronous>, transform_indices = @transform_13, window_bounds = array<i64: 128, 128>}, {pipeline_mode = #tpu.pipeline_mode<synchronous>, transform_indices = @transform_14, window_bounds = array<i64: 1, 128>}, {transform_indices = @transform_15, window_bounds = array<i64: 3200, 128>}]} {
    %get3A = arith.constant 0 : index
    %get3A_0 = arith.constant 0 : index
    %get3A_1 = vector.load %arg1[%get3A, %get3A_0] : memref<3200x128xbf16, #tpu.memory_space<vmem>>, vector<3200x128xbf16>
    %get3A_2 = arith.constant 0 : index
    %get3A_3 = arith.constant 0 : index
    %get3A_4 = vector.load %arg4[%get3A_2, %get3A_3] : memref<8x128xf32, #tpu.memory_space<vmem>>, vector<1x128xf32>
    %div3A = arith.constant 3.200000e+05 : f32
    %div3A_5 = vector.broadcast %div3A : f32 to vector<1x128xf32>
    %div3A_6 = arith.divf %get3A_4, %div3A_5 : vector<1x128xf32>
    %get3A_7 = arith.constant 1 : index
    %get3A_8 = arith.constant 0 : index
    %get3A_9 = vector.load %arg4[%get3A_7, %get3A_8] : memref<8x128xf32, #tpu.memory_space<vmem>>, vector<1x128xf32>
    %div3A_10 = arith.constant 3.200000e+05 : f32
    %div3A_11 = vector.broadcast %div3A_10 : f32 to vector<1x128xf32>
    %div3A_12 = arith.divf %get3A_9, %div3A_11 : vector<1x128xf32>
    %mul3A = arith.mulf %div3A_6, %div3A_6 : vector<1x128xf32>
    %sub3A = arith.subf %div3A_12, %mul3A : vector<1x128xf32>
    %get3A_13 = arith.constant 0 : index
    %get3A_14 = arith.constant 0 : index
    %get3A_15 = vector.load %arg8[%get3A_13, %get3A_14] : memref<1x128xf32, #tpu.memory_space<vmem>>, vector<1x128xf32>
    %add3A = arith.constant 9.99999974E-6 : f32
    %add3A_16 = vector.broadcast %add3A : f32 to vector<1x128xf32>
    %add3A_17 = arith.addf %sub3A, %add3A_16 : vector<1x128xf32>
    %rsqrt3A = math.rsqrt %add3A_17 : vector<1x128xf32>
    %mul3A_18 = arith.mulf %get3A_15, %rsqrt3A : vector<1x128xf32>
    %get3A_19 = arith.constant 0 : index
    %get3A_20 = arith.constant 0 : index
    %get3A_21 = vector.load %arg9[%get3A_19, %get3A_20] : memref<1x128xf32, #tpu.memory_space<vmem>>, vector<1x128xf32>
    %mul3A_22 = arith.mulf %div3A_6, %mul3A_18 : vector<1x128xf32>
    %sub3A_23 = arith.subf %get3A_21, %mul3A_22 : vector<1x128xf32>
    %transpose3A = tpu.transpose %mul3A_18, [1, 0] : vector<1x128xf32> -> vector<128x1xf32>
    %get3A_24 = arith.constant 0 : index
    %get3A_25 = arith.constant 0 : index
    %get3A_26 = vector.load %arg6[%get3A_24, %get3A_25] : memref<128x128xf32, #tpu.memory_space<vmem>>, vector<128x128xf32>
    %mul3A_27 = vector.broadcast %transpose3A : vector<128x1xf32> to vector<128x128xf32>
    %mul3A_28 = arith.mulf %mul3A_27, %get3A_26 : vector<128x128xf32>
    %convert_element_type3A = arith.truncf %mul3A_28 : vector<128x128xf32> to vector<128x128xbf16>
    %get3A_29 = arith.constant 0 : index
    %get3A_30 = arith.constant 0 : index
    %get3A_31 = vector.load %arg6[%get3A_29, %get3A_30] : memref<128x128xf32, #tpu.memory_space<vmem>>, vector<128x128xf32>
    %dot_general3A = arith.constant dense<0.000000e+00> : vector<1x128xf32>
    %dot_general3A_32 = tpu.matmul %sub3A_23, %get3A_31, %dot_general3A {dimension_numbers = #tpu.dot_dimension_numbers<[1], [0], [0], [1], [0, 0, 1, 1], [], []>, transpose_lhs_hint = false} : vector<1x128xf32>, vector<128x128xf32>, vector<1x128xf32> -> vector<1x128xf32>
    %get3A_33 = arith.constant 0 : index
    %get3A_34 = arith.constant 0 : index
    %get3A_35 = vector.load %arg7[%get3A_33, %get3A_34] : memref<1x128xf32, #tpu.memory_space<vmem>>, vector<1x128xf32>
    %add3A_36 = arith.addf %dot_general3A_32, %get3A_35 : vector<1x128xf32>
    %dot_general3A_37 = arith.constant dense<0.000000e+00> : vector<3200x128xf32>
    %dot_general3A_38 = tpu.matmul %get3A_1, %convert_element_type3A, %dot_general3A_37 {dimension_numbers = #tpu.dot_dimension_numbers<[1], [0], [0], [1], [0, 0, 1, 1], [], []>, transpose_lhs_hint = false} : vector<3200x128xbf16>, vector<128x128xbf16>, vector<3200x128xf32> -> vector<3200x128xf32>
    %add3A_39 = vector.broadcast %add3A_36 : vector<1x128xf32> to vector<3200x128xf32>
    %add3A_40 = arith.addf %dot_general3A_38, %add3A_39 : vector<3200x128xf32>
    %ge3A = arith.constant 0.000000e+00 : f32
    %ge3A_41 = vector.broadcast %ge3A : f32 to vector<3200x128xf32>
    %ge3A_42 = arith.cmpf oge, %add3A_40, %ge3A_41 : vector<3200x128xf32>
    %mul3A_43 = arith.constant 0.00999999977 : f32
    %mul3A_44 = vector.broadcast %mul3A_43 : f32 to vector<3200x128xf32>
    %mul3A_45 = arith.mulf %mul3A_44, %add3A_40 : vector<3200x128xf32>
    %select_n3A = arith.select %ge3A_42, %add3A_40, %mul3A_45 : vector<3200x128xi1>, vector<3200x128xf32>
    %get3A_46 = arith.constant 0 : index
    %get3A_47 = arith.constant 0 : index
    %get3A_48 = vector.load %arg5[%get3A_46, %get3A_47] : memref<8x128xf32, #tpu.memory_space<vmem>>, vector<1x128xf32>
    %div3A_49 = arith.constant 3.200000e+05 : f32
    %div3A_50 = vector.broadcast %div3A_49 : f32 to vector<1x128xf32>
    %div3A_51 = arith.divf %get3A_48, %div3A_50 : vector<1x128xf32>
    %get3A_52 = arith.constant 1 : index
    %get3A_53 = arith.constant 0 : index
    %get3A_54 = vector.load %arg5[%get3A_52, %get3A_53] : memref<8x128xf32, #tpu.memory_space<vmem>>, vector<1x128xf32>
    %div3A_55 = arith.constant 3.200000e+05 : f32
    %div3A_56 = vector.broadcast %div3A_55 : f32 to vector<1x128xf32>
    %div3A_57 = arith.divf %get3A_54, %div3A_56 : vector<1x128xf32>
    %mul3A_58 = arith.mulf %div3A_51, %div3A_51 : vector<1x128xf32>
    %sub3A_59 = arith.subf %div3A_57, %mul3A_58 : vector<1x128xf32>
    %get3A_60 = arith.constant 0 : index
    %get3A_61 = arith.constant 0 : index
    %get3A_62 = vector.load %arg12[%get3A_60, %get3A_61] : memref<1x128xf32, #tpu.memory_space<vmem>>, vector<1x128xf32>
    %add3A_63 = arith.constant 9.99999974E-6 : f32
    %add3A_64 = vector.broadcast %add3A_63 : f32 to vector<1x128xf32>
    %add3A_65 = arith.addf %sub3A_59, %add3A_64 : vector<1x128xf32>
    %rsqrt3A_66 = math.rsqrt %add3A_65 : vector<1x128xf32>
    %mul3A_67 = arith.mulf %get3A_62, %rsqrt3A_66 : vector<1x128xf32>
    %get3A_68 = arith.constant 0 : index
    %get3A_69 = arith.constant 0 : index
    %get3A_70 = vector.load %arg13[%get3A_68, %get3A_69] : memref<1x128xf32, #tpu.memory_space<vmem>>, vector<1x128xf32>
    %mul3A_71 = arith.mulf %div3A_51, %mul3A_67 : vector<1x128xf32>
    %sub3A_72 = arith.subf %get3A_70, %mul3A_71 : vector<1x128xf32>
    %transpose3A_73 = tpu.transpose %mul3A_67, [1, 0] : vector<1x128xf32> -> vector<128x1xf32>
    %get3A_74 = arith.constant 0 : index
    %get3A_75 = arith.constant 0 : index
    %get3A_76 = vector.load %arg10[%get3A_74, %get3A_75] : memref<128x128xf32, #tpu.memory_space<vmem>>, vector<128x128xf32>
    %mul3A_77 = vector.broadcast %transpose3A_73 : vector<128x1xf32> to vector<128x128xf32>
    %mul3A_78 = arith.mulf %mul3A_77, %get3A_76 : vector<128x128xf32>
    %convert_element_type3A_79 = arith.truncf %mul3A_78 : vector<128x128xf32> to vector<128x128xbf16>
    %get3A_80 = arith.constant 0 : index
    %get3A_81 = arith.constant 0 : index
    %get3A_82 = vector.load %arg10[%get3A_80, %get3A_81] : memref<128x128xf32, #tpu.memory_space<vmem>>, vector<128x128xf32>
    %dot_general3A_83 = arith.constant dense<0.000000e+00> : vector<1x128xf32>
    %dot_general3A_84 = tpu.matmul %sub3A_72, %get3A_82, %dot_general3A_83 {dimension_numbers = #tpu.dot_dimension_numbers<[1], [0], [0], [1], [0, 0, 1, 1], [], []>, transpose_lhs_hint = false} : vector<1x128xf32>, vector<128x128xf32>, vector<1x128xf32> -> vector<1x128xf32>
    %get3A_85 = arith.constant 0 : index
    %get3A_86 = arith.constant 0 : index
    %get3A_87 = vector.load %arg11[%get3A_85, %get3A_86] : memref<1x128xf32, #tpu.memory_space<vmem>>, vector<1x128xf32>
    %add3A_88 = arith.addf %dot_general3A_84, %get3A_87 : vector<1x128xf32>
    %convert_element_type3A_89 = arith.truncf %select_n3A : vector<3200x128xf32> to vector<3200x128xbf16>
    %dot_general3A_90 = arith.constant dense<0.000000e+00> : vector<3200x128xf32>
    %dot_general3A_91 = tpu.matmul %convert_element_type3A_89, %convert_element_type3A_79, %dot_general3A_90 {dimension_numbers = #tpu.dot_dimension_numbers<[1], [0], [0], [1], [0, 0, 1, 1], [], []>, transpose_lhs_hint = false} : vector<3200x128xbf16>, vector<128x128xbf16>, vector<3200x128xf32> -> vector<3200x128xf32>
    %add3A_92 = vector.broadcast %add3A_88 : vector<1x128xf32> to vector<3200x128xf32>
    %add3A_93 = arith.addf %dot_general3A_91, %add3A_92 : vector<3200x128xf32>
    %get3A_94 = arith.constant 0 : index
    %get3A_95 = arith.constant 0 : index
    %get3A_96 = vector.load %arg2[%get3A_94, %get3A_95] : memref<3200x128xf32, #tpu.memory_space<vmem>>, vector<3200x128xf32>
    %convert_element_type3A_97 = arith.truncf %get3A_96 : vector<3200x128xf32> to vector<3200x128xbf16>
    %get3A_98 = arith.constant 0 : index
    %get3A_99 = arith.constant 0 : index
    %get3A_100 = vector.load %arg14[%get3A_98, %get3A_99] : memref<128x128xf32, #tpu.memory_space<vmem>>, vector<128x128xf32>
    %convert_element_type3A_101 = arith.truncf %get3A_100 : vector<128x128xf32> to vector<128x128xbf16>
    %dot_general3A_102 = arith.constant dense<0.000000e+00> : vector<3200x128xf32>
    %dot_general3A_103 = tpu.matmul %convert_element_type3A_97, %convert_element_type3A_101, %dot_general3A_102 {dimension_numbers = #tpu.dot_dimension_numbers<[1], [0], [0], [1], [0, 0, 1, 1], [], []>, transpose_lhs_hint = false} : vector<3200x128xbf16>, vector<128x128xbf16>, vector<3200x128xf32> -> vector<3200x128xf32>
    %get3A_104 = arith.constant 0 : index
    %get3A_105 = arith.constant 0 : index
    %get3A_106 = vector.load %arg15[%get3A_104, %get3A_105] : memref<1x128xf32, #tpu.memory_space<vmem>>, vector<1x128xf32>
    %add3A_107 = vector.broadcast %get3A_106 : vector<1x128xf32> to vector<3200x128xf32>
    %add3A_108 = arith.addf %dot_general3A_103, %add3A_107 : vector<3200x128xf32>
    %mul3A_109 = arith.constant 3200 : i32
    %mul3A_110 = arith.muli %arg0, %mul3A_109 : i32
    %add3A_111 = arith.constant 160000 : i32
    %add3A_112 = arith.addi %add3A_111, %mul3A_110 : i32
    %get3A_113 = arith.index_cast %add3A_112 : i32 to index
    %get3A_114 = vector.load %arg3[%get3A_113] : memref<320000xf32, #tpu.memory_space<vmem>>, vector<3200xf32>
    %mul3A_115 = arith.constant 1.57079637 : f32
    %mul3A_116 = vector.broadcast %mul3A_115 : f32 to vector<3200xf32>
    %mul3A_117 = arith.mulf %mul3A_116, %get3A_114 : vector<3200xf32>
    %mul3A_118 = arith.mulf %mul3A_117, %mul3A_117 : vector<3200xf32>
    %mul3A_119 = arith.constant 2.08767559E-9 : f32
    %mul3A_120 = vector.broadcast %mul3A_119 : f32 to vector<3200xf32>
    %mul3A_121 = arith.mulf %mul3A_120, %mul3A_118 : vector<3200xf32>
    %add3A_122 = arith.constant -2.755732E-7 : f32
    %add3A_123 = vector.broadcast %add3A_122 : f32 to vector<3200xf32>
    %add3A_124 = arith.addf %mul3A_121, %add3A_123 : vector<3200xf32>
    %mul3A_125 = arith.mulf %add3A_124, %mul3A_118 : vector<3200xf32>
    %add3A_126 = arith.constant 2.48015876E-5 : f32
    %add3A_127 = vector.broadcast %add3A_126 : f32 to vector<3200xf32>
    %add3A_128 = arith.addf %mul3A_125, %add3A_127 : vector<3200xf32>
    %mul3A_129 = arith.mulf %add3A_128, %mul3A_118 : vector<3200xf32>
    %add3A_130 = arith.constant -0.00138888892 : f32
    %add3A_131 = vector.broadcast %add3A_130 : f32 to vector<3200xf32>
    %add3A_132 = arith.addf %mul3A_129, %add3A_131 : vector<3200xf32>
    %mul3A_133 = arith.mulf %add3A_132, %mul3A_118 : vector<3200xf32>
    %add3A_134 = arith.constant 0.0416666679 : f32
    %add3A_135 = vector.broadcast %add3A_134 : f32 to vector<3200xf32>
    %add3A_136 = arith.addf %mul3A_133, %add3A_135 : vector<3200xf32>
    %mul3A_137 = arith.mulf %add3A_136, %mul3A_118 : vector<3200xf32>
    %add3A_138 = arith.constant -5.000000e-01 : f32
    %add3A_139 = vector.broadcast %add3A_138 : f32 to vector<3200xf32>
    %add3A_140 = arith.addf %mul3A_137, %add3A_139 : vector<3200xf32>
    %mul3A_141 = arith.mulf %add3A_140, %mul3A_118 : vector<3200xf32>
    %add3A_142 = arith.constant 1.000000e+00 : f32
    %add3A_143 = vector.broadcast %add3A_142 : f32 to vector<3200xf32>
    %add3A_144 = arith.addf %mul3A_141, %add3A_143 : vector<3200xf32>
    %reshape3A = vector.shape_cast %add3A_144 : vector<3200xf32> to vector<3200x1xf32>
    %mul3A_145 = vector.broadcast %reshape3A : vector<3200x1xf32> to vector<3200x128xf32>
    %mul3A_146 = arith.mulf %mul3A_145, %add3A_93 : vector<3200x128xf32>
    %mul3A_147 = arith.mulf %mul3A_146, %add3A_108 : vector<3200x128xf32>
    %swap3A = arith.constant 0 : index
    %swap3A_148 = arith.constant 0 : index
    %swap3A_149 = vector.load %arg16[%swap3A, %swap3A_148] : memref<3200x128xf32, #tpu.memory_space<vmem>>, vector<3200x128xf32>
    tpu.vector_store %arg16[%swap3A, %swap3A_148], %mul3A_147 {strides = array<i32>} : memref<3200x128xf32, #tpu.memory_space<vmem>>, vector<3200x128xf32>,
    return
  }
  func.func @transform_0(%arg0: i32) -> (i32, i32) {
    %c0_i32 = arith.constant 0 : i32
    %c0_i32_0 = arith.constant 0 : i32
    return %arg0, %c0_i32 : i32, i32
  }
  func.func @transform_1(%arg0: i32) -> (i32, i32) {
    %c0_i32 = arith.constant 0 : i32
    %c0_i32_0 = arith.constant 0 : i32
    return %arg0, %c0_i32 : i32, i32
  }
  func.func @transform_2(%arg0: i32) -> i32 {
    %c0_i32 = arith.constant 0 : i32
    %c0_i32_0 = arith.constant 0 : i32
    return %c0_i32 : i32
  }
  func.func @transform_3(%arg0: i32) -> (i32, i32) {
    %c0_i32 = arith.constant 0 : i32
    %c0_i32_0 = arith.constant 0 : i32
    %c0_i32_1 = arith.constant 0 : i32
    return %c0_i32, %c0_i32_0 : i32, i32
  }
  func.func @transform_4(%arg0: i32) -> (i32, i32) {
    %c0_i32 = arith.constant 0 : i32
    %c0_i32_0 = arith.constant 0 : i32
    %c0_i32_1 = arith.constant 0 : i32
    return %c0_i32, %c0_i32_0 : i32, i32
  }
  func.func @transform_5(%arg0: i32) -> (i32, i32) {
    %c0_i32 = arith.constant 0 : i32
    %c0_i32_0 = arith.constant 0 : i32
    %c0_i32_1 = arith.constant 0 : i32
    return %c0_i32, %c0_i32_0 : i32, i32
  }
  func.func @transform_6(%arg0: i32) -> (i32, i32) {
    %c0_i32 = arith.constant 0 : i32
    %c0_i32_0 = arith.constant 0 : i32
    %c0_i32_1 = arith.constant 0 : i32
    return %c0_i32, %c0_i32_0 : i32, i32
  }
  func.func @transform_7(%arg0: i32) -> (i32, i32) {
    %c0_i32 = arith.constant 0 : i32
    %c0_i32_0 = arith.constant 0 : i32
    %c0_i32_1 = arith.constant 0 : i32
    return %c0_i32, %c0_i32_0 : i32, i32
  }
  func.func @transform_8(%arg0: i32) -> (i32, i32) {
    %c0_i32 = arith.constant 0 : i32
    %c0_i32_0 = arith.constant 0 : i32
    %c0_i32_1 = arith.constant 0 : i32
    return %c0_i32, %c0_i32_0 : i32, i32
  }
  func.func @transform_9(%arg0: i32) -> (i32, i32) {
    %c0_i32 = arith.constant 0 : i32
    %c0_i32_0 = arith.constant 0 : i32
    %c0_i32_1 = arith.constant 0 : i32
    return %c0_i32, %c0_i32_0 : i32, i32
  }
  func.func @transform_10(%arg0: i32) -> (i32, i32) {
    %c0_i32 = arith.constant 0 : i32
    %c0_i32_0 = arith.constant 0 : i32
    %c0_i32_1 = arith.constant 0 : i32
    return %c0_i32, %c0_i32_0 : i32, i32
  }
  func.func @transform_11(%arg0: i32) -> (i32, i32) {
    %c0_i32 = arith.constant 0 : i32
    %c0_i32_0 = arith.constant 0 : i32
    %c0_i32_1 = arith.constant 0 : i32
    return %c0_i32, %c0_i32_0 : i32, i32
  }
  func.func @transform_12(%arg0: i32) -> (i32, i32) {
    %c0_i32 = arith.constant 0 : i32
    %c0_i32_0 = arith.constant 0 : i32
    %c0_i32_1 = arith.constant 0 : i32
    return %c0_i32, %c0_i32_0 : i32, i32
  }
  func.func @transform_13(%arg0: i32) -> (i32, i32) {
    %c0_i32 = arith.constant 0 : i32
    %c0_i32_0 = arith.constant 0 : i32
    %c0_i32_1 = arith.constant 0 : i32
    return %c0_i32, %c0_i32_0 : i32, i32
  }
  func.func @transform_14(%arg0: i32) -> (i32, i32) {
    %c0_i32 = arith.constant 0 : i32
    %c0_i32_0 = arith.constant 0 : i32
    %c0_i32_1 = arith.constant 0 : i32
    return %c0_i32, %c0_i32_0 : i32, i32
  }
  func.func @transform_15(%arg0: i32) -> (i32, i32) {
    %c0_i32 = arith.constant 0 : i32
    %c0_i32_0 = arith.constant 0 : i32
    return %arg0, %c0_i32 : i32, i32
  }
}

module attributes {stable_mosaic.version = 14 : i64} {
  func.func @_node_body(%arg0: memref<10000x128xf32, #tpu.memory_space<vmem>>, %arg1: memref<2x10000x128xf32, #tpu.memory_space<vmem>>, %arg2: memref<2x10000x128xf32, #tpu.memory_space<vmem>>, %arg3: memref<128x128xf32, #tpu.memory_space<vmem>>, %arg4: memref<1x128xf32, #tpu.memory_space<vmem>>, %arg5: memref<1x128xf32, #tpu.memory_space<vmem>>, %arg6: memref<128x128xf32, #tpu.memory_space<vmem>>, %arg7: memref<1x128xf32, #tpu.memory_space<vmem>>, %arg8: memref<1x128xf32, #tpu.memory_space<vmem>>, %arg9: memref<1x128xf32, #tpu.memory_space<vmem>>, %arg10: memref<128x128xf32, #tpu.memory_space<vmem>>, %arg11: memref<1x128xf32, #tpu.memory_space<vmem>>, %arg12: memref<10000x128xf32, #tpu.memory_space<vmem>>) attributes {dimension_semantics = [], scalar_prefetch = 0 : i64, scratch_operands = 0 : i64, tpu.core_type = #tpu.core_type<tc>} {
    %get3A = arith.constant 0 : index
    %get3A_0 = arith.constant 0 : index
    %get3A_1 = vector.load %arg0[%get3A, %get3A_0] : memref<10000x128xf32, #tpu.memory_space<vmem>>, vector<10000x128xf32>
    %get3A_2 = arith.constant 0 : index
    %get3A_3 = arith.constant 0 : index
    %get3A_4 = arith.constant 0 : index
    %get3A_5 = vector.load %arg1[%get3A_2, %get3A_3, %get3A_4] : memref<2x10000x128xf32, #tpu.memory_space<vmem>>, vector<1x10000x128xf32>
    %get3A_6 = vector.shape_cast %get3A_5 : vector<1x10000x128xf32> to vector<10000x128xf32>
    %get3A_7 = arith.constant 1 : index
    %get3A_8 = arith.constant 0 : index
    %get3A_9 = arith.constant 0 : index
    %get3A_10 = vector.load %arg1[%get3A_7, %get3A_8, %get3A_9] : memref<2x10000x128xf32, #tpu.memory_space<vmem>>, vector<1x10000x128xf32>
    %get3A_11 = vector.shape_cast %get3A_10 : vector<1x10000x128xf32> to vector<10000x128xf32>
    %add3A = arith.addf %get3A_6, %get3A_11 : vector<10000x128xf32>
    %get3A_12 = arith.constant 0 : index
    %get3A_13 = arith.constant 0 : index
    %get3A_14 = arith.constant 0 : index
    %get3A_15 = vector.load %arg2[%get3A_12, %get3A_13, %get3A_14] : memref<2x10000x128xf32, #tpu.memory_space<vmem>>, vector<1x10000x128xf32>
    %get3A_16 = vector.shape_cast %get3A_15 : vector<1x10000x128xf32> to vector<10000x128xf32>
    %add3A_17 = arith.addf %add3A, %get3A_16 : vector<10000x128xf32>
    %get3A_18 = arith.constant 1 : index
    %get3A_19 = arith.constant 0 : index
    %get3A_20 = arith.constant 0 : index
    %get3A_21 = vector.load %arg2[%get3A_18, %get3A_19, %get3A_20] : memref<2x10000x128xf32, #tpu.memory_space<vmem>>, vector<1x10000x128xf32>
    %get3A_22 = vector.shape_cast %get3A_21 : vector<1x10000x128xf32> to vector<10000x128xf32>
    %add3A_23 = arith.addf %add3A_17, %get3A_22 : vector<10000x128xf32>
    %get3A_24 = arith.constant 0 : index
    %get3A_25 = arith.constant 0 : index
    %get3A_26 = vector.load %arg5[%get3A_24, %get3A_25] : memref<1x128xf32, #tpu.memory_space<vmem>>, vector<1x128xf32>
    %get3A_27 = arith.constant 0 : index
    %get3A_28 = arith.constant 0 : index
    %get3A_29 = vector.load %arg3[%get3A_27, %get3A_28] : memref<128x128xf32, #tpu.memory_space<vmem>>, vector<128x128xf32>
    %dot_general3A = arith.constant dense<0.000000e+00> : vector<10000x128xf32>
    %dot_general3A_30 = tpu.matmul %get3A_1, %get3A_29, %dot_general3A {dimension_numbers = #tpu.dot_dimension_numbers<[1], [0], [0], [1], [0, 0, 1, 1], [], []>, transpose_lhs_hint = false} : vector<10000x128xf32>, vector<128x128xf32>, vector<10000x128xf32> -> vector<10000x128xf32>
    %get3A_31 = arith.constant 0 : index
    %get3A_32 = arith.constant 0 : index
    %get3A_33 = vector.load %arg4[%get3A_31, %get3A_32] : memref<1x128xf32, #tpu.memory_space<vmem>>, vector<1x128xf32>
    %add3A_34 = vector.broadcast %get3A_33 : vector<1x128xf32> to vector<10000x128xf32>
    %add3A_35 = arith.addf %dot_general3A_30, %add3A_34 : vector<10000x128xf32>
    %mul3A = vector.broadcast %get3A_26 : vector<1x128xf32> to vector<10000x128xf32>
    %mul3A_36 = arith.mulf %mul3A, %add3A_35 : vector<10000x128xf32>
    %add3A_37 = arith.addf %mul3A_36, %add3A_23 : vector<10000x128xf32>
    %get3A_38 = arith.constant 0 : index
    %get3A_39 = arith.constant 0 : index
    %get3A_40 = vector.load %arg6[%get3A_38, %get3A_39] : memref<128x128xf32, #tpu.memory_space<vmem>>, vector<128x128xf32>
    %dot_general3A_41 = arith.constant dense<0.000000e+00> : vector<10000x128xf32>
    %dot_general3A_42 = tpu.matmul %add3A_37, %get3A_40, %dot_general3A_41 {dimension_numbers = #tpu.dot_dimension_numbers<[1], [0], [0], [1], [0, 0, 1, 1], [], []>, transpose_lhs_hint = false} : vector<10000x128xf32>, vector<128x128xf32>, vector<10000x128xf32> -> vector<10000x128xf32>
    %get3A_43 = arith.constant 0 : index
    %get3A_44 = arith.constant 0 : index
    %get3A_45 = vector.load %arg7[%get3A_43, %get3A_44] : memref<1x128xf32, #tpu.memory_space<vmem>>, vector<1x128xf32>
    %add3A_46 = vector.broadcast %get3A_45 : vector<1x128xf32> to vector<10000x128xf32>
    %add3A_47 = arith.addf %dot_general3A_42, %add3A_46 : vector<10000x128xf32>
    %ge3A = arith.constant 0.000000e+00 : f32
    %ge3A_48 = vector.broadcast %ge3A : f32 to vector<10000x128xf32>
    %ge3A_49 = arith.cmpf oge, %add3A_47, %ge3A_48 : vector<10000x128xf32>
    %mul3A_50 = arith.constant 0.00999999977 : f32
    %mul3A_51 = vector.broadcast %mul3A_50 : f32 to vector<10000x128xf32>
    %mul3A_52 = arith.mulf %mul3A_51, %add3A_47 : vector<10000x128xf32>
    %select_n3A = arith.select %ge3A_49, %add3A_47, %mul3A_52 : vector<10000x128xi1>, vector<10000x128xf32>
    %reduce_sum3A = arith.constant dense<0.000000e+00> : vector<128xf32>
    %reduce_sum3A_53 = vector.multi_reduction <add>, %select_n3A, %reduce_sum3A [0] : vector<10000x128xf32> to vector<128xf32>
    %broadcast_in_dim3A = vector.shape_cast %reduce_sum3A_53 : vector<128xf32> to vector<1x128xf32>
    %div3A = arith.constant 1.000000e+04 : f32
    %div3A_54 = vector.broadcast %div3A : f32 to vector<1x128xf32>
    %div3A_55 = arith.divf %broadcast_in_dim3A, %div3A_54 : vector<1x128xf32>
    %mul3A_56 = arith.mulf %select_n3A, %select_n3A : vector<10000x128xf32>
    %reduce_sum3A_57 = arith.constant dense<0.000000e+00> : vector<128xf32>
    %reduce_sum3A_58 = vector.multi_reduction <add>, %mul3A_56, %reduce_sum3A_57 [0] : vector<10000x128xf32> to vector<128xf32>
    %broadcast_in_dim3A_59 = vector.shape_cast %reduce_sum3A_58 : vector<128xf32> to vector<1x128xf32>
    %div3A_60 = arith.constant 1.000000e+04 : f32
    %div3A_61 = vector.broadcast %div3A_60 : f32 to vector<1x128xf32>
    %div3A_62 = arith.divf %broadcast_in_dim3A_59, %div3A_61 : vector<1x128xf32>
    %mul3A_63 = arith.mulf %div3A_55, %div3A_55 : vector<1x128xf32>
    %sub3A = arith.subf %div3A_62, %mul3A_63 : vector<1x128xf32>
    %sub3A_64 = vector.broadcast %div3A_55 : vector<1x128xf32> to vector<10000x128xf32>
    %sub3A_65 = arith.subf %select_n3A, %sub3A_64 : vector<10000x128xf32>
    %add3A_66 = arith.constant 9.99999974E-6 : f32
    %add3A_67 = vector.broadcast %add3A_66 : f32 to vector<1x128xf32>
    %add3A_68 = arith.addf %sub3A, %add3A_67 : vector<1x128xf32>
    %rsqrt3A = math.rsqrt %add3A_68 : vector<1x128xf32>
    %mul3A_69 = vector.broadcast %rsqrt3A : vector<1x128xf32> to vector<10000x128xf32>
    %mul3A_70 = arith.mulf %sub3A_65, %mul3A_69 : vector<10000x128xf32>
    %get3A_71 = arith.constant 0 : index
    %get3A_72 = arith.constant 0 : index
    %get3A_73 = vector.load %arg8[%get3A_71, %get3A_72] : memref<1x128xf32, #tpu.memory_space<vmem>>, vector<1x128xf32>
    %mul3A_74 = vector.broadcast %get3A_73 : vector<1x128xf32> to vector<10000x128xf32>
    %mul3A_75 = arith.mulf %mul3A_70, %mul3A_74 : vector<10000x128xf32>
    %get3A_76 = arith.constant 0 : index
    %get3A_77 = arith.constant 0 : index
    %get3A_78 = vector.load %arg9[%get3A_76, %get3A_77] : memref<1x128xf32, #tpu.memory_space<vmem>>, vector<1x128xf32>
    %add3A_79 = vector.broadcast %get3A_78 : vector<1x128xf32> to vector<10000x128xf32>
    %add3A_80 = arith.addf %mul3A_75, %add3A_79 : vector<10000x128xf32>
    %get3A_81 = arith.constant 0 : index
    %get3A_82 = arith.constant 0 : index
    %get3A_83 = vector.load %arg10[%get3A_81, %get3A_82] : memref<128x128xf32, #tpu.memory_space<vmem>>, vector<128x128xf32>
    %dot_general3A_84 = arith.constant dense<0.000000e+00> : vector<10000x128xf32>
    %dot_general3A_85 = tpu.matmul %add3A_80, %get3A_83, %dot_general3A_84 {dimension_numbers = #tpu.dot_dimension_numbers<[1], [0], [0], [1], [0, 0, 1, 1], [], []>, transpose_lhs_hint = false} : vector<10000x128xf32>, vector<128x128xf32>, vector<10000x128xf32> -> vector<10000x128xf32>
    %get3A_86 = arith.constant 0 : index
    %get3A_87 = arith.constant 0 : index
    %get3A_88 = vector.load %arg11[%get3A_86, %get3A_87] : memref<1x128xf32, #tpu.memory_space<vmem>>, vector<1x128xf32>
    %add3A_89 = vector.broadcast %get3A_88 : vector<1x128xf32> to vector<10000x128xf32>
    %add3A_90 = arith.addf %dot_general3A_85, %add3A_89 : vector<10000x128xf32>
    %add3A_91 = arith.addf %add3A_90, %get3A_1 : vector<10000x128xf32>
    %swap3A = arith.constant 0 : index
    %swap3A_92 = arith.constant 0 : index
    %swap3A_93 = vector.load %arg12[%swap3A, %swap3A_92] : memref<10000x128xf32, #tpu.memory_space<vmem>>, vector<10000x128xf32>
    tpu.vector_store %arg12[%swap3A, %swap3A_92], %add3A_91 {strides = array<i32>} : memref<10000x128xf32, #tpu.memory_space<vmem>>, vector<10000x128xf32>,
    return
  }
}

</mosaic_0001>

<sc_bundles>
// kernel: kernel.13.cloned.1.call-start
scs
__scs_entry_jumppad:
0x0: {  	(pc) =	sbr.rel $0x88, $3  }
0x1: {  	(tag) =	ssettag $0x0;
	lr =	simm.s32 $0x1  }
0x2: {  	[smem:$0x3F8A] =	sst lr;
	_ =	strace $0xD0000000  }
0x3: {  	_ = 	snop  }
0x4: {  	_ = 	snop  }
0x5: {  	_ = 	snop  }
0x6: {  	_ = 	snop  }
0x7: {  	_ = 	snop  }
__scs_overlays_trampoline_lowered:
0x8: {  	[smem:$0x3F99] =	sst s0  }
0x9: {  	[smem:$0x3F9A] =	sst s1  }
0xa: {  	[smem:$0x3F9B] =	sst s2  }
0xb: {  	[smem:$0x3F9C] =	sst s3  }
0xc: {  	[smem:$0x3F9D] =	sst s4  }
0xd: {  	[smem:$0x3F9E] =	sst s5  }
0xe: {  	[smem:$0x3F9F] =	sst s6  }
0xf: {  	[smem:$0x3FA0] =	sst s7  }
0x10: {  	[smem:$0x3FA1] =	sst s8  }
0x11: {  	[smem:$0x3FA2] =	sst s9;
	s0 =	simm.s32 @!p0 $0x0  }
0x12: {  	s1 =	sld [smem:$0x3F88];
	s0 =	simm.s32 @p0 $0x1  }
0x13: {  	[smem:$0x3FA3] =	sst s0;
	s0 =	simm.s32 @!p1 $0x0  }
0x14: {  	s2 =	sld [smem:$0x3F87];
	s0 =	simm.s32 @p1 $0x1  }
0x15: {  	[smem:$0x3FA4] =	sst s0;
	s0 =	simm.s32 @!p2 $0x0  }
0x16: {  	s3 =	sld [smem:$0x3FDB];
	s0 =	simm.s32 @p2 $0x1  }
0x17: {  	s4 =	simm.s32 $0x1BF5;
	[smem:$0x3FA6] =	sst s0  }
0x18: {  	s0 =	sld [smem:$0x3F89];
	_ =	swait.ge [sflag:s4], $0x0  }
0x19: {  	s7 =	sld [smem:$0x3F8A]  }
0x1a: {  	s8 =	sadd.s32 $0xFFFFE003, lr  }
0x1b: {  	s9 =	sadd.s32 $0xFFFFFEF7, lr;
	s5 =	simm.s32 $0xFFFFFFFF;
	p2 =	slt.u32 s8, $0xFFFFF086  }
0x1c: {  	p1 =	slt.u32 s9, $0xF7A;
	s5 =	simm.s32 @!p2 $0x0  }
0x1d: {  	s5 =	simm.s32 @p1 $0x1;
	p0 =	seq.s32 s7, s2  }
0x1e: {  	s7 =	smul.u32 @!p0 $0xF7A, s2;
	p2 =	seq.s32 @!p0 s5, $0x0  }
0x1f: {  	s9 =	smul.u32 $0xF7A, s1;
	s8 =	simm.s32 @!p0 $0x1BF5;
	p2 =	por !p2, p0  }
0x20: {  	[sflag:s8] =	ssyncset.s32 @!p0 $0xFFFFF086;
	s6 =	sadd.s32 @!p0 s3, s7;
	s7 =	simm.s32 @!p0 $0x108  }
0x21: {  	s3 =	sadd.s32 s3, s9;
	s6 =	sadd.s32 @!p0 $0x88, s6;
	s7 =	simm.s32 @p2 $0x1082  }
0x22: {  	[simem:s7], [sflag:s8] =	dma.local @!p0 [hbm:s6], $0xF7A  }
0x23: {  	s9 =	sor.u32 $0xD0000000, s2;
	s6 =	simm.s32 $0x108;
	_ =	swait.ge @!p0 [sflag:s8], $0x0  }
0x24: {  	s3 =	sadd.s32 $0x88, s3;
	s6 =	simm.s32 @!p1 $0x1082;
	[sflag:s4] =	ssyncset.s32 $0xFFFFF086  }
0x25: {  	[simem:s6], [sflag:s4] =	dma.local [hbm:s3], $0xF7A  }
0x26: {  	[smem:$0x3F8A] =	sst s1;
	(tag) =	ssettag s2;
	_ =	strace s9  }
0x27: {  	s1 =	sld [smem:$0x3F9A]  }
0x28: {  	s2 =	sld [smem:$0x3F9B]  }
0x29: {  	s4 =	sld [smem:$0x3F9D]  }
0x2a: {  	p0 =	seq.s32 s5, $0x0;
	s5 =	sld [smem:$0x3F9E]  }
0x2b: {  	s6 =	sld [smem:$0x3F9F]  }
0x2c: {  	s7 =	sld [smem:$0x3FA0]  }
0x2d: {  	s3 =	simm.s32 $0x108;
	s8 =	sld [smem:$0x3FA1]  }
0x2e: {  	s3 =	simm.s32 @!p0 $0x1082;
	s9 =	sld [smem:$0x3FA2]  }
0x2f: {  	lr =	sadd.s32 s0, s3;
	s0 =	sld [smem:$0x3F99]  }
0x30: {  	s3 =	sld [smem:$0x3F9C]  }
0x31: {  	[smem:$0x3FA5] =	sst s10  }
0x32: {  	s10 =	sld [smem:$0x3FA3];
	_ =	sdelay $0x3  }
0x33: {  	p0 =	seq.s32 s10, $0x1;
	s10 =	sld [smem:$0x3FA5];
	_ =	sdelay $0x3  }
0x34: {  	[smem:$0x3FA5] =	sst s10  }
0x35: {  	s10 =	sld [smem:$0x3FA4];
	_ =	sdelay $0x3  }
0x36: {  	p1 =	seq.s32 s10, $0x1;
	s10 =	sld [smem:$0x3FA5];
	_ =	sdelay $0x3  }
0x37: {  	[smem:$0x3FA5] =	sst s10  }
0x38: {  	s10 =	sld [smem:$0x3FA6]  }
0x39: {  	_ = 	snop;
	(pc) =	sbr.ind lr, $3  }
0x3a: {  	_ = 	snop  }
0x3b: {  	_ = 	snop  }
0x3c: {  	p2 =	seq.s32 s10, $0x1;
	s10 =	sld [smem:$0x3FA5]  }
0x3d: {  	_ =	shalt  }
0x3e: {  	_ =	shalt  }
0x3f: {  	_ =	shalt  }
0x40: {  	_ =	shalt  }
0x41: {  	_ =	shalt  }
0x42: {  	_ =	shalt  }
0x43: {  	_ =	shalt  }
0x44: {  	_ =	shalt  }
0x45: {  	_ =	shalt  }
0x46: {  	_ =	shalt  }
0x47: {  	_ =	shalt  }
0x48: {  	_ =	shalt  }
0x49: {  	_ =	shalt  }
0x4a: {  	_ =	shalt  }
0x4b: {  	_ =	shalt  }
0x4c: {  	_ =	shalt  }
0x4d: {  	_ =	shalt  }
0x4e: {  	_ =	shalt  }
0x4f: {  	_ =	shalt  }
0x50: {  	_ =	shalt  }
0x51: {  	_ =	shalt  }
0x52: {  	_ =	shalt  }
0x53: {  	_ =	shalt  }
0x54: {  	_ =	shalt  }
0x55: {  	_ =	shalt  }
0x56: {  	_ =	shalt  }
0x57: {  	_ =	shalt  }
0x58: {  	_ =	shalt  }
0x59: {  	_ =	shalt  }
0x5a: {  	_ =	shalt  }
0x5b: {  	_ =	shalt  }
0x5c: {  	_ =	shalt  }
0x5d: {  	_ =	shalt  }
0x5e: {  	_ =	shalt  }
0x5f: {  	_ =	shalt  }
0x60: {  	_ =	shalt  }
0x61: {  	_ =	shalt  }
0x62: {  	_ =	shalt  }
0x63: {  	_ =	shalt  }
0x64: {  	_ =	shalt  }
0x65: {  	_ =	shalt  }
0x66: {  	_ =	shalt  }
0x67: {  	_ =	shalt  }
0x68: {  	_ =	shalt  }
0x69: {  	_ =	shalt  }
0x6a: {  	_ =	shalt  }
0x6b: {  	_ =	shalt  }
0x6c: {  	_ =	shalt  }
0x6d: {  	_ =	shalt  }
0x6e: {  	_ =	shalt  }
0x6f: {  	_ =	shalt  }
0x70: {  	_ =	shalt  }
0x71: {  	_ =	shalt  }
0x72: {  	_ =	shalt  }
0x73: {  	_ =	shalt  }
0x74: {  	_ =	shalt  }
0x75: {  	_ =	shalt  }
0x76: {  	_ =	shalt  }
0x77: {  	_ =	shalt  }
0x78: {  	_ =	shalt  }
0x79: {  	_ =	shalt  }
0x7a: {  	_ =	shalt  }
0x7b: {  	_ =	shalt  }
0x7c: {  	_ =	shalt  }
0x7d: {  	_ =	shalt  }
0x7e: {  	_ =	shalt  }
0x7f: {  	_ =	shalt  }
0x80: {  	_ =	shalt  }
0x81: {  	_ =	shalt  }
0x82: {  	_ =	shalt  }
0x83: {  	_ =	shalt  }
0x84: {  	_ =	shalt  }
0x85: {  	_ =	shalt  }
0x86: {  	_ =	shalt  }
0x87: {  	_ =	shalt  }
.Lfunc_end0:
.L_simem_size_0:
called_computation_lowered:
.L_overlay_start_0:
0x88: {  	s2 =	sld [smem:$0x3FD9]  }
0x89: {  	s3 =	sld [smem:$0x3FFE];
	_ =	sdelay $0x1  }
0x8a: {  	s1 =	srdreg.scid  }
0x8b: {  	s0 =	sand.u32 $0x1, s1  }
0x8c: {  	s17 =	sshll.u32 s0, $0xA;
	s2 =	sadd.s32 s3, s2  }
0x8d: {  	s2 =	sadd.s32 s2, s17  }
0x8e: {  	[smem:$0x3FB1] =	sst s2  }
0x8f: {  	_ = 	snop  }
0x90: {  	s18 =	sld [smem:$0x3FC9]  }
0x91: {  	s4 =	sld [smem:$0x3FD0];
	(tm) =	ssettm $0x1  }
0x92: {  	s19 =	sld [smem:$0x3FFB];
	_ =	sdelay $0x3  }
0x93: {  	_ =	strace s19  }
0x94: {  	s2 =	sld [smem:$0x3FFC];
	_ =	sdelay $0x3  }
0x95: {  	_ =	strace s2  }
0x96: {  	s2 =	sld [smem:$0x3FFD];
	_ =	sdelay $0x3  }
0x97: {  	_ =	strace s2  }
0x98: {  	_ =	strace $0x8FFFFFFF  }
0x99: {  	s20 =	sld [smem:$0x3FDB];
	_ =	sdelay $0x1  }
0x9a: {  	s5 =	simm.s32 $_scs_section_size  }
0x9b: {  	s6 =	simm.s32 $_size__tile_overlayer_lowered;
	s7 =	simm.s32 $_tile_overlayer_lowered  }
0x9c: {  	s8 =	simm.s32 $0x1BFF;
	s21 =	sshll.u32 s7, $0x1;
	s5 =	sadd.s32 s5, s20  }
0x9d: {  	s22 =	simm.s32 $0x0;
	s6 =	sshll.u32 s6, $0x1;
	s7 =	sadd.s32 s21, s5  }
0x9e: {  	[timem:s22], [sflag:s8] =	dma.local [hbm:s7], s6  }
0x9f: {  	_ =	swait.ge [sflag:s8], s6  }
0xa0: {  	s6 =	ssub.s32 $0x0, s6;
	[sflag:s8] =	ssyncset.done $0x0  }
0xa1: {  	[sflag:s8] =	ssyncadd.s32 s6;
	_ =	sdelay $0x1  }
0xa2: {  	s23 =	simm.s32 $0x1B8B  }
0xa3: {  	_ =	swait.ge [sflag:s23], $0x1  }
0xa4: {  	[sflag:s23] =	ssyncset.done $0x0  }
0xa5: {  	[sflag:s23] =	ssyncadd.s32 $0xFFFFFFFF  }
0xa6: {  	s6 =	sld [smem:$0x0]  }
0xa7: {  	s7 =	sand.u32 $0xFFFFFFFE, s1  }
0xa8: {  	p0 =	sne.s32 s1, s7  }
0xa9: {  	s7 =	sshll.u32 @p0 s7, $0xE  }
0xaa: {  	s7 =	sadd.s32 @p0 $0x11B8D, s7;
	s8 =	sshll.u32 @p0 s6, $0x11  }
0xab: {  	s7 =	sor.u32 @p0 s8, s7  }
0xac: {  	[sflag:s7] =	ssyncadd.remote.s32 @p0 $0x1;
	_ =	sdelay $0x1  }
0xad: {  	s7 =	simm.s32 @p0 $0x1B8D  }
0xae: {  	_ =	swait.eq @p0 [sflag:s7], $0x1  }
0xaf: {  	[sflag:s7] =	ssyncadd.s32 @p0 $0xFFFFFFFF  }
0xb0: {  	s8 =	sshll.u32 @!p0 s1, $0xE  }
0xb1: {  	s8 =	sor.u32 @!p0 $0x4000, s8;
	s7 =	simm.s32 @!p0 $0x1B8D  }
0xb2: {  	s6 =	sshll.u32 @!p0 s6, $0x11;
	s8 =	sadd.s32 @!p0 $0x11B8D, s8;
	_ =	swait.eq @!p0 [sflag:s7], $0x1  }
0xb3: {  	s6 =	sor.u32 @!p0 s6, s8;
	[sflag:s7] =	ssyncadd.s32 @!p0 $0xFFFFFFFF  }
0xb4: {  	s25 =	simm.s32 $0x1B8E;
	s24 =	sld [smem:$0x3FFE];
	[sflag:s6] =	ssyncadd.remote.s32 @!p0 $0x1  }
0xb5: {  	s26 =	simm.s32 $execute0_lowered;
	[smem:$0x3FD2] =	sst s25  }
0xb6: {  	s7 =	sshll.u32 s26, $0x1;
	_ =	strace $0x80000049;
	[dreg:$0x1] =	wrdreg $0xFFFFFFFF  }
0xb7: {  	s28 =	simm.s32 $_size_execute0_lowered;
	s5 =	sadd.s32 s5, s7;
	[dreg:$0x0] =	wrdreg $0x0  }
0xb8: {  	s7 =	sshll.u32 s28, $0x1;
	[dreg:$0x2] =	wrdreg s5  }
0xb9: {  	[dreg:$0x3] =	wrdreg s7  }
0xba: {  	[dreg:$0x4] =	wrdreg $0xC0  }
0xbb: {  	_ =	task [dreg:s22], $0x5FFFF  }
0xbc: {  	[dreg:$0x1] =	wrdreg $0xFFFFFFFF  }
0xbd: {  	[dreg:$0x0] =	wrdreg $0x60  }
0xbe: {  	[dreg:$0x2] =	wrdreg s4  }
0xbf: {  	[dreg:$0x3] =	wrdreg s24  }
0xc0: {  	[dreg:$0x4] =	wrdreg s18  }
0xc1: {  	[dreg:$0x5] =	wrdreg $0x9  }
0xc2: {  	_ =	task.clear_ibuf [dreg:s22], $0x6FFFF;
	_ =	strace $0x90000049  }
0xc3: {  	s29 =	simm.s32 $0x9;
	_ =	strace $0x8000004B  }
0xc4: {  	_ =	swait.ge [sflag:s29], $0x1  }
0xc5: {  	[sflag:s29] =	ssyncadd.s32 $0xFFFFFFFF  }
0xc6: {  	_ =	strace $0x9000004B  }
0xc7: {  	_ =	sfence  }
0xc8: {  	s30 =	sld [smem:$0x0];
	_ =	sdelay $0x2  }
0xc9: {  	s31 =	sshll.u32 s1, $0xD;
	s1 =	sshrl.u32 s1, $0x2  }
0xca: {  	s4 =	sand.u32 $0x4000, s31;
	s1 =	sadd.s32 s1, s30  }
0xcb: {  	s0 =	sor.u32 s4, s0;
	s1 =	sshll.u32 s1, $0x11  }
0xcc: {  	s0 =	sor.u32 s1, s0  }
0xcd: {  	s0 =	sadd.s32 $0x8F2B, s0  }
0xce: {  	[sflag:s0] =	ssyncadd.remote.s32 $0x1  }
0xcf: {  	_ =	sfence.sel $0xFFFF  }
0xd0: {  	[dreg:$0x0] =	wrdreg $0xFFFFFFFF;
	(pc) =	sbr.abs _section_cstart, $3  }
0xd1: {  	[dreg:$0x1] =	wrdreg $0xFFFFFFFF  }
0xd2: {  	_ =	task.clear_ibuf [dreg:s22], $0x2FFFF;
	_ =	strace $0x9FFFFFFF  }
0xd3: {  	(tm) =	ssettm $0x7FFFFFFF  }
tec
execute0_lowered:
.L_overlay_start_1:
0x0: {  	(tag) =	ssettag $0x1  }
0x1: {  	s0 =	rddreg [dreg:$0x0]  }
0x2: {  	s3 =	rddreg [dreg:$0x1]  }
0x3: {  	s1 =	rddreg [dreg:$0x2];
	s2 =	simm.s32 $0x0;
	s4 =	srdreg.scid  }
0x4: {  	s11 =	stileid.u32;
	s13 =	simm.s32 $0xC;
	s28 =	simm.s32 $0x5  }
0x5: {  	s29 =	simm.s32 $0x7;
	s30 =	simm.s32 $0x0;
	[smem:$0x7FF] =	sst s2  }
0x6: {  	s5 =	sand.u32 $0x1, s4;
	s6 =	sadd.s32 $0x4600, s3;
	s8 =	sshll.u32 s11, $0x1  }
0x7: {  	s9 =	sshll.u32 s11, $0xC;
	p0 =	seq.s32 s11, $0x0;
	s25 =	sshll.u32 s11, $0x5  }
0x8: {  	_ =	strace $0x8000004A;
	s7 =	ssub.s32 $0x2, s5;
	s4 =	sor.u32 s5, s8  }
0x9: {  	s3 =	sadd.s32 s9, s3;
	s23 =	ssub.s32 $0x4A2, s8;
	s8 =	ssub.s32 $0x4C2, s8  }
0xa: {  	s13 =	simm.s32 @!p0 $0xB;
	s14 =	sshll.u32 s5, $0x4;
	[dreg:$0x5] =	wrdreg s23  }
0xb: {  	s17 =	sshll.u32 s5, $0xB;
	[dreg:$0x4] =	wrdreg s8;
	s26 =	sadd.s32 $0x4F0400, s3  }
0xc: {  	s20 =	sshll.u32 s4, $0x4;
	s31 =	sadd.s32 $0x761400, s3;
	[dreg:$0xe] =	wrdreg s26  }
0xd: {  	s10 =	sshrl.u32 s7, $0x1;
	s21 =	sadd.s32 s0, s20;
	[dreg:$0xf] =	wrdreg s31  }
0xe: {  	s8 =	simm.s32 $0xA;
	s22 =	sadd.s32 s6, s20;
	[dreg:$0x6] =	wrdreg s21  }
0xf: {  	s7 =	ssub.s32 s7, s10;
	s8 =	simm.s32 @!p0 $0x9;
	[dreg:$0x7] =	wrdreg s22  }
0x10: {  	s9 =	sor.u32 $0x200, s20;
	s7 =	smax.u32 s7, $0x1;
	[dreg:$0xd] =	wrdreg s8  }
0x11: {  	s24 =	sadd.s32 s0, s9;
	[dreg:$0xa] =	wrdreg s7;
	s7 =	simm.s32 $0x9  }
0x12: {  	s26 =	simm.s32 $0x8200;
	[dreg:$0x8] =	wrdreg s24;
	s7 =	simm.s32 @!p0 $0xA  }
0x13: {  	s9 =	sadd.s32 s6, s9;
	[dreg:$0xb] =	wrdreg s7;
	s7 =	simm.s32 $0xB  }
0x14: {  	s8 =	sadd.s32 s25, s0;
	[dreg:$0x9] =	wrdreg s9;
	s7 =	simm.s32 @!p0 $0xC  }
0x15: {  	[dreg:$0xc] =	wrdreg s7;
	s7 =	sadd.s32 s25, s6;
	s25 =	simm.s32 $0x200  }
.LBB2_1:
0x16: {  	s0 =	rddreg [dreg:$0x6]  }
0x17: {  	[tilespmem:s2], [sflag:$0x1] =	stream.linear.gather [hbm4b:s0+s2], $0x80, $0x38;
	[tilespmem:$0x10200] =	vst v63  }
0x18: {  	s12 =	rddreg [dreg:$0x7];
	s3 =	simm.s32 $0x100  }
0x19: {  	[tilespmem:s3], [sflag:$0x3] =	stream.linear.gather [hbm4b:s12+s2], $0x80, $0x38;
	[tilespmem:$0x10200] =	vst v63  }
0x1a: {  	s15 =	rddreg [dreg:$0x8];
	s5 =	simm.s32 $0x80  }
0x1b: {  	[tilespmem:s5], [sflag:$0x2] =	stream.linear.gather [hbm4b:s15+s2], $0x80, $0x38;
	[tilespmem:$0x10200] =	vst v63  }
0x1c: {  	s16 =	rddreg [dreg:$0x9];
	s6 =	simm.s32 $0x180;
	s18 =	simm.s32 $0x1  }
0x1d: {  	[tilespmem:s6], [sflag:$0x4] =	stream.linear.gather [hbm4b:s16+s2], $0x80, $0x38;
	[tilespmem:$0x10200] =	vst v63  }
0x1e: {  	_ =	swait.ge [sflag:s18], $0x80  }
0x1f: {  	[sflag:s18] =	ssyncset.done $0x0  }
0x20: {  	s19 =	simm.s32 $0x3;
	[sflag:s18] =	ssyncadd.s32 $0xFFFFFF80  }
0x21: {  	_ =	swait.ge [sflag:s19], $0x80  }
0x22: {  	[sflag:s19] =	ssyncset.done $0x0;
	s20 =	rddreg [dreg:$0x4]  }
0x23: {  	[sflag:s19] =	ssyncadd.s32 $0xFFFFFF80;
	p0 =	sle.u32 s20, $0x0  }
0x24: {  	[tilespmem:s25], [sflag:$0x5] =	stream.indirect.gather [hbm4b:s1+s5], $0x80, s2, s5, $0xb8;
	[tilespmem:$0x10200] =	vst v63  }
0x25: {  	s0 =	simm.s32 @!p0 $0x2  }
0x26: {  	[tilespmem:s26], [sflag:$0x7] =	stream.indirect.gather [hbm4b:s1+s5], $0x80, s3, s5, $0xb8;
	[tilespmem:$0x10200] =	vst v63  }
0x27: {  	_ =	swait.ge @!p0 [sflag:s0], $0x80  }
0x28: {  	[sflag:s0] =	ssyncset.done @!p0 $0x0  }
0x29: {  	s3 =	simm.s32 @!p0 $0x4;
	[sflag:s0] =	ssyncadd.s32 @!p0 $0xFFFFFF80  }
0x2a: {  	p1 =	por @!p0 $0x1, $0x1;
	_ =	swait.ge @!p0 [sflag:s3], $0x80  }
0x2b: {  	p1 =	por p1, p0;
	[sflag:s3] =	ssyncset.done @!p0 $0x0  }
0x2c: {  	s0 =	simm.s32 @!p1 $0xA;
	[sflag:s3] =	ssyncadd.s32 @!p0 $0xFFFFFF80  }
0x2d: {  	_ =	swait.ge @!p1 [sflag:s0], $0x4000  }
0x2e: {  	[sflag:s0] =	ssyncset.done @!p1 $0x0  }
0x2f: {  	s3 =	simm.s32 @!p1 $0xC;
	[sflag:s0] =	ssyncadd.s32 @!p1 $0xFFFFC000  }
0x30: {  	_ =	swait.ge @!p1 [sflag:s3], $0x4000  }
0x31: {  	[sflag:s3] =	ssyncset.done @!p1 $0x0  }
0x32: {  	s5 =	simm.s32 @!p0 $0x4200;
	s0 =	simm.s32 @!p0 $0x80;
	[sflag:s3] =	ssyncadd.s32 @!p1 $0xFFFFC000  }
0x33: {  	[tilespmem:s5], [sflag:$0x6] =	stream.indirect.gather @!p0 [hbm4b:s1+s0], $0x80, s0, s0, $0xb8;
	[tilespmem:$0x10200] =	vst v63  }
0x34: {  	s3 =	simm.s32 @!p0 $0x180;
	s5 =	simm.s32 @!p0 $0xC200  }
0x35: {  	[tilespmem:s5], [sflag:$0x8] =	stream.indirect.gather @!p0 [hbm4b:s1+s0], $0x80, s3, s0, $0xb8;
	[tilespmem:$0x10200] =	vst v63  }
0x36: {  	s21 =	sadd.s32 $0x0, s4;
	_ =	swait.ge [sflag:s28], $0x4000  }
0x37: {  	s22 =	sadd.s32 $0x40, s21;
	[sflag:s28] =	ssyncset.done $0x0  }
0x38: {  	p1 =	sgt.u32 s22, $0x4E1;
	[sflag:s28] =	ssyncadd.s32 $0xFFFFC000  }
0x39: {  	s6 =	sadd.s32 @!p1 s8, s14;
	s0 =	sadd.s32 $0x20, s21;
	_ =	swait.ge [sflag:s29], $0x4000  }
0x3a: {  	s3 =	sadd.s32 @!p1 s7, s14;
	[sflag:s29] =	ssyncset.done $0x0;
	s12 =	rddreg [dreg:$0xf]  }
0x3b: {  	s11 =	rddreg [dreg:$0xe];
	[sflag:s29] =	ssyncadd.s32 $0xFFFFC000;
	s23 =	sadd.s32 s12, s17  }
0x3c: {  	[hbm4b:s23+s2] =	stream.linear.scatter [tilespmem:s25], [sflag:$0x9], $0x4000, $0x38;
	[tilespmem:$0x10200] =	vst v63  }
0x3d: {  	p0 =	sgt.u32 s0, $0x4E1;
	s5 =	rddreg [dreg:$0x5];
	s24 =	sadd.s32 s11, s17  }
0x3e: {  	[hbm4b:s24+s2] =	stream.linear.scatter [tilespmem:s26], [sflag:$0xB], $0x4000, $0x38;
	[tilespmem:$0x10200] =	vst v63  }
0x3f: {  	s0 =	sadd.s32 @!p1 $0x400, s6;
	s6 =	simm.s32 @!p1 $0x0;
	p2 =	sle.u32 @!p0 s5, $0x0  }
0x40: {  	[tilespmem:s6], [sflag:$0x1] =	stream.linear.gather @!p1 [hbm4b:s0+s6], $0x80, $0x38;
	[tilespmem:$0x10200] =	vst v63  }
0x41: {  	p2 =	por p2, p0;
	s0 =	sadd.s32 @!p1 $0x400, s3;
	s3 =	simm.s32 @!p1 $0x100  }
0x42: {  	[tilespmem:s3], [sflag:$0x3] =	stream.linear.gather @!p1 [hbm4b:s0+s6], $0x80, $0x38;
	[tilespmem:$0x10200] =	vst v63  }
0x43: {  	s0 =	simm.s32 @!p2 $0x1  }
0x44: {  	_ =	swait.ge @!p2 [sflag:s0], $0x80  }
0x45: {  	s31 =	sadd.s32 $0x400, s7;
	[sflag:s0] =	ssyncset.done @!p2 $0x0  }
0x46: {  	s16 =	smov.u32 s8;
	s3 =	simm.s32 @!p2 $0x3;
	[sflag:s0] =	ssyncadd.s32 @!p2 $0xFFFFFF80  }
0x47: {  	s5 =	sadd.s32 @!p0 $0x0, s4;
	s22 =	sadd.s32 $0x20000, s11;
	_ =	swait.ge @!p2 [sflag:s3], $0x80  }
0x48: {  	s23 =	simm.s32 @!p0 $0x6;
	s9 =	simm.s32 @!p2 $0x9;
	[sflag:s3] =	ssyncset.done @!p2 $0x0  }
0x49: {  	s10 =	simm.s32 @!p2 $0xB;
	s15 =	simm.s32 @!p2 $0x0;
	[sflag:s3] =	ssyncadd.s32 @!p2 $0xFFFFFF80  }
0x4a: {  	s24 =	simm.s32 @!p2 $0x100;
	s6 =	simm.s32 $0x80;
	_ =	swait.ge @!p2 [sflag:s9], $0x4000  }
0x4b: {  	s0 =	simm.s32 $0x40;
	s3 =	sadd.s32 @!p0 $0x60, s5;
	[sflag:s9] =	ssyncset.done @!p2 $0x0  }
0x4c: {  	s5 =	sadd.s32 @!p0 s12, s17;
	p3 =	sgt.u32 @!p0 s3, $0x4E1;
	[sflag:s9] =	ssyncadd.s32 @!p2 $0xFFFFC000  }
0x4d: {  	s3 =	sadd.s32 @!p0 s11, s17;
	s21 =	sadd.s32 @!p0 $0x10000, s5;
	_ =	swait.ge @!p2 [sflag:s10], $0x4000  }
0x4e: {  	s5 =	sadd.s32 $0x20000, s12;
	s20 =	sadd.s32 @!p0 $0x10000, s3;
	[sflag:s10] =	ssyncset.done @!p2 $0x0  }
0x4f: {  	s3 =	simm.s32 @!p2 $0x200;
	s9 =	simm.s32 @!p2 $0x80;
	[sflag:s10] =	ssyncadd.s32 @!p2 $0xFFFFC000  }
0x50: {  	[tilespmem:s3], [sflag:$0x5] =	stream.indirect.gather @!p2 [hbm4b:s1+s9], $0x80, s15, s9, $0xb8;
	[tilespmem:$0x10200] =	vst v63  }
0x51: {  	s10 =	simm.s32 @!p2 $0x8200;
	s3 =	sadd.s32 $0x400, s8;
	s15 =	smov.u32 s7  }
.LBB2_2:
0x52: {  	[tilespmem:s10], [sflag:$0x7] =	stream.indirect.gather @!p2 [hbm4b:s1+s9], $0x80, s24, s9, $0xb8;
	[tilespmem:$0x10200] =	vst v63  }
0x53: {  	_ =	swait.ge @!p0 [sflag:s23], $0x4000  }
0x54: {  	[sflag:s23] =	ssyncset.done @!p0 $0x0  }
0x55: {  	s10 =	simm.s32 @!p0 $0x8;
	[sflag:s23] =	ssyncadd.s32 @!p0 $0xFFFFC000  }
0x56: {  	s24 =	simm.s32 @!p0 $0xC200;
	_ =	swait.ge @!p0 [sflag:s10], $0x4000  }
0x57: {  	p3 =	por p3, p0;
	s11 =	simm.s32 @!p0 $0x0;
	[sflag:s10] =	ssyncset.done @!p0 $0x0  }
0x58: {  	s19 =	simm.s32 @!p3 $0x80;
	s23 =	simm.s32 @!p0 $0x4200;
	[sflag:s10] =	ssyncadd.s32 @!p0 $0xFFFFC000  }
0x59: {  	[hbm4b:s21+s11] =	stream.linear.scatter @!p0 [tilespmem:s23], [sflag:$0xA], $0x4000, $0x38;
	[tilespmem:$0x10200] =	vst v63  }
0x5a: {  	s15 =	sadd.s32 @!p3 s15, s14;
	s18 =	rddreg [dreg:$0x4];
	s10 =	sadd.s32 @!p3 s16, s14  }
0x5b: {  	[hbm4b:s20+s11] =	stream.linear.scatter @!p0 [tilespmem:s24], [sflag:$0xC], $0x4000, $0x38;
	[tilespmem:$0x10200] =	vst v63  }
0x5c: {  	p2 =	sge.u32 s0, s18;
	s10 =	sadd.s32 @!p3 $0x600, s10;
	s11 =	simm.s32 @!p3 $0x0  }
0x5d: {  	[tilespmem:s19], [sflag:$0x2] =	stream.linear.gather @!p3 [hbm4b:s10+s11], $0x80, $0x38;
	[tilespmem:$0x10200] =	vst v63  }
0x5e: {  	s12 =	simm.s32 @!p3 $0x180;
	s18 =	sadd.s32 @!p3 $0x600, s15;
	s10 =	simm.s32 @!p2 $0x2  }
0x5f: {  	[tilespmem:s12], [sflag:$0x4] =	stream.linear.gather @!p3 [hbm4b:s18+s11], $0x80, $0x38;
	[tilespmem:$0x10200] =	vst v63  }
0x60: {  	_ =	swait.ge @!p2 [sflag:s10], $0x80  }
0x61: {  	[sflag:s10] =	ssyncset.done @!p2 $0x0  }
0x62: {  	s11 =	simm.s32 @!p2 $0x4;
	[sflag:s10] =	ssyncadd.s32 @!p2 $0xFFFFFF80  }
0x63: {  	p0 =	seq.s32 @!p2 s0, $0x0;
	_ =	swait.ge @!p2 [sflag:s11], $0x80  }
0x64: {  	p0 =	por p0, p2;
	[sflag:s11] =	ssyncset.done @!p2 $0x0  }
0x65: {  	s10 =	simm.s32 @!p0 $0xA;
	[sflag:s11] =	ssyncadd.s32 @!p2 $0xFFFFFF80  }
0x66: {  	_ =	swait.ge @!p0 [sflag:s10], $0x4000  }
0x67: {  	[sflag:s10] =	ssyncset.done @!p0 $0x0  }
0x68: {  	s11 =	simm.s32 @!p0 $0xC;
	[sflag:s10] =	ssyncadd.s32 @!p0 $0xFFFFC000  }
0x69: {  	_ =	swait.ge @!p0 [sflag:s11], $0x4000  }
0x6a: {  	[sflag:s11] =	ssyncset.done @!p0 $0x0  }
0x6b: {  	s12 =	simm.s32 @!p2 $0x80;
	s18 =	simm.s32 @!p2 $0x4200;
	[sflag:s11] =	ssyncadd.s32 @!p0 $0xFFFFC000  }
0x6c: {  	[tilespmem:s18], [sflag:$0x6] =	stream.indirect.gather @!p2 [hbm4b:s1+s12], $0x80, s12, s12, $0xb8;
	[tilespmem:$0x10200] =	vst v63  }
0x6d: {  	s19 =	simm.s32 @!p2 $0xC200;
	s18 =	simm.s32 @!p2 $0x180  }
0x6e: {  	[tilespmem:s19], [sflag:$0x8] =	stream.indirect.gather @!p2 [hbm4b:s1+s12], $0x80, s18, s12, $0xb8;
	[tilespmem:$0x10200] =	vst v63  }
0x6f: {  	_ =	swait.ge [sflag:s28], $0x4000  }
0x70: {  	s9 =	smov.u32 s6;
	[sflag:s28] =	ssyncset.done $0x0  }
0x71: {  	s6 =	sadd.s32 $0x40, s6;
	s20 =	sadd.s32 s0, s4;
	[sflag:s28] =	ssyncadd.s32 $0xFFFFC000  }
0x72: {  	s23 =	sadd.s32 s5, s17;
	s21 =	sadd.s32 $0x40, s20;
	_ =	swait.ge [sflag:s29], $0x4000  }
0x73: {  	s24 =	sadd.s32 s22, s17;
	p3 =	sgt.u32 s21, $0x4E1;
	[sflag:s29] =	ssyncset.done $0x0  }
0x74: {  	s10 =	sadd.s32 $0x20, s20;
	s11 =	sadd.s32 @!p3 s31, s14;
	[sflag:s29] =	ssyncadd.s32 $0xFFFFC000  }
0x75: {  	[hbm4b:s23+s2] =	stream.linear.scatter [tilespmem:s25], [sflag:$0x9], $0x4000, $0x38;
	[tilespmem:$0x10200] =	vst v63  }
0x76: {  	p0 =	sgt.u32 s10, $0x4E1;
	s12 =	sadd.s32 @!p3 s3, s14;
	s19 =	rddreg [dreg:$0x5]  }
0x77: {  	[hbm4b:s24+s2] =	stream.linear.scatter [tilespmem:s26], [sflag:$0xB], $0x4000, $0x38;
	[tilespmem:$0x10200] =	vst v63  }
0x78: {  	s10 =	simm.s32 @!p3 $0x0;
	s12 =	sadd.s32 @!p3 $0x400, s12;
	p2 =	sge.u32 @!p0 s0, s19  }
0x79: {  	[tilespmem:s10], [sflag:$0x1] =	stream.linear.gather @!p3 [hbm4b:s12+s10], $0x80, $0x38;
	[tilespmem:$0x10200] =	vst v63  }
0x7a: {  	s11 =	sadd.s32 @!p3 $0x400, s11;
	p2 =	por p2, p0;
	s12 =	simm.s32 @!p3 $0x100  }
0x7b: {  	[tilespmem:s12], [sflag:$0x3] =	stream.linear.gather @!p3 [hbm4b:s11+s10], $0x80, $0x38;
	[tilespmem:$0x10200] =	vst v63  }
0x7c: {  	p1 =	sne.s32 s6, $0x500;
	s10 =	simm.s32 @!p2 $0x1  }
0x7d: {  	s15 =	smov.u32 s31;
	s0 =	sadd.s32 @!p0 s0, s4;
	_ =	swait.ge @!p2 [sflag:s10], $0x80  }
0x7e: {  	s0 =	sadd.s32 @!p0 $0x60, s0;
	s11 =	sadd.s32 @!p0 s5, s17;
	[sflag:s10] =	ssyncset.done @!p2 $0x0  }
0x7f: {  	s21 =	sadd.s32 @!p0 $0x10000, s11;
	s11 =	simm.s32 @!p2 $0x3;
	[sflag:s10] =	ssyncadd.s32 @!p2 $0xFFFFFF80  }
0x80: {  	p3 =	sgt.u32 @!p0 s0, $0x4E1;
	s0 =	sadd.s32 @!p0 s22, s17;
	_ =	swait.ge @!p2 [sflag:s11], $0x80  }
0x81: {  	s16 =	smov.u32 s3;
	s20 =	sadd.s32 @!p0 $0x10000, s0;
	[sflag:s11] =	ssyncset.done @!p2 $0x0  }
0x82: {  	s0 =	smov.u32 s9;
	s9 =	simm.s32 @!p2 $0x9;
	[sflag:s11] =	ssyncadd.s32 @!p2 $0xFFFFFF80  }
0x83: {  	s31 =	sadd.s32 $0x400, s31;
	s3 =	sadd.s32 $0x400, s3;
	_ =	swait.ge @!p2 [sflag:s9], $0x4000  }
0x84: {  	s23 =	simm.s32 @!p0 $0x6;
	s24 =	simm.s32 @!p2 $0x100;
	[sflag:s9] =	ssyncset.done @!p2 $0x0  }
.Ltmp0:
0x85: {  	s10 =	simm.s32 @!p2 $0xB;
	[sflag:s9] =	ssyncadd.s32 @!p2 $0xFFFFC000;
	(pc) =	sbr.rel @p1 .LBB2_2-.Ltmp0, $4  }
0x86: {  	s5 =	sadd.s32 $0x20000, s5;
	s22 =	sadd.s32 $0x20000, s22;
	_ =	swait.ge @!p2 [sflag:s10], $0x4000  }
0x87: {  	s12 =	simm.s32 @!p2 $0x0;
	s11 =	simm.s32 @!p2 $0x200;
	[sflag:s10] =	ssyncset.done @!p2 $0x0  }
0x88: {  	s9 =	simm.s32 @!p2 $0x80;
	[sflag:s10] =	ssyncadd.s32 @!p2 $0xFFFFC000;
	s10 =	simm.s32 @!p2 $0x8200  }
0x89: {  	[tilespmem:s11], [sflag:$0x5] =	stream.indirect.gather @!p2 [hbm4b:s1+s9], $0x80, s12, s9, $0xb8;
	[tilespmem:$0x10200] =	vst v63  }
0x8a: {  	[tilespmem:s10], [sflag:$0x7] =	stream.indirect.gather @!p2 [hbm4b:s1+s9], $0x80, s24, s9, $0xb8;
	[tilespmem:$0x10200] =	vst v63  }
0x8b: {  	_ =	swait.ge @!p0 [sflag:s23], $0x4000  }
0x8c: {  	[sflag:s23] =	ssyncset.done @!p0 $0x0  }
0x8d: {  	s6 =	simm.s32 @!p0 $0x8;
	[sflag:s23] =	ssyncadd.s32 @!p0 $0xFFFFC000  }
0x8e: {  	_ =	swait.ge @!p0 [sflag:s6], $0x4000  }
0x8f: {  	[sflag:s6] =	ssyncset.done @!p0 $0x0  }
0x90: {  	s9 =	simm.s32 @!p0 $0x4200;
	[sflag:s6] =	ssyncadd.s32 @!p0 $0xFFFFC000;
	s6 =	simm.s32 @!p0 $0x0  }
0x91: {  	[hbm4b:s21+s6] =	stream.linear.scatter @!p0 [tilespmem:s9], [sflag:$0xA], $0x4000, $0x38;
	[tilespmem:$0x10200] =	vst v63  }
0x92: {  	p1 =	por p3, p0;
	s9 =	simm.s32 @!p0 $0xC200  }
0x93: {  	[hbm4b:s20+s6] =	stream.linear.scatter @!p0 [tilespmem:s9], [sflag:$0xC], $0x4000, $0x38;
	[tilespmem:$0x10200] =	vst v63  }
0x94: {  	s9 =	sadd.s32 @!p1 s16, s14  }
0x95: {  	s10 =	simm.s32 @!p1 $0x80;
	s11 =	simm.s32 @!p1 $0x0;
	s9 =	sadd.s32 @!p1 $0x600, s9  }
0x96: {  	[tilespmem:s10], [sflag:$0x2] =	stream.linear.gather @!p1 [hbm4b:s9+s11], $0x80, $0x38;
	[tilespmem:$0x10200] =	vst v63  }
0x97: {  	s12 =	rddreg [dreg:$0x4];
	s9 =	sadd.s32 @!p1 s15, s14  }
0x98: {  	p0 =	sge.u32 s0, s12;
	s6 =	simm.s32 @!p1 $0x180;
	s9 =	sadd.s32 @!p1 $0x600, s9  }
0x99: {  	[tilespmem:s6], [sflag:$0x4] =	stream.linear.gather @!p1 [hbm4b:s9+s11], $0x80, $0x38;
	[tilespmem:$0x10200] =	vst v63  }
0x9a: {  	s6 =	simm.s32 @!p0 $0x2  }
0x9b: {  	_ =	swait.ge @!p0 [sflag:s6], $0x80  }
0x9c: {  	[sflag:s6] =	ssyncset.done @!p0 $0x0  }
0x9d: {  	s9 =	simm.s32 @!p0 $0x4;
	[sflag:s6] =	ssyncadd.s32 @!p0 $0xFFFFFF80  }
0x9e: {  	p1 =	seq.s32 @!p0 s0, $0x0;
	_ =	swait.ge @!p0 [sflag:s9], $0x80  }
0x9f: {  	p1 =	por p1, p0;
	[sflag:s9] =	ssyncset.done @!p0 $0x0  }
0xa0: {  	s6 =	simm.s32 @!p1 $0xA;
	[sflag:s9] =	ssyncadd.s32 @!p0 $0xFFFFFF80  }
0xa1: {  	_ =	swait.ge @!p1 [sflag:s6], $0x4000  }
0xa2: {  	[sflag:s6] =	ssyncset.done @!p1 $0x0  }
0xa3: {  	s9 =	simm.s32 @!p1 $0xC;
	[sflag:s6] =	ssyncadd.s32 @!p1 $0xFFFFC000  }
0xa4: {  	_ =	swait.ge @!p1 [sflag:s9], $0x4000  }
0xa5: {  	[sflag:s9] =	ssyncset.done @!p1 $0x0  }
0xa6: {  	s10 =	simm.s32 @!p0 $0x4200;
	s6 =	simm.s32 @!p0 $0x80;
	[sflag:s9] =	ssyncadd.s32 @!p1 $0xFFFFC000  }
0xa7: {  	[tilespmem:s10], [sflag:$0x6] =	stream.indirect.gather @!p0 [hbm4b:s1+s6], $0x80, s6, s6, $0xb8;
	[tilespmem:$0x10200] =	vst v63  }
0xa8: {  	s9 =	simm.s32 @!p0 $0x180;
	s10 =	simm.s32 @!p0 $0xC200  }
0xa9: {  	[tilespmem:s10], [sflag:$0x8] =	stream.indirect.gather @!p0 [hbm4b:s1+s6], $0x80, s9, s6, $0xb8;
	[tilespmem:$0x10200] =	vst v63  }
0xaa: {  	_ =	swait.ge [sflag:s28], $0x4000  }
0xab: {  	s18 =	sadd.s32 s0, s4;
	[sflag:s28] =	ssyncset.done $0x0  }
0xac: {  	s19 =	sadd.s32 $0x40, s18;
	[sflag:s28] =	ssyncadd.s32 $0xFFFFC000  }
0xad: {  	p2 =	sgt.u32 s19, $0x4E1;
	_ =	swait.ge [sflag:s29], $0x4000  }
0xae: {  	s21 =	sadd.s32 s22, s17;
	s20 =	sadd.s32 s5, s17;
	[sflag:s29] =	ssyncset.done $0x0  }
0xaf: {  	s6 =	sadd.s32 $0x20, s18;
	s9 =	sadd.s32 @!p2 s31, s14;
	[sflag:s29] =	ssyncadd.s32 $0xFFFFC000  }
0xb0: {  	[hbm4b:s20+s2] =	stream.linear.scatter [tilespmem:s25], [sflag:$0x9], $0x4000, $0x38;
	[tilespmem:$0x10200] =	vst v63  }
0xb1: {  	p0 =	sgt.u32 s6, $0x4E1;
	s6 =	sadd.s32 @!p2 s3, s14;
	s10 =	rddreg [dreg:$0x5]  }
0xb2: {  	[hbm4b:s21+s2] =	stream.linear.scatter [tilespmem:s26], [sflag:$0xB], $0x4000, $0x38;
	[tilespmem:$0x10200] =	vst v63  }
0xb3: {  	s6 =	sadd.s32 @!p2 $0x400, s6;
	p1 =	sge.u32 @!p0 s0, s10;
	s10 =	simm.s32 @!p2 $0x0  }
0xb4: {  	[tilespmem:s10], [sflag:$0x1] =	stream.linear.gather @!p2 [hbm4b:s6+s10], $0x80, $0x38;
	[tilespmem:$0x10200] =	vst v63  }
0xb5: {  	p1 =	por p1, p0;
	s6 =	sadd.s32 @!p2 $0x400, s9;
	s9 =	simm.s32 @!p2 $0x100  }
0xb6: {  	[tilespmem:s9], [sflag:$0x3] =	stream.linear.gather @!p2 [hbm4b:s6+s10], $0x80, $0x38;
	[tilespmem:$0x10200] =	vst v63  }
0xb7: {  	s6 =	simm.s32 @!p1 $0x1  }
0xb8: {  	_ =	swait.ge @!p1 [sflag:s6], $0x80  }
0xb9: {  	[sflag:s6] =	ssyncset.done @!p1 $0x0  }
0xba: {  	s9 =	simm.s32 @!p1 $0x3;
	[sflag:s6] =	ssyncadd.s32 @!p1 $0xFFFFFF80  }
0xbb: {  	_ =	swait.ge @!p1 [sflag:s9], $0x80  }
0xbc: {  	[sflag:s9] =	ssyncset.done @!p1 $0x0  }
0xbd: {  	s6 =	simm.s32 @!p1 $0x9;
	[sflag:s9] =	ssyncadd.s32 @!p1 $0xFFFFFF80  }
0xbe: {  	_ =	swait.ge @!p1 [sflag:s6], $0x4000  }
0xbf: {  	[sflag:s6] =	ssyncset.done @!p1 $0x0  }
0xc0: {  	s9 =	simm.s32 @!p1 $0xB;
	[sflag:s6] =	ssyncadd.s32 @!p1 $0xFFFFC000  }
0xc1: {  	_ =	swait.ge @!p1 [sflag:s9], $0x4000  }
0xc2: {  	s10 =	simm.s32 @!p1 $0x80;
	[sflag:s9] =	ssyncset.done @!p1 $0x0  }
0xc3: {  	s6 =	simm.s32 @!p1 $0x200;
	[sflag:s9] =	ssyncadd.s32 @!p1 $0xFFFFC000;
	s9 =	simm.s32 @!p1 $0x0  }
0xc4: {  	[tilespmem:s6], [sflag:$0x5] =	stream.indirect.gather @!p1 [hbm4b:s1+s10], $0x80, s9, s10, $0xb8;
	[tilespmem:$0x10200] =	vst v63  }
0xc5: {  	s6 =	simm.s32 @!p1 $0x100;
	s9 =	simm.s32 @!p1 $0x8200  }
0xc6: {  	[tilespmem:s9], [sflag:$0x7] =	stream.indirect.gather @!p1 [hbm4b:s1+s10], $0x80, s6, s10, $0xb8;
	[tilespmem:$0x10200] =	vst v63  }
0xc7: {  	s6 =	simm.s32 @!p0 $0x6  }
0xc8: {  	_ =	swait.ge @!p0 [sflag:s6], $0x4000  }
0xc9: {  	[sflag:s6] =	ssyncset.done @!p0 $0x0  }
0xca: {  	s9 =	simm.s32 @!p0 $0x8;
	[sflag:s6] =	ssyncadd.s32 @!p0 $0xFFFFC000  }
0xcb: {  	s5 =	sadd.s32 @!p0 s5, s17;
	_ =	swait.ge @!p0 [sflag:s9], $0x4000  }
0xcc: {  	s5 =	sadd.s32 @!p0 $0x10000, s5;
	s0 =	sadd.s32 @!p0 s0, s4;
	[sflag:s9] =	ssyncset.done @!p0 $0x0  }
0xcd: {  	s6 =	simm.s32 @!p0 $0x4200;
	[sflag:s9] =	ssyncadd.s32 @!p0 $0xFFFFC000;
	s9 =	simm.s32 @!p0 $0x0  }
0xce: {  	[hbm4b:s5+s9] =	stream.linear.scatter @!p0 [tilespmem:s6], [sflag:$0xA], $0x4000, $0x38;
	[tilespmem:$0x10200] =	vst v63  }
0xcf: {  	s0 =	sadd.s32 @!p0 $0x60, s0;
	s5 =	sadd.s32 @!p0 s22, s17  }
0xd0: {  	p1 =	sgt.u32 @!p0 s0, $0x4E1;
	s6 =	simm.s32 @!p0 $0xC200;
	s5 =	sadd.s32 @!p0 $0x10000, s5  }
0xd1: {  	[hbm4b:s5+s9] =	stream.linear.scatter @!p0 [tilespmem:s6], [sflag:$0xC], $0x4000, $0x38;
	[tilespmem:$0x10200] =	vst v63  }
0xd2: {  	p0 =	por p1, p0  }
0xd3: {  	s0 =	sadd.s32 @!p0 s3, s14  }
0xd4: {  	s3 =	simm.s32 @!p0 $0x80;
	s5 =	simm.s32 @!p0 $0x0;
	s0 =	sadd.s32 @!p0 $0x600, s0  }
0xd5: {  	[tilespmem:s3], [sflag:$0x2] =	stream.linear.gather @!p0 [hbm4b:s0+s5], $0x80, $0x38;
	[tilespmem:$0x10200] =	vst v63  }
0xd6: {  	s0 =	sadd.s32 @!p0 s31, s14  }
0xd7: {  	s22 =	rddreg [dreg:$0xb];
	s3 =	simm.s32 @!p0 $0x180;
	s0 =	sadd.s32 @!p0 $0x600, s0  }
0xd8: {  	[tilespmem:s3], [sflag:$0x4] =	stream.linear.gather @!p0 [hbm4b:s0+s5], $0x80, $0x38;
	[tilespmem:$0x10200] =	vst v63  }
0xd9: {  	_ =	swait.ge [sflag:s22], $0x4000  }
0xda: {  	[sflag:s22] =	ssyncset.done $0x0  }
0xdb: {  	s23 =	rddreg [dreg:$0xc];
	[sflag:s22] =	ssyncadd.s32 $0xFFFFC000  }
0xdc: {  	_ =	swait.ge [sflag:s23], $0x4000  }
0xdd: {  	[sflag:s23] =	ssyncset.done $0x0  }
0xde: {  	s24 =	rddreg [dreg:$0xd];
	[sflag:s23] =	ssyncadd.s32 $0xFFFFC000  }
0xdf: {  	_ =	swait.ge [sflag:s24], $0x4000  }
0xe0: {  	[sflag:s24] =	ssyncset.done $0x0  }
0xe1: {  	[sflag:s24] =	ssyncadd.s32 $0xFFFFC000  }
0xe2: {  	_ =	swait.ge [sflag:s13], $0x4000  }
0xe3: {  	s30 =	sadd.s32 $0x1, s30;
	s31 =	rddreg [dreg:$0xa]  }
0xe4: {  	p0 =	sne.s32 s30, s31  }
.Ltmp1:
0xe5: {  	_ = 	snop;
	(pc) =	sbr.rel @p0 .LBB2_1-.Ltmp1, $3  }
0xe6: {  	_ =	sdelay $0x1  }
0xe7: {  	[sflag:s13] =	ssyncset.done $0x0  }
0xe8: {  	[sflag:s13] =	ssyncadd.s32 $0xFFFFC000  }
0xe9: {  	_ =	sfence.sel $0x180000  }
0xea: {  	[bflag:$0x0] =	sbarrier.arrive $0xFFFF  }
0xeb: {  	_ =	strace $0x9000004A  }
0xec: {  	s0 =	stileid.u32;
	[bflag:$0x2] =	sbarrier.arrive $0xFFFF  }
0xed: {  	p0 =	sne.s32 s0, $0x0;
	s0 =	rddreg [dreg:$0x3]  }
0xee: {  	s0 =	sadd.s32 @!p0 $0x100000, s0  }
0xef: {  	[sflag:s0] =	ssyncadd.tile.s32 @!p0 $0x1;
	_ =	shalt  }
.Lfunc_end2:
_tile_overlayer_lowered:
.L_overlay_start_2:
0xf0: {  	(tag) =	ssettag $0x2  }
0xf1: {  	s0 =	rddreg [dreg:$0x0];
	s2 =	stileid.u32  }
0xf2: {  	s1 =	rddreg [dreg:$0x1];
	p0 =	sne.s32 s2, $0x0  }
0xf3: {  	s3 =	rddreg [dreg:$0x2];
	[bflag:$0x3] =	sbarrier.arrive $0xFFFF;
	s2 =	simm.s32 @!p0 $0x1C0D  }
0xf4: {  	[timem:s3], [sflag:s2] =	dma.local @!p0 [hbm:s0], s1  }
0xf5: {  	s0 =	simm.s32 @!p0 $0xD  }
0xf6: {  	_ =	swait.ge @!p0 [sflag:s0], s1  }
0xf7: {  	s1 =	ssub.s32 @!p0 $0x0, s1;
	[sflag:s0] =	ssyncset.done @!p0 $0x0  }
0xf8: {  	[sflag:s0] =	ssyncadd.s32 @!p0 s1  }
0xf9: {  	[bflag:$0x3] =	sbarrier.arrive $0xFFFF  }
0xfa: {  	_ =	shalt  }

// kernel: kernel.16.cloned.1.call-start
scs
__scs_entry_jumppad:
0x0: {  	(pc) =	sbr.rel $0x88, $3  }
0x1: {  	(tag) =	ssettag $0x0;
	lr =	simm.s32 $0x1  }
0x2: {  	[smem:$0x3F8A] =	sst lr;
	_ =	strace $0xD0000000  }
0x3: {  	_ = 	snop  }
0x4: {  	_ = 	snop  }
0x5: {  	_ = 	snop  }
0x6: {  	_ = 	snop  }
0x7: {  	_ = 	snop  }
__scs_overlays_trampoline_lowered:
0x8: {  	[smem:$0x3F99] =	sst s0  }
0x9: {  	[smem:$0x3F9A] =	sst s1  }
0xa: {  	[smem:$0x3F9B] =	sst s2  }
0xb: {  	[smem:$0x3F9C] =	sst s3  }
0xc: {  	[smem:$0x3F9D] =	sst s4  }
0xd: {  	[smem:$0x3F9E] =	sst s5  }
0xe: {  	[smem:$0x3F9F] =	sst s6  }
0xf: {  	[smem:$0x3FA0] =	sst s7  }
0x10: {  	[smem:$0x3FA1] =	sst s8  }
0x11: {  	[smem:$0x3FA2] =	sst s9;
	s0 =	simm.s32 @!p0 $0x0  }
0x12: {  	s1 =	sld [smem:$0x3F88];
	s0 =	simm.s32 @p0 $0x1  }
0x13: {  	[smem:$0x3FA3] =	sst s0;
	s0 =	simm.s32 @!p1 $0x0  }
0x14: {  	s2 =	sld [smem:$0x3F87];
	s0 =	simm.s32 @p1 $0x1  }
0x15: {  	[smem:$0x3FA4] =	sst s0;
	s0 =	simm.s32 @!p2 $0x0  }
0x16: {  	s3 =	sld [smem:$0x3FDB];
	s0 =	simm.s32 @p2 $0x1  }
0x17: {  	s4 =	simm.s32 $0x1BF5;
	[smem:$0x3FA6] =	sst s0  }
0x18: {  	s0 =	sld [smem:$0x3F89];
	_ =	swait.ge [sflag:s4], $0x0  }
0x19: {  	s7 =	sld [smem:$0x3F8A]  }
0x1a: {  	s8 =	sadd.s32 $0xFFFFE003, lr  }
0x1b: {  	s9 =	sadd.s32 $0xFFFFFEF7, lr;
	s5 =	simm.s32 $0xFFFFFFFF;
	p2 =	slt.u32 s8, $0xFFFFF086  }
0x1c: {  	p1 =	slt.u32 s9, $0xF7A;
	s5 =	simm.s32 @!p2 $0x0  }
0x1d: {  	s5 =	simm.s32 @p1 $0x1;
	p0 =	seq.s32 s7, s2  }
0x1e: {  	s7 =	smul.u32 @!p0 $0xF7A, s2;
	p2 =	seq.s32 @!p0 s5, $0x0  }
0x1f: {  	s9 =	smul.u32 $0xF7A, s1;
	s8 =	simm.s32 @!p0 $0x1BF5;
	p2 =	por !p2, p0  }
0x20: {  	[sflag:s8] =	ssyncset.s32 @!p0 $0xFFFFF086;
	s6 =	sadd.s32 @!p0 s3, s7;
	s7 =	simm.s32 @!p0 $0x108  }
0x21: {  	s3 =	sadd.s32 s3, s9;
	s6 =	sadd.s32 @!p0 $0x88, s6;
	s7 =	simm.s32 @p2 $0x1082  }
0x22: {  	[simem:s7], [sflag:s8] =	dma.local @!p0 [hbm:s6], $0xF7A  }
0x23: {  	s9 =	sor.u32 $0xD0000000, s2;
	s6 =	simm.s32 $0x108;
	_ =	swait.ge @!p0 [sflag:s8], $0x0  }
0x24: {  	s3 =	sadd.s32 $0x88, s3;
	s6 =	simm.s32 @!p1 $0x1082;
	[sflag:s4] =	ssyncset.s32 $0xFFFFF086  }
0x25: {  	[simem:s6], [sflag:s4] =	dma.local [hbm:s3], $0xF7A  }
0x26: {  	[smem:$0x3F8A] =	sst s1;
	(tag) =	ssettag s2;
	_ =	strace s9  }
0x27: {  	s1 =	sld [smem:$0x3F9A]  }
0x28: {  	s2 =	sld [smem:$0x3F9B]  }
0x29: {  	s4 =	sld [smem:$0x3F9D]  }
0x2a: {  	p0 =	seq.s32 s5, $0x0;
	s5 =	sld [smem:$0x3F9E]  }
0x2b: {  	s6 =	sld [smem:$0x3F9F]  }
0x2c: {  	s7 =	sld [smem:$0x3FA0]  }
0x2d: {  	s3 =	simm.s32 $0x108;
	s8 =	sld [smem:$0x3FA1]  }
0x2e: {  	s3 =	simm.s32 @!p0 $0x1082;
	s9 =	sld [smem:$0x3FA2]  }
0x2f: {  	lr =	sadd.s32 s0, s3;
	s0 =	sld [smem:$0x3F99]  }
0x30: {  	s3 =	sld [smem:$0x3F9C]  }
0x31: {  	[smem:$0x3FA5] =	sst s10  }
0x32: {  	s10 =	sld [smem:$0x3FA3];
	_ =	sdelay $0x3  }
0x33: {  	p0 =	seq.s32 s10, $0x1;
	s10 =	sld [smem:$0x3FA5];
	_ =	sdelay $0x3  }
0x34: {  	[smem:$0x3FA5] =	sst s10  }
0x35: {  	s10 =	sld [smem:$0x3FA4];
	_ =	sdelay $0x3  }
0x36: {  	p1 =	seq.s32 s10, $0x1;
	s10 =	sld [smem:$0x3FA5];
	_ =	sdelay $0x3  }
0x37: {  	[smem:$0x3FA5] =	sst s10  }
0x38: {  	s10 =	sld [smem:$0x3FA6]  }
0x39: {  	_ = 	snop;
	(pc) =	sbr.ind lr, $3  }
0x3a: {  	_ = 	snop  }
0x3b: {  	_ = 	snop  }
0x3c: {  	p2 =	seq.s32 s10, $0x1;
	s10 =	sld [smem:$0x3FA5]  }
0x3d: {  	_ =	shalt  }
0x3e: {  	_ =	shalt  }
0x3f: {  	_ =	shalt  }
0x40: {  	_ =	shalt  }
0x41: {  	_ =	shalt  }
0x42: {  	_ =	shalt  }
0x43: {  	_ =	shalt  }
0x44: {  	_ =	shalt  }
0x45: {  	_ =	shalt  }
0x46: {  	_ =	shalt  }
0x47: {  	_ =	shalt  }
0x48: {  	_ =	shalt  }
0x49: {  	_ =	shalt  }
0x4a: {  	_ =	shalt  }
0x4b: {  	_ =	shalt  }
0x4c: {  	_ =	shalt  }
0x4d: {  	_ =	shalt  }
0x4e: {  	_ =	shalt  }
0x4f: {  	_ =	shalt  }
0x50: {  	_ =	shalt  }
0x51: {  	_ =	shalt  }
0x52: {  	_ =	shalt  }
0x53: {  	_ =	shalt  }
0x54: {  	_ =	shalt  }
0x55: {  	_ =	shalt  }
0x56: {  	_ =	shalt  }
0x57: {  	_ =	shalt  }
0x58: {  	_ =	shalt  }
0x59: {  	_ =	shalt  }
0x5a: {  	_ =	shalt  }
0x5b: {  	_ =	shalt  }
0x5c: {  	_ =	shalt  }
0x5d: {  	_ =	shalt  }
0x5e: {  	_ =	shalt  }
0x5f: {  	_ =	shalt  }
0x60: {  	_ =	shalt  }
0x61: {  	_ =	shalt  }
0x62: {  	_ =	shalt  }
0x63: {  	_ =	shalt  }
0x64: {  	_ =	shalt  }
0x65: {  	_ =	shalt  }
0x66: {  	_ =	shalt  }
0x67: {  	_ =	shalt  }
0x68: {  	_ =	shalt  }
0x69: {  	_ =	shalt  }
0x6a: {  	_ =	shalt  }
0x6b: {  	_ =	shalt  }
0x6c: {  	_ =	shalt  }
0x6d: {  	_ =	shalt  }
0x6e: {  	_ =	shalt  }
0x6f: {  	_ =	shalt  }
0x70: {  	_ =	shalt  }
0x71: {  	_ =	shalt  }
0x72: {  	_ =	shalt  }
0x73: {  	_ =	shalt  }
0x74: {  	_ =	shalt  }
0x75: {  	_ =	shalt  }
0x76: {  	_ =	shalt  }
0x77: {  	_ =	shalt  }
0x78: {  	_ =	shalt  }
0x79: {  	_ =	shalt  }
0x7a: {  	_ =	shalt  }
0x7b: {  	_ =	shalt  }
0x7c: {  	_ =	shalt  }
0x7d: {  	_ =	shalt  }
0x7e: {  	_ =	shalt  }
0x7f: {  	_ =	shalt  }
0x80: {  	_ =	shalt  }
0x81: {  	_ =	shalt  }
0x82: {  	_ =	shalt  }
0x83: {  	_ =	shalt  }
0x84: {  	_ =	shalt  }
0x85: {  	_ =	shalt  }
0x86: {  	_ =	shalt  }
0x87: {  	_ =	shalt  }
.Lfunc_end0:
.L_simem_size_0:
called_computation.1_lowered:
.L_overlay_start_0:
0x88: {  	s2 =	sld [smem:$0x3FD9]  }
0x89: {  	s3 =	sld [smem:$0x3FFE];
	_ =	sdelay $0x1  }
0x8a: {  	s1 =	srdreg.scid  }
0x8b: {  	s0 =	sand.u32 $0x1, s1  }
0x8c: {  	s17 =	sshll.u32 s0, $0xA;
	s2 =	sadd.s32 s3, s2  }
0x8d: {  	s2 =	sadd.s32 s2, s17  }
0x8e: {  	[smem:$0x3FB1] =	sst s2  }
0x8f: {  	_ = 	snop  }
0x90: {  	s2 =	sld [smem:$0x3FC9]  }
0x91: {  	s18 =	sld [smem:$0x3FD0];
	(tm) =	ssettm $0x1  }
0x92: {  	s4 =	sld [smem:$0x3FFB];
	_ =	sdelay $0x3  }
0x93: {  	_ =	strace s4  }
0x94: {  	s4 =	sld [smem:$0x3FFC];
	_ =	sdelay $0x3  }
0x95: {  	_ =	strace s4  }
0x96: {  	s4 =	sld [smem:$0x3FFD];
	_ =	sdelay $0x3  }
0x97: {  	_ =	strace s4  }
0x98: {  	_ =	strace $0x8FFFFFFF  }
0x99: {  	s19 =	sld [smem:$0x3FDB];
	_ =	sdelay $0x1  }
0x9a: {  	s5 =	simm.s32 $_scs_section_size  }
0x9b: {  	s6 =	simm.s32 $_size__tile_overlayer_lowered;
	s7 =	simm.s32 $_tile_overlayer_lowered  }
0x9c: {  	s22 =	simm.s32 $0x1BFF;
	s21 =	sshll.u32 s7, $0x1;
	s4 =	sadd.s32 s5, s19  }
0x9d: {  	s8 =	simm.s32 $0x0;
	s20 =	sshll.u32 s6, $0x1;
	s6 =	sadd.s32 s21, s4  }
0x9e: {  	[timem:s8], [sflag:s22] =	dma.local [hbm:s6], s20  }
0x9f: {  	_ =	swait.ge [sflag:s22], s20  }
0xa0: {  	s5 =	ssub.s32 $0x0, s20;
	[sflag:s22] =	ssyncset.done $0x0  }
0xa1: {  	[sflag:s22] =	ssyncadd.s32 s5;
	_ =	sdelay $0x1  }
0xa2: {  	s23 =	simm.s32 $0x1B8B  }
0xa3: {  	_ =	swait.ge [sflag:s23], $0x1  }
0xa4: {  	[sflag:s23] =	ssyncset.done $0x0  }
0xa5: {  	s25 =	simm.s32 $0x1B8E;
	s24 =	sld [smem:$0x3FFE];
	[sflag:s23] =	ssyncadd.s32 $0xFFFFFFFF  }
0xa6: {  	s26 =	simm.s32 $execute0_lowered;
	[smem:$0x3FD2] =	sst s25  }
0xa7: {  	s6 =	sshll.u32 s26, $0x1;
	_ =	strace $0x80000046;
	[dreg:$0x1] =	wrdreg $0xFFFFFFFF  }
0xa8: {  	s28 =	simm.s32 $_size_execute0_lowered;
	s4 =	sadd.s32 s4, s6;
	[dreg:$0x0] =	wrdreg $0x0  }
0xa9: {  	s6 =	sshll.u32 s28, $0x1;
	[dreg:$0x2] =	wrdreg s4  }
0xaa: {  	[dreg:$0x3] =	wrdreg s6  }
0xab: {  	[dreg:$0x4] =	wrdreg $0xC0  }
0xac: {  	_ =	task [dreg:s8], $0x5FFFF  }
0xad: {  	[dreg:$0x1] =	wrdreg $0xFFFFFFFF  }
0xae: {  	[dreg:$0x0] =	wrdreg $0x60  }
0xaf: {  	[dreg:$0x2] =	wrdreg s18  }
0xb0: {  	[dreg:$0x3] =	wrdreg s24  }
0xb1: {  	[dreg:$0x4] =	wrdreg s2  }
0xb2: {  	[dreg:$0x5] =	wrdreg $0xA  }
0xb3: {  	_ =	task.clear_ibuf [dreg:s8], $0x6FFFF;
	_ =	strace $0x90000046  }
0xb4: {  	s29 =	simm.s32 $0xA;
	_ =	strace $0x80000048  }
0xb5: {  	_ =	swait.ge [sflag:s29], $0x1  }
0xb6: {  	[sflag:s29] =	ssyncadd.s32 $0xFFFFFFFF  }
0xb7: {  	_ =	strace $0x90000048  }
0xb8: {  	_ =	sfence  }
0xb9: {  	s30 =	sld [smem:$0x0];
	_ =	sdelay $0x2  }
0xba: {  	s31 =	sshll.u32 s1, $0xD;
	s1 =	sshrl.u32 s1, $0x2  }
0xbb: {  	s3 =	sand.u32 $0x4000, s31;
	s1 =	sadd.s32 s1, s30  }
0xbc: {  	s0 =	sor.u32 s3, s0;
	s1 =	sshll.u32 s1, $0x11  }
0xbd: {  	s0 =	sor.u32 s1, s0  }
0xbe: {  	s0 =	sadd.s32 $0x8F2B, s0  }
0xbf: {  	[sflag:s0] =	ssyncadd.remote.s32 $0x1  }
0xc0: {  	_ =	sfence.sel $0xFFFF  }
0xc1: {  	[dreg:$0x0] =	wrdreg $0xFFFFFFFF;
	(pc) =	sbr.abs _section_cstart, $3  }
0xc2: {  	[dreg:$0x1] =	wrdreg $0xFFFFFFFF  }
0xc3: {  	_ =	task.clear_ibuf [dreg:s8], $0x2FFFF;
	_ =	strace $0x9FFFFFFF  }
0xc4: {  	(tm) =	ssettm $0x7FFFFFFF  }
0xc5: {  	_ =	shalt  }
tec
execute0_lowered:
.L_overlay_start_1:
0x0: {  	(tag) =	ssettag $0x1  }
0x1: {  	s0 =	rddreg [dreg:$0x0]  }
0x2: {  	s2 =	rddreg [dreg:$0x1]  }
0x3: {  	s1 =	rddreg [dreg:$0x2]  }
0x4: {  	s3 =	simm.s32 $0x0;
	s12 =	stileid.u32;
	s4 =	srdreg.scid  }
0x5: {  	s13 =	simm.s32 $0xC;
	s28 =	simm.s32 $0x5;
	s29 =	simm.s32 $0x7  }
0x6: {  	s30 =	simm.s32 $0x0;
	[smem:$0x7FF] =	sst s3;
	s5 =	sand.u32 $0x1, s4  }
0x7: {  	s6 =	sshll.u32 s12, $0x1;
	s8 =	sadd.s32 $0x4600, s2;
	s9 =	sshll.u32 s12, $0xC  }
0x8: {  	p0 =	seq.s32 s12, $0x0;
	s25 =	sshll.u32 s12, $0x5;
	_ =	strace $0x80000047  }
0x9: {  	s7 =	ssub.s32 $0x2, s5;
	s4 =	sor.u32 s5, s6;
	s2 =	sadd.s32 s9, s2  }
0xa: {  	s20 =	ssub.s32 $0x4A2, s6;
	s6 =	ssub.s32 $0x4C2, s6;
	s13 =	simm.s32 @!p0 $0xB  }
0xb: {  	s14 =	sshll.u32 s5, $0x4;
	s17 =	sshll.u32 s5, $0xB;
	[dreg:$0x5] =	wrdreg s20  }
0xc: {  	s11 =	sshll.u32 s4, $0x4;
	[dreg:$0x4] =	wrdreg s6;
	s26 =	sadd.s32 $0xE400, s2  }
0xd: {  	s6 =	simm.s32 $0x9;
	s31 =	sadd.s32 $0x27F400, s2;
	[dreg:$0xe] =	wrdreg s26  }
0xe: {  	s18 =	sadd.s32 $0x4E20, s11;
	s6 =	simm.s32 @!p0 $0xA;
	[dreg:$0xf] =	wrdreg s31  }
0xf: {  	s10 =	sshrl.u32 s7, $0x1;
	s19 =	sadd.s32 s0, s18;
	[dreg:$0xb] =	wrdreg s6  }
0x10: {  	s21 =	sadd.s32 $0x5020, s11;
	s9 =	sadd.s32 s8, s18;
	[dreg:$0x6] =	wrdreg s19  }
0x11: {  	s7 =	ssub.s32 s7, s10;
	s22 =	sadd.s32 s0, s21;
	[dreg:$0x7] =	wrdreg s9  }
0x12: {  	s26 =	simm.s32 $0x8200;
	s23 =	sadd.s32 s8, s21;
	[dreg:$0x8] =	wrdreg s22  }
0x13: {  	s24 =	smax.u32 s7, $0x1;
	s6 =	simm.s32 $0xB;
	[dreg:$0x9] =	wrdreg s23  }
0x14: {  	s7 =	simm.s32 $0xA;
	[dreg:$0xa] =	wrdreg s24;
	s6 =	simm.s32 @!p0 $0xC  }
0x15: {  	s8 =	sadd.s32 s25, s8;
	s7 =	simm.s32 @!p0 $0x9;
	[dreg:$0xc] =	wrdreg s6  }
0x16: {  	[dreg:$0xd] =	wrdreg s7;
	s7 =	sadd.s32 s25, s0;
	s25 =	simm.s32 $0x200  }
.LBB2_1:
0x17: {  	s0 =	rddreg [dreg:$0x6]  }
0x18: {  	[tilespmem:s3], [sflag:$0x1] =	stream.linear.gather [hbm4b:s0+s3], $0x80, $0x38;
	[tilespmem:$0x10200] =	vst v63  }
0x19: {  	s12 =	rddreg [dreg:$0x7];
	s2 =	simm.s32 $0x100  }
0x1a: {  	[tilespmem:s2], [sflag:$0x3] =	stream.linear.gather [hbm4b:s12+s3], $0x80, $0x38;
	[tilespmem:$0x10200] =	vst v63  }
0x1b: {  	s15 =	rddreg [dreg:$0x8];
	s5 =	simm.s32 $0x80  }
0x1c: {  	[tilespmem:s5], [sflag:$0x2] =	stream.linear.gather [hbm4b:s15+s3], $0x80, $0x38;
	[tilespmem:$0x10200] =	vst v63  }
0x1d: {  	s16 =	rddreg [dreg:$0x9];
	s6 =	simm.s32 $0x180;
	s18 =	simm.s32 $0x1  }
0x1e: {  	[tilespmem:s6], [sflag:$0x4] =	stream.linear.gather [hbm4b:s16+s3], $0x80, $0x38;
	[tilespmem:$0x10200] =	vst v63  }
0x1f: {  	_ =	swait.ge [sflag:s18], $0x80  }
0x20: {  	[sflag:s18] =	ssyncset.done $0x0  }
0x21: {  	s19 =	simm.s32 $0x3;
	[sflag:s18] =	ssyncadd.s32 $0xFFFFFF80  }
0x22: {  	_ =	swait.ge [sflag:s19], $0x80  }
0x23: {  	[sflag:s19] =	ssyncset.done $0x0;
	s20 =	rddreg [dreg:$0x4]  }
0x24: {  	[sflag:s19] =	ssyncadd.s32 $0xFFFFFF80;
	p0 =	sle.u32 s20, $0x0  }
0x25: {  	[tilespmem:s25], [sflag:$0x5] =	stream.indirect.gather [hbm4b:s1+s5], $0x80, s3, s5, $0xb8;
	[tilespmem:$0x10200] =	vst v63  }
0x26: {  	s0 =	simm.s32 @!p0 $0x2  }
0x27: {  	[tilespmem:s26], [sflag:$0x7] =	stream.indirect.gather [hbm4b:s1+s5], $0x80, s2, s5, $0xb8;
	[tilespmem:$0x10200] =	vst v63  }
0x28: {  	_ =	swait.ge @!p0 [sflag:s0], $0x80  }
0x29: {  	[sflag:s0] =	ssyncset.done @!p0 $0x0  }
0x2a: {  	s2 =	simm.s32 @!p0 $0x4;
	[sflag:s0] =	ssyncadd.s32 @!p0 $0xFFFFFF80  }
0x2b: {  	p1 =	por @!p0 $0x1, $0x1;
	_ =	swait.ge @!p0 [sflag:s2], $0x80  }
0x2c: {  	p1 =	por p1, p0;
	[sflag:s2] =	ssyncset.done @!p0 $0x0  }
0x2d: {  	s0 =	simm.s32 @!p1 $0xA;
	[sflag:s2] =	ssyncadd.s32 @!p0 $0xFFFFFF80  }
0x2e: {  	_ =	swait.ge @!p1 [sflag:s0], $0x4000  }
0x2f: {  	[sflag:s0] =	ssyncset.done @!p1 $0x0  }
0x30: {  	s2 =	simm.s32 @!p1 $0xC;
	[sflag:s0] =	ssyncadd.s32 @!p1 $0xFFFFC000  }
0x31: {  	_ =	swait.ge @!p1 [sflag:s2], $0x4000  }
0x32: {  	[sflag:s2] =	ssyncset.done @!p1 $0x0  }
0x33: {  	s5 =	simm.s32 @!p0 $0x4200;
	s0 =	simm.s32 @!p0 $0x80;
	[sflag:s2] =	ssyncadd.s32 @!p1 $0xFFFFC000  }
0x34: {  	[tilespmem:s5], [sflag:$0x6] =	stream.indirect.gather @!p0 [hbm4b:s1+s0], $0x80, s0, s0, $0xb8;
	[tilespmem:$0x10200] =	vst v63  }
0x35: {  	s2 =	simm.s32 @!p0 $0x180;
	s5 =	simm.s32 @!p0 $0xC200  }
0x36: {  	[tilespmem:s5], [sflag:$0x8] =	stream.indirect.gather @!p0 [hbm4b:s1+s0], $0x80, s2, s0, $0xb8;
	[tilespmem:$0x10200] =	vst v63  }
0x37: {  	s21 =	sadd.s32 $0x0, s4;
	_ =	swait.ge [sflag:s28], $0x4000  }
0x38: {  	s22 =	sadd.s32 $0x40, s21;
	[sflag:s28] =	ssyncset.done $0x0  }
0x39: {  	p1 =	sgt.u32 s22, $0x4E1;
	[sflag:s28] =	ssyncadd.s32 $0xFFFFC000  }
0x3a: {  	s6 =	sadd.s32 @!p1 s7, s14;
	s0 =	sadd.s32 $0x20, s21;
	_ =	swait.ge [sflag:s29], $0x4000  }
0x3b: {  	s2 =	sadd.s32 @!p1 s8, s14;
	[sflag:s29] =	ssyncset.done $0x0;
	s12 =	rddreg [dreg:$0xf]  }
0x3c: {  	s11 =	rddreg [dreg:$0xe];
	[sflag:s29] =	ssyncadd.s32 $0xFFFFC000;
	s23 =	sadd.s32 s12, s17  }
0x3d: {  	[hbm4b:s23+s3] =	stream.linear.scatter [tilespmem:s25], [sflag:$0x9], $0x4000, $0x38;
	[tilespmem:$0x10200] =	vst v63  }
0x3e: {  	p0 =	sgt.u32 s0, $0x4E1;
	s5 =	rddreg [dreg:$0x5];
	s24 =	sadd.s32 s11, s17  }
0x3f: {  	[hbm4b:s24+s3] =	stream.linear.scatter [tilespmem:s26], [sflag:$0xB], $0x4000, $0x38;
	[tilespmem:$0x10200] =	vst v63  }
0x40: {  	s0 =	sadd.s32 @!p1 $0x5220, s6;
	s6 =	simm.s32 @!p1 $0x0;
	p2 =	sle.u32 @!p0 s5, $0x0  }
0x41: {  	[tilespmem:s6], [sflag:$0x1] =	stream.linear.gather @!p1 [hbm4b:s0+s6], $0x80, $0x38;
	[tilespmem:$0x10200] =	vst v63  }
0x42: {  	p2 =	por p2, p0;
	s0 =	sadd.s32 @!p1 $0x5220, s2;
	s2 =	simm.s32 @!p1 $0x100  }
0x43: {  	[tilespmem:s2], [sflag:$0x3] =	stream.linear.gather @!p1 [hbm4b:s0+s6], $0x80, $0x38;
	[tilespmem:$0x10200] =	vst v63  }
0x44: {  	s0 =	simm.s32 @!p2 $0x1  }
0x45: {  	_ =	swait.ge @!p2 [sflag:s0], $0x80  }
0x46: {  	s31 =	sadd.s32 $0x400, s8;
	[sflag:s0] =	ssyncset.done @!p2 $0x0  }
0x47: {  	s16 =	smov.u32 s8;
	s2 =	simm.s32 @!p2 $0x3;
	[sflag:s0] =	ssyncadd.s32 @!p2 $0xFFFFFF80  }
0x48: {  	s5 =	sadd.s32 @!p0 $0x0, s4;
	s22 =	sadd.s32 $0x20000, s11;
	_ =	swait.ge @!p2 [sflag:s2], $0x80  }
0x49: {  	s23 =	simm.s32 @!p0 $0x6;
	s9 =	simm.s32 @!p2 $0x9;
	[sflag:s2] =	ssyncset.done @!p2 $0x0  }
0x4a: {  	s10 =	simm.s32 @!p2 $0xB;
	s15 =	simm.s32 @!p2 $0x0;
	[sflag:s2] =	ssyncadd.s32 @!p2 $0xFFFFFF80  }
0x4b: {  	s24 =	simm.s32 @!p2 $0x100;
	s6 =	simm.s32 $0x80;
	_ =	swait.ge @!p2 [sflag:s9], $0x4000  }
0x4c: {  	s0 =	simm.s32 $0x40;
	s2 =	sadd.s32 @!p0 $0x60, s5;
	[sflag:s9] =	ssyncset.done @!p2 $0x0  }
0x4d: {  	s5 =	sadd.s32 @!p0 s12, s17;
	p3 =	sgt.u32 @!p0 s2, $0x4E1;
	[sflag:s9] =	ssyncadd.s32 @!p2 $0xFFFFC000  }
0x4e: {  	s2 =	sadd.s32 @!p0 s11, s17;
	s21 =	sadd.s32 @!p0 $0x10000, s5;
	_ =	swait.ge @!p2 [sflag:s10], $0x4000  }
0x4f: {  	s5 =	sadd.s32 $0x20000, s12;
	s20 =	sadd.s32 @!p0 $0x10000, s2;
	[sflag:s10] =	ssyncset.done @!p2 $0x0  }
0x50: {  	s2 =	simm.s32 @!p2 $0x200;
	s9 =	simm.s32 @!p2 $0x80;
	[sflag:s10] =	ssyncadd.s32 @!p2 $0xFFFFC000  }
0x51: {  	[tilespmem:s2], [sflag:$0x5] =	stream.indirect.gather @!p2 [hbm4b:s1+s9], $0x80, s15, s9, $0xb8;
	[tilespmem:$0x10200] =	vst v63  }
0x52: {  	s10 =	simm.s32 @!p2 $0x8200;
	s2 =	sadd.s32 $0x400, s7;
	s15 =	smov.u32 s7  }
.LBB2_2:
0x53: {  	[tilespmem:s10], [sflag:$0x7] =	stream.indirect.gather @!p2 [hbm4b:s1+s9], $0x80, s24, s9, $0xb8;
	[tilespmem:$0x10200] =	vst v63  }
0x54: {  	_ =	swait.ge @!p0 [sflag:s23], $0x4000  }
0x55: {  	[sflag:s23] =	ssyncset.done @!p0 $0x0  }
0x56: {  	s10 =	simm.s32 @!p0 $0x8;
	[sflag:s23] =	ssyncadd.s32 @!p0 $0xFFFFC000  }
0x57: {  	s24 =	simm.s32 @!p0 $0xC200;
	_ =	swait.ge @!p0 [sflag:s10], $0x4000  }
0x58: {  	p3 =	por p3, p0;
	s11 =	simm.s32 @!p0 $0x0;
	[sflag:s10] =	ssyncset.done @!p0 $0x0  }
0x59: {  	s19 =	simm.s32 @!p3 $0x80;
	s23 =	simm.s32 @!p0 $0x4200;
	[sflag:s10] =	ssyncadd.s32 @!p0 $0xFFFFC000  }
0x5a: {  	[hbm4b:s21+s11] =	stream.linear.scatter @!p0 [tilespmem:s23], [sflag:$0xA], $0x4000, $0x38;
	[tilespmem:$0x10200] =	vst v63  }
0x5b: {  	s18 =	rddreg [dreg:$0x4];
	s10 =	sadd.s32 @!p3 s15, s14;
	s15 =	sadd.s32 @!p3 s16, s14  }
0x5c: {  	[hbm4b:s20+s11] =	stream.linear.scatter @!p0 [tilespmem:s24], [sflag:$0xC], $0x4000, $0x38;
	[tilespmem:$0x10200] =	vst v63  }
0x5d: {  	p2 =	sge.u32 s0, s18;
	s10 =	sadd.s32 @!p3 $0x5420, s10;
	s11 =	simm.s32 @!p3 $0x0  }
0x5e: {  	[tilespmem:s19], [sflag:$0x2] =	stream.linear.gather @!p3 [hbm4b:s10+s11], $0x80, $0x38;
	[tilespmem:$0x10200] =	vst v63  }
0x5f: {  	s12 =	simm.s32 @!p3 $0x180;
	s18 =	sadd.s32 @!p3 $0x5420, s15;
	s10 =	simm.s32 @!p2 $0x2  }
0x60: {  	[tilespmem:s12], [sflag:$0x4] =	stream.linear.gather @!p3 [hbm4b:s18+s11], $0x80, $0x38;
	[tilespmem:$0x10200] =	vst v63  }
0x61: {  	_ =	swait.ge @!p2 [sflag:s10], $0x80  }
0x62: {  	[sflag:s10] =	ssyncset.done @!p2 $0x0  }
0x63: {  	s11 =	simm.s32 @!p2 $0x4;
	[sflag:s10] =	ssyncadd.s32 @!p2 $0xFFFFFF80  }
0x64: {  	p0 =	seq.s32 @!p2 s0, $0x0;
	_ =	swait.ge @!p2 [sflag:s11], $0x80  }
0x65: {  	p0 =	por p0, p2;
	[sflag:s11] =	ssyncset.done @!p2 $0x0  }
0x66: {  	s10 =	simm.s32 @!p0 $0xA;
	[sflag:s11] =	ssyncadd.s32 @!p2 $0xFFFFFF80  }
0x67: {  	_ =	swait.ge @!p0 [sflag:s10], $0x4000  }
0x68: {  	[sflag:s10] =	ssyncset.done @!p0 $0x0  }
0x69: {  	s11 =	simm.s32 @!p0 $0xC;
	[sflag:s10] =	ssyncadd.s32 @!p0 $0xFFFFC000  }
0x6a: {  	_ =	swait.ge @!p0 [sflag:s11], $0x4000  }
0x6b: {  	[sflag:s11] =	ssyncset.done @!p0 $0x0  }
0x6c: {  	s12 =	simm.s32 @!p2 $0x80;
	s18 =	simm.s32 @!p2 $0x4200;
	[sflag:s11] =	ssyncadd.s32 @!p0 $0xFFFFC000  }
0x6d: {  	[tilespmem:s18], [sflag:$0x6] =	stream.indirect.gather @!p2 [hbm4b:s1+s12], $0x80, s12, s12, $0xb8;
	[tilespmem:$0x10200] =	vst v63  }
0x6e: {  	s19 =	simm.s32 @!p2 $0xC200;
	s18 =	simm.s32 @!p2 $0x180  }
0x6f: {  	[tilespmem:s19], [sflag:$0x8] =	stream.indirect.gather @!p2 [hbm4b:s1+s12], $0x80, s18, s12, $0xb8;
	[tilespmem:$0x10200] =	vst v63  }
0x70: {  	_ =	swait.ge [sflag:s28], $0x4000  }
0x71: {  	s9 =	smov.u32 s6;
	[sflag:s28] =	ssyncset.done $0x0  }
0x72: {  	s6 =	sadd.s32 $0x40, s6;
	s20 =	sadd.s32 s0, s4;
	[sflag:s28] =	ssyncadd.s32 $0xFFFFC000  }
0x73: {  	s23 =	sadd.s32 s5, s17;
	s21 =	sadd.s32 $0x40, s20;
	_ =	swait.ge [sflag:s29], $0x4000  }
0x74: {  	s24 =	sadd.s32 s22, s17;
	p3 =	sgt.u32 s21, $0x4E1;
	[sflag:s29] =	ssyncset.done $0x0  }
0x75: {  	s10 =	sadd.s32 $0x20, s20;
	s11 =	sadd.s32 @!p3 s31, s14;
	[sflag:s29] =	ssyncadd.s32 $0xFFFFC000  }
0x76: {  	[hbm4b:s23+s3] =	stream.linear.scatter [tilespmem:s25], [sflag:$0x9], $0x4000, $0x38;
	[tilespmem:$0x10200] =	vst v63  }
0x77: {  	p0 =	sgt.u32 s10, $0x4E1;
	s12 =	sadd.s32 @!p3 s2, s14;
	s19 =	rddreg [dreg:$0x5]  }
0x78: {  	[hbm4b:s24+s3] =	stream.linear.scatter [tilespmem:s26], [sflag:$0xB], $0x4000, $0x38;
	[tilespmem:$0x10200] =	vst v63  }
0x79: {  	s10 =	simm.s32 @!p3 $0x0;
	s12 =	sadd.s32 @!p3 $0x5220, s12;
	p2 =	sge.u32 @!p0 s0, s19  }
0x7a: {  	[tilespmem:s10], [sflag:$0x1] =	stream.linear.gather @!p3 [hbm4b:s12+s10], $0x80, $0x38;
	[tilespmem:$0x10200] =	vst v63  }
0x7b: {  	s11 =	sadd.s32 @!p3 $0x5220, s11;
	p2 =	por p2, p0;
	s12 =	simm.s32 @!p3 $0x100  }
0x7c: {  	[tilespmem:s12], [sflag:$0x3] =	stream.linear.gather @!p3 [hbm4b:s11+s10], $0x80, $0x38;
	[tilespmem:$0x10200] =	vst v63  }
0x7d: {  	p1 =	sne.s32 s6, $0x500;
	s10 =	simm.s32 @!p2 $0x1  }
0x7e: {  	s16 =	smov.u32 s31;
	s0 =	sadd.s32 @!p0 s0, s4;
	_ =	swait.ge @!p2 [sflag:s10], $0x80  }
0x7f: {  	s0 =	sadd.s32 @!p0 $0x60, s0;
	s11 =	sadd.s32 @!p0 s5, s17;
	[sflag:s10] =	ssyncset.done @!p2 $0x0  }
0x80: {  	s21 =	sadd.s32 @!p0 $0x10000, s11;
	s11 =	simm.s32 @!p2 $0x3;
	[sflag:s10] =	ssyncadd.s32 @!p2 $0xFFFFFF80  }
0x81: {  	p3 =	sgt.u32 @!p0 s0, $0x4E1;
	s0 =	sadd.s32 @!p0 s22, s17;
	_ =	swait.ge @!p2 [sflag:s11], $0x80  }
0x82: {  	s15 =	smov.u32 s2;
	s20 =	sadd.s32 @!p0 $0x10000, s0;
	[sflag:s11] =	ssyncset.done @!p2 $0x0  }
0x83: {  	s0 =	smov.u32 s9;
	s9 =	simm.s32 @!p2 $0x9;
	[sflag:s11] =	ssyncadd.s32 @!p2 $0xFFFFFF80  }
0x84: {  	s31 =	sadd.s32 $0x400, s31;
	s2 =	sadd.s32 $0x400, s2;
	_ =	swait.ge @!p2 [sflag:s9], $0x4000  }
0x85: {  	s23 =	simm.s32 @!p0 $0x6;
	s24 =	simm.s32 @!p2 $0x100;
	[sflag:s9] =	ssyncset.done @!p2 $0x0  }
.Ltmp0:
0x86: {  	s10 =	simm.s32 @!p2 $0xB;
	[sflag:s9] =	ssyncadd.s32 @!p2 $0xFFFFC000;
	(pc) =	sbr.rel @p1 .LBB2_2-.Ltmp0, $4  }
0x87: {  	s5 =	sadd.s32 $0x20000, s5;
	s22 =	sadd.s32 $0x20000, s22;
	_ =	swait.ge @!p2 [sflag:s10], $0x4000  }
0x88: {  	s12 =	simm.s32 @!p2 $0x0;
	s11 =	simm.s32 @!p2 $0x200;
	[sflag:s10] =	ssyncset.done @!p2 $0x0  }
0x89: {  	s9 =	simm.s32 @!p2 $0x80;
	[sflag:s10] =	ssyncadd.s32 @!p2 $0xFFFFC000;
	s10 =	simm.s32 @!p2 $0x8200  }
0x8a: {  	[tilespmem:s11], [sflag:$0x5] =	stream.indirect.gather @!p2 [hbm4b:s1+s9], $0x80, s12, s9, $0xb8;
	[tilespmem:$0x10200] =	vst v63  }
0x8b: {  	[tilespmem:s10], [sflag:$0x7] =	stream.indirect.gather @!p2 [hbm4b:s1+s9], $0x80, s24, s9, $0xb8;
	[tilespmem:$0x10200] =	vst v63  }
0x8c: {  	_ =	swait.ge @!p0 [sflag:s23], $0x4000  }
0x8d: {  	[sflag:s23] =	ssyncset.done @!p0 $0x0  }
0x8e: {  	s6 =	simm.s32 @!p0 $0x8;
	[sflag:s23] =	ssyncadd.s32 @!p0 $0xFFFFC000  }
0x8f: {  	_ =	swait.ge @!p0 [sflag:s6], $0x4000  }
0x90: {  	[sflag:s6] =	ssyncset.done @!p0 $0x0  }
0x91: {  	s9 =	simm.s32 @!p0 $0x4200;
	[sflag:s6] =	ssyncadd.s32 @!p0 $0xFFFFC000;
	s6 =	simm.s32 @!p0 $0x0  }
0x92: {  	[hbm4b:s21+s6] =	stream.linear.scatter @!p0 [tilespmem:s9], [sflag:$0xA], $0x4000, $0x38;
	[tilespmem:$0x10200] =	vst v63  }
0x93: {  	p1 =	por p3, p0;
	s9 =	simm.s32 @!p0 $0xC200  }
0x94: {  	[hbm4b:s20+s6] =	stream.linear.scatter @!p0 [tilespmem:s9], [sflag:$0xC], $0x4000, $0x38;
	[tilespmem:$0x10200] =	vst v63  }
0x95: {  	s9 =	sadd.s32 @!p1 s15, s14  }
0x96: {  	s10 =	simm.s32 @!p1 $0x80;
	s11 =	simm.s32 @!p1 $0x0;
	s9 =	sadd.s32 @!p1 $0x5420, s9  }
0x97: {  	[tilespmem:s10], [sflag:$0x2] =	stream.linear.gather @!p1 [hbm4b:s9+s11], $0x80, $0x38;
	[tilespmem:$0x10200] =	vst v63  }
0x98: {  	s12 =	rddreg [dreg:$0x4];
	s9 =	sadd.s32 @!p1 s16, s14  }
0x99: {  	p0 =	sge.u32 s0, s12;
	s6 =	simm.s32 @!p1 $0x180;
	s9 =	sadd.s32 @!p1 $0x5420, s9  }
0x9a: {  	[tilespmem:s6], [sflag:$0x4] =	stream.linear.gather @!p1 [hbm4b:s9+s11], $0x80, $0x38;
	[tilespmem:$0x10200] =	vst v63  }
0x9b: {  	s6 =	simm.s32 @!p0 $0x2  }
0x9c: {  	_ =	swait.ge @!p0 [sflag:s6], $0x80  }
0x9d: {  	[sflag:s6] =	ssyncset.done @!p0 $0x0  }
0x9e: {  	s9 =	simm.s32 @!p0 $0x4;
	[sflag:s6] =	ssyncadd.s32 @!p0 $0xFFFFFF80  }
0x9f: {  	p1 =	seq.s32 @!p0 s0, $0x0;
	_ =	swait.ge @!p0 [sflag:s9], $0x80  }
0xa0: {  	p1 =	por p1, p0;
	[sflag:s9] =	ssyncset.done @!p0 $0x0  }
0xa1: {  	s6 =	simm.s32 @!p1 $0xA;
	[sflag:s9] =	ssyncadd.s32 @!p0 $0xFFFFFF80  }
0xa2: {  	_ =	swait.ge @!p1 [sflag:s6], $0x4000  }
0xa3: {  	[sflag:s6] =	ssyncset.done @!p1 $0x0  }
0xa4: {  	s9 =	simm.s32 @!p1 $0xC;
	[sflag:s6] =	ssyncadd.s32 @!p1 $0xFFFFC000  }
0xa5: {  	_ =	swait.ge @!p1 [sflag:s9], $0x4000  }
0xa6: {  	[sflag:s9] =	ssyncset.done @!p1 $0x0  }
0xa7: {  	s10 =	simm.s32 @!p0 $0x4200;
	s6 =	simm.s32 @!p0 $0x80;
	[sflag:s9] =	ssyncadd.s32 @!p1 $0xFFFFC000  }
0xa8: {  	[tilespmem:s10], [sflag:$0x6] =	stream.indirect.gather @!p0 [hbm4b:s1+s6], $0x80, s6, s6, $0xb8;
	[tilespmem:$0x10200] =	vst v63  }
0xa9: {  	s9 =	simm.s32 @!p0 $0x180;
	s10 =	simm.s32 @!p0 $0xC200  }
0xaa: {  	[tilespmem:s10], [sflag:$0x8] =	stream.indirect.gather @!p0 [hbm4b:s1+s6], $0x80, s9, s6, $0xb8;
	[tilespmem:$0x10200] =	vst v63  }
0xab: {  	_ =	swait.ge [sflag:s28], $0x4000  }
0xac: {  	s18 =	sadd.s32 s0, s4;
	[sflag:s28] =	ssyncset.done $0x0  }
0xad: {  	s19 =	sadd.s32 $0x40, s18;
	[sflag:s28] =	ssyncadd.s32 $0xFFFFC000  }
0xae: {  	p2 =	sgt.u32 s19, $0x4E1;
	_ =	swait.ge [sflag:s29], $0x4000  }
0xaf: {  	s21 =	sadd.s32 s22, s17;
	s20 =	sadd.s32 s5, s17;
	[sflag:s29] =	ssyncset.done $0x0  }
0xb0: {  	s6 =	sadd.s32 $0x20, s18;
	s9 =	sadd.s32 @!p2 s31, s14;
	[sflag:s29] =	ssyncadd.s32 $0xFFFFC000  }
0xb1: {  	[hbm4b:s20+s3] =	stream.linear.scatter [tilespmem:s25], [sflag:$0x9], $0x4000, $0x38;
	[tilespmem:$0x10200] =	vst v63  }
0xb2: {  	p0 =	sgt.u32 s6, $0x4E1;
	s6 =	sadd.s32 @!p2 s2, s14;
	s10 =	rddreg [dreg:$0x5]  }
0xb3: {  	[hbm4b:s21+s3] =	stream.linear.scatter [tilespmem:s26], [sflag:$0xB], $0x4000, $0x38;
	[tilespmem:$0x10200] =	vst v63  }
0xb4: {  	s6 =	sadd.s32 @!p2 $0x5220, s6;
	p1 =	sge.u32 @!p0 s0, s10;
	s10 =	simm.s32 @!p2 $0x0  }
0xb5: {  	[tilespmem:s10], [sflag:$0x1] =	stream.linear.gather @!p2 [hbm4b:s6+s10], $0x80, $0x38;
	[tilespmem:$0x10200] =	vst v63  }
0xb6: {  	p1 =	por p1, p0;
	s6 =	sadd.s32 @!p2 $0x5220, s9;
	s9 =	simm.s32 @!p2 $0x100  }
0xb7: {  	[tilespmem:s9], [sflag:$0x3] =	stream.linear.gather @!p2 [hbm4b:s6+s10], $0x80, $0x38;
	[tilespmem:$0x10200] =	vst v63  }
0xb8: {  	s6 =	simm.s32 @!p1 $0x1  }
0xb9: {  	_ =	swait.ge @!p1 [sflag:s6], $0x80  }
0xba: {  	[sflag:s6] =	ssyncset.done @!p1 $0x0  }
0xbb: {  	s9 =	simm.s32 @!p1 $0x3;
	[sflag:s6] =	ssyncadd.s32 @!p1 $0xFFFFFF80  }
0xbc: {  	_ =	swait.ge @!p1 [sflag:s9], $0x80  }
0xbd: {  	[sflag:s9] =	ssyncset.done @!p1 $0x0  }
0xbe: {  	s6 =	simm.s32 @!p1 $0x9;
	[sflag:s9] =	ssyncadd.s32 @!p1 $0xFFFFFF80  }
0xbf: {  	_ =	swait.ge @!p1 [sflag:s6], $0x4000  }
0xc0: {  	[sflag:s6] =	ssyncset.done @!p1 $0x0  }
0xc1: {  	s9 =	simm.s32 @!p1 $0xB;
	[sflag:s6] =	ssyncadd.s32 @!p1 $0xFFFFC000  }
0xc2: {  	_ =	swait.ge @!p1 [sflag:s9], $0x4000  }
0xc3: {  	s10 =	simm.s32 @!p1 $0x80;
	[sflag:s9] =	ssyncset.done @!p1 $0x0  }
0xc4: {  	s6 =	simm.s32 @!p1 $0x200;
	[sflag:s9] =	ssyncadd.s32 @!p1 $0xFFFFC000;
	s9 =	simm.s32 @!p1 $0x0  }
0xc5: {  	[tilespmem:s6], [sflag:$0x5] =	stream.indirect.gather @!p1 [hbm4b:s1+s10], $0x80, s9, s10, $0xb8;
	[tilespmem:$0x10200] =	vst v63  }
0xc6: {  	s6 =	simm.s32 @!p1 $0x100;
	s9 =	simm.s32 @!p1 $0x8200  }
0xc7: {  	[tilespmem:s9], [sflag:$0x7] =	stream.indirect.gather @!p1 [hbm4b:s1+s10], $0x80, s6, s10, $0xb8;
	[tilespmem:$0x10200] =	vst v63  }
0xc8: {  	s6 =	simm.s32 @!p0 $0x6  }
0xc9: {  	_ =	swait.ge @!p0 [sflag:s6], $0x4000  }
0xca: {  	[sflag:s6] =	ssyncset.done @!p0 $0x0  }
0xcb: {  	s9 =	simm.s32 @!p0 $0x8;
	[sflag:s6] =	ssyncadd.s32 @!p0 $0xFFFFC000  }
0xcc: {  	s5 =	sadd.s32 @!p0 s5, s17;
	_ =	swait.ge @!p0 [sflag:s9], $0x4000  }
0xcd: {  	s5 =	sadd.s32 @!p0 $0x10000, s5;
	s0 =	sadd.s32 @!p0 s0, s4;
	[sflag:s9] =	ssyncset.done @!p0 $0x0  }
0xce: {  	s6 =	simm.s32 @!p0 $0x4200;
	[sflag:s9] =	ssyncadd.s32 @!p0 $0xFFFFC000;
	s9 =	simm.s32 @!p0 $0x0  }
0xcf: {  	[hbm4b:s5+s9] =	stream.linear.scatter @!p0 [tilespmem:s6], [sflag:$0xA], $0x4000, $0x38;
	[tilespmem:$0x10200] =	vst v63  }
0xd0: {  	s0 =	sadd.s32 @!p0 $0x60, s0;
	s5 =	sadd.s32 @!p0 s22, s17  }
0xd1: {  	p1 =	sgt.u32 @!p0 s0, $0x4E1;
	s6 =	simm.s32 @!p0 $0xC200;
	s5 =	sadd.s32 @!p0 $0x10000, s5  }
0xd2: {  	[hbm4b:s5+s9] =	stream.linear.scatter @!p0 [tilespmem:s6], [sflag:$0xC], $0x4000, $0x38;
	[tilespmem:$0x10200] =	vst v63  }
0xd3: {  	p0 =	por p1, p0  }
0xd4: {  	s0 =	sadd.s32 @!p0 s2, s14  }
0xd5: {  	s2 =	simm.s32 @!p0 $0x80;
	s5 =	simm.s32 @!p0 $0x0;
	s0 =	sadd.s32 @!p0 $0x5420, s0  }
0xd6: {  	[tilespmem:s2], [sflag:$0x2] =	stream.linear.gather @!p0 [hbm4b:s0+s5], $0x80, $0x38;
	[tilespmem:$0x10200] =	vst v63  }
0xd7: {  	s0 =	sadd.s32 @!p0 s31, s14  }
0xd8: {  	s22 =	rddreg [dreg:$0xb];
	s2 =	simm.s32 @!p0 $0x180;
	s0 =	sadd.s32 @!p0 $0x5420, s0  }
0xd9: {  	[tilespmem:s2], [sflag:$0x4] =	stream.linear.gather @!p0 [hbm4b:s0+s5], $0x80, $0x38;
	[tilespmem:$0x10200] =	vst v63  }
0xda: {  	_ =	swait.ge [sflag:s22], $0x4000  }
0xdb: {  	[sflag:s22] =	ssyncset.done $0x0  }
0xdc: {  	s23 =	rddreg [dreg:$0xc];
	[sflag:s22] =	ssyncadd.s32 $0xFFFFC000  }
0xdd: {  	_ =	swait.ge [sflag:s23], $0x4000  }
0xde: {  	[sflag:s23] =	ssyncset.done $0x0  }
0xdf: {  	s24 =	rddreg [dreg:$0xd];
	[sflag:s23] =	ssyncadd.s32 $0xFFFFC000  }
0xe0: {  	_ =	swait.ge [sflag:s24], $0x4000  }
0xe1: {  	[sflag:s24] =	ssyncset.done $0x0  }
0xe2: {  	[sflag:s24] =	ssyncadd.s32 $0xFFFFC000  }
0xe3: {  	_ =	swait.ge [sflag:s13], $0x4000  }
0xe4: {  	s30 =	sadd.s32 $0x1, s30;
	s31 =	rddreg [dreg:$0xa]  }
0xe5: {  	p0 =	sne.s32 s30, s31  }
.Ltmp1:
0xe6: {  	_ = 	snop;
	(pc) =	sbr.rel @p0 .LBB2_1-.Ltmp1, $3  }
0xe7: {  	_ =	sdelay $0x1  }
0xe8: {  	[sflag:s13] =	ssyncset.done $0x0  }
0xe9: {  	[sflag:s13] =	ssyncadd.s32 $0xFFFFC000  }
0xea: {  	_ =	sfence.sel $0x180000  }
0xeb: {  	[bflag:$0x0] =	sbarrier.arrive $0xFFFF  }
0xec: {  	_ =	strace $0x90000047  }
0xed: {  	s0 =	stileid.u32;
	[bflag:$0x2] =	sbarrier.arrive $0xFFFF  }
0xee: {  	p0 =	sne.s32 s0, $0x0;
	s0 =	rddreg [dreg:$0x3]  }
0xef: {  	s0 =	sadd.s32 @!p0 $0x100000, s0  }
0xf0: {  	[sflag:s0] =	ssyncadd.tile.s32 @!p0 $0x1;
	_ =	shalt  }
.Lfunc_end2:
_tile_overlayer_lowered:
.L_overlay_start_2:
0xf1: {  	(tag) =	ssettag $0x2  }
0xf2: {  	s0 =	rddreg [dreg:$0x0];
	s2 =	stileid.u32  }
0xf3: {  	s1 =	rddreg [dreg:$0x1];
	p0 =	sne.s32 s2, $0x0  }
0xf4: {  	s3 =	rddreg [dreg:$0x2];
	[bflag:$0x3] =	sbarrier.arrive $0xFFFF;
	s2 =	simm.s32 @!p0 $0x1C0D  }
0xf5: {  	[timem:s3], [sflag:s2] =	dma.local @!p0 [hbm:s0], s1  }
0xf6: {  	s0 =	simm.s32 @!p0 $0xD  }
0xf7: {  	_ =	swait.ge @!p0 [sflag:s0], s1  }
0xf8: {  	s1 =	ssub.s32 @!p0 $0x0, s1;
	[sflag:s0] =	ssyncset.done @!p0 $0x0  }
0xf9: {  	[sflag:s0] =	ssyncadd.s32 @!p0 s1  }
0xfa: {  	[bflag:$0x3] =	sbarrier.arrive $0xFFFF  }
0xfb: {  	_ =	shalt  }

// kernel: kernel.19.cloned.1.call-start
scs
__scs_entry_jumppad:
0x0: {  	(pc) =	sbr.rel $0x88, $3  }
0x1: {  	(tag) =	ssettag $0x0;
	lr =	simm.s32 $0x1  }
0x2: {  	[smem:$0x3F8A] =	sst lr;
	_ =	strace $0xD0000000  }
0x3: {  	_ = 	snop  }
0x4: {  	_ = 	snop  }
0x5: {  	_ = 	snop  }
0x6: {  	_ = 	snop  }
0x7: {  	_ = 	snop  }
__scs_overlays_trampoline_lowered:
0x8: {  	[smem:$0x3F99] =	sst s0  }
0x9: {  	[smem:$0x3F9A] =	sst s1  }
0xa: {  	[smem:$0x3F9B] =	sst s2  }
0xb: {  	[smem:$0x3F9C] =	sst s3  }
0xc: {  	[smem:$0x3F9D] =	sst s4  }
0xd: {  	[smem:$0x3F9E] =	sst s5  }
0xe: {  	[smem:$0x3F9F] =	sst s6  }
0xf: {  	[smem:$0x3FA0] =	sst s7  }
0x10: {  	[smem:$0x3FA1] =	sst s8  }
0x11: {  	[smem:$0x3FA2] =	sst s9;
	s0 =	simm.s32 @!p0 $0x0  }
0x12: {  	s1 =	sld [smem:$0x3F88];
	s0 =	simm.s32 @p0 $0x1  }
0x13: {  	[smem:$0x3FA3] =	sst s0;
	s0 =	simm.s32 @!p1 $0x0  }
0x14: {  	s2 =	sld [smem:$0x3F87];
	s0 =	simm.s32 @p1 $0x1  }
0x15: {  	[smem:$0x3FA4] =	sst s0;
	s0 =	simm.s32 @!p2 $0x0  }
0x16: {  	s3 =	sld [smem:$0x3FDB];
	s0 =	simm.s32 @p2 $0x1  }
0x17: {  	s4 =	simm.s32 $0x1BF5;
	[smem:$0x3FA6] =	sst s0  }
0x18: {  	s0 =	sld [smem:$0x3F89];
	_ =	swait.ge [sflag:s4], $0x0  }
0x19: {  	s7 =	sld [smem:$0x3F8A]  }
0x1a: {  	s8 =	sadd.s32 $0xFFFFE003, lr  }
0x1b: {  	s9 =	sadd.s32 $0xFFFFFEF7, lr;
	s5 =	simm.s32 $0xFFFFFFFF;
	p2 =	slt.u32 s8, $0xFFFFF086  }
0x1c: {  	p1 =	slt.u32 s9, $0xF7A;
	s5 =	simm.s32 @!p2 $0x0  }
0x1d: {  	s5 =	simm.s32 @p1 $0x1;
	p0 =	seq.s32 s7, s2  }
0x1e: {  	s7 =	smul.u32 @!p0 $0xF7A, s2;
	p2 =	seq.s32 @!p0 s5, $0x0  }
0x1f: {  	s9 =	smul.u32 $0xF7A, s1;
	s8 =	simm.s32 @!p0 $0x1BF5;
	p2 =	por !p2, p0  }
0x20: {  	[sflag:s8] =	ssyncset.s32 @!p0 $0xFFFFF086;
	s6 =	sadd.s32 @!p0 s3, s7;
	s7 =	simm.s32 @!p0 $0x108  }
0x21: {  	s3 =	sadd.s32 s3, s9;
	s6 =	sadd.s32 @!p0 $0x88, s6;
	s7 =	simm.s32 @p2 $0x1082  }
0x22: {  	[simem:s7], [sflag:s8] =	dma.local @!p0 [hbm:s6], $0xF7A  }
0x23: {  	s9 =	sor.u32 $0xD0000000, s2;
	s6 =	simm.s32 $0x108;
	_ =	swait.ge @!p0 [sflag:s8], $0x0  }
0x24: {  	s3 =	sadd.s32 $0x88, s3;
	s6 =	simm.s32 @!p1 $0x1082;
	[sflag:s4] =	ssyncset.s32 $0xFFFFF086  }
0x25: {  	[simem:s6], [sflag:s4] =	dma.local [hbm:s3], $0xF7A  }
0x26: {  	[smem:$0x3F8A] =	sst s1;
	(tag) =	ssettag s2;
	_ =	strace s9  }
0x27: {  	s1 =	sld [smem:$0x3F9A]  }
0x28: {  	s2 =	sld [smem:$0x3F9B]  }
0x29: {  	s4 =	sld [smem:$0x3F9D]  }
0x2a: {  	p0 =	seq.s32 s5, $0x0;
	s5 =	sld [smem:$0x3F9E]  }
0x2b: {  	s6 =	sld [smem:$0x3F9F]  }
0x2c: {  	s7 =	sld [smem:$0x3FA0]  }
0x2d: {  	s3 =	simm.s32 $0x108;
	s8 =	sld [smem:$0x3FA1]  }
0x2e: {  	s3 =	simm.s32 @!p0 $0x1082;
	s9 =	sld [smem:$0x3FA2]  }
0x2f: {  	lr =	sadd.s32 s0, s3;
	s0 =	sld [smem:$0x3F99]  }
0x30: {  	s3 =	sld [smem:$0x3F9C]  }
0x31: {  	[smem:$0x3FA5] =	sst s10  }
0x32: {  	s10 =	sld [smem:$0x3FA3];
	_ =	sdelay $0x3  }
0x33: {  	p0 =	seq.s32 s10, $0x1;
	s10 =	sld [smem:$0x3FA5];
	_ =	sdelay $0x3  }
0x34: {  	[smem:$0x3FA5] =	sst s10  }
0x35: {  	s10 =	sld [smem:$0x3FA4];
	_ =	sdelay $0x3  }
0x36: {  	p1 =	seq.s32 s10, $0x1;
	s10 =	sld [smem:$0x3FA5];
	_ =	sdelay $0x3  }
0x37: {  	[smem:$0x3FA5] =	sst s10  }
0x38: {  	s10 =	sld [smem:$0x3FA6]  }
0x39: {  	_ = 	snop;
	(pc) =	sbr.ind lr, $3  }
0x3a: {  	_ = 	snop  }
0x3b: {  	_ = 	snop  }
0x3c: {  	p2 =	seq.s32 s10, $0x1;
	s10 =	sld [smem:$0x3FA5]  }
0x3d: {  	_ =	shalt  }
0x3e: {  	_ =	shalt  }
0x3f: {  	_ =	shalt  }
0x40: {  	_ =	shalt  }
0x41: {  	_ =	shalt  }
0x42: {  	_ =	shalt  }
0x43: {  	_ =	shalt  }
0x44: {  	_ =	shalt  }
0x45: {  	_ =	shalt  }
0x46: {  	_ =	shalt  }
0x47: {  	_ =	shalt  }
0x48: {  	_ =	shalt  }
0x49: {  	_ =	shalt  }
0x4a: {  	_ =	shalt  }
0x4b: {  	_ =	shalt  }
0x4c: {  	_ =	shalt  }
0x4d: {  	_ =	shalt  }
0x4e: {  	_ =	shalt  }
0x4f: {  	_ =	shalt  }
0x50: {  	_ =	shalt  }
0x51: {  	_ =	shalt  }
0x52: {  	_ =	shalt  }
0x53: {  	_ =	shalt  }
0x54: {  	_ =	shalt  }
0x55: {  	_ =	shalt  }
0x56: {  	_ =	shalt  }
0x57: {  	_ =	shalt  }
0x58: {  	_ =	shalt  }
0x59: {  	_ =	shalt  }
0x5a: {  	_ =	shalt  }
0x5b: {  	_ =	shalt  }
0x5c: {  	_ =	shalt  }
0x5d: {  	_ =	shalt  }
0x5e: {  	_ =	shalt  }
0x5f: {  	_ =	shalt  }
0x60: {  	_ =	shalt  }
0x61: {  	_ =	shalt  }
0x62: {  	_ =	shalt  }
0x63: {  	_ =	shalt  }
0x64: {  	_ =	shalt  }
0x65: {  	_ =	shalt  }
0x66: {  	_ =	shalt  }
0x67: {  	_ =	shalt  }
0x68: {  	_ =	shalt  }
0x69: {  	_ =	shalt  }
0x6a: {  	_ =	shalt  }
0x6b: {  	_ =	shalt  }
0x6c: {  	_ =	shalt  }
0x6d: {  	_ =	shalt  }
0x6e: {  	_ =	shalt  }
0x6f: {  	_ =	shalt  }
0x70: {  	_ =	shalt  }
0x71: {  	_ =	shalt  }
0x72: {  	_ =	shalt  }
0x73: {  	_ =	shalt  }
0x74: {  	_ =	shalt  }
0x75: {  	_ =	shalt  }
0x76: {  	_ =	shalt  }
0x77: {  	_ =	shalt  }
0x78: {  	_ =	shalt  }
0x79: {  	_ =	shalt  }
0x7a: {  	_ =	shalt  }
0x7b: {  	_ =	shalt  }
0x7c: {  	_ =	shalt  }
0x7d: {  	_ =	shalt  }
0x7e: {  	_ =	shalt  }
0x7f: {  	_ =	shalt  }
0x80: {  	_ =	shalt  }
0x81: {  	_ =	shalt  }
0x82: {  	_ =	shalt  }
0x83: {  	_ =	shalt  }
0x84: {  	_ =	shalt  }
0x85: {  	_ =	shalt  }
0x86: {  	_ =	shalt  }
0x87: {  	_ =	shalt  }
.Lfunc_end0:
.L_simem_size_0:
called_computation.2_lowered:
.L_overlay_start_0:
0x88: {  	s2 =	sld [smem:$0x3FD9]  }
0x89: {  	s3 =	sld [smem:$0x3FFE];
	_ =	sdelay $0x1  }
0x8a: {  	s1 =	srdreg.scid  }
0x8b: {  	s0 =	sand.u32 $0x1, s1  }
0x8c: {  	s16 =	sshll.u32 s0, $0xA;
	s2 =	sadd.s32 s3, s2  }
0x8d: {  	s2 =	sadd.s32 s2, s16  }
0x8e: {  	[smem:$0x3FB1] =	sst s2  }
0x8f: {  	_ = 	snop  }
0x90: {  	(tm) =	ssettm $0x1  }
0x91: {  	s17 =	sld [smem:$0x3FFB];
	_ =	sdelay $0x3  }
0x92: {  	_ =	strace s17  }
0x93: {  	s2 =	sld [smem:$0x3FFC];
	_ =	sdelay $0x3  }
0x94: {  	_ =	strace s2  }
0x95: {  	s2 =	sld [smem:$0x3FFD];
	_ =	sdelay $0x3  }
0x96: {  	_ =	strace s2  }
0x97: {  	_ =	strace $0x8FFFFFFF  }
0x98: {  	s18 =	sld [smem:$0x3FDB];
	_ =	sdelay $0x1  }
0x99: {  	s19 =	simm.s32 $_scs_section_size  }
0x9a: {  	s4 =	simm.s32 $_size__tile_overlayer_lowered;
	s5 =	simm.s32 $_tile_overlayer_lowered  }
0x9b: {  	s22 =	simm.s32 $0x1BFF;
	s21 =	sshll.u32 s5, $0x1;
	s2 =	sadd.s32 s19, s18  }
0x9c: {  	s6 =	simm.s32 $0x0;
	s20 =	sshll.u32 s4, $0x1;
	s4 =	sadd.s32 s21, s2  }
0x9d: {  	[timem:s6], [sflag:s22] =	dma.local [hbm:s4], s20  }
0x9e: {  	_ =	swait.ge [sflag:s22], s20  }
0x9f: {  	s3 =	ssub.s32 $0x0, s20;
	[sflag:s22] =	ssyncset.done $0x0  }
0xa0: {  	[sflag:s22] =	ssyncadd.s32 s3;
	_ =	sdelay $0x1  }
0xa1: {  	s23 =	simm.s32 $0x1B8B  }
0xa2: {  	_ =	swait.ge [sflag:s23], $0x1  }
0xa3: {  	[sflag:s23] =	ssyncset.done $0x0  }
0xa4: {  	s25 =	simm.s32 $0x1B8E;
	s24 =	sld [smem:$0x3FFE];
	[sflag:s23] =	ssyncadd.s32 $0xFFFFFFFF  }
0xa5: {  	s26 =	simm.s32 $execute0_lowered;
	[smem:$0x3FD2] =	sst s25  }
0xa6: {  	s4 =	sshll.u32 s26, $0x1;
	_ =	strace $0x8000004C;
	[dreg:$0x1] =	wrdreg $0xFFFFFFFF  }
0xa7: {  	s28 =	simm.s32 $_size_execute0_lowered;
	s2 =	sadd.s32 s2, s4;
	[dreg:$0x0] =	wrdreg $0x0  }
0xa8: {  	s4 =	sshll.u32 s28, $0x1;
	[dreg:$0x2] =	wrdreg s2  }
0xa9: {  	[dreg:$0x3] =	wrdreg s4  }
0xaa: {  	[dreg:$0x4] =	wrdreg $0xC0  }
0xab: {  	_ =	task [dreg:s6], $0x5FFFF  }
0xac: {  	[dreg:$0x1] =	wrdreg $0xFFFFFFFF  }
0xad: {  	[dreg:$0x0] =	wrdreg $0x60  }
0xae: {  	[dreg:$0x2] =	wrdreg s24  }
0xaf: {  	[dreg:$0x3] =	wrdreg $0x81000  }
0xb0: {  	[dreg:$0x4] =	wrdreg $0x9  }
0xb1: {  	_ =	task.clear_ibuf [dreg:s6], $0x5FFFF;
	_ =	strace $0x9000004C  }
0xb2: {  	s29 =	simm.s32 $0x9;
	_ =	strace $0x8000004E  }
0xb3: {  	_ =	swait.ge [sflag:s29], $0x1  }
0xb4: {  	[sflag:s29] =	ssyncadd.s32 $0xFFFFFFFF  }
0xb5: {  	_ =	strace $0x9000004E  }
0xb6: {  	_ =	sfence  }
0xb7: {  	s30 =	sld [smem:$0x0];
	_ =	sdelay $0x2  }
0xb8: {  	s31 =	sshll.u32 s1, $0xD;
	s1 =	sshrl.u32 s1, $0x2  }
0xb9: {  	s3 =	sand.u32 $0x4000, s31;
	s1 =	sadd.s32 s1, s30  }
0xba: {  	s0 =	sor.u32 s3, s0;
	s1 =	sshll.u32 s1, $0x11  }
0xbb: {  	s0 =	sor.u32 s1, s0  }
0xbc: {  	s0 =	sadd.s32 $0x8F2B, s0  }
0xbd: {  	[sflag:s0] =	ssyncadd.remote.s32 $0x1  }
0xbe: {  	_ =	sfence.sel $0xFFFF  }
0xbf: {  	[dreg:$0x0] =	wrdreg $0xFFFFFFFF;
	(pc) =	sbr.abs _section_cstart, $3  }
0xc0: {  	[dreg:$0x1] =	wrdreg $0xFFFFFFFF  }
0xc1: {  	_ =	task.clear_ibuf [dreg:s6], $0x2FFFF;
	_ =	strace $0x9FFFFFFF  }
0xc2: {  	(tm) =	ssettm $0x7FFFFFFF  }
0xc3: {  	_ =	shalt  }
tec
execute0_lowered:
.L_overlay_start_1:
0x0: {  	(tag) =	ssettag $0x1  }
0x1: {  	s4 =	rddreg [dreg:$0x0];
	s0 =	srdreg.scid  }
0x2: {  	s2 =	rddreg [dreg:$0x1];
	s1 =	stileid.u32;
	s3 =	simm.s32 $0x0  }
0x3: {  	s13 =	sand.u32 $0x1, s0;
	s0 =	rddreg [dreg:$0x2];
	s5 =	smul.u32 $0x1F400, s1  }
0x4: {  	[smem:$0x7FF] =	sst s3;
	s6 =	smul.u32 $0x7D000, s1  }
0x5: {  	s18 =	sadd.s32 $0x4600, s4;
	s19 =	sadd.s32 $0x4F0400, s4;
	s30 =	sshll.u32 s1, $0x4  }
0x6: {  	s31 =	sshll.u32 s1, $0xB;
	p0 =	sgt.u32 s1, $0x9;
	s17 =	smul.u32 $0x138800, s13  }
0x7: {  	_ =	strace $0x8000004D;
	s7 =	ssub.s32 $0x2, s13;
	s8 =	smul.u32 $0x271, s13  }
0x8: {  	s20 =	smul.u32 $0x2710, s13;
	s28 =	sshrl.u32 s7, $0x1;
	s5 =	sadd.s32 s5, s17  }
0x9: {  	s6 =	sshrl.u32 s6, $0x2;
	s11 =	ssub.s32 s7, s28;
	s5 =	sshrl.u32 s5, $0x3  }
0xa: {  	s7 =	sadd.s32 $0x271, s8;
	s10 =	sadd.s32 s5, s4;
	s4 =	sadd.s32 s6, s2  }
0xb: {  	s11 =	smax.u32 s11, $0x1;
	s6 =	sadd.s32 s1, s8;
	s5 =	sadd.s32 $0x1C000, s4  }
0xc: {  	s29 =	sshll.u32 s6, $0x4;
	s9 =	sshll.u32 s6, $0xB;
	s10 =	sadd.s32 $0xE400, s10  }
0xd: {  	s12 =	sadd.s32 $0x4000, s4;
	s13 =	sadd.s32 $0x8000, s4;
	s14 =	sadd.s32 $0xC000, s4  }
0xe: {  	s15 =	sadd.s32 $0x10000, s4;
	s16 =	sadd.s32 $0x14000, s4;
	s8 =	sadd.s32 s18, s29  }
0xf: {  	s9 =	sadd.s32 s19, s9;
	s18 =	sadd.s32 s20, s18;
	s19 =	sadd.s32 s17, s19  }
0x10: {  	s17 =	sadd.s32 $0x18000, s4;
	s18 =	sadd.s32 s30, s18;
	s19 =	sadd.s32 s31, s19  }
0x11: {  	v0 =	vimm.f32 $0.0e+00;
	s20 =	simm.s32 $0x100;
	s18 =	sadd.s32 $0x200, s18;
	s19 =	sadd.s32 $0x10000, s19  }
.LBB2_1:
0x12: {  	s21 =	simm.s32 $0x0;
	s22 =	simm.s32 $0x200  }
.LBB2_2:
0x13: {  	p1 =	sne.s32 s22, $0xFE00;
	[tilespmem:s21+$0x170] =	vst v0  }
0x14: {  	[tilespmem:s21+$0x100] =	vst v0  }
0x15: {  	[tilespmem:s21+$0x110] =	vst v0  }
.Ltmp0:
0x16: {  	[tilespmem:s21+$0x120] =	vst v0;
	(pc) =	sbr.rel @p1 .LBB2_2-.Ltmp0, $4  }
0x17: {  	[tilespmem:s21+$0x130] =	vst v0  }
0x18: {  	[tilespmem:s21+$0x140] =	vst v0  }
0x19: {  	[tilespmem:s21+$0x150] =	vst v0  }
0x1a: {  	[tilespmem:s21+$0x160] =	vst v0;
	s21 =	sshra.s32 s22, $0x2;
	s22 =	sadd.s32 $0x200, s22  }
0x1b: {  	[tilespmem:s21+$0x170] =	vst v0  }
0x1c: {  	[tilespmem:s21+$0x100] =	vst v0  }
0x1d: {  	[tilespmem:s21+$0x110] =	vst v0  }
0x1e: {  	[tilespmem:s21+$0x120] =	vst v0  }
0x1f: {  	[tilespmem:s21+$0x130] =	vst v0  }
0x20: {  	[tilespmem:s21+$0x140] =	vst v0  }
0x21: {  	[tilespmem:s21+$0x150] =	vst v0  }
0x22: {  	[tilespmem:s21+$0x160] =	vst v0;
	s21 =	simm.s32 @!p0 $0x100;
	s22 =	simm.s32 @!p0 $0x5  }
0x23: {  	[spmem:s4] =	stream.linear.scatter @!p0 [tilespmem:s21], [sflag:$0x5], $0x4000, $0x38;
	[tilespmem:$0x1B980] =	vst v63  }
0x24: {  	_ =	swait.ge @!p0 [sflag:s22], $0x4000  }
0x25: {  	[sflag:s22] =	ssyncset.done @!p0 $0x0  }
0x26: {  	[sflag:s22] =	ssyncadd.s32 @!p0 $0xFFFFC000  }
0x27: {  	[spmem:s12] =	stream.linear.scatter @!p0 [tilespmem:s21], [sflag:$0x5], $0x4000, $0x38;
	[tilespmem:$0x1B980] =	vst v63  }
0x28: {  	_ =	swait.ge @!p0 [sflag:s22], $0x4000  }
0x29: {  	[sflag:s22] =	ssyncset.done @!p0 $0x0  }
0x2a: {  	[sflag:s22] =	ssyncadd.s32 @!p0 $0xFFFFC000  }
0x2b: {  	[spmem:s13] =	stream.linear.scatter @!p0 [tilespmem:s21], [sflag:$0x5], $0x4000, $0x38;
	[tilespmem:$0x1B980] =	vst v63  }
0x2c: {  	_ =	swait.ge @!p0 [sflag:s22], $0x4000  }
0x2d: {  	[sflag:s22] =	ssyncset.done @!p0 $0x0  }
0x2e: {  	[sflag:s22] =	ssyncadd.s32 @!p0 $0xFFFFC000  }
0x2f: {  	[spmem:s14] =	stream.linear.scatter @!p0 [tilespmem:s21], [sflag:$0x5], $0x4000, $0x38;
	[tilespmem:$0x1B980] =	vst v63  }
0x30: {  	_ =	swait.ge @!p0 [sflag:s22], $0x4000  }
0x31: {  	[sflag:s22] =	ssyncset.done @!p0 $0x0  }
0x32: {  	[sflag:s22] =	ssyncadd.s32 @!p0 $0xFFFFC000  }
0x33: {  	[spmem:s15] =	stream.linear.scatter @!p0 [tilespmem:s21], [sflag:$0x5], $0x4000, $0x38;
	[tilespmem:$0x1B980] =	vst v63  }
0x34: {  	_ =	swait.ge @!p0 [sflag:s22], $0x4000  }
0x35: {  	[sflag:s22] =	ssyncset.done @!p0 $0x0  }
0x36: {  	[sflag:s22] =	ssyncadd.s32 @!p0 $0xFFFFC000  }
0x37: {  	[spmem:s16] =	stream.linear.scatter @!p0 [tilespmem:s21], [sflag:$0x5], $0x4000, $0x38;
	[tilespmem:$0x1B980] =	vst v63  }
0x38: {  	_ =	swait.ge @!p0 [sflag:s22], $0x4000  }
0x39: {  	[sflag:s22] =	ssyncset.done @!p0 $0x0  }
0x3a: {  	[sflag:s22] =	ssyncadd.s32 @!p0 $0xFFFFC000  }
0x3b: {  	[spmem:s17] =	stream.linear.scatter @!p0 [tilespmem:s21], [sflag:$0x5], $0x4000, $0x38;
	[tilespmem:$0x1B980] =	vst v63  }
0x3c: {  	_ =	swait.ge @!p0 [sflag:s22], $0x4000  }
0x3d: {  	[sflag:s22] =	ssyncset.done @!p0 $0x0  }
0x3e: {  	[sflag:s22] =	ssyncadd.s32 @!p0 $0xFFFFC000  }
0x3f: {  	[spmem:s5] =	stream.linear.scatter @!p0 [tilespmem:s21], [sflag:$0x5], $0x3400, $0x38;
	[tilespmem:$0x1B980] =	vst v63  }
0x40: {  	_ =	swait.ge @!p0 [sflag:s22], $0x3400  }
0x41: {  	s26 =	sadd.s32 $0x0, s6;
	[sflag:s22] =	ssyncset.done @!p0 $0x0  }
0x42: {  	p1 =	sge.u32 s26, s7;
	s21 =	sadd.s32 $0x10, s26;
	[sflag:s22] =	ssyncadd.s32 @!p0 $0xFFFFCC00  }
0x43: {  	s25 =	simm.s32 $0x0;
	p2 =	sge.u32 @!p1 s21, s7;
	[bflag:$0x0] =	sbarrier.arrive $0xFFFF  }
0x44: {  	[tilespmem:s25], [sflag:$0x1] =	stream.linear.gather [hbm4b:s8+s25], $0x80, $0x38;
	[tilespmem:$0x1B980] =	vst v63  }
0x45: {  	p2 =	por p2, p1  }
0x46: {  	[tilespmem:s20], [sflag:$0x3] =	stream.linear.gather [hbm4b:s9+s25], $0x4000, $0x38;
	[tilespmem:$0x1B980] =	vst v63  }
0x47: {  	s22 =	simm.s32 @!p2 $0x80;
	s23 =	sadd.s32 @!p2 $0xFFFFFF00, s18;
	s24 =	simm.s32 @!p2 $0x0  }
0x48: {  	[tilespmem:s22], [sflag:$0x2] =	stream.linear.gather @!p2 [hbm4b:s23+s24], $0x80, $0x38;
	[tilespmem:$0x1B980] =	vst v63  }
0x49: {  	s25 =	simm.s32 @!p1 $0x1;
	s22 =	sadd.s32 @!p2 $0xFFFF8000, s19;
	s23 =	simm.s32 @!p2 $0x4100  }
0x4a: {  	[tilespmem:s23], [sflag:$0x4] =	stream.linear.gather @!p2 [hbm4b:s22+s24], $0x4000, $0x38;
	[tilespmem:$0x1B980] =	vst v63  }
0x4b: {  	_ =	swait.ge @!p1 [sflag:s25], $0x80  }
0x4c: {  	[sflag:s25] =	ssyncset.done @!p1 $0x0  }
0x4d: {  	s26 =	simm.s32 @!p1 $0x6;
	s22 =	simm.s32 @!p1 $0x3;
	[sflag:s25] =	ssyncadd.s32 @!p1 $0xFFFFFF80  }
0x4e: {  	s23 =	simm.s32 @!p1 $0x100;
	p2 =	sge.u32 s21, s7;
	_ =	swait.ge @!p1 [sflag:s22], $0x4000  }
0x4f: {  	s24 =	simm.s32 @!p1 $0x0;
	s25 =	sadd.s32 @!p2 $0x0, s6;
	[sflag:s22] =	ssyncset.done @!p1 $0x0  }
0x50: {  	s21 =	simm.s32 @!p1 $0x80;
	[sflag:s22] =	ssyncadd.s32 @!p1 $0xFFFFC000;
	s22 =	sadd.s32 @!p2 $0x20, s25  }
0x51: {  	[spmem:s2] =	stream.indirect.scatter.add.f32 @!p1 [tilespmem:s23], [sflag:$0x6], $0x80, s24, s21, $0xb8;
	[tilespmem:$0x1B980] =	vst v63  }
0x52: {  	p3 =	sge.u32 @!p2 s22, s7;
	_ =	swait.ge @!p1 [sflag:s26], $0x4000  }
0x53: {  	s31 =	sadd.s32 $0x20, s6;
	p3 =	por p3, p2;
	[sflag:s26] =	ssyncset.done @!p1 $0x0  }
0x54: {  	s29 =	simm.s32 @!p2 $0x2;
	s21 =	simm.s32 @!p3 $0x0;
	[sflag:s26] =	ssyncadd.s32 @!p1 $0xFFFFC000  }
0x55: {  	[tilespmem:s21], [sflag:$0x1] =	stream.linear.gather @!p3 [hbm4b:s18+s21], $0x80, $0x38;
	[tilespmem:$0x1B980] =	vst v63  }
0x56: {  	s28 =	simm.s32 @!p2 $0x4;
	s30 =	simm.s32 @!p2 $0x80;
	s24 =	simm.s32 @!p3 $0x100  }
0x57: {  	[tilespmem:s24], [sflag:$0x3] =	stream.linear.gather @!p3 [hbm4b:s19+s21], $0x4000, $0x38;
	[tilespmem:$0x1B980] =	vst v63  }
0x58: {  	s25 =	sadd.s32 $0x10, s31;
	s22 =	simm.s32 $0x20;
	_ =	swait.ge @!p2 [sflag:s29], $0x80  }
0x59: {  	s23 =	simm.s32 $0x40;
	s26 =	simm.s32 @!p2 $0x5;
	[sflag:s29] =	ssyncset.done @!p2 $0x0  }
0x5a: {  	p1 =	sge.u32 s31, s7;
	s21 =	sadd.s32 $0x200, s18;
	[sflag:s29] =	ssyncadd.s32 @!p2 $0xFFFFFF80  }
0x5b: {  	p3 =	sge.u32 @!p1 s25, s7;
	s24 =	smov.u32 s19;
	_ =	swait.ge @!p2 [sflag:s28], $0x4000  }
0x5c: {  	p4 =	por p3, p1;
	s29 =	simm.s32 @!p2 $0x4100;
	[sflag:s28] =	ssyncset.done @!p2 $0x0  }
.LBB2_4:
0x5d: {  	[sflag:s28] =	ssyncadd.s32 @!p2 $0xFFFFC000  }
0x5e: {  	s24 =	sadd.s32 $0x10000, s24;
	s28 =	smov.u32 s23;
	s23 =	sadd.s32 $0x20, s23  }
0x5f: {  	[spmem:s2] =	stream.indirect.scatter.add.f32 @!p2 [tilespmem:s29], [sflag:$0x5], $0x80, s30, s30, $0xb8;
	[tilespmem:$0x1B980] =	vst v63  }
0x60: {  	p3 =	sne.s32 s23, $0x280;
	s29 =	simm.s32 @!p4 $0x80;
	_ =	swait.ge @!p2 [sflag:s26], $0x4000  }
0x61: {  	s31 =	simm.s32 @!p4 $0x0;
	s30 =	sadd.s32 @!p4 $0xFFFFFF00, s21;
	[sflag:s26] =	ssyncset.done @!p2 $0x0  }
0x62: {  	[sflag:s26] =	ssyncadd.s32 @!p2 $0xFFFFC000  }
0x63: {  	[tilespmem:s29], [sflag:$0x2] =	stream.linear.gather @!p4 [hbm4b:s30+s31], $0x80, $0x38;
	[tilespmem:$0x1B980] =	vst v63  }
0x64: {  	s26 =	sadd.s32 @!p4 $0xFFFF8000, s24;
	s29 =	simm.s32 @!p4 $0x4100;
	s30 =	simm.s32 @!p1 $0x1  }
0x65: {  	[tilespmem:s29], [sflag:$0x4] =	stream.linear.gather @!p4 [hbm4b:s26+s31], $0x4000, $0x38;
	[tilespmem:$0x1B980] =	vst v63  }
0x66: {  	_ =	swait.ge @!p1 [sflag:s30], $0x80  }
0x67: {  	s26 =	simm.s32 @!p1 $0x3;
	[sflag:s30] =	ssyncset.done @!p1 $0x0  }
0x68: {  	s29 =	simm.s32 @!p1 $0x100;
	[sflag:s30] =	ssyncadd.s32 @!p1 $0xFFFFFF80  }
0x69: {  	p2 =	sge.u32 s25, s7;
	s30 =	simm.s32 @!p1 $0x0;
	_ =	swait.ge @!p1 [sflag:s26], $0x4000  }
0x6a: {  	s25 =	simm.s32 @!p1 $0x80;
	s22 =	sadd.s32 @!p2 s22, s6;
	[sflag:s26] =	ssyncset.done @!p1 $0x0  }
0x6b: {  	s22 =	sadd.s32 @!p2 $0x20, s22;
	s31 =	simm.s32 @!p1 $0x6;
	[sflag:s26] =	ssyncadd.s32 @!p1 $0xFFFFC000  }
0x6c: {  	[spmem:s2] =	stream.indirect.scatter.add.f32 @!p1 [tilespmem:s29], [sflag:$0x6], $0x80, s30, s25, $0xb8;
	[tilespmem:$0x1B980] =	vst v63  }
0x6d: {  	p4 =	sge.u32 @!p2 s22, s7;
	s26 =	simm.s32 @!p2 $0x5;
	_ =	swait.ge @!p1 [sflag:s31], $0x4000  }
0x6e: {  	s22 =	smov.u32 s28;
	p4 =	por p4, p2;
	[sflag:s31] =	ssyncset.done @!p1 $0x0  }
0x6f: {  	s28 =	simm.s32 @!p4 $0x100;
	s25 =	simm.s32 @!p4 $0x0;
	[sflag:s31] =	ssyncadd.s32 @!p1 $0xFFFFC000  }
0x70: {  	[tilespmem:s25], [sflag:$0x1] =	stream.linear.gather @!p4 [hbm4b:s21+s25], $0x80, $0x38;
	[tilespmem:$0x1B980] =	vst v63  }
0x71: {  	s29 =	simm.s32 @!p2 $0x2  }
0x72: {  	[tilespmem:s28], [sflag:$0x3] =	stream.linear.gather @!p4 [hbm4b:s24+s25], $0x4000, $0x38;
	[tilespmem:$0x1B980] =	vst v63  }
.Ltmp1:
0x73: {  	s21 =	sadd.s32 $0x200, s21;
	_ =	swait.ge @!p2 [sflag:s29], $0x80;
	(pc) =	sbr.rel @p3 .LBB2_4-.Ltmp1, $4  }
0x74: {  	s25 =	sadd.s32 s22, s6;
	s28 =	simm.s32 @!p2 $0x4;
	[sflag:s29] =	ssyncset.done @!p2 $0x0  }
0x75: {  	p1 =	sge.u32 s25, s7;
	s25 =	sadd.s32 $0x10, s25;
	[sflag:s29] =	ssyncadd.s32 @!p2 $0xFFFFFF80  }
0x76: {  	p4 =	sge.u32 @!p1 s25, s7;
	s29 =	simm.s32 @!p2 $0x4100;
	_ =	swait.ge @!p2 [sflag:s28], $0x4000  }
0x77: {  	s30 =	simm.s32 @!p2 $0x80;
	p4 =	por p4, p1;
	[sflag:s28] =	ssyncset.done @!p2 $0x0  }
0x78: {  	[sflag:s28] =	ssyncadd.s32 @!p2 $0xFFFFC000  }
0x79: {  	[spmem:s2] =	stream.indirect.scatter.add.f32 @!p2 [tilespmem:s29], [sflag:$0x5], $0x80, s30, s30, $0xb8;
	[tilespmem:$0x1B980] =	vst v63  }
0x7a: {  	_ =	swait.ge @!p2 [sflag:s26], $0x4000  }
0x7b: {  	s23 =	sadd.s32 $0x10000, s24;
	s24 =	simm.s32 @!p4 $0x80;
	[sflag:s26] =	ssyncset.done @!p2 $0x0  }
0x7c: {  	s28 =	sadd.s32 @!p4 $0xFFFFFF00, s21;
	s29 =	simm.s32 @!p4 $0x0;
	[sflag:s26] =	ssyncadd.s32 @!p2 $0xFFFFC000  }
0x7d: {  	[tilespmem:s24], [sflag:$0x2] =	stream.linear.gather @!p4 [hbm4b:s28+s29], $0x80, $0x38;
	[tilespmem:$0x1B980] =	vst v63  }
0x7e: {  	s26 =	simm.s32 @!p4 $0x4100;
	s24 =	sadd.s32 @!p4 $0xFFFF8000, s23;
	s28 =	simm.s32 @!p1 $0x1  }
0x7f: {  	[tilespmem:s26], [sflag:$0x4] =	stream.linear.gather @!p4 [hbm4b:s24+s29], $0x4000, $0x38;
	[tilespmem:$0x1B980] =	vst v63  }
0x80: {  	_ =	swait.ge @!p1 [sflag:s28], $0x80  }
0x81: {  	[sflag:s28] =	ssyncset.done @!p1 $0x0  }
0x82: {  	p2 =	sge.u32 s25, s7;
	s24 =	simm.s32 @!p1 $0x3;
	[sflag:s28] =	ssyncadd.s32 @!p1 $0xFFFFFF80  }
0x83: {  	s25 =	simm.s32 @!p1 $0x80;
	s22 =	sadd.s32 @!p2 s22, s6;
	_ =	swait.ge @!p1 [sflag:s24], $0x4000  }
0x84: {  	s22 =	sadd.s32 @!p2 $0x20, s22;
	s26 =	simm.s32 @!p1 $0x100;
	[sflag:s24] =	ssyncset.done @!p1 $0x0  }
0x85: {  	s28 =	simm.s32 @!p1 $0x0;
	[sflag:s24] =	ssyncadd.s32 @!p1 $0xFFFFC000;
	s24 =	simm.s32 @!p1 $0x6  }
0x86: {  	[spmem:s2] =	stream.indirect.scatter.add.f32 @!p1 [tilespmem:s26], [sflag:$0x6], $0x80, s28, s25, $0xb8;
	[tilespmem:$0x1B980] =	vst v63  }
0x87: {  	p3 =	sge.u32 @!p2 s22, s7;
	_ =	swait.ge @!p1 [sflag:s24], $0x4000  }
0x88: {  	p3 =	por p3, p2;
	[sflag:s24] =	ssyncset.done @!p1 $0x0  }
0x89: {  	s22 =	simm.s32 @!p3 $0x0;
	[sflag:s24] =	ssyncadd.s32 @!p1 $0xFFFFC000  }
0x8a: {  	[tilespmem:s22], [sflag:$0x1] =	stream.linear.gather @!p3 [hbm4b:s21+s22], $0x80, $0x38;
	[tilespmem:$0x1B980] =	vst v63  }
0x8b: {  	s24 =	simm.s32 @!p2 $0x2;
	s21 =	simm.s32 @!p3 $0x100  }
0x8c: {  	[tilespmem:s21], [sflag:$0x3] =	stream.linear.gather @!p3 [hbm4b:s23+s22], $0x4000, $0x38;
	[tilespmem:$0x1B980] =	vst v63  }
0x8d: {  	_ =	swait.ge @!p2 [sflag:s24], $0x80  }
0x8e: {  	[sflag:s24] =	ssyncset.done @!p2 $0x0  }
0x8f: {  	s21 =	simm.s32 @!p2 $0x4;
	[sflag:s24] =	ssyncadd.s32 @!p2 $0xFFFFFF80  }
0x90: {  	_ =	swait.ge @!p2 [sflag:s21], $0x4000  }
0x91: {  	s22 =	simm.s32 @!p2 $0x5;
	[sflag:s21] =	ssyncset.done @!p2 $0x0  }
0x92: {  	s23 =	simm.s32 @!p2 $0x4100;
	s24 =	simm.s32 @!p2 $0x80;
	[sflag:s21] =	ssyncadd.s32 @!p2 $0xFFFFC000  }
0x93: {  	[spmem:s2] =	stream.indirect.scatter.add.f32 @!p2 [tilespmem:s23], [sflag:$0x5], $0x80, s24, s24, $0xb8;
	[tilespmem:$0x1B980] =	vst v63  }
0x94: {  	_ =	swait.ge @!p2 [sflag:s22], $0x4000  }
0x95: {  	s3 =	sadd.s32 $0x1, s3;
	[sflag:s22] =	ssyncset.done @!p2 $0x0  }
0x96: {  	p1 =	sne.s32 s3, s11;
	s21 =	sshll.u32 @!p0 s1, $0x6;
	[sflag:s22] =	ssyncadd.s32 @!p2 $0xFFFFC000  }
0x97: {  	s21 =	sor.u32 @!p0 $0x1C05, s21;
	s22 =	sshrl.u32 @!p0 s4, $0x3;
	[bflag:$0x0] =	sbarrier.arrive $0xFFFF  }
0x98: {  	[hbm:s10], [sflag:s21] =	dma.local @!p0 [spmem:s22], $0x3E80  }
.Ltmp2:
0x99: {  	_ = 	snop;
	(pc) =	sbr.rel @p1 .LBB2_1-.Ltmp2, $4  }
0x9a: {  	s21 =	simm.s32 @!p0 $0x5  }
0x9b: {  	_ =	swait.ge @!p0 [sflag:s21], $0x3E80  }
0x9c: {  	[sflag:s21] =	ssyncset.done @!p0 $0x0  }
0x9d: {  	[sflag:s21] =	ssyncadd.s32 @!p0 $0xFFFFC180  }
0x9e: {  	_ =	sfence.sel $0x180000  }
0x9f: {  	[bflag:$0x0] =	sbarrier.arrive $0xFFFF  }
0xa0: {  	p0 =	sne.s32 s1, $0x0;
	_ =	strace $0x9000004D  }
0xa1: {  	s0 =	sadd.s32 @!p0 $0x100000, s0;
	[bflag:$0x2] =	sbarrier.arrive $0xFFFF  }
0xa2: {  	[sflag:s0] =	ssyncadd.tile.s32 @!p0 $0x1;
	_ =	shalt  }
.Lfunc_end2:
_tile_overlayer_lowered:
.L_overlay_start_2:
0xa3: {  	(tag) =	ssettag $0x2  }
0xa4: {  	s0 =	rddreg [dreg:$0x0];
	s2 =	stileid.u32  }
0xa5: {  	s1 =	rddreg [dreg:$0x1];
	p0 =	sne.s32 s2, $0x0  }
0xa6: {  	s3 =	rddreg [dreg:$0x2];
	[bflag:$0x3] =	sbarrier.arrive $0xFFFF;
	s2 =	simm.s32 @!p0 $0x1C05  }
0xa7: {  	[timem:s3], [sflag:s2] =	dma.local @!p0 [hbm:s0], s1  }
0xa8: {  	s0 =	simm.s32 @!p0 $0x5  }
0xa9: {  	_ =	swait.ge @!p0 [sflag:s0], s1  }
0xaa: {  	s1 =	ssub.s32 @!p0 $0x0, s1;
	[sflag:s0] =	ssyncset.done @!p0 $0x0  }
0xab: {  	[sflag:s0] =	ssyncadd.s32 @!p0 s1  }
0xac: {  	[bflag:$0x3] =	sbarrier.arrive $0xFFFF  }
0xad: {  	_ =	shalt  }

// kernel: kernel.22.cloned.1.call-start
scs
__scs_entry_jumppad:
0x0: {  	(pc) =	sbr.rel $0x88, $3  }
0x1: {  	(tag) =	ssettag $0x0;
	lr =	simm.s32 $0x1  }
0x2: {  	[smem:$0x3F8A] =	sst lr;
	_ =	strace $0xD0000000  }
0x3: {  	_ = 	snop  }
0x4: {  	_ = 	snop  }
0x5: {  	_ = 	snop  }
0x6: {  	_ = 	snop  }
0x7: {  	_ = 	snop  }
__scs_overlays_trampoline_lowered:
0x8: {  	[smem:$0x3F99] =	sst s0  }
0x9: {  	[smem:$0x3F9A] =	sst s1  }
0xa: {  	[smem:$0x3F9B] =	sst s2  }
0xb: {  	[smem:$0x3F9C] =	sst s3  }
0xc: {  	[smem:$0x3F9D] =	sst s4  }
0xd: {  	[smem:$0x3F9E] =	sst s5  }
0xe: {  	[smem:$0x3F9F] =	sst s6  }
0xf: {  	[smem:$0x3FA0] =	sst s7  }
0x10: {  	[smem:$0x3FA1] =	sst s8  }
0x11: {  	[smem:$0x3FA2] =	sst s9;
	s0 =	simm.s32 @!p0 $0x0  }
0x12: {  	s1 =	sld [smem:$0x3F88];
	s0 =	simm.s32 @p0 $0x1  }
0x13: {  	[smem:$0x3FA3] =	sst s0;
	s0 =	simm.s32 @!p1 $0x0  }
0x14: {  	s2 =	sld [smem:$0x3F87];
	s0 =	simm.s32 @p1 $0x1  }
0x15: {  	[smem:$0x3FA4] =	sst s0;
	s0 =	simm.s32 @!p2 $0x0  }
0x16: {  	s3 =	sld [smem:$0x3FDB];
	s0 =	simm.s32 @p2 $0x1  }
0x17: {  	s4 =	simm.s32 $0x1BF5;
	[smem:$0x3FA6] =	sst s0  }
0x18: {  	s0 =	sld [smem:$0x3F89];
	_ =	swait.ge [sflag:s4], $0x0  }
0x19: {  	s7 =	sld [smem:$0x3F8A]  }
0x1a: {  	s8 =	sadd.s32 $0xFFFFE003, lr  }
0x1b: {  	s9 =	sadd.s32 $0xFFFFFEF7, lr;
	s5 =	simm.s32 $0xFFFFFFFF;
	p2 =	slt.u32 s8, $0xFFFFF086  }
0x1c: {  	p1 =	slt.u32 s9, $0xF7A;
	s5 =	simm.s32 @!p2 $0x0  }
0x1d: {  	s5 =	simm.s32 @p1 $0x1;
	p0 =	seq.s32 s7, s2  }
0x1e: {  	s7 =	smul.u32 @!p0 $0xF7A, s2;
	p2 =	seq.s32 @!p0 s5, $0x0  }
0x1f: {  	s9 =	smul.u32 $0xF7A, s1;
	s8 =	simm.s32 @!p0 $0x1BF5;
	p2 =	por !p2, p0  }
0x20: {  	[sflag:s8] =	ssyncset.s32 @!p0 $0xFFFFF086;
	s6 =	sadd.s32 @!p0 s3, s7;
	s7 =	simm.s32 @!p0 $0x108  }
0x21: {  	s3 =	sadd.s32 s3, s9;
	s6 =	sadd.s32 @!p0 $0x88, s6;
	s7 =	simm.s32 @p2 $0x1082  }
0x22: {  	[simem:s7], [sflag:s8] =	dma.local @!p0 [hbm:s6], $0xF7A  }
0x23: {  	s9 =	sor.u32 $0xD0000000, s2;
	s6 =	simm.s32 $0x108;
	_ =	swait.ge @!p0 [sflag:s8], $0x0  }
0x24: {  	s3 =	sadd.s32 $0x88, s3;
	s6 =	simm.s32 @!p1 $0x1082;
	[sflag:s4] =	ssyncset.s32 $0xFFFFF086  }
0x25: {  	[simem:s6], [sflag:s4] =	dma.local [hbm:s3], $0xF7A  }
0x26: {  	[smem:$0x3F8A] =	sst s1;
	(tag) =	ssettag s2;
	_ =	strace s9  }
0x27: {  	s1 =	sld [smem:$0x3F9A]  }
0x28: {  	s2 =	sld [smem:$0x3F9B]  }
0x29: {  	s4 =	sld [smem:$0x3F9D]  }
0x2a: {  	p0 =	seq.s32 s5, $0x0;
	s5 =	sld [smem:$0x3F9E]  }
0x2b: {  	s6 =	sld [smem:$0x3F9F]  }
0x2c: {  	s7 =	sld [smem:$0x3FA0]  }
0x2d: {  	s3 =	simm.s32 $0x108;
	s8 =	sld [smem:$0x3FA1]  }
0x2e: {  	s3 =	simm.s32 @!p0 $0x1082;
	s9 =	sld [smem:$0x3FA2]  }
0x2f: {  	lr =	sadd.s32 s0, s3;
	s0 =	sld [smem:$0x3F99]  }
0x30: {  	s3 =	sld [smem:$0x3F9C]  }
0x31: {  	[smem:$0x3FA5] =	sst s10  }
0x32: {  	s10 =	sld [smem:$0x3FA3];
	_ =	sdelay $0x3  }
0x33: {  	p0 =	seq.s32 s10, $0x1;
	s10 =	sld [smem:$0x3FA5];
	_ =	sdelay $0x3  }
0x34: {  	[smem:$0x3FA5] =	sst s10  }
0x35: {  	s10 =	sld [smem:$0x3FA4];
	_ =	sdelay $0x3  }
0x36: {  	p1 =	seq.s32 s10, $0x1;
	s10 =	sld [smem:$0x3FA5];
	_ =	sdelay $0x3  }
0x37: {  	[smem:$0x3FA5] =	sst s10  }
0x38: {  	s10 =	sld [smem:$0x3FA6]  }
0x39: {  	_ = 	snop;
	(pc) =	sbr.ind lr, $3  }
0x3a: {  	_ = 	snop  }
0x3b: {  	_ = 	snop  }
0x3c: {  	p2 =	seq.s32 s10, $0x1;
	s10 =	sld [smem:$0x3FA5]  }
0x3d: {  	_ =	shalt  }
0x3e: {  	_ =	shalt  }
0x3f: {  	_ =	shalt  }
0x40: {  	_ =	shalt  }
0x41: {  	_ =	shalt  }
0x42: {  	_ =	shalt  }
0x43: {  	_ =	shalt  }
0x44: {  	_ =	shalt  }
0x45: {  	_ =	shalt  }
0x46: {  	_ =	shalt  }
0x47: {  	_ =	shalt  }
0x48: {  	_ =	shalt  }
0x49: {  	_ =	shalt  }
0x4a: {  	_ =	shalt  }
0x4b: {  	_ =	shalt  }
0x4c: {  	_ =	shalt  }
0x4d: {  	_ =	shalt  }
0x4e: {  	_ =	shalt  }
0x4f: {  	_ =	shalt  }
0x50: {  	_ =	shalt  }
0x51: {  	_ =	shalt  }
0x52: {  	_ =	shalt  }
0x53: {  	_ =	shalt  }
0x54: {  	_ =	shalt  }
0x55: {  	_ =	shalt  }
0x56: {  	_ =	shalt  }
0x57: {  	_ =	shalt  }
0x58: {  	_ =	shalt  }
0x59: {  	_ =	shalt  }
0x5a: {  	_ =	shalt  }
0x5b: {  	_ =	shalt  }
0x5c: {  	_ =	shalt  }
0x5d: {  	_ =	shalt  }
0x5e: {  	_ =	shalt  }
0x5f: {  	_ =	shalt  }
0x60: {  	_ =	shalt  }
0x61: {  	_ =	shalt  }
0x62: {  	_ =	shalt  }
0x63: {  	_ =	shalt  }
0x64: {  	_ =	shalt  }
0x65: {  	_ =	shalt  }
0x66: {  	_ =	shalt  }
0x67: {  	_ =	shalt  }
0x68: {  	_ =	shalt  }
0x69: {  	_ =	shalt  }
0x6a: {  	_ =	shalt  }
0x6b: {  	_ =	shalt  }
0x6c: {  	_ =	shalt  }
0x6d: {  	_ =	shalt  }
0x6e: {  	_ =	shalt  }
0x6f: {  	_ =	shalt  }
0x70: {  	_ =	shalt  }
0x71: {  	_ =	shalt  }
0x72: {  	_ =	shalt  }
0x73: {  	_ =	shalt  }
0x74: {  	_ =	shalt  }
0x75: {  	_ =	shalt  }
0x76: {  	_ =	shalt  }
0x77: {  	_ =	shalt  }
0x78: {  	_ =	shalt  }
0x79: {  	_ =	shalt  }
0x7a: {  	_ =	shalt  }
0x7b: {  	_ =	shalt  }
0x7c: {  	_ =	shalt  }
0x7d: {  	_ =	shalt  }
0x7e: {  	_ =	shalt  }
0x7f: {  	_ =	shalt  }
0x80: {  	_ =	shalt  }
0x81: {  	_ =	shalt  }
0x82: {  	_ =	shalt  }
0x83: {  	_ =	shalt  }
0x84: {  	_ =	shalt  }
0x85: {  	_ =	shalt  }
0x86: {  	_ =	shalt  }
0x87: {  	_ =	shalt  }
.Lfunc_end0:
.L_simem_size_0:
called_computation.3_lowered:
.L_overlay_start_0:
0x88: {  	s2 =	sld [smem:$0x3FD9]  }
0x89: {  	s3 =	sld [smem:$0x3FFE];
	_ =	sdelay $0x1  }
0x8a: {  	s1 =	srdreg.scid  }
0x8b: {  	s0 =	sand.u32 $0x1, s1  }
0x8c: {  	s17 =	sshll.u32 s0, $0xA;
	s2 =	sadd.s32 s3, s2  }
0x8d: {  	s2 =	sadd.s32 s2, s17  }
0x8e: {  	[smem:$0x3FB1] =	sst s2  }
0x8f: {  	_ = 	snop  }
0x90: {  	(tm) =	ssettm $0x1  }
0x91: {  	s18 =	sld [smem:$0x3FFB];
	_ =	sdelay $0x3  }
0x92: {  	_ =	strace s18  }
0x93: {  	s2 =	sld [smem:$0x3FFC];
	_ =	sdelay $0x3  }
0x94: {  	_ =	strace s2  }
0x95: {  	s2 =	sld [smem:$0x3FFD];
	_ =	sdelay $0x3  }
0x96: {  	_ =	strace s2  }
0x97: {  	_ =	strace $0x8FFFFFFF  }
0x98: {  	s19 =	sld [smem:$0x3FDB];
	_ =	sdelay $0x1  }
0x99: {  	s20 =	simm.s32 $_scs_section_size  }
0x9a: {  	s4 =	simm.s32 $_size__tile_overlayer_lowered;
	s5 =	simm.s32 $_tile_overlayer_lowered  }
0x9b: {  	s6 =	simm.s32 $0x1BFF;
	s21 =	sshll.u32 s5, $0x1;
	s3 =	sadd.s32 s20, s19  }
0x9c: {  	s22 =	simm.s32 $0x0;
	s4 =	sshll.u32 s4, $0x1;
	s5 =	sadd.s32 s21, s3  }
0x9d: {  	[timem:s22], [sflag:s6] =	dma.local [hbm:s5], s4  }
0x9e: {  	_ =	swait.ge [sflag:s6], s4  }
0x9f: {  	s4 =	ssub.s32 $0x0, s4;
	[sflag:s6] =	ssyncset.done $0x0  }
0xa0: {  	[sflag:s6] =	ssyncadd.s32 s4;
	_ =	sdelay $0x1  }
0xa1: {  	s23 =	simm.s32 $0x1B8B  }
0xa2: {  	_ =	swait.ge [sflag:s23], $0x1  }
0xa3: {  	[sflag:s23] =	ssyncset.done $0x0  }
0xa4: {  	[sflag:s23] =	ssyncadd.s32 $0xFFFFFFFF  }
0xa5: {  	s4 =	sld [smem:$0x0]  }
0xa6: {  	s5 =	sand.u32 $0xFFFFFFFE, s1  }
0xa7: {  	p0 =	sne.s32 s1, s5  }
0xa8: {  	s5 =	sshll.u32 @p0 s5, $0xE  }
0xa9: {  	s5 =	sadd.s32 @p0 $0x11B8D, s5;
	s6 =	sshll.u32 @p0 s4, $0x11  }
0xaa: {  	s5 =	sor.u32 @p0 s6, s5  }
0xab: {  	[sflag:s5] =	ssyncadd.remote.s32 @p0 $0x1;
	_ =	sdelay $0x1  }
0xac: {  	s5 =	simm.s32 @p0 $0x1B8D  }
0xad: {  	_ =	swait.eq @p0 [sflag:s5], $0x1  }
0xae: {  	[sflag:s5] =	ssyncadd.s32 @p0 $0xFFFFFFFF  }
0xaf: {  	s6 =	sshll.u32 @!p0 s1, $0xE  }
0xb0: {  	s6 =	sor.u32 @!p0 $0x4000, s6;
	s5 =	simm.s32 @!p0 $0x1B8D  }
0xb1: {  	s4 =	sshll.u32 @!p0 s4, $0x11;
	s6 =	sadd.s32 @!p0 $0x11B8D, s6;
	_ =	swait.eq @!p0 [sflag:s5], $0x1  }
0xb2: {  	s4 =	sor.u32 @!p0 s4, s6;
	[sflag:s5] =	ssyncadd.s32 @!p0 $0xFFFFFFFF  }
0xb3: {  	s25 =	simm.s32 $0x1B8E;
	s24 =	sld [smem:$0x3FFE];
	[sflag:s4] =	ssyncadd.remote.s32 @!p0 $0x1  }
0xb4: {  	s26 =	simm.s32 $execute0_lowered;
	[smem:$0x3FD2] =	sst s25  }
0xb5: {  	s5 =	sshll.u32 s26, $0x1;
	_ =	strace $0x8000004F;
	[dreg:$0x1] =	wrdreg $0xFFFFFFFF  }
0xb6: {  	s28 =	simm.s32 $_size_execute0_lowered;
	s3 =	sadd.s32 s3, s5;
	[dreg:$0x0] =	wrdreg $0x0  }
0xb7: {  	s5 =	sshll.u32 s28, $0x1;
	[dreg:$0x2] =	wrdreg s3  }
0xb8: {  	[dreg:$0x3] =	wrdreg s5  }
0xb9: {  	[dreg:$0x4] =	wrdreg $0xC0  }
0xba: {  	_ =	task [dreg:s22], $0x5FFFF  }
0xbb: {  	[dreg:$0x1] =	wrdreg $0xFFFFFFFF  }
0xbc: {  	[dreg:$0x0] =	wrdreg $0x60  }
0xbd: {  	[dreg:$0x2] =	wrdreg s24  }
0xbe: {  	[dreg:$0x3] =	wrdreg $0x81000  }
0xbf: {  	[dreg:$0x4] =	wrdreg $0xA  }
0xc0: {  	_ =	task.clear_ibuf [dreg:s22], $0x5FFFF;
	_ =	strace $0x9000004F  }
0xc1: {  	s29 =	simm.s32 $0xA;
	_ =	strace $0x80000051  }
0xc2: {  	_ =	swait.ge [sflag:s29], $0x1  }
0xc3: {  	[sflag:s29] =	ssyncadd.s32 $0xFFFFFFFF  }
0xc4: {  	_ =	strace $0x90000051  }
0xc5: {  	_ =	sfence  }
0xc6: {  	s30 =	sld [smem:$0x0];
	_ =	sdelay $0x2  }
0xc7: {  	s31 =	sshll.u32 s1, $0xD;
	s1 =	sshrl.u32 s1, $0x2  }
0xc8: {  	s4 =	sand.u32 $0x4000, s31;
	s1 =	sadd.s32 s1, s30  }
0xc9: {  	s0 =	sor.u32 s4, s0;
	s1 =	sshll.u32 s1, $0x11  }
0xca: {  	s0 =	sor.u32 s1, s0  }
0xcb: {  	s0 =	sadd.s32 $0x8F2B, s0  }
0xcc: {  	[sflag:s0] =	ssyncadd.remote.s32 $0x1  }
0xcd: {  	_ =	sfence.sel $0xFFFF  }
0xce: {  	[dreg:$0x0] =	wrdreg $0xFFFFFFFF;
	(pc) =	sbr.abs _section_cstart, $3  }
0xcf: {  	[dreg:$0x1] =	wrdreg $0xFFFFFFFF  }
0xd0: {  	_ =	task.clear_ibuf [dreg:s22], $0x2FFFF;
	_ =	strace $0x9FFFFFFF  }
0xd1: {  	(tm) =	ssettm $0x7FFFFFFF  }
tec
execute0_lowered:
.L_overlay_start_1:
0x0: {  	(tag) =	ssettag $0x1  }
0x1: {  	s4 =	rddreg [dreg:$0x0];
	s2 =	srdreg.scid  }
0x2: {  	s1 =	rddreg [dreg:$0x1];
	s13 =	sand.u32 $0x1, s2  }
0x3: {  	s2 =	stileid.u32;
	s17 =	smul.u32 $0x138800, s13  }
0x4: {  	s0 =	rddreg [dreg:$0x2];
	s3 =	simm.s32 $0x0;
	s5 =	smul.u32 $0x1F400, s2  }
0x5: {  	[smem:$0x7FF] =	sst s3;
	s6 =	smul.u32 $0x7D000, s2  }
0x6: {  	s18 =	sadd.s32 $0x4600, s4;
	s19 =	sadd.s32 $0x761400, s4;
	s7 =	smul.u32 $0x271, s13  }
0x7: {  	_ =	strace $0x80000050;
	s8 =	ssub.s32 $0x2, s13;
	s20 =	smul.u32 $0x2710, s13  }
0x8: {  	s30 =	sshll.u32 s2, $0x4;
	s31 =	sshll.u32 s2, $0xB;
	s28 =	sshrl.u32 s8, $0x1  }
0x9: {  	p0 =	sgt.u32 s2, $0x9;
	s5 =	sadd.s32 s5, s17;
	s11 =	ssub.s32 s8, s28  }
0xa: {  	s26 =	sshrl.u32 s6, $0x2;
	s5 =	sshrl.u32 s5, $0x3;
	s11 =	smax.u32 s11, $0x1  }
0xb: {  	s10 =	sadd.s32 s5, s4;
	s4 =	sadd.s32 s26, s1;
	s5 =	sadd.s32 s2, s7  }
0xc: {  	s7 =	sadd.s32 $0x271, s7;
	s6 =	sadd.s32 $0x1C000, s4;
	s29 =	sshll.u32 s5, $0x4  }
0xd: {  	s9 =	sshll.u32 s5, $0xB;
	s10 =	sadd.s32 $0x5C600, s10;
	s12 =	sadd.s32 $0x4000, s4  }
0xe: {  	s13 =	sadd.s32 $0x8000, s4;
	s14 =	sadd.s32 $0xC000, s4;
	s15 =	sadd.s32 $0x10000, s4  }
0xf: {  	s16 =	sadd.s32 $0x14000, s4;
	s8 =	sadd.s32 s29, s18;
	s9 =	sadd.s32 s19, s9  }
0x10: {  	s18 =	sadd.s32 s20, s18;
	s19 =	sadd.s32 s17, s19;
	s17 =	sadd.s32 $0x18000, s4  }
0x11: {  	s20 =	simm.s32 $0x100;
	s18 =	sadd.s32 s30, s18;
	s19 =	sadd.s32 s31, s19  }
0x12: {  	v0 =	vimm.f32 $0.0e+00;
	s8 =	sadd.s32 $0x4E20, s8;
	s18 =	sadd.s32 $0x5020, s18;
	s19 =	sadd.s32 $0x10000, s19  }
.LBB2_1:
0x13: {  	s21 =	simm.s32 $0x0;
	s22 =	simm.s32 $0x200  }
.LBB2_2:
0x14: {  	p1 =	sne.s32 s22, $0xFE00;
	[tilespmem:s21+$0x170] =	vst v0  }
0x15: {  	[tilespmem:s21+$0x100] =	vst v0  }
0x16: {  	[tilespmem:s21+$0x110] =	vst v0  }
.Ltmp0:
0x17: {  	[tilespmem:s21+$0x120] =	vst v0;
	(pc) =	sbr.rel @p1 .LBB2_2-.Ltmp0, $4  }
0x18: {  	[tilespmem:s21+$0x130] =	vst v0  }
0x19: {  	[tilespmem:s21+$0x140] =	vst v0  }
0x1a: {  	[tilespmem:s21+$0x150] =	vst v0  }
0x1b: {  	[tilespmem:s21+$0x160] =	vst v0;
	s21 =	sshra.s32 s22, $0x2;
	s22 =	sadd.s32 $0x200, s22  }
0x1c: {  	[tilespmem:s21+$0x170] =	vst v0  }
0x1d: {  	[tilespmem:s21+$0x100] =	vst v0  }
0x1e: {  	[tilespmem:s21+$0x110] =	vst v0  }
0x1f: {  	[tilespmem:s21+$0x120] =	vst v0  }
0x20: {  	[tilespmem:s21+$0x130] =	vst v0  }
0x21: {  	[tilespmem:s21+$0x140] =	vst v0  }
0x22: {  	[tilespmem:s21+$0x150] =	vst v0  }
0x23: {  	[tilespmem:s21+$0x160] =	vst v0;
	s21 =	simm.s32 @!p0 $0x100;
	s22 =	simm.s32 @!p0 $0x5  }
0x24: {  	[spmem:s4] =	stream.linear.scatter @!p0 [tilespmem:s21], [sflag:$0x5], $0x4000, $0x38;
	[tilespmem:$0x1B980] =	vst v63  }
0x25: {  	_ =	swait.ge @!p0 [sflag:s22], $0x4000  }
0x26: {  	[sflag:s22] =	ssyncset.done @!p0 $0x0  }
0x27: {  	[sflag:s22] =	ssyncadd.s32 @!p0 $0xFFFFC000  }
0x28: {  	[spmem:s12] =	stream.linear.scatter @!p0 [tilespmem:s21], [sflag:$0x5], $0x4000, $0x38;
	[tilespmem:$0x1B980] =	vst v63  }
0x29: {  	_ =	swait.ge @!p0 [sflag:s22], $0x4000  }
0x2a: {  	[sflag:s22] =	ssyncset.done @!p0 $0x0  }
0x2b: {  	[sflag:s22] =	ssyncadd.s32 @!p0 $0xFFFFC000  }
0x2c: {  	[spmem:s13] =	stream.linear.scatter @!p0 [tilespmem:s21], [sflag:$0x5], $0x4000, $0x38;
	[tilespmem:$0x1B980] =	vst v63  }
0x2d: {  	_ =	swait.ge @!p0 [sflag:s22], $0x4000  }
0x2e: {  	[sflag:s22] =	ssyncset.done @!p0 $0x0  }
0x2f: {  	[sflag:s22] =	ssyncadd.s32 @!p0 $0xFFFFC000  }
0x30: {  	[spmem:s14] =	stream.linear.scatter @!p0 [tilespmem:s21], [sflag:$0x5], $0x4000, $0x38;
	[tilespmem:$0x1B980] =	vst v63  }
0x31: {  	_ =	swait.ge @!p0 [sflag:s22], $0x4000  }
0x32: {  	[sflag:s22] =	ssyncset.done @!p0 $0x0  }
0x33: {  	[sflag:s22] =	ssyncadd.s32 @!p0 $0xFFFFC000  }
0x34: {  	[spmem:s15] =	stream.linear.scatter @!p0 [tilespmem:s21], [sflag:$0x5], $0x4000, $0x38;
	[tilespmem:$0x1B980] =	vst v63  }
0x35: {  	_ =	swait.ge @!p0 [sflag:s22], $0x4000  }
0x36: {  	[sflag:s22] =	ssyncset.done @!p0 $0x0  }
0x37: {  	[sflag:s22] =	ssyncadd.s32 @!p0 $0xFFFFC000  }
0x38: {  	[spmem:s16] =	stream.linear.scatter @!p0 [tilespmem:s21], [sflag:$0x5], $0x4000, $0x38;
	[tilespmem:$0x1B980] =	vst v63  }
0x39: {  	_ =	swait.ge @!p0 [sflag:s22], $0x4000  }
0x3a: {  	[sflag:s22] =	ssyncset.done @!p0 $0x0  }
0x3b: {  	[sflag:s22] =	ssyncadd.s32 @!p0 $0xFFFFC000  }
0x3c: {  	[spmem:s17] =	stream.linear.scatter @!p0 [tilespmem:s21], [sflag:$0x5], $0x4000, $0x38;
	[tilespmem:$0x1B980] =	vst v63  }
0x3d: {  	_ =	swait.ge @!p0 [sflag:s22], $0x4000  }
0x3e: {  	[sflag:s22] =	ssyncset.done @!p0 $0x0  }
0x3f: {  	[sflag:s22] =	ssyncadd.s32 @!p0 $0xFFFFC000  }
0x40: {  	[spmem:s6] =	stream.linear.scatter @!p0 [tilespmem:s21], [sflag:$0x5], $0x3400, $0x38;
	[tilespmem:$0x1B980] =	vst v63  }
0x41: {  	_ =	swait.ge @!p0 [sflag:s22], $0x3400  }
0x42: {  	s26 =	sadd.s32 $0x0, s5;
	[sflag:s22] =	ssyncset.done @!p0 $0x0  }
0x43: {  	p1 =	sge.u32 s26, s7;
	s21 =	sadd.s32 $0x10, s26;
	[sflag:s22] =	ssyncadd.s32 @!p0 $0xFFFFCC00  }
0x44: {  	s25 =	simm.s32 $0x0;
	p2 =	sge.u32 @!p1 s21, s7;
	[bflag:$0x0] =	sbarrier.arrive $0xFFFF  }
0x45: {  	[tilespmem:s25], [sflag:$0x1] =	stream.linear.gather [hbm4b:s8+s25], $0x80, $0x38;
	[tilespmem:$0x1B980] =	vst v63  }
0x46: {  	p2 =	por p2, p1  }
0x47: {  	[tilespmem:s20], [sflag:$0x3] =	stream.linear.gather [hbm4b:s9+s25], $0x4000, $0x38;
	[tilespmem:$0x1B980] =	vst v63  }
0x48: {  	s22 =	simm.s32 @!p2 $0x80;
	s23 =	sadd.s32 @!p2 $0xFFFFFF00, s18;
	s24 =	simm.s32 @!p2 $0x0  }
0x49: {  	[tilespmem:s22], [sflag:$0x2] =	stream.linear.gather @!p2 [hbm4b:s23+s24], $0x80, $0x38;
	[tilespmem:$0x1B980] =	vst v63  }
0x4a: {  	s25 =	simm.s32 @!p1 $0x1;
	s22 =	sadd.s32 @!p2 $0xFFFF8000, s19;
	s23 =	simm.s32 @!p2 $0x4100  }
0x4b: {  	[tilespmem:s23], [sflag:$0x4] =	stream.linear.gather @!p2 [hbm4b:s22+s24], $0x4000, $0x38;
	[tilespmem:$0x1B980] =	vst v63  }
0x4c: {  	_ =	swait.ge @!p1 [sflag:s25], $0x80  }
0x4d: {  	[sflag:s25] =	ssyncset.done @!p1 $0x0  }
0x4e: {  	s26 =	simm.s32 @!p1 $0x6;
	s22 =	simm.s32 @!p1 $0x3;
	[sflag:s25] =	ssyncadd.s32 @!p1 $0xFFFFFF80  }
0x4f: {  	s23 =	simm.s32 @!p1 $0x100;
	p2 =	sge.u32 s21, s7;
	_ =	swait.ge @!p1 [sflag:s22], $0x4000  }
0x50: {  	s24 =	simm.s32 @!p1 $0x0;
	s25 =	sadd.s32 @!p2 $0x0, s5;
	[sflag:s22] =	ssyncset.done @!p1 $0x0  }
0x51: {  	s21 =	simm.s32 @!p1 $0x80;
	[sflag:s22] =	ssyncadd.s32 @!p1 $0xFFFFC000;
	s22 =	sadd.s32 @!p2 $0x20, s25  }
0x52: {  	[spmem:s1] =	stream.indirect.scatter.add.f32 @!p1 [tilespmem:s23], [sflag:$0x6], $0x80, s24, s21, $0xb8;
	[tilespmem:$0x1B980] =	vst v63  }
0x53: {  	p3 =	sge.u32 @!p2 s22, s7;
	_ =	swait.ge @!p1 [sflag:s26], $0x4000  }
0x54: {  	s31 =	sadd.s32 $0x20, s5;
	p3 =	por p3, p2;
	[sflag:s26] =	ssyncset.done @!p1 $0x0  }
0x55: {  	s29 =	simm.s32 @!p2 $0x2;
	s21 =	simm.s32 @!p3 $0x0;
	[sflag:s26] =	ssyncadd.s32 @!p1 $0xFFFFC000  }
0x56: {  	[tilespmem:s21], [sflag:$0x1] =	stream.linear.gather @!p3 [hbm4b:s18+s21], $0x80, $0x38;
	[tilespmem:$0x1B980] =	vst v63  }
0x57: {  	s28 =	simm.s32 @!p2 $0x4;
	s30 =	simm.s32 @!p2 $0x80;
	s24 =	simm.s32 @!p3 $0x100  }
0x58: {  	[tilespmem:s24], [sflag:$0x3] =	stream.linear.gather @!p3 [hbm4b:s19+s21], $0x4000, $0x38;
	[tilespmem:$0x1B980] =	vst v63  }
0x59: {  	s25 =	sadd.s32 $0x10, s31;
	s22 =	simm.s32 $0x20;
	_ =	swait.ge @!p2 [sflag:s29], $0x80  }
0x5a: {  	s23 =	simm.s32 $0x40;
	s26 =	simm.s32 @!p2 $0x5;
	[sflag:s29] =	ssyncset.done @!p2 $0x0  }
0x5b: {  	p1 =	sge.u32 s31, s7;
	s21 =	sadd.s32 $0x200, s18;
	[sflag:s29] =	ssyncadd.s32 @!p2 $0xFFFFFF80  }
0x5c: {  	p3 =	sge.u32 @!p1 s25, s7;
	s24 =	smov.u32 s19;
	_ =	swait.ge @!p2 [sflag:s28], $0x4000  }
0x5d: {  	p4 =	por p3, p1;
	s29 =	simm.s32 @!p2 $0x4100;
	[sflag:s28] =	ssyncset.done @!p2 $0x0  }
.LBB2_4:
0x5e: {  	[sflag:s28] =	ssyncadd.s32 @!p2 $0xFFFFC000  }
0x5f: {  	s24 =	sadd.s32 $0x10000, s24;
	s28 =	smov.u32 s23;
	s23 =	sadd.s32 $0x20, s23  }
0x60: {  	[spmem:s1] =	stream.indirect.scatter.add.f32 @!p2 [tilespmem:s29], [sflag:$0x5], $0x80, s30, s30, $0xb8;
	[tilespmem:$0x1B980] =	vst v63  }
0x61: {  	p3 =	sne.s32 s23, $0x280;
	s29 =	simm.s32 @!p4 $0x80;
	_ =	swait.ge @!p2 [sflag:s26], $0x4000  }
0x62: {  	s31 =	simm.s32 @!p4 $0x0;
	s30 =	sadd.s32 @!p4 $0xFFFFFF00, s21;
	[sflag:s26] =	ssyncset.done @!p2 $0x0  }
0x63: {  	[sflag:s26] =	ssyncadd.s32 @!p2 $0xFFFFC000  }
0x64: {  	[tilespmem:s29], [sflag:$0x2] =	stream.linear.gather @!p4 [hbm4b:s30+s31], $0x80, $0x38;
	[tilespmem:$0x1B980] =	vst v63  }
0x65: {  	s26 =	sadd.s32 @!p4 $0xFFFF8000, s24;
	s29 =	simm.s32 @!p4 $0x4100;
	s30 =	simm.s32 @!p1 $0x1  }
0x66: {  	[tilespmem:s29], [sflag:$0x4] =	stream.linear.gather @!p4 [hbm4b:s26+s31], $0x4000, $0x38;
	[tilespmem:$0x1B980] =	vst v63  }
0x67: {  	_ =	swait.ge @!p1 [sflag:s30], $0x80  }
0x68: {  	s26 =	simm.s32 @!p1 $0x3;
	[sflag:s30] =	ssyncset.done @!p1 $0x0  }
0x69: {  	s29 =	simm.s32 @!p1 $0x100;
	[sflag:s30] =	ssyncadd.s32 @!p1 $0xFFFFFF80  }
0x6a: {  	p2 =	sge.u32 s25, s7;
	s30 =	simm.s32 @!p1 $0x0;
	_ =	swait.ge @!p1 [sflag:s26], $0x4000  }
0x6b: {  	s25 =	simm.s32 @!p1 $0x80;
	s22 =	sadd.s32 @!p2 s22, s5;
	[sflag:s26] =	ssyncset.done @!p1 $0x0  }
0x6c: {  	s22 =	sadd.s32 @!p2 $0x20, s22;
	s31 =	simm.s32 @!p1 $0x6;
	[sflag:s26] =	ssyncadd.s32 @!p1 $0xFFFFC000  }
0x6d: {  	[spmem:s1] =	stream.indirect.scatter.add.f32 @!p1 [tilespmem:s29], [sflag:$0x6], $0x80, s30, s25, $0xb8;
	[tilespmem:$0x1B980] =	vst v63  }
0x6e: {  	p4 =	sge.u32 @!p2 s22, s7;
	s26 =	simm.s32 @!p2 $0x5;
	_ =	swait.ge @!p1 [sflag:s31], $0x4000  }
0x6f: {  	s22 =	smov.u32 s28;
	p4 =	por p4, p2;
	[sflag:s31] =	ssyncset.done @!p1 $0x0  }
0x70: {  	s28 =	simm.s32 @!p4 $0x100;
	s25 =	simm.s32 @!p4 $0x0;
	[sflag:s31] =	ssyncadd.s32 @!p1 $0xFFFFC000  }
0x71: {  	[tilespmem:s25], [sflag:$0x1] =	stream.linear.gather @!p4 [hbm4b:s21+s25], $0x80, $0x38;
	[tilespmem:$0x1B980] =	vst v63  }
0x72: {  	s29 =	simm.s32 @!p2 $0x2  }
0x73: {  	[tilespmem:s28], [sflag:$0x3] =	stream.linear.gather @!p4 [hbm4b:s24+s25], $0x4000, $0x38;
	[tilespmem:$0x1B980] =	vst v63  }
.Ltmp1:
0x74: {  	s21 =	sadd.s32 $0x200, s21;
	_ =	swait.ge @!p2 [sflag:s29], $0x80;
	(pc) =	sbr.rel @p3 .LBB2_4-.Ltmp1, $4  }
0x75: {  	s25 =	sadd.s32 s22, s5;
	s28 =	simm.s32 @!p2 $0x4;
	[sflag:s29] =	ssyncset.done @!p2 $0x0  }
0x76: {  	p1 =	sge.u32 s25, s7;
	s25 =	sadd.s32 $0x10, s25;
	[sflag:s29] =	ssyncadd.s32 @!p2 $0xFFFFFF80  }
0x77: {  	p4 =	sge.u32 @!p1 s25, s7;
	s29 =	simm.s32 @!p2 $0x4100;
	_ =	swait.ge @!p2 [sflag:s28], $0x4000  }
0x78: {  	s30 =	simm.s32 @!p2 $0x80;
	p4 =	por p4, p1;
	[sflag:s28] =	ssyncset.done @!p2 $0x0  }
0x79: {  	[sflag:s28] =	ssyncadd.s32 @!p2 $0xFFFFC000  }
0x7a: {  	[spmem:s1] =	stream.indirect.scatter.add.f32 @!p2 [tilespmem:s29], [sflag:$0x5], $0x80, s30, s30, $0xb8;
	[tilespmem:$0x1B980] =	vst v63  }
0x7b: {  	_ =	swait.ge @!p2 [sflag:s26], $0x4000  }
0x7c: {  	s23 =	sadd.s32 $0x10000, s24;
	s24 =	simm.s32 @!p4 $0x80;
	[sflag:s26] =	ssyncset.done @!p2 $0x0  }
0x7d: {  	s28 =	sadd.s32 @!p4 $0xFFFFFF00, s21;
	s29 =	simm.s32 @!p4 $0x0;
	[sflag:s26] =	ssyncadd.s32 @!p2 $0xFFFFC000  }
0x7e: {  	[tilespmem:s24], [sflag:$0x2] =	stream.linear.gather @!p4 [hbm4b:s28+s29], $0x80, $0x38;
	[tilespmem:$0x1B980] =	vst v63  }
0x7f: {  	s26 =	simm.s32 @!p4 $0x4100;
	s24 =	sadd.s32 @!p4 $0xFFFF8000, s23;
	s28 =	simm.s32 @!p1 $0x1  }
0x80: {  	[tilespmem:s26], [sflag:$0x4] =	stream.linear.gather @!p4 [hbm4b:s24+s29], $0x4000, $0x38;
	[tilespmem:$0x1B980] =	vst v63  }
0x81: {  	_ =	swait.ge @!p1 [sflag:s28], $0x80  }
0x82: {  	[sflag:s28] =	ssyncset.done @!p1 $0x0  }
0x83: {  	p2 =	sge.u32 s25, s7;
	s24 =	simm.s32 @!p1 $0x3;
	[sflag:s28] =	ssyncadd.s32 @!p1 $0xFFFFFF80  }
0x84: {  	s25 =	simm.s32 @!p1 $0x80;
	s22 =	sadd.s32 @!p2 s22, s5;
	_ =	swait.ge @!p1 [sflag:s24], $0x4000  }
0x85: {  	s22 =	sadd.s32 @!p2 $0x20, s22;
	s26 =	simm.s32 @!p1 $0x100;
	[sflag:s24] =	ssyncset.done @!p1 $0x0  }
0x86: {  	s28 =	simm.s32 @!p1 $0x0;
	[sflag:s24] =	ssyncadd.s32 @!p1 $0xFFFFC000;
	s24 =	simm.s32 @!p1 $0x6  }
0x87: {  	[spmem:s1] =	stream.indirect.scatter.add.f32 @!p1 [tilespmem:s26], [sflag:$0x6], $0x80, s28, s25, $0xb8;
	[tilespmem:$0x1B980] =	vst v63  }
0x88: {  	p3 =	sge.u32 @!p2 s22, s7;
	_ =	swait.ge @!p1 [sflag:s24], $0x4000  }
0x89: {  	p3 =	por p3, p2;
	[sflag:s24] =	ssyncset.done @!p1 $0x0  }
0x8a: {  	s22 =	simm.s32 @!p3 $0x0;
	[sflag:s24] =	ssyncadd.s32 @!p1 $0xFFFFC000  }
0x8b: {  	[tilespmem:s22], [sflag:$0x1] =	stream.linear.gather @!p3 [hbm4b:s21+s22], $0x80, $0x38;
	[tilespmem:$0x1B980] =	vst v63  }
0x8c: {  	s24 =	simm.s32 @!p2 $0x2;
	s21 =	simm.s32 @!p3 $0x100  }
0x8d: {  	[tilespmem:s21], [sflag:$0x3] =	stream.linear.gather @!p3 [hbm4b:s23+s22], $0x4000, $0x38;
	[tilespmem:$0x1B980] =	vst v63  }
0x8e: {  	_ =	swait.ge @!p2 [sflag:s24], $0x80  }
0x8f: {  	[sflag:s24] =	ssyncset.done @!p2 $0x0  }
0x90: {  	s21 =	simm.s32 @!p2 $0x4;
	[sflag:s24] =	ssyncadd.s32 @!p2 $0xFFFFFF80  }
0x91: {  	_ =	swait.ge @!p2 [sflag:s21], $0x4000  }
0x92: {  	s22 =	simm.s32 @!p2 $0x5;
	[sflag:s21] =	ssyncset.done @!p2 $0x0  }
0x93: {  	s23 =	simm.s32 @!p2 $0x4100;
	s24 =	simm.s32 @!p2 $0x80;
	[sflag:s21] =	ssyncadd.s32 @!p2 $0xFFFFC000  }
0x94: {  	[spmem:s1] =	stream.indirect.scatter.add.f32 @!p2 [tilespmem:s23], [sflag:$0x5], $0x80, s24, s24, $0xb8;
	[tilespmem:$0x1B980] =	vst v63  }
0x95: {  	_ =	swait.ge @!p2 [sflag:s22], $0x4000  }
0x96: {  	s3 =	sadd.s32 $0x1, s3;
	[sflag:s22] =	ssyncset.done @!p2 $0x0  }
0x97: {  	p1 =	sne.s32 s3, s11;
	s21 =	sshll.u32 @!p0 s2, $0x6;
	[sflag:s22] =	ssyncadd.s32 @!p2 $0xFFFFC000  }
0x98: {  	s21 =	sor.u32 @!p0 $0x1C05, s21;
	s22 =	sshrl.u32 @!p0 s4, $0x3;
	[bflag:$0x0] =	sbarrier.arrive $0xFFFF  }
0x99: {  	[hbm:s10], [sflag:s21] =	dma.local @!p0 [spmem:s22], $0x3E80  }
.Ltmp2:
0x9a: {  	_ = 	snop;
	(pc) =	sbr.rel @p1 .LBB2_1-.Ltmp2, $4  }
0x9b: {  	s21 =	simm.s32 @!p0 $0x5  }
0x9c: {  	_ =	swait.ge @!p0 [sflag:s21], $0x3E80  }
0x9d: {  	[sflag:s21] =	ssyncset.done @!p0 $0x0  }
0x9e: {  	[sflag:s21] =	ssyncadd.s32 @!p0 $0xFFFFC180  }
0x9f: {  	_ =	sfence.sel $0x180000  }
0xa0: {  	[bflag:$0x0] =	sbarrier.arrive $0xFFFF  }
0xa1: {  	p0 =	sne.s32 s2, $0x0;
	_ =	strace $0x90000050  }
0xa2: {  	s0 =	sadd.s32 @!p0 $0x100000, s0;
	[bflag:$0x2] =	sbarrier.arrive $0xFFFF  }
0xa3: {  	[sflag:s0] =	ssyncadd.tile.s32 @!p0 $0x1;
	_ =	shalt  }
.Lfunc_end2:
_tile_overlayer_lowered:
.L_overlay_start_2:
0xa4: {  	(tag) =	ssettag $0x2  }
0xa5: {  	s0 =	rddreg [dreg:$0x0];
	s2 =	stileid.u32  }
0xa6: {  	s1 =	rddreg [dreg:$0x1];
	p0 =	sne.s32 s2, $0x0  }
0xa7: {  	s3 =	rddreg [dreg:$0x2];
	[bflag:$0x3] =	sbarrier.arrive $0xFFFF;
	s2 =	simm.s32 @!p0 $0x1C05  }
0xa8: {  	[timem:s3], [sflag:s2] =	dma.local @!p0 [hbm:s0], s1  }
0xa9: {  	s0 =	simm.s32 @!p0 $0x5  }
0xaa: {  	_ =	swait.ge @!p0 [sflag:s0], s1  }
0xab: {  	s1 =	ssub.s32 @!p0 $0x0, s1;
	[sflag:s0] =	ssyncset.done @!p0 $0x0  }
0xac: {  	[sflag:s0] =	ssyncadd.s32 @!p0 s1  }
0xad: {  	[bflag:$0x3] =	sbarrier.arrive $0xFFFF  }
0xae: {  	_ =	shalt  }

</sc_bundles>
